<compile_context>
chip_gen: v7x
topology: tpu7x:2x2x1
jax: 0.10.2.dev20260603
libtpu: 0.0.44.dev20260713+nightly
codegen_flags: <defaults>
</compile_context>

<pallas_src>
import functools

import jax
import jax.numpy as jnp
from jax import lax
from jax.experimental import pallas as pl
from jax.experimental.pallas import tpu as pltpu
from jax.experimental.pallas import tpu_sc as plsc

NC = 2
NS = 16
NW = NC * NS
B = 125


def _mesh():
    return plsc.VectorSubcoreMesh(
        core_axis_name="c", subcore_axis_name="s", num_cores=NC, num_subcores=NS
    )


_SC_PARAMS = pltpu.CompilerParams(use_tc_tiling_on_sc=False,
                                  needs_layout_passes=False)


def _make_deg(np_, er, mrows):
    rpt = np_ // NS

    @functools.partial(
        pl.kernel,
        out_type=jax.ShapeDtypeStruct((8, np_), jnp.float32),
        mesh=_mesh(),
        compiler_params=_SC_PARAMS,
        scratch_types=[
            pltpu.VMEM((mrows, 128), jnp.int32),
            pltpu.VMEM((128,), jnp.float32),
            pltpu.VMEM((rpt,), jnp.float32),
            pltpu.VMEM_SHARED((np_,), jnp.float32),
        ],
    )
    def deg_kernel(ei_hbm, out_hbm, idx_v, ones_v, buf_v, acc_sh):
        c = lax.axis_index("c")
        s = lax.axis_index("s")
        wid = c * NS + s
        r0 = (er * wid) // NW
        nr = (er * (wid + 1)) // NW - r0

        def fill_ones(i, cr):
            ones_v[pl.ds(i * 16, 16)] = jnp.ones((16,), jnp.float32)
            return cr

        lax.fori_loop(0, 128 // 16, fill_ones, 0)

        def fill_zero(i, cr):
            buf_v[pl.ds(i * 16, 16)] = jnp.zeros((16,), jnp.float32)
            return cr

        lax.fori_loop(0, rpt // 16, fill_zero, 0)
        pltpu.sync_copy(buf_v, acc_sh.at[pl.ds(s * rpt, rpt)])
        plsc.subcore_barrier()

        pltpu.sync_copy(ei_hbm.at[1, pl.ds(r0, mrows)], idx_v)

        def chunk(j, cr):
            pltpu.sync_copy(ones_v, acc_sh.at[idx_v.at[j]], add=True)
            return cr

        lax.fori_loop(0, nr, chunk, 0)
        plsc.subcore_barrier()
        pltpu.sync_copy(acc_sh.at[pl.ds(s * rpt, rpt)],
                        out_hbm.at[c, pl.ds(s * rpt, rpt)])

    return deg_kernel


def _make_agg(np_, d, er, mrows):
    rpt = np_ // NS

    @functools.partial(
        pl.kernel,
        out_type=jax.ShapeDtypeStruct((NC, d, np_), jnp.float32),
        mesh=_mesh(),
        compiler_params=_SC_PARAMS,
        scratch_types=[
            pltpu.VMEM((mrows, 128), jnp.int32),
            pltpu.VMEM((mrows, 128), jnp.int32),
            pltpu.VMEM((128, d), jnp.float32),
            pltpu.VMEM((128, d), jnp.float32),
            pltpu.VMEM((d, rpt), jnp.float32),
            pltpu.VMEM((rpt, d), jnp.float32),
            pltpu.SemaphoreType.DMA,
            pltpu.SemaphoreType.DMA,
            pltpu.VMEM_SHARED((np_, d), jnp.float32),
            pltpu.HBM((np_, d), jnp.float32),
            pltpu.HBM((np_, d), jnp.float32),
        ],
    )
    def agg_kernel(ei_hbm, gt_hbm, out_hbm, sidx_v, didx_v,
                   rows0_v, rows1_v, bufT_v, bufA_v, sem0, sem1, acc_sh,
                   gscr0, gscr1):
        c = lax.axis_index("c")
        s = lax.axis_index("s")
        wid = c * NS + s
        r0 = (er * wid) // NW
        nr = (er * (wid + 1)) // NW - r0
        rows16 = lax.iota(jnp.int32, 16)

        pltpu.sync_copy(gt_hbm.at[:, pl.ds(s * rpt, rpt)], bufT_v)

        def col(i0, cr):
            base = jnp.full((16,), i0 * 16, jnp.int32)
            for k in range(16):
                for p in range(d // 16):
                    v = plsc.load_gather(bufT_v, [rows16 + 16 * p, base + k])
                    bufA_v[i0 * 16 + k, pl.ds(16 * p, 16)] = v
            return cr

        lax.fori_loop(0, rpt // 16, col, 0)

        @pl.when(c == 0)
        def _():
            pltpu.sync_copy(bufA_v, gscr0.at[pl.ds(s * rpt, rpt)])

        @pl.when(c == 1)
        def _():
            pltpu.sync_copy(bufA_v, gscr1.at[pl.ds(s * rpt, rpt)])

        zeros16 = jnp.zeros((16,), jnp.float32)

        def fill_zero(i0, cr):
            for k in range(16):
                for p in range(d // 16):
                    bufA_v[i0 * 16 + k, pl.ds(p * 16, 16)] = zeros16
            return cr

        lax.fori_loop(0, rpt // 16, fill_zero, 0)
        pltpu.sync_copy(bufA_v, acc_sh.at[pl.ds(s * rpt, rpt)])
        plsc.subcore_barrier()

        pltpu.sync_copy(ei_hbm.at[0, pl.ds(r0, mrows)], sidx_v)
        pltpu.sync_copy(ei_hbm.at[1, pl.ds(r0, mrows)], didx_v)

        def run_pipe(gsrc):
            pltpu.async_copy(gsrc.at[sidx_v.at[0]], rows0_v, sem0)

            def pair(p, cr):
                j0 = 2 * p

                @pl.when(j0 + 1 < nr)
                def _():
                    pltpu.async_copy(gsrc.at[sidx_v.at[j0 + 1]], rows1_v, sem1)

                pltpu.make_async_copy(gsrc.at[sidx_v.at[j0]], rows0_v, sem0).wait()
                pltpu.sync_copy(rows0_v, acc_sh.at[didx_v.at[j0]], add=True)

                @pl.when(j0 + 2 < nr)
                def _():
                    pltpu.async_copy(gsrc.at[sidx_v.at[j0 + 2]], rows0_v, sem0)

                @pl.when(j0 + 1 < nr)
                def _():
                    pltpu.make_async_copy(gsrc.at[sidx_v.at[j0 + 1]], rows1_v,
                                          sem1).wait()
                    pltpu.sync_copy(rows1_v, acc_sh.at[didx_v.at[j0 + 1]], add=True)

                return cr

            lax.fori_loop(0, (nr + 1) // 2, pair, 0)

        @pl.when(c == 0)
        def _():
            run_pipe(gscr0)

        @pl.when(c == 1)
        def _():
            run_pipe(gscr1)

        plsc.subcore_barrier()

        pltpu.sync_copy(acc_sh.at[pl.ds(s * rpt, rpt)], bufA_v)

        def col2(i0, cr):
            base = jnp.full((16,), i0 * 16, jnp.int32)
            for k in range(16):
                for p in range(d // 16):
                    plsc.store_scatter(
                        bufT_v, [rows16 + 16 * p, base + k],
                        bufA_v[i0 * 16 + k, pl.ds(16 * p, 16)])
            return cr

        lax.fori_loop(0, rpt // 16, col2, 0)
        pltpu.sync_copy(bufT_v, out_hbm.at[c, :, pl.ds(s * rpt, rpt)])

    return agg_kernel


def _make_tc1(np_, n, fin, h):
    def body(x, w1, degt, g1t):
        d = degt[...]
        dinv = lax.rsqrt(d[0:1] + d[1:2] + 1.0)
        hmt = lax.dot_general(w1[...], x[...], (((0,), (1,)), ((), ())),
                              preferred_element_type=jnp.float32)
        g1t[:, pl.ds(0, n)] = hmt * dinv[:, :n]

    return pl.pallas_call(
        body,
        out_shape=jax.ShapeDtypeStruct((h, np_), jnp.float32),
    )


def _make_tc2(np_, n, h, dp):
    def body(degt, p1t, g1t, w2, b1c, g2t):
        d = degt[...]
        dinv = lax.rsqrt(d[0:1] + d[1:2] + 1.0)
        p = p1t[...]
        ot = dinv * (p[0] + p[1] + g1t[...]) + b1c[...]
        ot = jnp.maximum(ot, 0.0)
        g2 = lax.dot_general(w2[...], ot, (((0,), (0,)), ((), ())),
                             preferred_element_type=jnp.float32)
        g2t[...] = g2 * dinv

    return pl.pallas_call(
        body,
        out_shape=jax.ShapeDtypeStruct((dp, np_), jnp.float32),
    )


def _make_tc3(np_, n, dp, cout):
    def body(degt, p2t, g2t, b2c, out):
        d = degt[...]
        dinv = lax.rsqrt(d[0:1] + d[1:2] + 1.0)
        p = p2t[...]
        z = dinv * (p[0] + p[1] + g2t[...]) + b2c[...]
        zs = z[:cout, :n]
        m = jnp.max(zs, axis=0, keepdims=True)
        e = jnp.exp(zs - m)
        lse = m + jnp.log(jnp.sum(e, axis=0, keepdims=True))
        out[...] = (zs - lse).T

    return pl.pallas_call(
        body,
        out_shape=jax.ShapeDtypeStruct((n, cout), jnp.float32),
    )


def kernel(x, edge_index, W1, b1, W2, b2):
    n, fin = x.shape
    e = edge_index.shape[1]
    h = W1.shape[1]
    cout = W2.shape[1]
    dp = 48
    np_ = ((n + 255) // 256) * 256
    assert e % 128 == 0
    er = e // 128
    mrows = er - (er * (NW - 1)) // NW

    ei = edge_index.astype(jnp.int32).reshape(2, er, 128)
    w2p = jnp.zeros((h, dp), jnp.float32).at[:, :cout].set(W2)
    b1c = b1[:, None]
    b2c = jnp.zeros((dp, 1), jnp.float32).at[:cout, 0].set(b2)

    degt = _make_deg(np_, er, mrows)(ei)
    g1t = _make_tc1(np_, n, fin, h)(x, W1, degt)
    p1t = _make_agg(np_, h, er, mrows)(ei, g1t)
    g2t = _make_tc2(np_, n, h, dp)(degt, p1t, g1t, w2p, b1c)
    p2t = _make_agg(np_, dp, er, mrows)(ei, g2t)
    out = _make_tc3(np_, n, dp, cout)(degt, p2t, g2t, b2c)
    return out

# --- scband reference (transcript-rebuilt; emitter-appended) ---
"""Pipeline reference for scband-net-35467839930566 (READ-ONLY COPY).

The authoritative reference and input builder live on the scoring server;
editing this copy changes nothing except your own understanding.
"""

import jax, jax.numpy as jnp
import numpy as np

N = 10000
E = 320000
F_IN = 128
H = 16
C = 40


def setup_inputs(seed: int = 0) -> dict:
    key = jax.random.key(seed)
    k1, k2, k3, k4, k5, k6 = jax.random.split(key, 6)
    x = jax.random.normal(k1, (N, F_IN), dtype=jnp.float32)
    edge_index = jax.random.randint(k2, (2, E), 0, N)
    W1 = jax.random.normal(k3, (F_IN, H), dtype=jnp.float32) * (1.0 / np.sqrt(F_IN))
    b1 = jnp.zeros((H,), dtype=jnp.float32)
    W2 = jax.random.normal(k4, (H, C), dtype=jnp.float32) * (1.0 / np.sqrt(H))
    b2 = jnp.zeros((C,), dtype=jnp.float32)
    return {"x": x, "edge_index": edge_index, "W1": W1, "b1": b1, "W2": W2, "b2": b2}


def _gcn_conv(x, edge_index, W, b):
    # PyG GCNConv semantics: add self-loops, symmetric normalization
    # D^{-1/2} (A + I) D^{-1/2} X W + b
    n = x.shape[0]
    src = edge_index[0]
    dst = edge_index[1]
    loop = jnp.arange(n, dtype=src.dtype)
    src = jnp.concatenate([src, loop])
    dst = jnp.concatenate([dst, loop])
    deg = jax.ops.segment_sum(jnp.ones(src.shape[0], dtype=x.dtype), dst, num_segments=n)
    dinv = jax.lax.rsqrt(jnp.maximum(deg, 1.0))
    norm = dinv[src] * dinv[dst]
    h = x @ W
    msg = jnp.take(h, src, axis=0) * norm[:, None]
    out = jax.ops.segment_sum(msg, dst, num_segments=n)
    return out + b


def reference(x, edge_index, W1, b1, W2, b2):
    h = _gcn_conv(x, edge_index, W1, b1)
    h = jax.nn.relu(h)
    # F.dropout with training=self.training: identity in eval mode
    out = _gcn_conv(h, edge_index, W2, b2)
    return jax.nn.log_softmax(out, axis=1)

if __name__ == "__main__":
    import jax
    _d = setup_inputs()
    print(jax.jit(kernel)(*tuple(_d.values())))

</pallas_src>

<mosaic_0001>
#map = affine_map<(d0, d1) -> (0, 0, 0)>
#map1 = affine_map<(d0, d1) -> (0, 0)>
module attributes {stable_mosaic.version = 14 : i64} {
  func.func @agg_kernel(%arg0: i32, %arg1: i32, %arg2: memref<2x2500x128xi32, #tpu.memory_space<hbm>>, %arg3: memref<16x10240xf32, #tpu.memory_space<hbm>>, %arg4: memref<2x16x10240xf32, #tpu.memory_space<hbm>>, %arg5: memref<79x128xi32, #tpu.memory_space<vmem>>, %arg6: memref<79x128xi32, #tpu.memory_space<vmem>>, %arg7: memref<128x16xf32, #tpu.memory_space<vmem>>, %arg8: memref<128x16xf32, #tpu.memory_space<vmem>>, %arg9: memref<16x640xf32, #tpu.memory_space<vmem>>, %arg10: memref<640x16xf32, #tpu.memory_space<vmem>>, %arg11: memref<!tpu.dma_semaphore, #tpu.memory_space<semaphore_mem>>, %arg12: memref<!tpu.dma_semaphore, #tpu.memory_space<semaphore_mem>>, %arg13: memref<10240x16xf32, #tpu.memory_space<vmem_shared>>, %arg14: memref<10240x16xf32, #tpu.memory_space<hbm>>, %arg15: memref<10240x16xf32, #tpu.memory_space<hbm>>) attributes {dimension_semantics = [#tpu.dimension_semantics<core_parallel>, #tpu.dimension_semantics<subcore_parallel>], iteration_bounds = array<i64: 2, 16>, scalar_prefetch = 0 : i64, scratch_operands = 11 : i64, tpu.core_type = #tpu.core_type<sc_vector_subcore>, window_params = [{transform_indices = #map}, {transform_indices = #map1}, {transform_indices = #map}]} {
    %mul3A = arith.constant 16 : i32
    %mul3A_0 = arith.muli %arg0, %mul3A : i32
    %add3A = arith.addi %mul3A_0, %arg1 : i32
    %mul3A_1 = arith.constant 2500 : i32
    %mul3A_2 = arith.muli %mul3A_1, %add3A : i32
    %jit3A = arith.constant 32 : i32
    %div3A = arith.divsi %mul3A_2, %jit3A : i32
    %sign3A = arith.constant 0 : i32
    %sign3A_3 = arith.cmpi sgt, %mul3A_2, %sign3A : i32
    %sign3A_4 = arith.extui %sign3A_3 : i1 to i32
    %sign3A_5 = arith.constant 0 : i32
    %sign3A_6 = arith.cmpi slt, %mul3A_2, %sign3A_5 : i32
    %sign3A_7 = arith.extui %sign3A_6 : i1 to i32
    %sign3A_8 = arith.subi %sign3A_4, %sign3A_7 : i32
    %sign3A_9 = arith.constant 0 : i32
    %sign3A_10 = arith.cmpi sgt, %jit3A, %sign3A_9 : i32
    %sign3A_11 = arith.extui %sign3A_10 : i1 to i32
    %sign3A_12 = arith.constant 0 : i32
    %sign3A_13 = arith.cmpi slt, %jit3A, %sign3A_12 : i32
    %sign3A_14 = arith.extui %sign3A_13 : i1 to i32
    %sign3A_15 = arith.subi %sign3A_11, %sign3A_14 : i32
    %ne3A = arith.cmpi ne, %sign3A_8, %sign3A_15 : i32
    %rem3A = arith.remsi %mul3A_2, %jit3A : i32
    %ne3A_16 = arith.constant 0 : i32
    %ne3A_17 = arith.cmpi ne, %rem3A, %ne3A_16 : i32
    %and3A = arith.andi %ne3A, %ne3A_17 : i1
    %sub3A = arith.constant 1 : i32
    %sub3A_18 = arith.subi %div3A, %sub3A : i32
    %select_n3A = arith.select %and3A, %sub3A_18, %div3A : i32
    %add3A_19 = arith.constant 1 : i32
    %add3A_20 = arith.addi %add3A, %add3A_19 : i32
    %mul3A_21 = arith.constant 2500 : i32
    %mul3A_22 = arith.muli %mul3A_21, %add3A_20 : i32
    %jit3A_23 = arith.constant 32 : i32
    %div3A_24 = arith.divsi %mul3A_22, %jit3A_23 : i32
    %sign3A_25 = arith.constant 0 : i32
    %sign3A_26 = arith.cmpi sgt, %mul3A_22, %sign3A_25 : i32
    %sign3A_27 = arith.extui %sign3A_26 : i1 to i32
    %sign3A_28 = arith.constant 0 : i32
    %sign3A_29 = arith.cmpi slt, %mul3A_22, %sign3A_28 : i32
    %sign3A_30 = arith.extui %sign3A_29 : i1 to i32
    %sign3A_31 = arith.subi %sign3A_27, %sign3A_30 : i32
    %sign3A_32 = arith.constant 0 : i32
    %sign3A_33 = arith.cmpi sgt, %jit3A_23, %sign3A_32 : i32
    %sign3A_34 = arith.extui %sign3A_33 : i1 to i32
    %sign3A_35 = arith.constant 0 : i32
    %sign3A_36 = arith.cmpi slt, %jit3A_23, %sign3A_35 : i32
    %sign3A_37 = arith.extui %sign3A_36 : i1 to i32
    %sign3A_38 = arith.subi %sign3A_34, %sign3A_37 : i32
    %ne3A_39 = arith.cmpi ne, %sign3A_31, %sign3A_38 : i32
    %rem3A_40 = arith.remsi %mul3A_22, %jit3A_23 : i32
    %ne3A_41 = arith.constant 0 : i32
    %ne3A_42 = arith.cmpi ne, %rem3A_40, %ne3A_41 : i32
    %and3A_43 = arith.andi %ne3A_39, %ne3A_42 : i1
    %sub3A_44 = arith.constant 1 : i32
    %sub3A_45 = arith.subi %div3A_24, %sub3A_44 : i32
    %select_n3A_46 = arith.select %and3A_43, %sub3A_45, %div3A_24 : i32
    %sub3A_47 = arith.subi %select_n3A_46, %select_n3A : i32
    %iota3A = tpu.iota {dimensions = array<i32: 0>} : vector<16xi32>
    %mul3A_48 = arith.constant 640 : i32
    %mul3A_49 = arith.muli %arg1, %mul3A_48 : i32
    "tpu.region"() ({
      %run_scoped3A_93 = tpu.sem_alloc : memref<!tpu.dma_semaphore, #tpu.memory_space<semaphore_mem>>
      %dma_start3A = arith.constant 0 : i32
      %dma_start3A_94 = tpu.memref_slice %arg3[%dma_start3A, %mul3A_49] : memref<16x10240xf32, #tpu.memory_space<hbm>> -> memref<16x640xf32, #tpu.memory_space<hbm>>
      %dma_start3A_95 = arith.constant 0 : i32
      %dma_start3A_96 = tpu.memref_slice %arg3[%dma_start3A_95, %mul3A_49] : memref<16x10240xf32, #tpu.memory_space<hbm>> -> memref<16x640xf32, #tpu.memory_space<hbm>>
      tpu.enqueue_dma source(%dma_start3A_96 : memref<16x640xf32, #tpu.memory_space<hbm>>) target(%arg9 : memref<16x640xf32, #tpu.memory_space<vmem>>) target_semaphore(%run_scoped3A_93 : memref<!tpu.dma_semaphore, #tpu.memory_space<semaphore_mem>>)
      %dma_wait3A = arith.constant 0 : i32
      %dma_wait3A_97 = tpu.memref_slice %arg3[%dma_wait3A, %mul3A_49] : memref<16x10240xf32, #tpu.memory_space<hbm>> -> memref<16x640xf32, #tpu.memory_space<hbm>>
      %dma_wait3A_98 = arith.constant 0 : i32
      %dma_wait3A_99 = tpu.memref_slice %arg3[%dma_wait3A_98, %mul3A_49] : memref<16x10240xf32, #tpu.memory_space<hbm>> -> memref<16x640xf32, #tpu.memory_space<hbm>>
      tpu.wait_dma2 semaphore(%run_scoped3A_93 : memref<!tpu.dma_semaphore, #tpu.memory_space<semaphore_mem>>) src(%dma_wait3A_99 : memref<16x640xf32, #tpu.memory_space<hbm>>) dst(%arg9 : memref<16x640xf32, #tpu.memory_space<vmem>>)
      tpu.yield
    }) : () -> ()
    %scan3A = arith.constant 0 : i32
    %scan3A_50 = arith.constant 0 : i32
    %scan3A_51 = arith.constant 40 : i32
    %scan3A_52 = arith.addi %scan3A_50, %scan3A_51 : i32
    %scan3A_53 = arith.constant 1 : i32
    scf.for %scan3A_93 = %scan3A_50 to %scan3A_52 step %scan3A_53  : i32 {
      %mul3A_94 = arith.constant 16 : i32
      %mul3A_95 = arith.muli %scan3A_93, %mul3A_94 : i32
      %broadcast_in_dim3A_96 = vector.broadcast %mul3A_95 : i32 to vector<16xi32>
      %add3A_97 = arith.constant 0 : i32
      %add3A_98 = vector.broadcast %add3A_97 : i32 to vector<16xi32>
      %add3A_99 = arith.addi %iota3A, %add3A_98 : vector<16xi32>
      %add3A_100 = arith.constant 0 : i32
      %add3A_101 = vector.broadcast %add3A_100 : i32 to vector<16xi32>
      %add3A_102 = arith.addi %broadcast_in_dim3A_96, %add3A_101 : vector<16xi32>
      %gather3A = tpu.vector_load_idx %arg9[%add3A_99, %add3A_102] : memref<16x640xf32, #tpu.memory_space<vmem>>[vector<16xi32>, vector<16xi32>], vector<16xf32>,
      %mul3A_103 = arith.constant 16 : i32
      %mul3A_104 = arith.muli %scan3A_93, %mul3A_103 : i32
      %add3A_105 = arith.constant 0 : i32
      %add3A_106 = arith.addi %mul3A_104, %add3A_105 : i32
      %swap3A = arith.index_cast %add3A_106 : i32 to index
      %swap3A_107 = arith.constant 0 : index
      %swap3A_108 = tpu.vector_load %arg10[%swap3A, %swap3A_107] {strides = array<i32>} : memref<640x16xf32, #tpu.memory_space<vmem>>, vector<16xf32>,
      tpu.vector_store %arg10[%swap3A, %swap3A_107], %gather3A {strides = array<i32>} : memref<640x16xf32, #tpu.memory_space<vmem>>, vector<16xf32>,
      %add3A_109 = arith.constant 0 : i32
      %add3A_110 = vector.broadcast %add3A_109 : i32 to vector<16xi32>
      %add3A_111 = arith.addi %iota3A, %add3A_110 : vector<16xi32>
      %add3A_112 = arith.constant 1 : i32
      %add3A_113 = vector.broadcast %add3A_112 : i32 to vector<16xi32>
      %add3A_114 = arith.addi %broadcast_in_dim3A_96, %add3A_113 : vector<16xi32>
      %gather3A_115 = tpu.vector_load_idx %arg9[%add3A_111, %add3A_114] : memref<16x640xf32, #tpu.memory_space<vmem>>[vector<16xi32>, vector<16xi32>], vector<16xf32>,
      %mul3A_116 = arith.constant 16 : i32
      %mul3A_117 = arith.muli %scan3A_93, %mul3A_116 : i32
      %add3A_118 = arith.constant 1 : i32
      %add3A_119 = arith.addi %mul3A_117, %add3A_118 : i32
      %swap3A_120 = arith.index_cast %add3A_119 : i32 to index
      %swap3A_121 = arith.constant 0 : index
      %swap3A_122 = tpu.vector_load %arg10[%swap3A_120, %swap3A_121] {strides = array<i32>} : memref<640x16xf32, #tpu.memory_space<vmem>>, vector<16xf32>,
      tpu.vector_store %arg10[%swap3A_120, %swap3A_121], %gather3A_115 {strides = array<i32>} : memref<640x16xf32, #tpu.memory_space<vmem>>, vector<16xf32>,
      %add3A_123 = arith.constant 0 : i32
      %add3A_124 = vector.broadcast %add3A_123 : i32 to vector<16xi32>
      %add3A_125 = arith.addi %iota3A, %add3A_124 : vector<16xi32>
      %add3A_126 = arith.constant 2 : i32
      %add3A_127 = vector.broadcast %add3A_126 : i32 to vector<16xi32>
      %add3A_128 = arith.addi %broadcast_in_dim3A_96, %add3A_127 : vector<16xi32>
      %gather3A_129 = tpu.vector_load_idx %arg9[%add3A_125, %add3A_128] : memref<16x640xf32, #tpu.memory_space<vmem>>[vector<16xi32>, vector<16xi32>], vector<16xf32>,
      %mul3A_130 = arith.constant 16 : i32
      %mul3A_131 = arith.muli %scan3A_93, %mul3A_130 : i32
      %add3A_132 = arith.constant 2 : i32
      %add3A_133 = arith.addi %mul3A_131, %add3A_132 : i32
      %swap3A_134 = arith.index_cast %add3A_133 : i32 to index
      %swap3A_135 = arith.constant 0 : index
      %swap3A_136 = tpu.vector_load %arg10[%swap3A_134, %swap3A_135] {strides = array<i32>} : memref<640x16xf32, #tpu.memory_space<vmem>>, vector<16xf32>,
      tpu.vector_store %arg10[%swap3A_134, %swap3A_135], %gather3A_129 {strides = array<i32>} : memref<640x16xf32, #tpu.memory_space<vmem>>, vector<16xf32>,
      %add3A_137 = arith.constant 0 : i32
      %add3A_138 = vector.broadcast %add3A_137 : i32 to vector<16xi32>
      %add3A_139 = arith.addi %iota3A, %add3A_138 : vector<16xi32>
      %add3A_140 = arith.constant 3 : i32
      %add3A_141 = vector.broadcast %add3A_140 : i32 to vector<16xi32>
      %add3A_142 = arith.addi %broadcast_in_dim3A_96, %add3A_141 : vector<16xi32>
      %gather3A_143 = tpu.vector_load_idx %arg9[%add3A_139, %add3A_142] : memref<16x640xf32, #tpu.memory_space<vmem>>[vector<16xi32>, vector<16xi32>], vector<16xf32>,
      %mul3A_144 = arith.constant 16 : i32
      %mul3A_145 = arith.muli %scan3A_93, %mul3A_144 : i32
      %add3A_146 = arith.constant 3 : i32
      %add3A_147 = arith.addi %mul3A_145, %add3A_146 : i32
      %swap3A_148 = arith.index_cast %add3A_147 : i32 to index
      %swap3A_149 = arith.constant 0 : index
      %swap3A_150 = tpu.vector_load %arg10[%swap3A_148, %swap3A_149] {strides = array<i32>} : memref<640x16xf32, #tpu.memory_space<vmem>>, vector<16xf32>,
      tpu.vector_store %arg10[%swap3A_148, %swap3A_149], %gather3A_143 {strides = array<i32>} : memref<640x16xf32, #tpu.memory_space<vmem>>, vector<16xf32>,
      %add3A_151 = arith.constant 0 : i32
      %add3A_152 = vector.broadcast %add3A_151 : i32 to vector<16xi32>
      %add3A_153 = arith.addi %iota3A, %add3A_152 : vector<16xi32>
      %add3A_154 = arith.constant 4 : i32
      %add3A_155 = vector.broadcast %add3A_154 : i32 to vector<16xi32>
      %add3A_156 = arith.addi %broadcast_in_dim3A_96, %add3A_155 : vector<16xi32>
      %gather3A_157 = tpu.vector_load_idx %arg9[%add3A_153, %add3A_156] : memref<16x640xf32, #tpu.memory_space<vmem>>[vector<16xi32>, vector<16xi32>], vector<16xf32>,
      %mul3A_158 = arith.constant 16 : i32
      %mul3A_159 = arith.muli %scan3A_93, %mul3A_158 : i32
      %add3A_160 = arith.constant 4 : i32
      %add3A_161 = arith.addi %mul3A_159, %add3A_160 : i32
      %swap3A_162 = arith.index_cast %add3A_161 : i32 to index
      %swap3A_163 = arith.constant 0 : index
      %swap3A_164 = tpu.vector_load %arg10[%swap3A_162, %swap3A_163] {strides = array<i32>} : memref<640x16xf32, #tpu.memory_space<vmem>>, vector<16xf32>,
      tpu.vector_store %arg10[%swap3A_162, %swap3A_163], %gather3A_157 {strides = array<i32>} : memref<640x16xf32, #tpu.memory_space<vmem>>, vector<16xf32>,
      %add3A_165 = arith.constant 0 : i32
      %add3A_166 = vector.broadcast %add3A_165 : i32 to vector<16xi32>
      %add3A_167 = arith.addi %iota3A, %add3A_166 : vector<16xi32>
      %add3A_168 = arith.constant 5 : i32
      %add3A_169 = vector.broadcast %add3A_168 : i32 to vector<16xi32>
      %add3A_170 = arith.addi %broadcast_in_dim3A_96, %add3A_169 : vector<16xi32>
      %gather3A_171 = tpu.vector_load_idx %arg9[%add3A_167, %add3A_170] : memref<16x640xf32, #tpu.memory_space<vmem>>[vector<16xi32>, vector<16xi32>], vector<16xf32>,
      %mul3A_172 = arith.constant 16 : i32
      %mul3A_173 = arith.muli %scan3A_93, %mul3A_172 : i32
      %add3A_174 = arith.constant 5 : i32
      %add3A_175 = arith.addi %mul3A_173, %add3A_174 : i32
      %swap3A_176 = arith.index_cast %add3A_175 : i32 to index
      %swap3A_177 = arith.constant 0 : index
      %swap3A_178 = tpu.vector_load %arg10[%swap3A_176, %swap3A_177] {strides = array<i32>} : memref<640x16xf32, #tpu.memory_space<vmem>>, vector<16xf32>,
      tpu.vector_store %arg10[%swap3A_176, %swap3A_177], %gather3A_171 {strides = array<i32>} : memref<640x16xf32, #tpu.memory_space<vmem>>, vector<16xf32>,
      %add3A_179 = arith.constant 0 : i32
      %add3A_180 = vector.broadcast %add3A_179 : i32 to vector<16xi32>
      %add3A_181 = arith.addi %iota3A, %add3A_180 : vector<16xi32>
      %add3A_182 = arith.constant 6 : i32
      %add3A_183 = vector.broadcast %add3A_182 : i32 to vector<16xi32>
      %add3A_184 = arith.addi %broadcast_in_dim3A_96, %add3A_183 : vector<16xi32>
      %gather3A_185 = tpu.vector_load_idx %arg9[%add3A_181, %add3A_184] : memref<16x640xf32, #tpu.memory_space<vmem>>[vector<16xi32>, vector<16xi32>], vector<16xf32>,
      %mul3A_186 = arith.constant 16 : i32
      %mul3A_187 = arith.muli %scan3A_93, %mul3A_186 : i32
      %add3A_188 = arith.constant 6 : i32
      %add3A_189 = arith.addi %mul3A_187, %add3A_188 : i32
      %swap3A_190 = arith.index_cast %add3A_189 : i32 to index
      %swap3A_191 = arith.constant 0 : index
      %swap3A_192 = tpu.vector_load %arg10[%swap3A_190, %swap3A_191] {strides = array<i32>} : memref<640x16xf32, #tpu.memory_space<vmem>>, vector<16xf32>,
      tpu.vector_store %arg10[%swap3A_190, %swap3A_191], %gather3A_185 {strides = array<i32>} : memref<640x16xf32, #tpu.memory_space<vmem>>, vector<16xf32>,
      %add3A_193 = arith.constant 0 : i32
      %add3A_194 = vector.broadcast %add3A_193 : i32 to vector<16xi32>
      %add3A_195 = arith.addi %iota3A, %add3A_194 : vector<16xi32>
      %add3A_196 = arith.constant 7 : i32
      %add3A_197 = vector.broadcast %add3A_196 : i32 to vector<16xi32>
      %add3A_198 = arith.addi %broadcast_in_dim3A_96, %add3A_197 : vector<16xi32>
      %gather3A_199 = tpu.vector_load_idx %arg9[%add3A_195, %add3A_198] : memref<16x640xf32, #tpu.memory_space<vmem>>[vector<16xi32>, vector<16xi32>], vector<16xf32>,
      %mul3A_200 = arith.constant 16 : i32
      %mul3A_201 = arith.muli %scan3A_93, %mul3A_200 : i32
      %add3A_202 = arith.constant 7 : i32
      %add3A_203 = arith.addi %mul3A_201, %add3A_202 : i32
      %swap3A_204 = arith.index_cast %add3A_203 : i32 to index
      %swap3A_205 = arith.constant 0 : index
      %swap3A_206 = tpu.vector_load %arg10[%swap3A_204, %swap3A_205] {strides = array<i32>} : memref<640x16xf32, #tpu.memory_space<vmem>>, vector<16xf32>,
      tpu.vector_store %arg10[%swap3A_204, %swap3A_205], %gather3A_199 {strides = array<i32>} : memref<640x16xf32, #tpu.memory_space<vmem>>, vector<16xf32>,
      %add3A_207 = arith.constant 0 : i32
      %add3A_208 = vector.broadcast %add3A_207 : i32 to vector<16xi32>
      %add3A_209 = arith.addi %iota3A, %add3A_208 : vector<16xi32>
      %add3A_210 = arith.constant 8 : i32
      %add3A_211 = vector.broadcast %add3A_210 : i32 to vector<16xi32>
      %add3A_212 = arith.addi %broadcast_in_dim3A_96, %add3A_211 : vector<16xi32>
      %gather3A_213 = tpu.vector_load_idx %arg9[%add3A_209, %add3A_212] : memref<16x640xf32, #tpu.memory_space<vmem>>[vector<16xi32>, vector<16xi32>], vector<16xf32>,
      %mul3A_214 = arith.constant 16 : i32
      %mul3A_215 = arith.muli %scan3A_93, %mul3A_214 : i32
      %add3A_216 = arith.constant 8 : i32
      %add3A_217 = arith.addi %mul3A_215, %add3A_216 : i32
      %swap3A_218 = arith.index_cast %add3A_217 : i32 to index
      %swap3A_219 = arith.constant 0 : index
      %swap3A_220 = tpu.vector_load %arg10[%swap3A_218, %swap3A_219] {strides = array<i32>} : memref<640x16xf32, #tpu.memory_space<vmem>>, vector<16xf32>,
      tpu.vector_store %arg10[%swap3A_218, %swap3A_219], %gather3A_213 {strides = array<i32>} : memref<640x16xf32, #tpu.memory_space<vmem>>, vector<16xf32>,
      %add3A_221 = arith.constant 0 : i32
      %add3A_222 = vector.broadcast %add3A_221 : i32 to vector<16xi32>
      %add3A_223 = arith.addi %iota3A, %add3A_222 : vector<16xi32>
      %add3A_224 = arith.constant 9 : i32
      %add3A_225 = vector.broadcast %add3A_224 : i32 to vector<16xi32>
      %add3A_226 = arith.addi %broadcast_in_dim3A_96, %add3A_225 : vector<16xi32>
      %gather3A_227 = tpu.vector_load_idx %arg9[%add3A_223, %add3A_226] : memref<16x640xf32, #tpu.memory_space<vmem>>[vector<16xi32>, vector<16xi32>], vector<16xf32>,
      %mul3A_228 = arith.constant 16 : i32
      %mul3A_229 = arith.muli %scan3A_93, %mul3A_228 : i32
      %add3A_230 = arith.constant 9 : i32
      %add3A_231 = arith.addi %mul3A_229, %add3A_230 : i32
      %swap3A_232 = arith.index_cast %add3A_231 : i32 to index
      %swap3A_233 = arith.constant 0 : index
      %swap3A_234 = tpu.vector_load %arg10[%swap3A_232, %swap3A_233] {strides = array<i32>} : memref<640x16xf32, #tpu.memory_space<vmem>>, vector<16xf32>,
      tpu.vector_store %arg10[%swap3A_232, %swap3A_233], %gather3A_227 {strides = array<i32>} : memref<640x16xf32, #tpu.memory_space<vmem>>, vector<16xf32>,
      %add3A_235 = arith.constant 0 : i32
      %add3A_236 = vector.broadcast %add3A_235 : i32 to vector<16xi32>
      %add3A_237 = arith.addi %iota3A, %add3A_236 : vector<16xi32>
      %add3A_238 = arith.constant 10 : i32
      %add3A_239 = vector.broadcast %add3A_238 : i32 to vector<16xi32>
      %add3A_240 = arith.addi %broadcast_in_dim3A_96, %add3A_239 : vector<16xi32>
      %gather3A_241 = tpu.vector_load_idx %arg9[%add3A_237, %add3A_240] : memref<16x640xf32, #tpu.memory_space<vmem>>[vector<16xi32>, vector<16xi32>], vector<16xf32>,
      %mul3A_242 = arith.constant 16 : i32
      %mul3A_243 = arith.muli %scan3A_93, %mul3A_242 : i32
      %add3A_244 = arith.constant 10 : i32
      %add3A_245 = arith.addi %mul3A_243, %add3A_244 : i32
      %swap3A_246 = arith.index_cast %add3A_245 : i32 to index
      %swap3A_247 = arith.constant 0 : index
      %swap3A_248 = tpu.vector_load %arg10[%swap3A_246, %swap3A_247] {strides = array<i32>} : memref<640x16xf32, #tpu.memory_space<vmem>>, vector<16xf32>,
      tpu.vector_store %arg10[%swap3A_246, %swap3A_247], %gather3A_241 {strides = array<i32>} : memref<640x16xf32, #tpu.memory_space<vmem>>, vector<16xf32>,
      %add3A_249 = arith.constant 0 : i32
      %add3A_250 = vector.broadcast %add3A_249 : i32 to vector<16xi32>
      %add3A_251 = arith.addi %iota3A, %add3A_250 : vector<16xi32>
      %add3A_252 = arith.constant 11 : i32
      %add3A_253 = vector.broadcast %add3A_252 : i32 to vector<16xi32>
      %add3A_254 = arith.addi %broadcast_in_dim3A_96, %add3A_253 : vector<16xi32>
      %gather3A_255 = tpu.vector_load_idx %arg9[%add3A_251, %add3A_254] : memref<16x640xf32, #tpu.memory_space<vmem>>[vector<16xi32>, vector<16xi32>], vector<16xf32>,
      %mul3A_256 = arith.constant 16 : i32
      %mul3A_257 = arith.muli %scan3A_93, %mul3A_256 : i32
      %add3A_258 = arith.constant 11 : i32
      %add3A_259 = arith.addi %mul3A_257, %add3A_258 : i32
      %swap3A_260 = arith.index_cast %add3A_259 : i32 to index
      %swap3A_261 = arith.constant 0 : index
      %swap3A_262 = tpu.vector_load %arg10[%swap3A_260, %swap3A_261] {strides = array<i32>} : memref<640x16xf32, #tpu.memory_space<vmem>>, vector<16xf32>,
      tpu.vector_store %arg10[%swap3A_260, %swap3A_261], %gather3A_255 {strides = array<i32>} : memref<640x16xf32, #tpu.memory_space<vmem>>, vector<16xf32>,
      %add3A_263 = arith.constant 0 : i32
      %add3A_264 = vector.broadcast %add3A_263 : i32 to vector<16xi32>
      %add3A_265 = arith.addi %iota3A, %add3A_264 : vector<16xi32>
      %add3A_266 = arith.constant 12 : i32
      %add3A_267 = vector.broadcast %add3A_266 : i32 to vector<16xi32>
      %add3A_268 = arith.addi %broadcast_in_dim3A_96, %add3A_267 : vector<16xi32>
      %gather3A_269 = tpu.vector_load_idx %arg9[%add3A_265, %add3A_268] : memref<16x640xf32, #tpu.memory_space<vmem>>[vector<16xi32>, vector<16xi32>], vector<16xf32>,
      %mul3A_270 = arith.constant 16 : i32
      %mul3A_271 = arith.muli %scan3A_93, %mul3A_270 : i32
      %add3A_272 = arith.constant 12 : i32
      %add3A_273 = arith.addi %mul3A_271, %add3A_272 : i32
      %swap3A_274 = arith.index_cast %add3A_273 : i32 to index
      %swap3A_275 = arith.constant 0 : index
      %swap3A_276 = tpu.vector_load %arg10[%swap3A_274, %swap3A_275] {strides = array<i32>} : memref<640x16xf32, #tpu.memory_space<vmem>>, vector<16xf32>,
      tpu.vector_store %arg10[%swap3A_274, %swap3A_275], %gather3A_269 {strides = array<i32>} : memref<640x16xf32, #tpu.memory_space<vmem>>, vector<16xf32>,
      %add3A_277 = arith.constant 0 : i32
      %add3A_278 = vector.broadcast %add3A_277 : i32 to vector<16xi32>
      %add3A_279 = arith.addi %iota3A, %add3A_278 : vector<16xi32>
      %add3A_280 = arith.constant 13 : i32
      %add3A_281 = vector.broadcast %add3A_280 : i32 to vector<16xi32>
      %add3A_282 = arith.addi %broadcast_in_dim3A_96, %add3A_281 : vector<16xi32>
      %gather3A_283 = tpu.vector_load_idx %arg9[%add3A_279, %add3A_282] : memref<16x640xf32, #tpu.memory_space<vmem>>[vector<16xi32>, vector<16xi32>], vector<16xf32>,
      %mul3A_284 = arith.constant 16 : i32
      %mul3A_285 = arith.muli %scan3A_93, %mul3A_284 : i32
      %add3A_286 = arith.constant 13 : i32
      %add3A_287 = arith.addi %mul3A_285, %add3A_286 : i32
      %swap3A_288 = arith.index_cast %add3A_287 : i32 to index
      %swap3A_289 = arith.constant 0 : index
      %swap3A_290 = tpu.vector_load %arg10[%swap3A_288, %swap3A_289] {strides = array<i32>} : memref<640x16xf32, #tpu.memory_space<vmem>>, vector<16xf32>,
      tpu.vector_store %arg10[%swap3A_288, %swap3A_289], %gather3A_283 {strides = array<i32>} : memref<640x16xf32, #tpu.memory_space<vmem>>, vector<16xf32>,
      %add3A_291 = arith.constant 0 : i32
      %add3A_292 = vector.broadcast %add3A_291 : i32 to vector<16xi32>
      %add3A_293 = arith.addi %iota3A, %add3A_292 : vector<16xi32>
      %add3A_294 = arith.constant 14 : i32
      %add3A_295 = vector.broadcast %add3A_294 : i32 to vector<16xi32>
      %add3A_296 = arith.addi %broadcast_in_dim3A_96, %add3A_295 : vector<16xi32>
      %gather3A_297 = tpu.vector_load_idx %arg9[%add3A_293, %add3A_296] : memref<16x640xf32, #tpu.memory_space<vmem>>[vector<16xi32>, vector<16xi32>], vector<16xf32>,
      %mul3A_298 = arith.constant 16 : i32
      %mul3A_299 = arith.muli %scan3A_93, %mul3A_298 : i32
      %add3A_300 = arith.constant 14 : i32
      %add3A_301 = arith.addi %mul3A_299, %add3A_300 : i32
      %swap3A_302 = arith.index_cast %add3A_301 : i32 to index
      %swap3A_303 = arith.constant 0 : index
      %swap3A_304 = tpu.vector_load %arg10[%swap3A_302, %swap3A_303] {strides = array<i32>} : memref<640x16xf32, #tpu.memory_space<vmem>>, vector<16xf32>,
      tpu.vector_store %arg10[%swap3A_302, %swap3A_303], %gather3A_297 {strides = array<i32>} : memref<640x16xf32, #tpu.memory_space<vmem>>, vector<16xf32>,
      %add3A_305 = arith.constant 0 : i32
      %add3A_306 = vector.broadcast %add3A_305 : i32 to vector<16xi32>
      %add3A_307 = arith.addi %iota3A, %add3A_306 : vector<16xi32>
      %add3A_308 = arith.constant 15 : i32
      %add3A_309 = vector.broadcast %add3A_308 : i32 to vector<16xi32>
      %add3A_310 = arith.addi %broadcast_in_dim3A_96, %add3A_309 : vector<16xi32>
      %gather3A_311 = tpu.vector_load_idx %arg9[%add3A_307, %add3A_310] : memref<16x640xf32, #tpu.memory_space<vmem>>[vector<16xi32>, vector<16xi32>], vector<16xf32>,
      %mul3A_312 = arith.constant 16 : i32
      %mul3A_313 = arith.muli %scan3A_93, %mul3A_312 : i32
      %add3A_314 = arith.constant 15 : i32
      %add3A_315 = arith.addi %mul3A_313, %add3A_314 : i32
      %swap3A_316 = arith.index_cast %add3A_315 : i32 to index
      %swap3A_317 = arith.constant 0 : index
      %swap3A_318 = tpu.vector_load %arg10[%swap3A_316, %swap3A_317] {strides = array<i32>} : memref<640x16xf32, #tpu.memory_space<vmem>>, vector<16xf32>,
      tpu.vector_store %arg10[%swap3A_316, %swap3A_317], %gather3A_311 {strides = array<i32>} : memref<640x16xf32, #tpu.memory_space<vmem>>, vector<16xf32>,
    }
    %scan3A_54 = arith.constant 40 : i32
    %eq3A = arith.constant 0 : i32
    %eq3A_55 = arith.cmpi eq, %arg0, %eq3A : i32
    %convert_element_type3A = arith.extui %eq3A_55 : i1 to i32
    %cond3A = arith.constant 0 : i32
    %cond3A_56 = arith.cmpi ne, %convert_element_type3A, %cond3A : i32
    scf.if %cond3A_56 {
      %mul3A_93 = arith.constant 640 : i32
      %mul3A_94 = arith.muli %arg1, %mul3A_93 : i32
      "tpu.region"() ({
        %run_scoped3A_95 = tpu.sem_alloc : memref<!tpu.dma_semaphore, #tpu.memory_space<semaphore_mem>>
        %dma_start3A = arith.constant 0 : i32
        %dma_start3A_96 = tpu.memref_slice %arg14[%mul3A_94, %dma_start3A] : memref<10240x16xf32, #tpu.memory_space<hbm>> -> memref<640x16xf32, #tpu.memory_space<hbm>>
        %dma_start3A_97 = arith.constant 0 : i32
        %dma_start3A_98 = tpu.memref_slice %arg14[%mul3A_94, %dma_start3A_97] : memref<10240x16xf32, #tpu.memory_space<hbm>> -> memref<640x16xf32, #tpu.memory_space<hbm>>
        tpu.enqueue_dma source(%arg10 : memref<640x16xf32, #tpu.memory_space<vmem>>) target(%dma_start3A_98 : memref<640x16xf32, #tpu.memory_space<hbm>>) target_semaphore(%run_scoped3A_95 : memref<!tpu.dma_semaphore, #tpu.memory_space<semaphore_mem>>)
        %dma_wait3A = arith.constant 0 : i32
        %dma_wait3A_99 = tpu.memref_slice %arg14[%mul3A_94, %dma_wait3A] : memref<10240x16xf32, #tpu.memory_space<hbm>> -> memref<640x16xf32, #tpu.memory_space<hbm>>
        %dma_wait3A_100 = arith.constant 0 : i32
        %dma_wait3A_101 = tpu.memref_slice %arg14[%mul3A_94, %dma_wait3A_100] : memref<10240x16xf32, #tpu.memory_space<hbm>> -> memref<640x16xf32, #tpu.memory_space<hbm>>
        tpu.wait_dma2 semaphore(%run_scoped3A_95 : memref<!tpu.dma_semaphore, #tpu.memory_space<semaphore_mem>>) src(%arg10 : memref<640x16xf32, #tpu.memory_space<vmem>>) dst(%dma_wait3A_101 : memref<640x16xf32, #tpu.memory_space<hbm>>)
        tpu.yield
      }) : () -> ()
    } else {
    }
    %eq3A_57 = arith.constant 1 : i32
    %eq3A_58 = arith.cmpi eq, %arg0, %eq3A_57 : i32
    %convert_element_type3A_59 = arith.extui %eq3A_58 : i1 to i32
    %cond3A_60 = arith.constant 0 : i32
    %cond3A_61 = arith.cmpi ne, %convert_element_type3A_59, %cond3A_60 : i32
    scf.if %cond3A_61 {
      %mul3A_93 = arith.constant 640 : i32
      %mul3A_94 = arith.muli %arg1, %mul3A_93 : i32
      "tpu.region"() ({
        %run_scoped3A_95 = tpu.sem_alloc : memref<!tpu.dma_semaphore, #tpu.memory_space<semaphore_mem>>
        %dma_start3A = arith.constant 0 : i32
        %dma_start3A_96 = tpu.memref_slice %arg15[%mul3A_94, %dma_start3A] : memref<10240x16xf32, #tpu.memory_space<hbm>> -> memref<640x16xf32, #tpu.memory_space<hbm>>
        %dma_start3A_97 = arith.constant 0 : i32
        %dma_start3A_98 = tpu.memref_slice %arg15[%mul3A_94, %dma_start3A_97] : memref<10240x16xf32, #tpu.memory_space<hbm>> -> memref<640x16xf32, #tpu.memory_space<hbm>>
        tpu.enqueue_dma source(%arg10 : memref<640x16xf32, #tpu.memory_space<vmem>>) target(%dma_start3A_98 : memref<640x16xf32, #tpu.memory_space<hbm>>) target_semaphore(%run_scoped3A_95 : memref<!tpu.dma_semaphore, #tpu.memory_space<semaphore_mem>>)
        %dma_wait3A = arith.constant 0 : i32
        %dma_wait3A_99 = tpu.memref_slice %arg15[%mul3A_94, %dma_wait3A] : memref<10240x16xf32, #tpu.memory_space<hbm>> -> memref<640x16xf32, #tpu.memory_space<hbm>>
        %dma_wait3A_100 = arith.constant 0 : i32
        %dma_wait3A_101 = tpu.memref_slice %arg15[%mul3A_94, %dma_wait3A_100] : memref<10240x16xf32, #tpu.memory_space<hbm>> -> memref<640x16xf32, #tpu.memory_space<hbm>>
        tpu.wait_dma2 semaphore(%run_scoped3A_95 : memref<!tpu.dma_semaphore, #tpu.memory_space<semaphore_mem>>) src(%arg10 : memref<640x16xf32, #tpu.memory_space<vmem>>) dst(%dma_wait3A_101 : memref<640x16xf32, #tpu.memory_space<hbm>>)
        tpu.yield
      }) : () -> ()
    } else {
    }
    %broadcast_in_dim3A = arith.constant 0.000000e+00 : f32
    %broadcast_in_dim3A_62 = vector.broadcast %broadcast_in_dim3A : f32 to vector<16xf32>
    %scan3A_63 = arith.constant 0 : i32
    %scan3A_64 = arith.constant 0 : i32
    %scan3A_65 = arith.constant 40 : i32
    %scan3A_66 = arith.addi %scan3A_64, %scan3A_65 : i32
    %scan3A_67 = arith.constant 1 : i32
    scf.for %scan3A_93 = %scan3A_64 to %scan3A_66 step %scan3A_67  : i32 {
      %mul3A_94 = arith.constant 16 : i32
      %mul3A_95 = arith.muli %scan3A_93, %mul3A_94 : i32
      %add3A_96 = arith.constant 0 : i32
      %add3A_97 = arith.addi %mul3A_95, %add3A_96 : i32
      %swap3A = arith.index_cast %add3A_97 : i32 to index
      %swap3A_98 = arith.constant 0 : index
      %swap3A_99 = tpu.vector_load %arg10[%swap3A, %swap3A_98] {strides = array<i32>} : memref<640x16xf32, #tpu.memory_space<vmem>>, vector<16xf32>,
      tpu.vector_store %arg10[%swap3A, %swap3A_98], %broadcast_in_dim3A_62 {strides = array<i32>} : memref<640x16xf32, #tpu.memory_space<vmem>>, vector<16xf32>,
      %mul3A_100 = arith.constant 16 : i32
      %mul3A_101 = arith.muli %scan3A_93, %mul3A_100 : i32
      %add3A_102 = arith.constant 1 : i32
      %add3A_103 = arith.addi %mul3A_101, %add3A_102 : i32
      %swap3A_104 = arith.index_cast %add3A_103 : i32 to index
      %swap3A_105 = arith.constant 0 : index
      %swap3A_106 = tpu.vector_load %arg10[%swap3A_104, %swap3A_105] {strides = array<i32>} : memref<640x16xf32, #tpu.memory_space<vmem>>, vector<16xf32>,
      tpu.vector_store %arg10[%swap3A_104, %swap3A_105], %broadcast_in_dim3A_62 {strides = array<i32>} : memref<640x16xf32, #tpu.memory_space<vmem>>, vector<16xf32>,
      %mul3A_107 = arith.constant 16 : i32
      %mul3A_108 = arith.muli %scan3A_93, %mul3A_107 : i32
      %add3A_109 = arith.constant 2 : i32
      %add3A_110 = arith.addi %mul3A_108, %add3A_109 : i32
      %swap3A_111 = arith.index_cast %add3A_110 : i32 to index
      %swap3A_112 = arith.constant 0 : index
      %swap3A_113 = tpu.vector_load %arg10[%swap3A_111, %swap3A_112] {strides = array<i32>} : memref<640x16xf32, #tpu.memory_space<vmem>>, vector<16xf32>,
      tpu.vector_store %arg10[%swap3A_111, %swap3A_112], %broadcast_in_dim3A_62 {strides = array<i32>} : memref<640x16xf32, #tpu.memory_space<vmem>>, vector<16xf32>,
      %mul3A_114 = arith.constant 16 : i32
      %mul3A_115 = arith.muli %scan3A_93, %mul3A_114 : i32
      %add3A_116 = arith.constant 3 : i32
      %add3A_117 = arith.addi %mul3A_115, %add3A_116 : i32
      %swap3A_118 = arith.index_cast %add3A_117 : i32 to index
      %swap3A_119 = arith.constant 0 : index
      %swap3A_120 = tpu.vector_load %arg10[%swap3A_118, %swap3A_119] {strides = array<i32>} : memref<640x16xf32, #tpu.memory_space<vmem>>, vector<16xf32>,
      tpu.vector_store %arg10[%swap3A_118, %swap3A_119], %broadcast_in_dim3A_62 {strides = array<i32>} : memref<640x16xf32, #tpu.memory_space<vmem>>, vector<16xf32>,
      %mul3A_121 = arith.constant 16 : i32
      %mul3A_122 = arith.muli %scan3A_93, %mul3A_121 : i32
      %add3A_123 = arith.constant 4 : i32
      %add3A_124 = arith.addi %mul3A_122, %add3A_123 : i32
      %swap3A_125 = arith.index_cast %add3A_124 : i32 to index
      %swap3A_126 = arith.constant 0 : index
      %swap3A_127 = tpu.vector_load %arg10[%swap3A_125, %swap3A_126] {strides = array<i32>} : memref<640x16xf32, #tpu.memory_space<vmem>>, vector<16xf32>,
      tpu.vector_store %arg10[%swap3A_125, %swap3A_126], %broadcast_in_dim3A_62 {strides = array<i32>} : memref<640x16xf32, #tpu.memory_space<vmem>>, vector<16xf32>,
      %mul3A_128 = arith.constant 16 : i32
      %mul3A_129 = arith.muli %scan3A_93, %mul3A_128 : i32
      %add3A_130 = arith.constant 5 : i32
      %add3A_131 = arith.addi %mul3A_129, %add3A_130 : i32
      %swap3A_132 = arith.index_cast %add3A_131 : i32 to index
      %swap3A_133 = arith.constant 0 : index
      %swap3A_134 = tpu.vector_load %arg10[%swap3A_132, %swap3A_133] {strides = array<i32>} : memref<640x16xf32, #tpu.memory_space<vmem>>, vector<16xf32>,
      tpu.vector_store %arg10[%swap3A_132, %swap3A_133], %broadcast_in_dim3A_62 {strides = array<i32>} : memref<640x16xf32, #tpu.memory_space<vmem>>, vector<16xf32>,
      %mul3A_135 = arith.constant 16 : i32
      %mul3A_136 = arith.muli %scan3A_93, %mul3A_135 : i32
      %add3A_137 = arith.constant 6 : i32
      %add3A_138 = arith.addi %mul3A_136, %add3A_137 : i32
      %swap3A_139 = arith.index_cast %add3A_138 : i32 to index
      %swap3A_140 = arith.constant 0 : index
      %swap3A_141 = tpu.vector_load %arg10[%swap3A_139, %swap3A_140] {strides = array<i32>} : memref<640x16xf32, #tpu.memory_space<vmem>>, vector<16xf32>,
      tpu.vector_store %arg10[%swap3A_139, %swap3A_140], %broadcast_in_dim3A_62 {strides = array<i32>} : memref<640x16xf32, #tpu.memory_space<vmem>>, vector<16xf32>,
      %mul3A_142 = arith.constant 16 : i32
      %mul3A_143 = arith.muli %scan3A_93, %mul3A_142 : i32
      %add3A_144 = arith.constant 7 : i32
      %add3A_145 = arith.addi %mul3A_143, %add3A_144 : i32
      %swap3A_146 = arith.index_cast %add3A_145 : i32 to index
      %swap3A_147 = arith.constant 0 : index
      %swap3A_148 = tpu.vector_load %arg10[%swap3A_146, %swap3A_147] {strides = array<i32>} : memref<640x16xf32, #tpu.memory_space<vmem>>, vector<16xf32>,
      tpu.vector_store %arg10[%swap3A_146, %swap3A_147], %broadcast_in_dim3A_62 {strides = array<i32>} : memref<640x16xf32, #tpu.memory_space<vmem>>, vector<16xf32>,
      %mul3A_149 = arith.constant 16 : i32
      %mul3A_150 = arith.muli %scan3A_93, %mul3A_149 : i32
      %add3A_151 = arith.constant 8 : i32
      %add3A_152 = arith.addi %mul3A_150, %add3A_151 : i32
      %swap3A_153 = arith.index_cast %add3A_152 : i32 to index
      %swap3A_154 = arith.constant 0 : index
      %swap3A_155 = tpu.vector_load %arg10[%swap3A_153, %swap3A_154] {strides = array<i32>} : memref<640x16xf32, #tpu.memory_space<vmem>>, vector<16xf32>,
      tpu.vector_store %arg10[%swap3A_153, %swap3A_154], %broadcast_in_dim3A_62 {strides = array<i32>} : memref<640x16xf32, #tpu.memory_space<vmem>>, vector<16xf32>,
      %mul3A_156 = arith.constant 16 : i32
      %mul3A_157 = arith.muli %scan3A_93, %mul3A_156 : i32
      %add3A_158 = arith.constant 9 : i32
      %add3A_159 = arith.addi %mul3A_157, %add3A_158 : i32
      %swap3A_160 = arith.index_cast %add3A_159 : i32 to index
      %swap3A_161 = arith.constant 0 : index
      %swap3A_162 = tpu.vector_load %arg10[%swap3A_160, %swap3A_161] {strides = array<i32>} : memref<640x16xf32, #tpu.memory_space<vmem>>, vector<16xf32>,
      tpu.vector_store %arg10[%swap3A_160, %swap3A_161], %broadcast_in_dim3A_62 {strides = array<i32>} : memref<640x16xf32, #tpu.memory_space<vmem>>, vector<16xf32>,
      %mul3A_163 = arith.constant 16 : i32
      %mul3A_164 = arith.muli %scan3A_93, %mul3A_163 : i32
      %add3A_165 = arith.constant 10 : i32
      %add3A_166 = arith.addi %mul3A_164, %add3A_165 : i32
      %swap3A_167 = arith.index_cast %add3A_166 : i32 to index
      %swap3A_168 = arith.constant 0 : index
      %swap3A_169 = tpu.vector_load %arg10[%swap3A_167, %swap3A_168] {strides = array<i32>} : memref<640x16xf32, #tpu.memory_space<vmem>>, vector<16xf32>,
      tpu.vector_store %arg10[%swap3A_167, %swap3A_168], %broadcast_in_dim3A_62 {strides = array<i32>} : memref<640x16xf32, #tpu.memory_space<vmem>>, vector<16xf32>,
      %mul3A_170 = arith.constant 16 : i32
      %mul3A_171 = arith.muli %scan3A_93, %mul3A_170 : i32
      %add3A_172 = arith.constant 11 : i32
      %add3A_173 = arith.addi %mul3A_171, %add3A_172 : i32
      %swap3A_174 = arith.index_cast %add3A_173 : i32 to index
      %swap3A_175 = arith.constant 0 : index
      %swap3A_176 = tpu.vector_load %arg10[%swap3A_174, %swap3A_175] {strides = array<i32>} : memref<640x16xf32, #tpu.memory_space<vmem>>, vector<16xf32>,
      tpu.vector_store %arg10[%swap3A_174, %swap3A_175], %broadcast_in_dim3A_62 {strides = array<i32>} : memref<640x16xf32, #tpu.memory_space<vmem>>, vector<16xf32>,
      %mul3A_177 = arith.constant 16 : i32
      %mul3A_178 = arith.muli %scan3A_93, %mul3A_177 : i32
      %add3A_179 = arith.constant 12 : i32
      %add3A_180 = arith.addi %mul3A_178, %add3A_179 : i32
      %swap3A_181 = arith.index_cast %add3A_180 : i32 to index
      %swap3A_182 = arith.constant 0 : index
      %swap3A_183 = tpu.vector_load %arg10[%swap3A_181, %swap3A_182] {strides = array<i32>} : memref<640x16xf32, #tpu.memory_space<vmem>>, vector<16xf32>,
      tpu.vector_store %arg10[%swap3A_181, %swap3A_182], %broadcast_in_dim3A_62 {strides = array<i32>} : memref<640x16xf32, #tpu.memory_space<vmem>>, vector<16xf32>,
      %mul3A_184 = arith.constant 16 : i32
      %mul3A_185 = arith.muli %scan3A_93, %mul3A_184 : i32
      %add3A_186 = arith.constant 13 : i32
      %add3A_187 = arith.addi %mul3A_185, %add3A_186 : i32
      %swap3A_188 = arith.index_cast %add3A_187 : i32 to index
      %swap3A_189 = arith.constant 0 : index
      %swap3A_190 = tpu.vector_load %arg10[%swap3A_188, %swap3A_189] {strides = array<i32>} : memref<640x16xf32, #tpu.memory_space<vmem>>, vector<16xf32>,
      tpu.vector_store %arg10[%swap3A_188, %swap3A_189], %broadcast_in_dim3A_62 {strides = array<i32>} : memref<640x16xf32, #tpu.memory_space<vmem>>, vector<16xf32>,
      %mul3A_191 = arith.constant 16 : i32
      %mul3A_192 = arith.muli %scan3A_93, %mul3A_191 : i32
      %add3A_193 = arith.constant 14 : i32
      %add3A_194 = arith.addi %mul3A_192, %add3A_193 : i32
      %swap3A_195 = arith.index_cast %add3A_194 : i32 to index
      %swap3A_196 = arith.constant 0 : index
      %swap3A_197 = tpu.vector_load %arg10[%swap3A_195, %swap3A_196] {strides = array<i32>} : memref<640x16xf32, #tpu.memory_space<vmem>>, vector<16xf32>,
      tpu.vector_store %arg10[%swap3A_195, %swap3A_196], %broadcast_in_dim3A_62 {strides = array<i32>} : memref<640x16xf32, #tpu.memory_space<vmem>>, vector<16xf32>,
      %mul3A_198 = arith.constant 16 : i32
      %mul3A_199 = arith.muli %scan3A_93, %mul3A_198 : i32
      %add3A_200 = arith.constant 15 : i32
      %add3A_201 = arith.addi %mul3A_199, %add3A_200 : i32
      %swap3A_202 = arith.index_cast %add3A_201 : i32 to index
      %swap3A_203 = arith.constant 0 : index
      %swap3A_204 = tpu.vector_load %arg10[%swap3A_202, %swap3A_203] {strides = array<i32>} : memref<640x16xf32, #tpu.memory_space<vmem>>, vector<16xf32>,
      tpu.vector_store %arg10[%swap3A_202, %swap3A_203], %broadcast_in_dim3A_62 {strides = array<i32>} : memref<640x16xf32, #tpu.memory_space<vmem>>, vector<16xf32>,
    }
    %scan3A_68 = arith.constant 40 : i32
    %mul3A_69 = arith.constant 640 : i32
    %mul3A_70 = arith.muli %arg1, %mul3A_69 : i32
    "tpu.region"() ({
      %run_scoped3A_93 = tpu.sem_alloc : memref<!tpu.dma_semaphore, #tpu.memory_space<semaphore_mem>>
      %dma_start3A = arith.constant 0 : i32
      %dma_start3A_94 = tpu.memref_slice %arg13[%mul3A_70, %dma_start3A] : memref<10240x16xf32, #tpu.memory_space<vmem_shared>> -> memref<640x16xf32, #tpu.memory_space<vmem_shared>>
      %dma_start3A_95 = arith.constant 0 : i32
      %dma_start3A_96 = tpu.memref_slice %arg13[%mul3A_70, %dma_start3A_95] : memref<10240x16xf32, #tpu.memory_space<vmem_shared>> -> memref<640x16xf32, #tpu.memory_space<vmem_shared>>
      tpu.enqueue_dma source(%arg10 : memref<640x16xf32, #tpu.memory_space<vmem>>) target(%dma_start3A_96 : memref<640x16xf32, #tpu.memory_space<vmem_shared>>) target_semaphore(%run_scoped3A_93 : memref<!tpu.dma_semaphore, #tpu.memory_space<semaphore_mem>>)
      %dma_wait3A = arith.constant 0 : i32
      %dma_wait3A_97 = tpu.memref_slice %arg13[%mul3A_70, %dma_wait3A] : memref<10240x16xf32, #tpu.memory_space<vmem_shared>> -> memref<640x16xf32, #tpu.memory_space<vmem_shared>>
      %dma_wait3A_98 = arith.constant 0 : i32
      %dma_wait3A_99 = tpu.memref_slice %arg13[%mul3A_70, %dma_wait3A_98] : memref<10240x16xf32, #tpu.memory_space<vmem_shared>> -> memref<640x16xf32, #tpu.memory_space<vmem_shared>>
      tpu.wait_dma2 semaphore(%run_scoped3A_93 : memref<!tpu.dma_semaphore, #tpu.memory_space<semaphore_mem>>) src(%arg10 : memref<640x16xf32, #tpu.memory_space<vmem>>) dst(%dma_wait3A_99 : memref<640x16xf32, #tpu.memory_space<vmem_shared>>)
      tpu.yield
    }) : () -> ()
    %barrier3A = arith.constant 0 : index
    tpu.barrier barrier_id(%barrier3A)
    %run_scoped3A = arith.constant 0 : i32
    "tpu.region"() ({
      %run_scoped3A_93 = tpu.sem_alloc : memref<!tpu.dma_semaphore, #tpu.memory_space<semaphore_mem>>
      %dma_start3A = arith.constant 0 : i32
      %dma_start3A_94 = tpu.memref_slice %arg2[%run_scoped3A, %select_n3A, %dma_start3A] : memref<2x2500x128xi32, #tpu.memory_space<hbm>> -> memref<1x79x128xi32, #tpu.memory_space<hbm>>
      %dma_start3A_95 = tpu.memref_squeeze %dma_start3A_94 : memref<1x79x128xi32, #tpu.memory_space<hbm>> -> memref<79x128xi32, #tpu.memory_space<hbm>>
      %dma_start3A_96 = arith.constant 0 : i32
      %dma_start3A_97 = tpu.memref_slice %arg2[%run_scoped3A, %select_n3A, %dma_start3A_96] : memref<2x2500x128xi32, #tpu.memory_space<hbm>> -> memref<1x79x128xi32, #tpu.memory_space<hbm>>
      %dma_start3A_98 = tpu.memref_squeeze %dma_start3A_97 : memref<1x79x128xi32, #tpu.memory_space<hbm>> -> memref<79x128xi32, #tpu.memory_space<hbm>>
      tpu.enqueue_dma source(%dma_start3A_98 : memref<79x128xi32, #tpu.memory_space<hbm>>) target(%arg5 : memref<79x128xi32, #tpu.memory_space<vmem>>) target_semaphore(%run_scoped3A_93 : memref<!tpu.dma_semaphore, #tpu.memory_space<semaphore_mem>>)
      %dma_wait3A = arith.constant 0 : i32
      %dma_wait3A_99 = tpu.memref_slice %arg2[%run_scoped3A, %select_n3A, %dma_wait3A] : memref<2x2500x128xi32, #tpu.memory_space<hbm>> -> memref<1x79x128xi32, #tpu.memory_space<hbm>>
      %dma_wait3A_100 = tpu.memref_squeeze %dma_wait3A_99 : memref<1x79x128xi32, #tpu.memory_space<hbm>> -> memref<79x128xi32, #tpu.memory_space<hbm>>
      %dma_wait3A_101 = arith.constant 0 : i32
      %dma_wait3A_102 = tpu.memref_slice %arg2[%run_scoped3A, %select_n3A, %dma_wait3A_101] : memref<2x2500x128xi32, #tpu.memory_space<hbm>> -> memref<1x79x128xi32, #tpu.memory_space<hbm>>
      %dma_wait3A_103 = tpu.memref_squeeze %dma_wait3A_102 : memref<1x79x128xi32, #tpu.memory_space<hbm>> -> memref<79x128xi32, #tpu.memory_space<hbm>>
      tpu.wait_dma2 semaphore(%run_scoped3A_93 : memref<!tpu.dma_semaphore, #tpu.memory_space<semaphore_mem>>) src(%dma_wait3A_103 : memref<79x128xi32, #tpu.memory_space<hbm>>) dst(%arg5 : memref<79x128xi32, #tpu.memory_space<vmem>>)
      tpu.yield
    }) : () -> ()
    %run_scoped3A_71 = arith.constant 1 : i32
    "tpu.region"() ({
      %run_scoped3A_93 = tpu.sem_alloc : memref<!tpu.dma_semaphore, #tpu.memory_space<semaphore_mem>>
      %dma_start3A = arith.constant 0 : i32
      %dma_start3A_94 = tpu.memref_slice %arg2[%run_scoped3A_71, %select_n3A, %dma_start3A] : memref<2x2500x128xi32, #tpu.memory_space<hbm>> -> memref<1x79x128xi32, #tpu.memory_space<hbm>>
      %dma_start3A_95 = tpu.memref_squeeze %dma_start3A_94 : memref<1x79x128xi32, #tpu.memory_space<hbm>> -> memref<79x128xi32, #tpu.memory_space<hbm>>
      %dma_start3A_96 = arith.constant 0 : i32
      %dma_start3A_97 = tpu.memref_slice %arg2[%run_scoped3A_71, %select_n3A, %dma_start3A_96] : memref<2x2500x128xi32, #tpu.memory_space<hbm>> -> memref<1x79x128xi32, #tpu.memory_space<hbm>>
      %dma_start3A_98 = tpu.memref_squeeze %dma_start3A_97 : memref<1x79x128xi32, #tpu.memory_space<hbm>> -> memref<79x128xi32, #tpu.memory_space<hbm>>
      tpu.enqueue_dma source(%dma_start3A_98 : memref<79x128xi32, #tpu.memory_space<hbm>>) target(%arg6 : memref<79x128xi32, #tpu.memory_space<vmem>>) target_semaphore(%run_scoped3A_93 : memref<!tpu.dma_semaphore, #tpu.memory_space<semaphore_mem>>)
      %dma_wait3A = arith.constant 0 : i32
      %dma_wait3A_99 = tpu.memref_slice %arg2[%run_scoped3A_71, %select_n3A, %dma_wait3A] : memref<2x2500x128xi32, #tpu.memory_space<hbm>> -> memref<1x79x128xi32, #tpu.memory_space<hbm>>
      %dma_wait3A_100 = tpu.memref_squeeze %dma_wait3A_99 : memref<1x79x128xi32, #tpu.memory_space<hbm>> -> memref<79x128xi32, #tpu.memory_space<hbm>>
      %dma_wait3A_101 = arith.constant 0 : i32
      %dma_wait3A_102 = tpu.memref_slice %arg2[%run_scoped3A_71, %select_n3A, %dma_wait3A_101] : memref<2x2500x128xi32, #tpu.memory_space<hbm>> -> memref<1x79x128xi32, #tpu.memory_space<hbm>>
      %dma_wait3A_103 = tpu.memref_squeeze %dma_wait3A_102 : memref<1x79x128xi32, #tpu.memory_space<hbm>> -> memref<79x128xi32, #tpu.memory_space<hbm>>
      tpu.wait_dma2 semaphore(%run_scoped3A_93 : memref<!tpu.dma_semaphore, #tpu.memory_space<semaphore_mem>>) src(%dma_wait3A_103 : memref<79x128xi32, #tpu.memory_space<hbm>>) dst(%arg6 : memref<79x128xi32, #tpu.memory_space<vmem>>)
      tpu.yield
    }) : () -> ()
    %eq3A_72 = arith.constant 0 : i32
    %eq3A_73 = arith.cmpi eq, %arg0, %eq3A_72 : i32
    %convert_element_type3A_74 = arith.extui %eq3A_73 : i1 to i32
    %cond3A_75 = arith.constant 0 : i32
    %cond3A_76 = arith.cmpi ne, %convert_element_type3A_74, %cond3A_75 : i32
    scf.if %cond3A_76 {
      %dma_start3A = arith.constant 0 : i32
      %dma_start3A_93 = arith.constant 0 : i32
      %dma_start3A_94 = tpu.memref_slice %arg5[%dma_start3A, %dma_start3A_93] : memref<79x128xi32, #tpu.memory_space<vmem>> -> memref<1x128xi32, #tpu.memory_space<vmem>>
      %dma_start3A_95 = tpu.memref_squeeze %dma_start3A_94 : memref<1x128xi32, #tpu.memory_space<vmem>> -> memref<128xi32, #tpu.memory_space<vmem>>
      %dma_start3A_96 = arith.constant 0 : i32
      %dma_start3A_97 = arith.constant 0 : i32
      %dma_start3A_98 = tpu.memref_slice %arg14[%dma_start3A_96, %dma_start3A_97] : memref<10240x16xf32, #tpu.memory_space<hbm>> -> memref<10240x16xf32, #tpu.memory_space<hbm>>
      tpu.enqueue_indirect_dma source(%dma_start3A_98 : memref<10240x16xf32, #tpu.memory_space<hbm>>) target(%arg7 : memref<128x16xf32, #tpu.memory_space<vmem>>) offsets(%dma_start3A_95 : memref<128xi32, #tpu.memory_space<vmem>>) semaphore(%arg11 : memref<!tpu.dma_semaphore, #tpu.memory_space<semaphore_mem>>)
      %add3A_99 = arith.constant 1 : i32
      %add3A_100 = arith.addi %sub3A_47, %add3A_99 : i32
      %jit3A_101 = arith.constant 2 : i32
      %div3A_102 = arith.divsi %add3A_100, %jit3A_101 : i32
      %sign3A_103 = arith.constant 0 : i32
      %sign3A_104 = arith.cmpi sgt, %add3A_100, %sign3A_103 : i32
      %sign3A_105 = arith.extui %sign3A_104 : i1 to i32
      %sign3A_106 = arith.constant 0 : i32
      %sign3A_107 = arith.cmpi slt, %add3A_100, %sign3A_106 : i32
      %sign3A_108 = arith.extui %sign3A_107 : i1 to i32
      %sign3A_109 = arith.subi %sign3A_105, %sign3A_108 : i32
      %sign3A_110 = arith.constant 0 : i32
      %sign3A_111 = arith.cmpi sgt, %jit3A_101, %sign3A_110 : i32
      %sign3A_112 = arith.extui %sign3A_111 : i1 to i32
      %sign3A_113 = arith.constant 0 : i32
      %sign3A_114 = arith.cmpi slt, %jit3A_101, %sign3A_113 : i32
      %sign3A_115 = arith.extui %sign3A_114 : i1 to i32
      %sign3A_116 = arith.subi %sign3A_112, %sign3A_115 : i32
      %ne3A_117 = arith.cmpi ne, %sign3A_109, %sign3A_116 : i32
      %rem3A_118 = arith.remsi %add3A_100, %jit3A_101 : i32
      %ne3A_119 = arith.constant 0 : i32
      %ne3A_120 = arith.cmpi ne, %rem3A_118, %ne3A_119 : i32
      %and3A_121 = arith.andi %ne3A_117, %ne3A_120 : i1
      %sub3A_122 = arith.constant 1 : i32
      %sub3A_123 = arith.subi %div3A_102, %sub3A_122 : i32
      %select_n3A_124 = arith.select %and3A_121, %sub3A_123, %div3A_102 : i32
      %while3A = arith.constant 0 : i32
      %while3A_125 = arith.constant 0 : i32
      %while3A_126 = arith.subi %select_n3A_124, %while3A_125 : i32
      %while3A_127 = arith.addi %while3A_125, %while3A_126 : i32
      %while3A_128 = arith.constant 1 : i32
      %while3A_129 = arith.divsi %while3A_126, %while3A_128 : i32
      %while3A_130 = arith.muli %while3A_129, %while3A_128 : i32
      %while3A_131 = arith.addi %while3A_125, %while3A_130 : i32
      %while3A_132 = arith.constant 1 : i32
      scf.for %while3A_134 = %while3A_125 to %while3A_131 step %while3A_132  : i32 {
        %mul3A_135 = arith.constant 2 : i32
        %mul3A_136 = arith.muli %mul3A_135, %while3A_134 : i32
        %add3A_137 = arith.constant 1 : i32
        %add3A_138 = arith.addi %mul3A_136, %add3A_137 : i32
        %lt3A = arith.cmpi slt, %add3A_138, %sub3A_47 : i32
        %convert_element_type3A_139 = arith.extui %lt3A : i1 to i32
        %cond3A_140 = arith.constant 0 : i32
        %cond3A_141 = arith.cmpi ne, %convert_element_type3A_139, %cond3A_140 : i32
        scf.if %cond3A_141 {
          %add3A_159 = arith.constant 1 : i32
          %add3A_160 = arith.addi %mul3A_136, %add3A_159 : i32
          %dma_start3A_161 = arith.constant 0 : i32
          %dma_start3A_162 = tpu.memref_slice %arg5[%add3A_160, %dma_start3A_161] : memref<79x128xi32, #tpu.memory_space<vmem>> -> memref<1x128xi32, #tpu.memory_space<vmem>>
          %dma_start3A_163 = tpu.memref_squeeze %dma_start3A_162 : memref<1x128xi32, #tpu.memory_space<vmem>> -> memref<128xi32, #tpu.memory_space<vmem>>
          %dma_start3A_164 = arith.constant 0 : i32
          %dma_start3A_165 = arith.constant 0 : i32
          %dma_start3A_166 = tpu.memref_slice %arg14[%dma_start3A_164, %dma_start3A_165] : memref<10240x16xf32, #tpu.memory_space<hbm>> -> memref<10240x16xf32, #tpu.memory_space<hbm>>
          tpu.enqueue_indirect_dma source(%dma_start3A_166 : memref<10240x16xf32, #tpu.memory_space<hbm>>) target(%arg8 : memref<128x16xf32, #tpu.memory_space<vmem>>) offsets(%dma_start3A_163 : memref<128xi32, #tpu.memory_space<vmem>>) semaphore(%arg12 : memref<!tpu.dma_semaphore, #tpu.memory_space<semaphore_mem>>)
        } else {
        }
        %dma_wait3A = arith.constant 0 : i32
        %dma_wait3A_142 = tpu.memref_slice %arg5[%mul3A_136, %dma_wait3A] : memref<79x128xi32, #tpu.memory_space<vmem>> -> memref<1x128xi32, #tpu.memory_space<vmem>>
        %dma_wait3A_143 = tpu.memref_squeeze %dma_wait3A_142 : memref<1x128xi32, #tpu.memory_space<vmem>> -> memref<128xi32, #tpu.memory_space<vmem>>
        %dma_wait3A_144 = arith.constant 0 : i32
        %dma_wait3A_145 = arith.constant 0 : i32
        %dma_wait3A_146 = tpu.memref_slice %arg14[%dma_wait3A_144, %dma_wait3A_145] : memref<10240x16xf32, #tpu.memory_space<hbm>> -> memref<10240x16xf32, #tpu.memory_space<hbm>>
        tpu.wait_indirect_dma semaphore(%arg11 : memref<!tpu.dma_semaphore, #tpu.memory_space<semaphore_mem>>) src(%dma_wait3A_146 : memref<10240x16xf32, #tpu.memory_space<hbm>>) dst(%arg7 : memref<128x16xf32, #tpu.memory_space<vmem>>)
        "tpu.region"() ({
          %run_scoped3A_159 = tpu.sem_alloc : memref<!tpu.dma_semaphore, #tpu.memory_space<semaphore_mem>>
          %dma_start3A_160 = arith.constant 0 : i32
          %dma_start3A_161 = tpu.memref_slice %arg6[%mul3A_136, %dma_start3A_160] : memref<79x128xi32, #tpu.memory_space<vmem>> -> memref<1x128xi32, #tpu.memory_space<vmem>>
          %dma_start3A_162 = tpu.memref_squeeze %dma_start3A_161 : memref<1x128xi32, #tpu.memory_space<vmem>> -> memref<128xi32, #tpu.memory_space<vmem>>
          %dma_start3A_163 = arith.constant 0 : i32
          %dma_start3A_164 = arith.constant 0 : i32
          %dma_start3A_165 = tpu.memref_slice %arg13[%dma_start3A_163, %dma_start3A_164] : memref<10240x16xf32, #tpu.memory_space<vmem_shared>> -> memref<10240x16xf32, #tpu.memory_space<vmem_shared>>
          tpu.enqueue_indirect_dma source(%arg7 : memref<128x16xf32, #tpu.memory_space<vmem>>) target(%dma_start3A_165 : memref<10240x16xf32, #tpu.memory_space<vmem_shared>>) offsets(%dma_start3A_162 : memref<128xi32, #tpu.memory_space<vmem>>) semaphore(%run_scoped3A_159 : memref<!tpu.dma_semaphore, #tpu.memory_space<semaphore_mem>>) {add = true}
          %dma_wait3A_166 = arith.constant 0 : i32
          %dma_wait3A_167 = tpu.memref_slice %arg6[%mul3A_136, %dma_wait3A_166] : memref<79x128xi32, #tpu.memory_space<vmem>> -> memref<1x128xi32, #tpu.memory_space<vmem>>
          %dma_wait3A_168 = tpu.memref_squeeze %dma_wait3A_167 : memref<1x128xi32, #tpu.memory_space<vmem>> -> memref<128xi32, #tpu.memory_space<vmem>>
          %dma_wait3A_169 = arith.constant 0 : i32
          %dma_wait3A_170 = arith.constant 0 : i32
          %dma_wait3A_171 = tpu.memref_slice %arg13[%dma_wait3A_169, %dma_wait3A_170] : memref<10240x16xf32, #tpu.memory_space<vmem_shared>> -> memref<10240x16xf32, #tpu.memory_space<vmem_shared>>
          tpu.wait_indirect_dma semaphore(%run_scoped3A_159 : memref<!tpu.dma_semaphore, #tpu.memory_space<semaphore_mem>>) src(%arg7 : memref<128x16xf32, #tpu.memory_space<vmem>>) dst(%dma_wait3A_171 : memref<10240x16xf32, #tpu.memory_space<vmem_shared>>)
          tpu.yield
        }) : () -> ()
        %add3A_147 = arith.constant 2 : i32
        %add3A_148 = arith.addi %mul3A_136, %add3A_147 : i32
        %lt3A_149 = arith.cmpi slt, %add3A_148, %sub3A_47 : i32
        %convert_element_type3A_150 = arith.extui %lt3A_149 : i1 to i32
        %cond3A_151 = arith.constant 0 : i32
        %cond3A_152 = arith.cmpi ne, %convert_element_type3A_150, %cond3A_151 : i32
        scf.if %cond3A_152 {
          %add3A_159 = arith.constant 2 : i32
          %add3A_160 = arith.addi %mul3A_136, %add3A_159 : i32
          %dma_start3A_161 = arith.constant 0 : i32
          %dma_start3A_162 = tpu.memref_slice %arg5[%add3A_160, %dma_start3A_161] : memref<79x128xi32, #tpu.memory_space<vmem>> -> memref<1x128xi32, #tpu.memory_space<vmem>>
          %dma_start3A_163 = tpu.memref_squeeze %dma_start3A_162 : memref<1x128xi32, #tpu.memory_space<vmem>> -> memref<128xi32, #tpu.memory_space<vmem>>
          %dma_start3A_164 = arith.constant 0 : i32
          %dma_start3A_165 = arith.constant 0 : i32
          %dma_start3A_166 = tpu.memref_slice %arg14[%dma_start3A_164, %dma_start3A_165] : memref<10240x16xf32, #tpu.memory_space<hbm>> -> memref<10240x16xf32, #tpu.memory_space<hbm>>
          tpu.enqueue_indirect_dma source(%dma_start3A_166 : memref<10240x16xf32, #tpu.memory_space<hbm>>) target(%arg7 : memref<128x16xf32, #tpu.memory_space<vmem>>) offsets(%dma_start3A_163 : memref<128xi32, #tpu.memory_space<vmem>>) semaphore(%arg11 : memref<!tpu.dma_semaphore, #tpu.memory_space<semaphore_mem>>)
        } else {
        }
        %add3A_153 = arith.constant 1 : i32
        %add3A_154 = arith.addi %mul3A_136, %add3A_153 : i32
        %lt3A_155 = arith.cmpi slt, %add3A_154, %sub3A_47 : i32
        %convert_element_type3A_156 = arith.extui %lt3A_155 : i1 to i32
        %cond3A_157 = arith.constant 0 : i32
        %cond3A_158 = arith.cmpi ne, %convert_element_type3A_156, %cond3A_157 : i32
        scf.if %cond3A_158 {
          %add3A_159 = arith.constant 1 : i32
          %add3A_160 = arith.addi %mul3A_136, %add3A_159 : i32
          %dma_wait3A_161 = arith.constant 0 : i32
          %dma_wait3A_162 = tpu.memref_slice %arg5[%add3A_160, %dma_wait3A_161] : memref<79x128xi32, #tpu.memory_space<vmem>> -> memref<1x128xi32, #tpu.memory_space<vmem>>
          %dma_wait3A_163 = tpu.memref_squeeze %dma_wait3A_162 : memref<1x128xi32, #tpu.memory_space<vmem>> -> memref<128xi32, #tpu.memory_space<vmem>>
          %dma_wait3A_164 = arith.constant 0 : i32
          %dma_wait3A_165 = arith.constant 0 : i32
          %dma_wait3A_166 = tpu.memref_slice %arg14[%dma_wait3A_164, %dma_wait3A_165] : memref<10240x16xf32, #tpu.memory_space<hbm>> -> memref<10240x16xf32, #tpu.memory_space<hbm>>
          tpu.wait_indirect_dma semaphore(%arg12 : memref<!tpu.dma_semaphore, #tpu.memory_space<semaphore_mem>>) src(%dma_wait3A_166 : memref<10240x16xf32, #tpu.memory_space<hbm>>) dst(%arg8 : memref<128x16xf32, #tpu.memory_space<vmem>>)
          %add3A_167 = arith.constant 1 : i32
          %add3A_168 = arith.addi %mul3A_136, %add3A_167 : i32
          "tpu.region"() ({
            %run_scoped3A_169 = tpu.sem_alloc : memref<!tpu.dma_semaphore, #tpu.memory_space<semaphore_mem>>
            %dma_start3A_170 = arith.constant 0 : i32
            %dma_start3A_171 = tpu.memref_slice %arg6[%add3A_168, %dma_start3A_170] : memref<79x128xi32, #tpu.memory_space<vmem>> -> memref<1x128xi32, #tpu.memory_space<vmem>>
            %dma_start3A_172 = tpu.memref_squeeze %dma_start3A_171 : memref<1x128xi32, #tpu.memory_space<vmem>> -> memref<128xi32, #tpu.memory_space<vmem>>
            %dma_start3A_173 = arith.constant 0 : i32
            %dma_start3A_174 = arith.constant 0 : i32
            %dma_start3A_175 = tpu.memref_slice %arg13[%dma_start3A_173, %dma_start3A_174] : memref<10240x16xf32, #tpu.memory_space<vmem_shared>> -> memref<10240x16xf32, #tpu.memory_space<vmem_shared>>
            tpu.enqueue_indirect_dma source(%arg8 : memref<128x16xf32, #tpu.memory_space<vmem>>) target(%dma_start3A_175 : memref<10240x16xf32, #tpu.memory_space<vmem_shared>>) offsets(%dma_start3A_172 : memref<128xi32, #tpu.memory_space<vmem>>) semaphore(%run_scoped3A_169 : memref<!tpu.dma_semaphore, #tpu.memory_space<semaphore_mem>>) {add = true}
            %dma_wait3A_176 = arith.constant 0 : i32
            %dma_wait3A_177 = tpu.memref_slice %arg6[%add3A_168, %dma_wait3A_176] : memref<79x128xi32, #tpu.memory_space<vmem>> -> memref<1x128xi32, #tpu.memory_space<vmem>>
            %dma_wait3A_178 = tpu.memref_squeeze %dma_wait3A_177 : memref<1x128xi32, #tpu.memory_space<vmem>> -> memref<128xi32, #tpu.memory_space<vmem>>
            %dma_wait3A_179 = arith.constant 0 : i32
            %dma_wait3A_180 = arith.constant 0 : i32
            %dma_wait3A_181 = tpu.memref_slice %arg13[%dma_wait3A_179, %dma_wait3A_180] : memref<10240x16xf32, #tpu.memory_space<vmem_shared>> -> memref<10240x16xf32, #tpu.memory_space<vmem_shared>>
            tpu.wait_indirect_dma semaphore(%run_scoped3A_169 : memref<!tpu.dma_semaphore, #tpu.memory_space<semaphore_mem>>) src(%arg8 : memref<128x16xf32, #tpu.memory_space<vmem>>) dst(%dma_wait3A_181 : memref<10240x16xf32, #tpu.memory_space<vmem_shared>>)
            tpu.yield
          }) : () -> ()
        } else {
        }
      }
      %while3A_133 = arith.constant 1 : i32
      scf.for %while3A_134 = %while3A_131 to %while3A_127 step %while3A_133  : i32 {
        %mul3A_135 = arith.constant 2 : i32
        %mul3A_136 = arith.muli %mul3A_135, %while3A_134 : i32
        %add3A_137 = arith.constant 1 : i32
        %add3A_138 = arith.addi %mul3A_136, %add3A_137 : i32
        %lt3A = arith.cmpi slt, %add3A_138, %sub3A_47 : i32
        %convert_element_type3A_139 = arith.extui %lt3A : i1 to i32
        %cond3A_140 = arith.constant 0 : i32
        %cond3A_141 = arith.cmpi ne, %convert_element_type3A_139, %cond3A_140 : i32
        scf.if %cond3A_141 {
          %add3A_159 = arith.constant 1 : i32
          %add3A_160 = arith.addi %mul3A_136, %add3A_159 : i32
          %dma_start3A_161 = arith.constant 0 : i32
          %dma_start3A_162 = tpu.memref_slice %arg5[%add3A_160, %dma_start3A_161] : memref<79x128xi32, #tpu.memory_space<vmem>> -> memref<1x128xi32, #tpu.memory_space<vmem>>
          %dma_start3A_163 = tpu.memref_squeeze %dma_start3A_162 : memref<1x128xi32, #tpu.memory_space<vmem>> -> memref<128xi32, #tpu.memory_space<vmem>>
          %dma_start3A_164 = arith.constant 0 : i32
          %dma_start3A_165 = arith.constant 0 : i32
          %dma_start3A_166 = tpu.memref_slice %arg14[%dma_start3A_164, %dma_start3A_165] : memref<10240x16xf32, #tpu.memory_space<hbm>> -> memref<10240x16xf32, #tpu.memory_space<hbm>>
          tpu.enqueue_indirect_dma source(%dma_start3A_166 : memref<10240x16xf32, #tpu.memory_space<hbm>>) target(%arg8 : memref<128x16xf32, #tpu.memory_space<vmem>>) offsets(%dma_start3A_163 : memref<128xi32, #tpu.memory_space<vmem>>) semaphore(%arg12 : memref<!tpu.dma_semaphore, #tpu.memory_space<semaphore_mem>>)
        } else {
        }
        %dma_wait3A = arith.constant 0 : i32
        %dma_wait3A_142 = tpu.memref_slice %arg5[%mul3A_136, %dma_wait3A] : memref<79x128xi32, #tpu.memory_space<vmem>> -> memref<1x128xi32, #tpu.memory_space<vmem>>
        %dma_wait3A_143 = tpu.memref_squeeze %dma_wait3A_142 : memref<1x128xi32, #tpu.memory_space<vmem>> -> memref<128xi32, #tpu.memory_space<vmem>>
        %dma_wait3A_144 = arith.constant 0 : i32
        %dma_wait3A_145 = arith.constant 0 : i32
        %dma_wait3A_146 = tpu.memref_slice %arg14[%dma_wait3A_144, %dma_wait3A_145] : memref<10240x16xf32, #tpu.memory_space<hbm>> -> memref<10240x16xf32, #tpu.memory_space<hbm>>
        tpu.wait_indirect_dma semaphore(%arg11 : memref<!tpu.dma_semaphore, #tpu.memory_space<semaphore_mem>>) src(%dma_wait3A_146 : memref<10240x16xf32, #tpu.memory_space<hbm>>) dst(%arg7 : memref<128x16xf32, #tpu.memory_space<vmem>>)
        "tpu.region"() ({
          %run_scoped3A_159 = tpu.sem_alloc : memref<!tpu.dma_semaphore, #tpu.memory_space<semaphore_mem>>
          %dma_start3A_160 = arith.constant 0 : i32
          %dma_start3A_161 = tpu.memref_slice %arg6[%mul3A_136, %dma_start3A_160] : memref<79x128xi32, #tpu.memory_space<vmem>> -> memref<1x128xi32, #tpu.memory_space<vmem>>
          %dma_start3A_162 = tpu.memref_squeeze %dma_start3A_161 : memref<1x128xi32, #tpu.memory_space<vmem>> -> memref<128xi32, #tpu.memory_space<vmem>>
          %dma_start3A_163 = arith.constant 0 : i32
          %dma_start3A_164 = arith.constant 0 : i32
          %dma_start3A_165 = tpu.memref_slice %arg13[%dma_start3A_163, %dma_start3A_164] : memref<10240x16xf32, #tpu.memory_space<vmem_shared>> -> memref<10240x16xf32, #tpu.memory_space<vmem_shared>>
          tpu.enqueue_indirect_dma source(%arg7 : memref<128x16xf32, #tpu.memory_space<vmem>>) target(%dma_start3A_165 : memref<10240x16xf32, #tpu.memory_space<vmem_shared>>) offsets(%dma_start3A_162 : memref<128xi32, #tpu.memory_space<vmem>>) semaphore(%run_scoped3A_159 : memref<!tpu.dma_semaphore, #tpu.memory_space<semaphore_mem>>) {add = true}
          %dma_wait3A_166 = arith.constant 0 : i32
          %dma_wait3A_167 = tpu.memref_slice %arg6[%mul3A_136, %dma_wait3A_166] : memref<79x128xi32, #tpu.memory_space<vmem>> -> memref<1x128xi32, #tpu.memory_space<vmem>>
          %dma_wait3A_168 = tpu.memref_squeeze %dma_wait3A_167 : memref<1x128xi32, #tpu.memory_space<vmem>> -> memref<128xi32, #tpu.memory_space<vmem>>
          %dma_wait3A_169 = arith.constant 0 : i32
          %dma_wait3A_170 = arith.constant 0 : i32
          %dma_wait3A_171 = tpu.memref_slice %arg13[%dma_wait3A_169, %dma_wait3A_170] : memref<10240x16xf32, #tpu.memory_space<vmem_shared>> -> memref<10240x16xf32, #tpu.memory_space<vmem_shared>>
          tpu.wait_indirect_dma semaphore(%run_scoped3A_159 : memref<!tpu.dma_semaphore, #tpu.memory_space<semaphore_mem>>) src(%arg7 : memref<128x16xf32, #tpu.memory_space<vmem>>) dst(%dma_wait3A_171 : memref<10240x16xf32, #tpu.memory_space<vmem_shared>>)
          tpu.yield
        }) : () -> ()
        %add3A_147 = arith.constant 2 : i32
        %add3A_148 = arith.addi %mul3A_136, %add3A_147 : i32
        %lt3A_149 = arith.cmpi slt, %add3A_148, %sub3A_47 : i32
        %convert_element_type3A_150 = arith.extui %lt3A_149 : i1 to i32
        %cond3A_151 = arith.constant 0 : i32
        %cond3A_152 = arith.cmpi ne, %convert_element_type3A_150, %cond3A_151 : i32
        scf.if %cond3A_152 {
          %add3A_159 = arith.constant 2 : i32
          %add3A_160 = arith.addi %mul3A_136, %add3A_159 : i32
          %dma_start3A_161 = arith.constant 0 : i32
          %dma_start3A_162 = tpu.memref_slice %arg5[%add3A_160, %dma_start3A_161] : memref<79x128xi32, #tpu.memory_space<vmem>> -> memref<1x128xi32, #tpu.memory_space<vmem>>
          %dma_start3A_163 = tpu.memref_squeeze %dma_start3A_162 : memref<1x128xi32, #tpu.memory_space<vmem>> -> memref<128xi32, #tpu.memory_space<vmem>>
          %dma_start3A_164 = arith.constant 0 : i32
          %dma_start3A_165 = arith.constant 0 : i32
          %dma_start3A_166 = tpu.memref_slice %arg14[%dma_start3A_164, %dma_start3A_165] : memref<10240x16xf32, #tpu.memory_space<hbm>> -> memref<10240x16xf32, #tpu.memory_space<hbm>>
          tpu.enqueue_indirect_dma source(%dma_start3A_166 : memref<10240x16xf32, #tpu.memory_space<hbm>>) target(%arg7 : memref<128x16xf32, #tpu.memory_space<vmem>>) offsets(%dma_start3A_163 : memref<128xi32, #tpu.memory_space<vmem>>) semaphore(%arg11 : memref<!tpu.dma_semaphore, #tpu.memory_space<semaphore_mem>>)
        } else {
        }
        %add3A_153 = arith.constant 1 : i32
        %add3A_154 = arith.addi %mul3A_136, %add3A_153 : i32
        %lt3A_155 = arith.cmpi slt, %add3A_154, %sub3A_47 : i32
        %convert_element_type3A_156 = arith.extui %lt3A_155 : i1 to i32
        %cond3A_157 = arith.constant 0 : i32
        %cond3A_158 = arith.cmpi ne, %convert_element_type3A_156, %cond3A_157 : i32
        scf.if %cond3A_158 {
          %add3A_159 = arith.constant 1 : i32
          %add3A_160 = arith.addi %mul3A_136, %add3A_159 : i32
          %dma_wait3A_161 = arith.constant 0 : i32
          %dma_wait3A_162 = tpu.memref_slice %arg5[%add3A_160, %dma_wait3A_161] : memref<79x128xi32, #tpu.memory_space<vmem>> -> memref<1x128xi32, #tpu.memory_space<vmem>>
          %dma_wait3A_163 = tpu.memref_squeeze %dma_wait3A_162 : memref<1x128xi32, #tpu.memory_space<vmem>> -> memref<128xi32, #tpu.memory_space<vmem>>
          %dma_wait3A_164 = arith.constant 0 : i32
          %dma_wait3A_165 = arith.constant 0 : i32
          %dma_wait3A_166 = tpu.memref_slice %arg14[%dma_wait3A_164, %dma_wait3A_165] : memref<10240x16xf32, #tpu.memory_space<hbm>> -> memref<10240x16xf32, #tpu.memory_space<hbm>>
          tpu.wait_indirect_dma semaphore(%arg12 : memref<!tpu.dma_semaphore, #tpu.memory_space<semaphore_mem>>) src(%dma_wait3A_166 : memref<10240x16xf32, #tpu.memory_space<hbm>>) dst(%arg8 : memref<128x16xf32, #tpu.memory_space<vmem>>)
          %add3A_167 = arith.constant 1 : i32
          %add3A_168 = arith.addi %mul3A_136, %add3A_167 : i32
          "tpu.region"() ({
            %run_scoped3A_169 = tpu.sem_alloc : memref<!tpu.dma_semaphore, #tpu.memory_space<semaphore_mem>>
            %dma_start3A_170 = arith.constant 0 : i32
            %dma_start3A_171 = tpu.memref_slice %arg6[%add3A_168, %dma_start3A_170] : memref<79x128xi32, #tpu.memory_space<vmem>> -> memref<1x128xi32, #tpu.memory_space<vmem>>
            %dma_start3A_172 = tpu.memref_squeeze %dma_start3A_171 : memref<1x128xi32, #tpu.memory_space<vmem>> -> memref<128xi32, #tpu.memory_space<vmem>>
            %dma_start3A_173 = arith.constant 0 : i32
            %dma_start3A_174 = arith.constant 0 : i32
            %dma_start3A_175 = tpu.memref_slice %arg13[%dma_start3A_173, %dma_start3A_174] : memref<10240x16xf32, #tpu.memory_space<vmem_shared>> -> memref<10240x16xf32, #tpu.memory_space<vmem_shared>>
            tpu.enqueue_indirect_dma source(%arg8 : memref<128x16xf32, #tpu.memory_space<vmem>>) target(%dma_start3A_175 : memref<10240x16xf32, #tpu.memory_space<vmem_shared>>) offsets(%dma_start3A_172 : memref<128xi32, #tpu.memory_space<vmem>>) semaphore(%run_scoped3A_169 : memref<!tpu.dma_semaphore, #tpu.memory_space<semaphore_mem>>) {add = true}
            %dma_wait3A_176 = arith.constant 0 : i32
            %dma_wait3A_177 = tpu.memref_slice %arg6[%add3A_168, %dma_wait3A_176] : memref<79x128xi32, #tpu.memory_space<vmem>> -> memref<1x128xi32, #tpu.memory_space<vmem>>
            %dma_wait3A_178 = tpu.memref_squeeze %dma_wait3A_177 : memref<1x128xi32, #tpu.memory_space<vmem>> -> memref<128xi32, #tpu.memory_space<vmem>>
            %dma_wait3A_179 = arith.constant 0 : i32
            %dma_wait3A_180 = arith.constant 0 : i32
            %dma_wait3A_181 = tpu.memref_slice %arg13[%dma_wait3A_179, %dma_wait3A_180] : memref<10240x16xf32, #tpu.memory_space<vmem_shared>> -> memref<10240x16xf32, #tpu.memory_space<vmem_shared>>
            tpu.wait_indirect_dma semaphore(%run_scoped3A_169 : memref<!tpu.dma_semaphore, #tpu.memory_space<semaphore_mem>>) src(%arg8 : memref<128x16xf32, #tpu.memory_space<vmem>>) dst(%dma_wait3A_181 : memref<10240x16xf32, #tpu.memory_space<vmem_shared>>)
            tpu.yield
          }) : () -> ()
        } else {
        }
      }
    } else {
    }
    %eq3A_77 = arith.constant 1 : i32
    %eq3A_78 = arith.cmpi eq, %arg0, %eq3A_77 : i32
    %convert_element_type3A_79 = arith.extui %eq3A_78 : i1 to i32
    %cond3A_80 = arith.constant 0 : i32
    %cond3A_81 = arith.cmpi ne, %convert_element_type3A_79, %cond3A_80 : i32
    scf.if %cond3A_81 {
      %dma_start3A = arith.constant 0 : i32
      %dma_start3A_93 = arith.constant 0 : i32
      %dma_start3A_94 = tpu.memref_slice %arg5[%dma_start3A, %dma_start3A_93] : memref<79x128xi32, #tpu.memory_space<vmem>> -> memref<1x128xi32, #tpu.memory_space<vmem>>
      %dma_start3A_95 = tpu.memref_squeeze %dma_start3A_94 : memref<1x128xi32, #tpu.memory_space<vmem>> -> memref<128xi32, #tpu.memory_space<vmem>>
      %dma_start3A_96 = arith.constant 0 : i32
      %dma_start3A_97 = arith.constant 0 : i32
      %dma_start3A_98 = tpu.memref_slice %arg15[%dma_start3A_96, %dma_start3A_97] : memref<10240x16xf32, #tpu.memory_space<hbm>> -> memref<10240x16xf32, #tpu.memory_space<hbm>>
      tpu.enqueue_indirect_dma source(%dma_start3A_98 : memref<10240x16xf32, #tpu.memory_space<hbm>>) target(%arg7 : memref<128x16xf32, #tpu.memory_space<vmem>>) offsets(%dma_start3A_95 : memref<128xi32, #tpu.memory_space<vmem>>) semaphore(%arg11 : memref<!tpu.dma_semaphore, #tpu.memory_space<semaphore_mem>>)
      %add3A_99 = arith.constant 1 : i32
      %add3A_100 = arith.addi %sub3A_47, %add3A_99 : i32
      %jit3A_101 = arith.constant 2 : i32
      %div3A_102 = arith.divsi %add3A_100, %jit3A_101 : i32
      %sign3A_103 = arith.constant 0 : i32
      %sign3A_104 = arith.cmpi sgt, %add3A_100, %sign3A_103 : i32
      %sign3A_105 = arith.extui %sign3A_104 : i1 to i32
      %sign3A_106 = arith.constant 0 : i32
      %sign3A_107 = arith.cmpi slt, %add3A_100, %sign3A_106 : i32
      %sign3A_108 = arith.extui %sign3A_107 : i1 to i32
      %sign3A_109 = arith.subi %sign3A_105, %sign3A_108 : i32
      %sign3A_110 = arith.constant 0 : i32
      %sign3A_111 = arith.cmpi sgt, %jit3A_101, %sign3A_110 : i32
      %sign3A_112 = arith.extui %sign3A_111 : i1 to i32
      %sign3A_113 = arith.constant 0 : i32
      %sign3A_114 = arith.cmpi slt, %jit3A_101, %sign3A_113 : i32
      %sign3A_115 = arith.extui %sign3A_114 : i1 to i32
      %sign3A_116 = arith.subi %sign3A_112, %sign3A_115 : i32
      %ne3A_117 = arith.cmpi ne, %sign3A_109, %sign3A_116 : i32
      %rem3A_118 = arith.remsi %add3A_100, %jit3A_101 : i32
      %ne3A_119 = arith.constant 0 : i32
      %ne3A_120 = arith.cmpi ne, %rem3A_118, %ne3A_119 : i32
      %and3A_121 = arith.andi %ne3A_117, %ne3A_120 : i1
      %sub3A_122 = arith.constant 1 : i32
      %sub3A_123 = arith.subi %div3A_102, %sub3A_122 : i32
      %select_n3A_124 = arith.select %and3A_121, %sub3A_123, %div3A_102 : i32
      %while3A = arith.constant 0 : i32
      %while3A_125 = arith.constant 0 : i32
      %while3A_126 = arith.subi %select_n3A_124, %while3A_125 : i32
      %while3A_127 = arith.addi %while3A_125, %while3A_126 : i32
      %while3A_128 = arith.constant 1 : i32
      %while3A_129 = arith.divsi %while3A_126, %while3A_128 : i32
      %while3A_130 = arith.muli %while3A_129, %while3A_128 : i32
      %while3A_131 = arith.addi %while3A_125, %while3A_130 : i32
      %while3A_132 = arith.constant 1 : i32
      scf.for %while3A_134 = %while3A_125 to %while3A_131 step %while3A_132  : i32 {
        %mul3A_135 = arith.constant 2 : i32
        %mul3A_136 = arith.muli %mul3A_135, %while3A_134 : i32
        %add3A_137 = arith.constant 1 : i32
        %add3A_138 = arith.addi %mul3A_136, %add3A_137 : i32
        %lt3A = arith.cmpi slt, %add3A_138, %sub3A_47 : i32
        %convert_element_type3A_139 = arith.extui %lt3A : i1 to i32
        %cond3A_140 = arith.constant 0 : i32
        %cond3A_141 = arith.cmpi ne, %convert_element_type3A_139, %cond3A_140 : i32
        scf.if %cond3A_141 {
          %add3A_159 = arith.constant 1 : i32
          %add3A_160 = arith.addi %mul3A_136, %add3A_159 : i32
          %dma_start3A_161 = arith.constant 0 : i32
          %dma_start3A_162 = tpu.memref_slice %arg5[%add3A_160, %dma_start3A_161] : memref<79x128xi32, #tpu.memory_space<vmem>> -> memref<1x128xi32, #tpu.memory_space<vmem>>
          %dma_start3A_163 = tpu.memref_squeeze %dma_start3A_162 : memref<1x128xi32, #tpu.memory_space<vmem>> -> memref<128xi32, #tpu.memory_space<vmem>>
          %dma_start3A_164 = arith.constant 0 : i32
          %dma_start3A_165 = arith.constant 0 : i32
          %dma_start3A_166 = tpu.memref_slice %arg15[%dma_start3A_164, %dma_start3A_165] : memref<10240x16xf32, #tpu.memory_space<hbm>> -> memref<10240x16xf32, #tpu.memory_space<hbm>>
          tpu.enqueue_indirect_dma source(%dma_start3A_166 : memref<10240x16xf32, #tpu.memory_space<hbm>>) target(%arg8 : memref<128x16xf32, #tpu.memory_space<vmem>>) offsets(%dma_start3A_163 : memref<128xi32, #tpu.memory_space<vmem>>) semaphore(%arg12 : memref<!tpu.dma_semaphore, #tpu.memory_space<semaphore_mem>>)
        } else {
        }
        %dma_wait3A = arith.constant 0 : i32
        %dma_wait3A_142 = tpu.memref_slice %arg5[%mul3A_136, %dma_wait3A] : memref<79x128xi32, #tpu.memory_space<vmem>> -> memref<1x128xi32, #tpu.memory_space<vmem>>
        %dma_wait3A_143 = tpu.memref_squeeze %dma_wait3A_142 : memref<1x128xi32, #tpu.memory_space<vmem>> -> memref<128xi32, #tpu.memory_space<vmem>>
        %dma_wait3A_144 = arith.constant 0 : i32
        %dma_wait3A_145 = arith.constant 0 : i32
        %dma_wait3A_146 = tpu.memref_slice %arg15[%dma_wait3A_144, %dma_wait3A_145] : memref<10240x16xf32, #tpu.memory_space<hbm>> -> memref<10240x16xf32, #tpu.memory_space<hbm>>
        tpu.wait_indirect_dma semaphore(%arg11 : memref<!tpu.dma_semaphore, #tpu.memory_space<semaphore_mem>>) src(%dma_wait3A_146 : memref<10240x16xf32, #tpu.memory_space<hbm>>) dst(%arg7 : memref<128x16xf32, #tpu.memory_space<vmem>>)
        "tpu.region"() ({
          %run_scoped3A_159 = tpu.sem_alloc : memref<!tpu.dma_semaphore, #tpu.memory_space<semaphore_mem>>
          %dma_start3A_160 = arith.constant 0 : i32
          %dma_start3A_161 = tpu.memref_slice %arg6[%mul3A_136, %dma_start3A_160] : memref<79x128xi32, #tpu.memory_space<vmem>> -> memref<1x128xi32, #tpu.memory_space<vmem>>
          %dma_start3A_162 = tpu.memref_squeeze %dma_start3A_161 : memref<1x128xi32, #tpu.memory_space<vmem>> -> memref<128xi32, #tpu.memory_space<vmem>>
          %dma_start3A_163 = arith.constant 0 : i32
          %dma_start3A_164 = arith.constant 0 : i32
          %dma_start3A_165 = tpu.memref_slice %arg13[%dma_start3A_163, %dma_start3A_164] : memref<10240x16xf32, #tpu.memory_space<vmem_shared>> -> memref<10240x16xf32, #tpu.memory_space<vmem_shared>>
          tpu.enqueue_indirect_dma source(%arg7 : memref<128x16xf32, #tpu.memory_space<vmem>>) target(%dma_start3A_165 : memref<10240x16xf32, #tpu.memory_space<vmem_shared>>) offsets(%dma_start3A_162 : memref<128xi32, #tpu.memory_space<vmem>>) semaphore(%run_scoped3A_159 : memref<!tpu.dma_semaphore, #tpu.memory_space<semaphore_mem>>) {add = true}
          %dma_wait3A_166 = arith.constant 0 : i32
          %dma_wait3A_167 = tpu.memref_slice %arg6[%mul3A_136, %dma_wait3A_166] : memref<79x128xi32, #tpu.memory_space<vmem>> -> memref<1x128xi32, #tpu.memory_space<vmem>>
          %dma_wait3A_168 = tpu.memref_squeeze %dma_wait3A_167 : memref<1x128xi32, #tpu.memory_space<vmem>> -> memref<128xi32, #tpu.memory_space<vmem>>
          %dma_wait3A_169 = arith.constant 0 : i32
          %dma_wait3A_170 = arith.constant 0 : i32
          %dma_wait3A_171 = tpu.memref_slice %arg13[%dma_wait3A_169, %dma_wait3A_170] : memref<10240x16xf32, #tpu.memory_space<vmem_shared>> -> memref<10240x16xf32, #tpu.memory_space<vmem_shared>>
          tpu.wait_indirect_dma semaphore(%run_scoped3A_159 : memref<!tpu.dma_semaphore, #tpu.memory_space<semaphore_mem>>) src(%arg7 : memref<128x16xf32, #tpu.memory_space<vmem>>) dst(%dma_wait3A_171 : memref<10240x16xf32, #tpu.memory_space<vmem_shared>>)
          tpu.yield
        }) : () -> ()
        %add3A_147 = arith.constant 2 : i32
        %add3A_148 = arith.addi %mul3A_136, %add3A_147 : i32
        %lt3A_149 = arith.cmpi slt, %add3A_148, %sub3A_47 : i32
        %convert_element_type3A_150 = arith.extui %lt3A_149 : i1 to i32
        %cond3A_151 = arith.constant 0 : i32
        %cond3A_152 = arith.cmpi ne, %convert_element_type3A_150, %cond3A_151 : i32
        scf.if %cond3A_152 {
          %add3A_159 = arith.constant 2 : i32
          %add3A_160 = arith.addi %mul3A_136, %add3A_159 : i32
          %dma_start3A_161 = arith.constant 0 : i32
          %dma_start3A_162 = tpu.memref_slice %arg5[%add3A_160, %dma_start3A_161] : memref<79x128xi32, #tpu.memory_space<vmem>> -> memref<1x128xi32, #tpu.memory_space<vmem>>
          %dma_start3A_163 = tpu.memref_squeeze %dma_start3A_162 : memref<1x128xi32, #tpu.memory_space<vmem>> -> memref<128xi32, #tpu.memory_space<vmem>>
          %dma_start3A_164 = arith.constant 0 : i32
          %dma_start3A_165 = arith.constant 0 : i32
          %dma_start3A_166 = tpu.memref_slice %arg15[%dma_start3A_164, %dma_start3A_165] : memref<10240x16xf32, #tpu.memory_space<hbm>> -> memref<10240x16xf32, #tpu.memory_space<hbm>>
          tpu.enqueue_indirect_dma source(%dma_start3A_166 : memref<10240x16xf32, #tpu.memory_space<hbm>>) target(%arg7 : memref<128x16xf32, #tpu.memory_space<vmem>>) offsets(%dma_start3A_163 : memref<128xi32, #tpu.memory_space<vmem>>) semaphore(%arg11 : memref<!tpu.dma_semaphore, #tpu.memory_space<semaphore_mem>>)
        } else {
        }
        %add3A_153 = arith.constant 1 : i32
        %add3A_154 = arith.addi %mul3A_136, %add3A_153 : i32
        %lt3A_155 = arith.cmpi slt, %add3A_154, %sub3A_47 : i32
        %convert_element_type3A_156 = arith.extui %lt3A_155 : i1 to i32
        %cond3A_157 = arith.constant 0 : i32
        %cond3A_158 = arith.cmpi ne, %convert_element_type3A_156, %cond3A_157 : i32
        scf.if %cond3A_158 {
          %add3A_159 = arith.constant 1 : i32
          %add3A_160 = arith.addi %mul3A_136, %add3A_159 : i32
          %dma_wait3A_161 = arith.constant 0 : i32
          %dma_wait3A_162 = tpu.memref_slice %arg5[%add3A_160, %dma_wait3A_161] : memref<79x128xi32, #tpu.memory_space<vmem>> -> memref<1x128xi32, #tpu.memory_space<vmem>>
          %dma_wait3A_163 = tpu.memref_squeeze %dma_wait3A_162 : memref<1x128xi32, #tpu.memory_space<vmem>> -> memref<128xi32, #tpu.memory_space<vmem>>
          %dma_wait3A_164 = arith.constant 0 : i32
          %dma_wait3A_165 = arith.constant 0 : i32
          %dma_wait3A_166 = tpu.memref_slice %arg15[%dma_wait3A_164, %dma_wait3A_165] : memref<10240x16xf32, #tpu.memory_space<hbm>> -> memref<10240x16xf32, #tpu.memory_space<hbm>>
          tpu.wait_indirect_dma semaphore(%arg12 : memref<!tpu.dma_semaphore, #tpu.memory_space<semaphore_mem>>) src(%dma_wait3A_166 : memref<10240x16xf32, #tpu.memory_space<hbm>>) dst(%arg8 : memref<128x16xf32, #tpu.memory_space<vmem>>)
          %add3A_167 = arith.constant 1 : i32
          %add3A_168 = arith.addi %mul3A_136, %add3A_167 : i32
          "tpu.region"() ({
            %run_scoped3A_169 = tpu.sem_alloc : memref<!tpu.dma_semaphore, #tpu.memory_space<semaphore_mem>>
            %dma_start3A_170 = arith.constant 0 : i32
            %dma_start3A_171 = tpu.memref_slice %arg6[%add3A_168, %dma_start3A_170] : memref<79x128xi32, #tpu.memory_space<vmem>> -> memref<1x128xi32, #tpu.memory_space<vmem>>
            %dma_start3A_172 = tpu.memref_squeeze %dma_start3A_171 : memref<1x128xi32, #tpu.memory_space<vmem>> -> memref<128xi32, #tpu.memory_space<vmem>>
            %dma_start3A_173 = arith.constant 0 : i32
            %dma_start3A_174 = arith.constant 0 : i32
            %dma_start3A_175 = tpu.memref_slice %arg13[%dma_start3A_173, %dma_start3A_174] : memref<10240x16xf32, #tpu.memory_space<vmem_shared>> -> memref<10240x16xf32, #tpu.memory_space<vmem_shared>>
            tpu.enqueue_indirect_dma source(%arg8 : memref<128x16xf32, #tpu.memory_space<vmem>>) target(%dma_start3A_175 : memref<10240x16xf32, #tpu.memory_space<vmem_shared>>) offsets(%dma_start3A_172 : memref<128xi32, #tpu.memory_space<vmem>>) semaphore(%run_scoped3A_169 : memref<!tpu.dma_semaphore, #tpu.memory_space<semaphore_mem>>) {add = true}
            %dma_wait3A_176 = arith.constant 0 : i32
            %dma_wait3A_177 = tpu.memref_slice %arg6[%add3A_168, %dma_wait3A_176] : memref<79x128xi32, #tpu.memory_space<vmem>> -> memref<1x128xi32, #tpu.memory_space<vmem>>
            %dma_wait3A_178 = tpu.memref_squeeze %dma_wait3A_177 : memref<1x128xi32, #tpu.memory_space<vmem>> -> memref<128xi32, #tpu.memory_space<vmem>>
            %dma_wait3A_179 = arith.constant 0 : i32
            %dma_wait3A_180 = arith.constant 0 : i32
            %dma_wait3A_181 = tpu.memref_slice %arg13[%dma_wait3A_179, %dma_wait3A_180] : memref<10240x16xf32, #tpu.memory_space<vmem_shared>> -> memref<10240x16xf32, #tpu.memory_space<vmem_shared>>
            tpu.wait_indirect_dma semaphore(%run_scoped3A_169 : memref<!tpu.dma_semaphore, #tpu.memory_space<semaphore_mem>>) src(%arg8 : memref<128x16xf32, #tpu.memory_space<vmem>>) dst(%dma_wait3A_181 : memref<10240x16xf32, #tpu.memory_space<vmem_shared>>)
            tpu.yield
          }) : () -> ()
        } else {
        }
      }
      %while3A_133 = arith.constant 1 : i32
      scf.for %while3A_134 = %while3A_131 to %while3A_127 step %while3A_133  : i32 {
        %mul3A_135 = arith.constant 2 : i32
        %mul3A_136 = arith.muli %mul3A_135, %while3A_134 : i32
        %add3A_137 = arith.constant 1 : i32
        %add3A_138 = arith.addi %mul3A_136, %add3A_137 : i32
        %lt3A = arith.cmpi slt, %add3A_138, %sub3A_47 : i32
        %convert_element_type3A_139 = arith.extui %lt3A : i1 to i32
        %cond3A_140 = arith.constant 0 : i32
        %cond3A_141 = arith.cmpi ne, %convert_element_type3A_139, %cond3A_140 : i32
        scf.if %cond3A_141 {
          %add3A_159 = arith.constant 1 : i32
          %add3A_160 = arith.addi %mul3A_136, %add3A_159 : i32
          %dma_start3A_161 = arith.constant 0 : i32
          %dma_start3A_162 = tpu.memref_slice %arg5[%add3A_160, %dma_start3A_161] : memref<79x128xi32, #tpu.memory_space<vmem>> -> memref<1x128xi32, #tpu.memory_space<vmem>>
          %dma_start3A_163 = tpu.memref_squeeze %dma_start3A_162 : memref<1x128xi32, #tpu.memory_space<vmem>> -> memref<128xi32, #tpu.memory_space<vmem>>
          %dma_start3A_164 = arith.constant 0 : i32
          %dma_start3A_165 = arith.constant 0 : i32
          %dma_start3A_166 = tpu.memref_slice %arg15[%dma_start3A_164, %dma_start3A_165] : memref<10240x16xf32, #tpu.memory_space<hbm>> -> memref<10240x16xf32, #tpu.memory_space<hbm>>
          tpu.enqueue_indirect_dma source(%dma_start3A_166 : memref<10240x16xf32, #tpu.memory_space<hbm>>) target(%arg8 : memref<128x16xf32, #tpu.memory_space<vmem>>) offsets(%dma_start3A_163 : memref<128xi32, #tpu.memory_space<vmem>>) semaphore(%arg12 : memref<!tpu.dma_semaphore, #tpu.memory_space<semaphore_mem>>)
        } else {
        }
        %dma_wait3A = arith.constant 0 : i32
        %dma_wait3A_142 = tpu.memref_slice %arg5[%mul3A_136, %dma_wait3A] : memref<79x128xi32, #tpu.memory_space<vmem>> -> memref<1x128xi32, #tpu.memory_space<vmem>>
        %dma_wait3A_143 = tpu.memref_squeeze %dma_wait3A_142 : memref<1x128xi32, #tpu.memory_space<vmem>> -> memref<128xi32, #tpu.memory_space<vmem>>
        %dma_wait3A_144 = arith.constant 0 : i32
        %dma_wait3A_145 = arith.constant 0 : i32
        %dma_wait3A_146 = tpu.memref_slice %arg15[%dma_wait3A_144, %dma_wait3A_145] : memref<10240x16xf32, #tpu.memory_space<hbm>> -> memref<10240x16xf32, #tpu.memory_space<hbm>>
        tpu.wait_indirect_dma semaphore(%arg11 : memref<!tpu.dma_semaphore, #tpu.memory_space<semaphore_mem>>) src(%dma_wait3A_146 : memref<10240x16xf32, #tpu.memory_space<hbm>>) dst(%arg7 : memref<128x16xf32, #tpu.memory_space<vmem>>)
        "tpu.region"() ({
          %run_scoped3A_159 = tpu.sem_alloc : memref<!tpu.dma_semaphore, #tpu.memory_space<semaphore_mem>>
          %dma_start3A_160 = arith.constant 0 : i32
          %dma_start3A_161 = tpu.memref_slice %arg6[%mul3A_136, %dma_start3A_160] : memref<79x128xi32, #tpu.memory_space<vmem>> -> memref<1x128xi32, #tpu.memory_space<vmem>>
          %dma_start3A_162 = tpu.memref_squeeze %dma_start3A_161 : memref<1x128xi32, #tpu.memory_space<vmem>> -> memref<128xi32, #tpu.memory_space<vmem>>
          %dma_start3A_163 = arith.constant 0 : i32
          %dma_start3A_164 = arith.constant 0 : i32
          %dma_start3A_165 = tpu.memref_slice %arg13[%dma_start3A_163, %dma_start3A_164] : memref<10240x16xf32, #tpu.memory_space<vmem_shared>> -> memref<10240x16xf32, #tpu.memory_space<vmem_shared>>
          tpu.enqueue_indirect_dma source(%arg7 : memref<128x16xf32, #tpu.memory_space<vmem>>) target(%dma_start3A_165 : memref<10240x16xf32, #tpu.memory_space<vmem_shared>>) offsets(%dma_start3A_162 : memref<128xi32, #tpu.memory_space<vmem>>) semaphore(%run_scoped3A_159 : memref<!tpu.dma_semaphore, #tpu.memory_space<semaphore_mem>>) {add = true}
          %dma_wait3A_166 = arith.constant 0 : i32
          %dma_wait3A_167 = tpu.memref_slice %arg6[%mul3A_136, %dma_wait3A_166] : memref<79x128xi32, #tpu.memory_space<vmem>> -> memref<1x128xi32, #tpu.memory_space<vmem>>
          %dma_wait3A_168 = tpu.memref_squeeze %dma_wait3A_167 : memref<1x128xi32, #tpu.memory_space<vmem>> -> memref<128xi32, #tpu.memory_space<vmem>>
          %dma_wait3A_169 = arith.constant 0 : i32
          %dma_wait3A_170 = arith.constant 0 : i32
          %dma_wait3A_171 = tpu.memref_slice %arg13[%dma_wait3A_169, %dma_wait3A_170] : memref<10240x16xf32, #tpu.memory_space<vmem_shared>> -> memref<10240x16xf32, #tpu.memory_space<vmem_shared>>
          tpu.wait_indirect_dma semaphore(%run_scoped3A_159 : memref<!tpu.dma_semaphore, #tpu.memory_space<semaphore_mem>>) src(%arg7 : memref<128x16xf32, #tpu.memory_space<vmem>>) dst(%dma_wait3A_171 : memref<10240x16xf32, #tpu.memory_space<vmem_shared>>)
          tpu.yield
        }) : () -> ()
        %add3A_147 = arith.constant 2 : i32
        %add3A_148 = arith.addi %mul3A_136, %add3A_147 : i32
        %lt3A_149 = arith.cmpi slt, %add3A_148, %sub3A_47 : i32
        %convert_element_type3A_150 = arith.extui %lt3A_149 : i1 to i32
        %cond3A_151 = arith.constant 0 : i32
        %cond3A_152 = arith.cmpi ne, %convert_element_type3A_150, %cond3A_151 : i32
        scf.if %cond3A_152 {
          %add3A_159 = arith.constant 2 : i32
          %add3A_160 = arith.addi %mul3A_136, %add3A_159 : i32
          %dma_start3A_161 = arith.constant 0 : i32
          %dma_start3A_162 = tpu.memref_slice %arg5[%add3A_160, %dma_start3A_161] : memref<79x128xi32, #tpu.memory_space<vmem>> -> memref<1x128xi32, #tpu.memory_space<vmem>>
          %dma_start3A_163 = tpu.memref_squeeze %dma_start3A_162 : memref<1x128xi32, #tpu.memory_space<vmem>> -> memref<128xi32, #tpu.memory_space<vmem>>
          %dma_start3A_164 = arith.constant 0 : i32
          %dma_start3A_165 = arith.constant 0 : i32
          %dma_start3A_166 = tpu.memref_slice %arg15[%dma_start3A_164, %dma_start3A_165] : memref<10240x16xf32, #tpu.memory_space<hbm>> -> memref<10240x16xf32, #tpu.memory_space<hbm>>
          tpu.enqueue_indirect_dma source(%dma_start3A_166 : memref<10240x16xf32, #tpu.memory_space<hbm>>) target(%arg7 : memref<128x16xf32, #tpu.memory_space<vmem>>) offsets(%dma_start3A_163 : memref<128xi32, #tpu.memory_space<vmem>>) semaphore(%arg11 : memref<!tpu.dma_semaphore, #tpu.memory_space<semaphore_mem>>)
        } else {
        }
        %add3A_153 = arith.constant 1 : i32
        %add3A_154 = arith.addi %mul3A_136, %add3A_153 : i32
        %lt3A_155 = arith.cmpi slt, %add3A_154, %sub3A_47 : i32
        %convert_element_type3A_156 = arith.extui %lt3A_155 : i1 to i32
        %cond3A_157 = arith.constant 0 : i32
        %cond3A_158 = arith.cmpi ne, %convert_element_type3A_156, %cond3A_157 : i32
        scf.if %cond3A_158 {
          %add3A_159 = arith.constant 1 : i32
          %add3A_160 = arith.addi %mul3A_136, %add3A_159 : i32
          %dma_wait3A_161 = arith.constant 0 : i32
          %dma_wait3A_162 = tpu.memref_slice %arg5[%add3A_160, %dma_wait3A_161] : memref<79x128xi32, #tpu.memory_space<vmem>> -> memref<1x128xi32, #tpu.memory_space<vmem>>
          %dma_wait3A_163 = tpu.memref_squeeze %dma_wait3A_162 : memref<1x128xi32, #tpu.memory_space<vmem>> -> memref<128xi32, #tpu.memory_space<vmem>>
          %dma_wait3A_164 = arith.constant 0 : i32
          %dma_wait3A_165 = arith.constant 0 : i32
          %dma_wait3A_166 = tpu.memref_slice %arg15[%dma_wait3A_164, %dma_wait3A_165] : memref<10240x16xf32, #tpu.memory_space<hbm>> -> memref<10240x16xf32, #tpu.memory_space<hbm>>
          tpu.wait_indirect_dma semaphore(%arg12 : memref<!tpu.dma_semaphore, #tpu.memory_space<semaphore_mem>>) src(%dma_wait3A_166 : memref<10240x16xf32, #tpu.memory_space<hbm>>) dst(%arg8 : memref<128x16xf32, #tpu.memory_space<vmem>>)
          %add3A_167 = arith.constant 1 : i32
          %add3A_168 = arith.addi %mul3A_136, %add3A_167 : i32
          "tpu.region"() ({
            %run_scoped3A_169 = tpu.sem_alloc : memref<!tpu.dma_semaphore, #tpu.memory_space<semaphore_mem>>
            %dma_start3A_170 = arith.constant 0 : i32
            %dma_start3A_171 = tpu.memref_slice %arg6[%add3A_168, %dma_start3A_170] : memref<79x128xi32, #tpu.memory_space<vmem>> -> memref<1x128xi32, #tpu.memory_space<vmem>>
            %dma_start3A_172 = tpu.memref_squeeze %dma_start3A_171 : memref<1x128xi32, #tpu.memory_space<vmem>> -> memref<128xi32, #tpu.memory_space<vmem>>
            %dma_start3A_173 = arith.constant 0 : i32
            %dma_start3A_174 = arith.constant 0 : i32
            %dma_start3A_175 = tpu.memref_slice %arg13[%dma_start3A_173, %dma_start3A_174] : memref<10240x16xf32, #tpu.memory_space<vmem_shared>> -> memref<10240x16xf32, #tpu.memory_space<vmem_shared>>
            tpu.enqueue_indirect_dma source(%arg8 : memref<128x16xf32, #tpu.memory_space<vmem>>) target(%dma_start3A_175 : memref<10240x16xf32, #tpu.memory_space<vmem_shared>>) offsets(%dma_start3A_172 : memref<128xi32, #tpu.memory_space<vmem>>) semaphore(%run_scoped3A_169 : memref<!tpu.dma_semaphore, #tpu.memory_space<semaphore_mem>>) {add = true}
            %dma_wait3A_176 = arith.constant 0 : i32
            %dma_wait3A_177 = tpu.memref_slice %arg6[%add3A_168, %dma_wait3A_176] : memref<79x128xi32, #tpu.memory_space<vmem>> -> memref<1x128xi32, #tpu.memory_space<vmem>>
            %dma_wait3A_178 = tpu.memref_squeeze %dma_wait3A_177 : memref<1x128xi32, #tpu.memory_space<vmem>> -> memref<128xi32, #tpu.memory_space<vmem>>
            %dma_wait3A_179 = arith.constant 0 : i32
            %dma_wait3A_180 = arith.constant 0 : i32
            %dma_wait3A_181 = tpu.memref_slice %arg13[%dma_wait3A_179, %dma_wait3A_180] : memref<10240x16xf32, #tpu.memory_space<vmem_shared>> -> memref<10240x16xf32, #tpu.memory_space<vmem_shared>>
            tpu.wait_indirect_dma semaphore(%run_scoped3A_169 : memref<!tpu.dma_semaphore, #tpu.memory_space<semaphore_mem>>) src(%arg8 : memref<128x16xf32, #tpu.memory_space<vmem>>) dst(%dma_wait3A_181 : memref<10240x16xf32, #tpu.memory_space<vmem_shared>>)
            tpu.yield
          }) : () -> ()
        } else {
        }
      }
    } else {
    }
    %barrier3A_82 = arith.constant 0 : index
    tpu.barrier barrier_id(%barrier3A_82)
    %mul3A_83 = arith.constant 640 : i32
    %mul3A_84 = arith.muli %arg1, %mul3A_83 : i32
    "tpu.region"() ({
      %run_scoped3A_93 = tpu.sem_alloc : memref<!tpu.dma_semaphore, #tpu.memory_space<semaphore_mem>>
      %dma_start3A = arith.constant 0 : i32
      %dma_start3A_94 = tpu.memref_slice %arg13[%mul3A_84, %dma_start3A] : memref<10240x16xf32, #tpu.memory_space<vmem_shared>> -> memref<640x16xf32, #tpu.memory_space<vmem_shared>>
      %dma_start3A_95 = arith.constant 0 : i32
      %dma_start3A_96 = tpu.memref_slice %arg13[%mul3A_84, %dma_start3A_95] : memref<10240x16xf32, #tpu.memory_space<vmem_shared>> -> memref<640x16xf32, #tpu.memory_space<vmem_shared>>
      tpu.enqueue_dma source(%dma_start3A_96 : memref<640x16xf32, #tpu.memory_space<vmem_shared>>) target(%arg10 : memref<640x16xf32, #tpu.memory_space<vmem>>) target_semaphore(%run_scoped3A_93 : memref<!tpu.dma_semaphore, #tpu.memory_space<semaphore_mem>>)
      %dma_wait3A = arith.constant 0 : i32
      %dma_wait3A_97 = tpu.memref_slice %arg13[%mul3A_84, %dma_wait3A] : memref<10240x16xf32, #tpu.memory_space<vmem_shared>> -> memref<640x16xf32, #tpu.memory_space<vmem_shared>>
      %dma_wait3A_98 = arith.constant 0 : i32
      %dma_wait3A_99 = tpu.memref_slice %arg13[%mul3A_84, %dma_wait3A_98] : memref<10240x16xf32, #tpu.memory_space<vmem_shared>> -> memref<640x16xf32, #tpu.memory_space<vmem_shared>>
      tpu.wait_dma2 semaphore(%run_scoped3A_93 : memref<!tpu.dma_semaphore, #tpu.memory_space<semaphore_mem>>) src(%dma_wait3A_99 : memref<640x16xf32, #tpu.memory_space<vmem_shared>>) dst(%arg10 : memref<640x16xf32, #tpu.memory_space<vmem>>)
      tpu.yield
    }) : () -> ()
    %scan3A_85 = arith.constant 0 : i32
    %scan3A_86 = arith.constant 0 : i32
    %scan3A_87 = arith.constant 40 : i32
    %scan3A_88 = arith.addi %scan3A_86, %scan3A_87 : i32
    %scan3A_89 = arith.constant 1 : i32
    scf.for %scan3A_93 = %scan3A_86 to %scan3A_88 step %scan3A_89  : i32 {
      %mul3A_94 = arith.constant 16 : i32
      %mul3A_95 = arith.muli %scan3A_93, %mul3A_94 : i32
      %broadcast_in_dim3A_96 = vector.broadcast %mul3A_95 : i32 to vector<16xi32>
      %add3A_97 = arith.constant 0 : i32
      %add3A_98 = vector.broadcast %add3A_97 : i32 to vector<16xi32>
      %add3A_99 = arith.addi %iota3A, %add3A_98 : vector<16xi32>
      %add3A_100 = arith.constant 0 : i32
      %add3A_101 = vector.broadcast %add3A_100 : i32 to vector<16xi32>
      %add3A_102 = arith.addi %broadcast_in_dim3A_96, %add3A_101 : vector<16xi32>
      %mul3A_103 = arith.constant 16 : i32
      %mul3A_104 = arith.muli %scan3A_93, %mul3A_103 : i32
      %add3A_105 = arith.constant 0 : i32
      %add3A_106 = arith.addi %mul3A_104, %add3A_105 : i32
      %get3A = arith.index_cast %add3A_106 : i32 to index
      %get3A_107 = arith.constant 0 : index
      %get3A_108 = tpu.vector_load %arg10[%get3A, %get3A_107] {strides = array<i32>} : memref<640x16xf32, #tpu.memory_space<vmem>>, vector<16xf32>,
      tpu.vector_store_idx %arg9[%add3A_99, %add3A_102], %get3A_108 : memref<16x640xf32, #tpu.memory_space<vmem>>[vector<16xi32>, vector<16xi32>], vector<16xf32>,
      %add3A_109 = arith.constant 0 : i32
      %add3A_110 = vector.broadcast %add3A_109 : i32 to vector<16xi32>
      %add3A_111 = arith.addi %iota3A, %add3A_110 : vector<16xi32>
      %add3A_112 = arith.constant 1 : i32
      %add3A_113 = vector.broadcast %add3A_112 : i32 to vector<16xi32>
      %add3A_114 = arith.addi %broadcast_in_dim3A_96, %add3A_113 : vector<16xi32>
      %mul3A_115 = arith.constant 16 : i32
      %mul3A_116 = arith.muli %scan3A_93, %mul3A_115 : i32
      %add3A_117 = arith.constant 1 : i32
      %add3A_118 = arith.addi %mul3A_116, %add3A_117 : i32
      %get3A_119 = arith.index_cast %add3A_118 : i32 to index
      %get3A_120 = arith.constant 0 : index
      %get3A_121 = tpu.vector_load %arg10[%get3A_119, %get3A_120] {strides = array<i32>} : memref<640x16xf32, #tpu.memory_space<vmem>>, vector<16xf32>,
      tpu.vector_store_idx %arg9[%add3A_111, %add3A_114], %get3A_121 : memref<16x640xf32, #tpu.memory_space<vmem>>[vector<16xi32>, vector<16xi32>], vector<16xf32>,
      %add3A_122 = arith.constant 0 : i32
      %add3A_123 = vector.broadcast %add3A_122 : i32 to vector<16xi32>
      %add3A_124 = arith.addi %iota3A, %add3A_123 : vector<16xi32>
      %add3A_125 = arith.constant 2 : i32
      %add3A_126 = vector.broadcast %add3A_125 : i32 to vector<16xi32>
      %add3A_127 = arith.addi %broadcast_in_dim3A_96, %add3A_126 : vector<16xi32>
      %mul3A_128 = arith.constant 16 : i32
      %mul3A_129 = arith.muli %scan3A_93, %mul3A_128 : i32
      %add3A_130 = arith.constant 2 : i32
      %add3A_131 = arith.addi %mul3A_129, %add3A_130 : i32
      %get3A_132 = arith.index_cast %add3A_131 : i32 to index
      %get3A_133 = arith.constant 0 : index
      %get3A_134 = tpu.vector_load %arg10[%get3A_132, %get3A_133] {strides = array<i32>} : memref<640x16xf32, #tpu.memory_space<vmem>>, vector<16xf32>,
      tpu.vector_store_idx %arg9[%add3A_124, %add3A_127], %get3A_134 : memref<16x640xf32, #tpu.memory_space<vmem>>[vector<16xi32>, vector<16xi32>], vector<16xf32>,
      %add3A_135 = arith.constant 0 : i32
      %add3A_136 = vector.broadcast %add3A_135 : i32 to vector<16xi32>
      %add3A_137 = arith.addi %iota3A, %add3A_136 : vector<16xi32>
      %add3A_138 = arith.constant 3 : i32
      %add3A_139 = vector.broadcast %add3A_138 : i32 to vector<16xi32>
      %add3A_140 = arith.addi %broadcast_in_dim3A_96, %add3A_139 : vector<16xi32>
      %mul3A_141 = arith.constant 16 : i32
      %mul3A_142 = arith.muli %scan3A_93, %mul3A_141 : i32
      %add3A_143 = arith.constant 3 : i32
      %add3A_144 = arith.addi %mul3A_142, %add3A_143 : i32
      %get3A_145 = arith.index_cast %add3A_144 : i32 to index
      %get3A_146 = arith.constant 0 : index
      %get3A_147 = tpu.vector_load %arg10[%get3A_145, %get3A_146] {strides = array<i32>} : memref<640x16xf32, #tpu.memory_space<vmem>>, vector<16xf32>,
      tpu.vector_store_idx %arg9[%add3A_137, %add3A_140], %get3A_147 : memref<16x640xf32, #tpu.memory_space<vmem>>[vector<16xi32>, vector<16xi32>], vector<16xf32>,
      %add3A_148 = arith.constant 0 : i32
      %add3A_149 = vector.broadcast %add3A_148 : i32 to vector<16xi32>
      %add3A_150 = arith.addi %iota3A, %add3A_149 : vector<16xi32>
      %add3A_151 = arith.constant 4 : i32
      %add3A_152 = vector.broadcast %add3A_151 : i32 to vector<16xi32>
      %add3A_153 = arith.addi %broadcast_in_dim3A_96, %add3A_152 : vector<16xi32>
      %mul3A_154 = arith.constant 16 : i32
      %mul3A_155 = arith.muli %scan3A_93, %mul3A_154 : i32
      %add3A_156 = arith.constant 4 : i32
      %add3A_157 = arith.addi %mul3A_155, %add3A_156 : i32
      %get3A_158 = arith.index_cast %add3A_157 : i32 to index
      %get3A_159 = arith.constant 0 : index
      %get3A_160 = tpu.vector_load %arg10[%get3A_158, %get3A_159] {strides = array<i32>} : memref<640x16xf32, #tpu.memory_space<vmem>>, vector<16xf32>,
      tpu.vector_store_idx %arg9[%add3A_150, %add3A_153], %get3A_160 : memref<16x640xf32, #tpu.memory_space<vmem>>[vector<16xi32>, vector<16xi32>], vector<16xf32>,
      %add3A_161 = arith.constant 0 : i32
      %add3A_162 = vector.broadcast %add3A_161 : i32 to vector<16xi32>
      %add3A_163 = arith.addi %iota3A, %add3A_162 : vector<16xi32>
      %add3A_164 = arith.constant 5 : i32
      %add3A_165 = vector.broadcast %add3A_164 : i32 to vector<16xi32>
      %add3A_166 = arith.addi %broadcast_in_dim3A_96, %add3A_165 : vector<16xi32>
      %mul3A_167 = arith.constant 16 : i32
      %mul3A_168 = arith.muli %scan3A_93, %mul3A_167 : i32
      %add3A_169 = arith.constant 5 : i32
      %add3A_170 = arith.addi %mul3A_168, %add3A_169 : i32
      %get3A_171 = arith.index_cast %add3A_170 : i32 to index
      %get3A_172 = arith.constant 0 : index
      %get3A_173 = tpu.vector_load %arg10[%get3A_171, %get3A_172] {strides = array<i32>} : memref<640x16xf32, #tpu.memory_space<vmem>>, vector<16xf32>,
      tpu.vector_store_idx %arg9[%add3A_163, %add3A_166], %get3A_173 : memref<16x640xf32, #tpu.memory_space<vmem>>[vector<16xi32>, vector<16xi32>], vector<16xf32>,
      %add3A_174 = arith.constant 0 : i32
      %add3A_175 = vector.broadcast %add3A_174 : i32 to vector<16xi32>
      %add3A_176 = arith.addi %iota3A, %add3A_175 : vector<16xi32>
      %add3A_177 = arith.constant 6 : i32
      %add3A_178 = vector.broadcast %add3A_177 : i32 to vector<16xi32>
      %add3A_179 = arith.addi %broadcast_in_dim3A_96, %add3A_178 : vector<16xi32>
      %mul3A_180 = arith.constant 16 : i32
      %mul3A_181 = arith.muli %scan3A_93, %mul3A_180 : i32
      %add3A_182 = arith.constant 6 : i32
      %add3A_183 = arith.addi %mul3A_181, %add3A_182 : i32
      %get3A_184 = arith.index_cast %add3A_183 : i32 to index
      %get3A_185 = arith.constant 0 : index
      %get3A_186 = tpu.vector_load %arg10[%get3A_184, %get3A_185] {strides = array<i32>} : memref<640x16xf32, #tpu.memory_space<vmem>>, vector<16xf32>,
      tpu.vector_store_idx %arg9[%add3A_176, %add3A_179], %get3A_186 : memref<16x640xf32, #tpu.memory_space<vmem>>[vector<16xi32>, vector<16xi32>], vector<16xf32>,
      %add3A_187 = arith.constant 0 : i32
      %add3A_188 = vector.broadcast %add3A_187 : i32 to vector<16xi32>
      %add3A_189 = arith.addi %iota3A, %add3A_188 : vector<16xi32>
      %add3A_190 = arith.constant 7 : i32
      %add3A_191 = vector.broadcast %add3A_190 : i32 to vector<16xi32>
      %add3A_192 = arith.addi %broadcast_in_dim3A_96, %add3A_191 : vector<16xi32>
      %mul3A_193 = arith.constant 16 : i32
      %mul3A_194 = arith.muli %scan3A_93, %mul3A_193 : i32
      %add3A_195 = arith.constant 7 : i32
      %add3A_196 = arith.addi %mul3A_194, %add3A_195 : i32
      %get3A_197 = arith.index_cast %add3A_196 : i32 to index
      %get3A_198 = arith.constant 0 : index
      %get3A_199 = tpu.vector_load %arg10[%get3A_197, %get3A_198] {strides = array<i32>} : memref<640x16xf32, #tpu.memory_space<vmem>>, vector<16xf32>,
      tpu.vector_store_idx %arg9[%add3A_189, %add3A_192], %get3A_199 : memref<16x640xf32, #tpu.memory_space<vmem>>[vector<16xi32>, vector<16xi32>], vector<16xf32>,
      %add3A_200 = arith.constant 0 : i32
      %add3A_201 = vector.broadcast %add3A_200 : i32 to vector<16xi32>
      %add3A_202 = arith.addi %iota3A, %add3A_201 : vector<16xi32>
      %add3A_203 = arith.constant 8 : i32
      %add3A_204 = vector.broadcast %add3A_203 : i32 to vector<16xi32>
      %add3A_205 = arith.addi %broadcast_in_dim3A_96, %add3A_204 : vector<16xi32>
      %mul3A_206 = arith.constant 16 : i32
      %mul3A_207 = arith.muli %scan3A_93, %mul3A_206 : i32
      %add3A_208 = arith.constant 8 : i32
      %add3A_209 = arith.addi %mul3A_207, %add3A_208 : i32
      %get3A_210 = arith.index_cast %add3A_209 : i32 to index
      %get3A_211 = arith.constant 0 : index
      %get3A_212 = tpu.vector_load %arg10[%get3A_210, %get3A_211] {strides = array<i32>} : memref<640x16xf32, #tpu.memory_space<vmem>>, vector<16xf32>,
      tpu.vector_store_idx %arg9[%add3A_202, %add3A_205], %get3A_212 : memref<16x640xf32, #tpu.memory_space<vmem>>[vector<16xi32>, vector<16xi32>], vector<16xf32>,
      %add3A_213 = arith.constant 0 : i32
      %add3A_214 = vector.broadcast %add3A_213 : i32 to vector<16xi32>
      %add3A_215 = arith.addi %iota3A, %add3A_214 : vector<16xi32>
      %add3A_216 = arith.constant 9 : i32
      %add3A_217 = vector.broadcast %add3A_216 : i32 to vector<16xi32>
      %add3A_218 = arith.addi %broadcast_in_dim3A_96, %add3A_217 : vector<16xi32>
      %mul3A_219 = arith.constant 16 : i32
      %mul3A_220 = arith.muli %scan3A_93, %mul3A_219 : i32
      %add3A_221 = arith.constant 9 : i32
      %add3A_222 = arith.addi %mul3A_220, %add3A_221 : i32
      %get3A_223 = arith.index_cast %add3A_222 : i32 to index
      %get3A_224 = arith.constant 0 : index
      %get3A_225 = tpu.vector_load %arg10[%get3A_223, %get3A_224] {strides = array<i32>} : memref<640x16xf32, #tpu.memory_space<vmem>>, vector<16xf32>,
      tpu.vector_store_idx %arg9[%add3A_215, %add3A_218], %get3A_225 : memref<16x640xf32, #tpu.memory_space<vmem>>[vector<16xi32>, vector<16xi32>], vector<16xf32>,
      %add3A_226 = arith.constant 0 : i32
      %add3A_227 = vector.broadcast %add3A_226 : i32 to vector<16xi32>
      %add3A_228 = arith.addi %iota3A, %add3A_227 : vector<16xi32>
      %add3A_229 = arith.constant 10 : i32
      %add3A_230 = vector.broadcast %add3A_229 : i32 to vector<16xi32>
      %add3A_231 = arith.addi %broadcast_in_dim3A_96, %add3A_230 : vector<16xi32>
      %mul3A_232 = arith.constant 16 : i32
      %mul3A_233 = arith.muli %scan3A_93, %mul3A_232 : i32
      %add3A_234 = arith.constant 10 : i32
      %add3A_235 = arith.addi %mul3A_233, %add3A_234 : i32
      %get3A_236 = arith.index_cast %add3A_235 : i32 to index
      %get3A_237 = arith.constant 0 : index
      %get3A_238 = tpu.vector_load %arg10[%get3A_236, %get3A_237] {strides = array<i32>} : memref<640x16xf32, #tpu.memory_space<vmem>>, vector<16xf32>,
      tpu.vector_store_idx %arg9[%add3A_228, %add3A_231], %get3A_238 : memref<16x640xf32, #tpu.memory_space<vmem>>[vector<16xi32>, vector<16xi32>], vector<16xf32>,
      %add3A_239 = arith.constant 0 : i32
      %add3A_240 = vector.broadcast %add3A_239 : i32 to vector<16xi32>
      %add3A_241 = arith.addi %iota3A, %add3A_240 : vector<16xi32>
      %add3A_242 = arith.constant 11 : i32
      %add3A_243 = vector.broadcast %add3A_242 : i32 to vector<16xi32>
      %add3A_244 = arith.addi %broadcast_in_dim3A_96, %add3A_243 : vector<16xi32>
      %mul3A_245 = arith.constant 16 : i32
      %mul3A_246 = arith.muli %scan3A_93, %mul3A_245 : i32
      %add3A_247 = arith.constant 11 : i32
      %add3A_248 = arith.addi %mul3A_246, %add3A_247 : i32
      %get3A_249 = arith.index_cast %add3A_248 : i32 to index
      %get3A_250 = arith.constant 0 : index
      %get3A_251 = tpu.vector_load %arg10[%get3A_249, %get3A_250] {strides = array<i32>} : memref<640x16xf32, #tpu.memory_space<vmem>>, vector<16xf32>,
      tpu.vector_store_idx %arg9[%add3A_241, %add3A_244], %get3A_251 : memref<16x640xf32, #tpu.memory_space<vmem>>[vector<16xi32>, vector<16xi32>], vector<16xf32>,
      %add3A_252 = arith.constant 0 : i32
      %add3A_253 = vector.broadcast %add3A_252 : i32 to vector<16xi32>
      %add3A_254 = arith.addi %iota3A, %add3A_253 : vector<16xi32>
      %add3A_255 = arith.constant 12 : i32
      %add3A_256 = vector.broadcast %add3A_255 : i32 to vector<16xi32>
      %add3A_257 = arith.addi %broadcast_in_dim3A_96, %add3A_256 : vector<16xi32>
      %mul3A_258 = arith.constant 16 : i32
      %mul3A_259 = arith.muli %scan3A_93, %mul3A_258 : i32
      %add3A_260 = arith.constant 12 : i32
      %add3A_261 = arith.addi %mul3A_259, %add3A_260 : i32
      %get3A_262 = arith.index_cast %add3A_261 : i32 to index
      %get3A_263 = arith.constant 0 : index
      %get3A_264 = tpu.vector_load %arg10[%get3A_262, %get3A_263] {strides = array<i32>} : memref<640x16xf32, #tpu.memory_space<vmem>>, vector<16xf32>,
      tpu.vector_store_idx %arg9[%add3A_254, %add3A_257], %get3A_264 : memref<16x640xf32, #tpu.memory_space<vmem>>[vector<16xi32>, vector<16xi32>], vector<16xf32>,
      %add3A_265 = arith.constant 0 : i32
      %add3A_266 = vector.broadcast %add3A_265 : i32 to vector<16xi32>
      %add3A_267 = arith.addi %iota3A, %add3A_266 : vector<16xi32>
      %add3A_268 = arith.constant 13 : i32
      %add3A_269 = vector.broadcast %add3A_268 : i32 to vector<16xi32>
      %add3A_270 = arith.addi %broadcast_in_dim3A_96, %add3A_269 : vector<16xi32>
      %mul3A_271 = arith.constant 16 : i32
      %mul3A_272 = arith.muli %scan3A_93, %mul3A_271 : i32
      %add3A_273 = arith.constant 13 : i32
      %add3A_274 = arith.addi %mul3A_272, %add3A_273 : i32
      %get3A_275 = arith.index_cast %add3A_274 : i32 to index
      %get3A_276 = arith.constant 0 : index
      %get3A_277 = tpu.vector_load %arg10[%get3A_275, %get3A_276] {strides = array<i32>} : memref<640x16xf32, #tpu.memory_space<vmem>>, vector<16xf32>,
      tpu.vector_store_idx %arg9[%add3A_267, %add3A_270], %get3A_277 : memref<16x640xf32, #tpu.memory_space<vmem>>[vector<16xi32>, vector<16xi32>], vector<16xf32>,
      %add3A_278 = arith.constant 0 : i32
      %add3A_279 = vector.broadcast %add3A_278 : i32 to vector<16xi32>
      %add3A_280 = arith.addi %iota3A, %add3A_279 : vector<16xi32>
      %add3A_281 = arith.constant 14 : i32
      %add3A_282 = vector.broadcast %add3A_281 : i32 to vector<16xi32>
      %add3A_283 = arith.addi %broadcast_in_dim3A_96, %add3A_282 : vector<16xi32>
      %mul3A_284 = arith.constant 16 : i32
      %mul3A_285 = arith.muli %scan3A_93, %mul3A_284 : i32
      %add3A_286 = arith.constant 14 : i32
      %add3A_287 = arith.addi %mul3A_285, %add3A_286 : i32
      %get3A_288 = arith.index_cast %add3A_287 : i32 to index
      %get3A_289 = arith.constant 0 : index
      %get3A_290 = tpu.vector_load %arg10[%get3A_288, %get3A_289] {strides = array<i32>} : memref<640x16xf32, #tpu.memory_space<vmem>>, vector<16xf32>,
      tpu.vector_store_idx %arg9[%add3A_280, %add3A_283], %get3A_290 : memref<16x640xf32, #tpu.memory_space<vmem>>[vector<16xi32>, vector<16xi32>], vector<16xf32>,
      %add3A_291 = arith.constant 0 : i32
      %add3A_292 = vector.broadcast %add3A_291 : i32 to vector<16xi32>
      %add3A_293 = arith.addi %iota3A, %add3A_292 : vector<16xi32>
      %add3A_294 = arith.constant 15 : i32
      %add3A_295 = vector.broadcast %add3A_294 : i32 to vector<16xi32>
      %add3A_296 = arith.addi %broadcast_in_dim3A_96, %add3A_295 : vector<16xi32>
      %mul3A_297 = arith.constant 16 : i32
      %mul3A_298 = arith.muli %scan3A_93, %mul3A_297 : i32
      %add3A_299 = arith.constant 15 : i32
      %add3A_300 = arith.addi %mul3A_298, %add3A_299 : i32
      %get3A_301 = arith.index_cast %add3A_300 : i32 to index
      %get3A_302 = arith.constant 0 : index
      %get3A_303 = tpu.vector_load %arg10[%get3A_301, %get3A_302] {strides = array<i32>} : memref<640x16xf32, #tpu.memory_space<vmem>>, vector<16xf32>,
      tpu.vector_store_idx %arg9[%add3A_293, %add3A_296], %get3A_303 : memref<16x640xf32, #tpu.memory_space<vmem>>[vector<16xi32>, vector<16xi32>], vector<16xf32>,
    }
    %scan3A_90 = arith.constant 40 : i32
    %mul3A_91 = arith.constant 640 : i32
    %mul3A_92 = arith.muli %arg1, %mul3A_91 : i32
    "tpu.region"() ({
      %run_scoped3A_93 = tpu.sem_alloc : memref<!tpu.dma_semaphore, #tpu.memory_space<semaphore_mem>>
      %dma_start3A = arith.constant 0 : i32
      %dma_start3A_94 = tpu.memref_slice %arg4[%arg0, %dma_start3A, %mul3A_92] : memref<2x16x10240xf32, #tpu.memory_space<hbm>> -> memref<1x16x640xf32, #tpu.memory_space<hbm>>
      %dma_start3A_95 = tpu.memref_squeeze %dma_start3A_94 : memref<1x16x640xf32, #tpu.memory_space<hbm>> -> memref<16x640xf32, #tpu.memory_space<hbm>>
      %dma_start3A_96 = arith.constant 0 : i32
      %dma_start3A_97 = tpu.memref_slice %arg4[%arg0, %dma_start3A_96, %mul3A_92] : memref<2x16x10240xf32, #tpu.memory_space<hbm>> -> memref<1x16x640xf32, #tpu.memory_space<hbm>>
      %dma_start3A_98 = tpu.memref_squeeze %dma_start3A_97 : memref<1x16x640xf32, #tpu.memory_space<hbm>> -> memref<16x640xf32, #tpu.memory_space<hbm>>
      tpu.enqueue_dma source(%arg9 : memref<16x640xf32, #tpu.memory_space<vmem>>) target(%dma_start3A_98 : memref<16x640xf32, #tpu.memory_space<hbm>>) target_semaphore(%run_scoped3A_93 : memref<!tpu.dma_semaphore, #tpu.memory_space<semaphore_mem>>)
      %dma_wait3A = arith.constant 0 : i32
      %dma_wait3A_99 = tpu.memref_slice %arg4[%arg0, %dma_wait3A, %mul3A_92] : memref<2x16x10240xf32, #tpu.memory_space<hbm>> -> memref<1x16x640xf32, #tpu.memory_space<hbm>>
      %dma_wait3A_100 = tpu.memref_squeeze %dma_wait3A_99 : memref<1x16x640xf32, #tpu.memory_space<hbm>> -> memref<16x640xf32, #tpu.memory_space<hbm>>
      %dma_wait3A_101 = arith.constant 0 : i32
      %dma_wait3A_102 = tpu.memref_slice %arg4[%arg0, %dma_wait3A_101, %mul3A_92] : memref<2x16x10240xf32, #tpu.memory_space<hbm>> -> memref<1x16x640xf32, #tpu.memory_space<hbm>>
      %dma_wait3A_103 = tpu.memref_squeeze %dma_wait3A_102 : memref<1x16x640xf32, #tpu.memory_space<hbm>> -> memref<16x640xf32, #tpu.memory_space<hbm>>
      tpu.wait_dma2 semaphore(%run_scoped3A_93 : memref<!tpu.dma_semaphore, #tpu.memory_space<semaphore_mem>>) src(%arg9 : memref<16x640xf32, #tpu.memory_space<vmem>>) dst(%dma_wait3A_103 : memref<16x640xf32, #tpu.memory_space<hbm>>)
      tpu.yield
    }) : () -> ()
    return
  }
}

#map = affine_map<(d0, d1) -> (0, 0, 0)>
#map1 = affine_map<(d0, d1) -> (0, 0)>
module attributes {stable_mosaic.version = 14 : i64} {
  func.func @deg_kernel(%arg0: i32, %arg1: i32, %arg2: memref<2x2500x128xi32, #tpu.memory_space<hbm>>, %arg3: memref<8x10240xf32, #tpu.memory_space<hbm>>, %arg4: memref<79x128xi32, #tpu.memory_space<vmem>>, %arg5: memref<128xf32, #tpu.memory_space<vmem>>, %arg6: memref<640xf32, #tpu.memory_space<vmem>>, %arg7: memref<10240xf32, #tpu.memory_space<vmem_shared>>) attributes {dimension_semantics = [#tpu.dimension_semantics<core_parallel>, #tpu.dimension_semantics<subcore_parallel>], iteration_bounds = array<i64: 2, 16>, scalar_prefetch = 0 : i64, scratch_operands = 4 : i64, tpu.core_type = #tpu.core_type<sc_vector_subcore>, window_params = [{transform_indices = #map}, {transform_indices = #map1}]} {
    %mul3A = arith.constant 16 : i32
    %mul3A_0 = arith.muli %arg0, %mul3A : i32
    %add3A = arith.addi %mul3A_0, %arg1 : i32
    %mul3A_1 = arith.constant 2500 : i32
    %mul3A_2 = arith.muli %mul3A_1, %add3A : i32
    %jit3A = arith.constant 32 : i32
    %div3A = arith.divsi %mul3A_2, %jit3A : i32
    %sign3A = arith.constant 0 : i32
    %sign3A_3 = arith.cmpi sgt, %mul3A_2, %sign3A : i32
    %sign3A_4 = arith.extui %sign3A_3 : i1 to i32
    %sign3A_5 = arith.constant 0 : i32
    %sign3A_6 = arith.cmpi slt, %mul3A_2, %sign3A_5 : i32
    %sign3A_7 = arith.extui %sign3A_6 : i1 to i32
    %sign3A_8 = arith.subi %sign3A_4, %sign3A_7 : i32
    %sign3A_9 = arith.constant 0 : i32
    %sign3A_10 = arith.cmpi sgt, %jit3A, %sign3A_9 : i32
    %sign3A_11 = arith.extui %sign3A_10 : i1 to i32
    %sign3A_12 = arith.constant 0 : i32
    %sign3A_13 = arith.cmpi slt, %jit3A, %sign3A_12 : i32
    %sign3A_14 = arith.extui %sign3A_13 : i1 to i32
    %sign3A_15 = arith.subi %sign3A_11, %sign3A_14 : i32
    %ne3A = arith.cmpi ne, %sign3A_8, %sign3A_15 : i32
    %rem3A = arith.remsi %mul3A_2, %jit3A : i32
    %ne3A_16 = arith.constant 0 : i32
    %ne3A_17 = arith.cmpi ne, %rem3A, %ne3A_16 : i32
    %and3A = arith.andi %ne3A, %ne3A_17 : i1
    %sub3A = arith.constant 1 : i32
    %sub3A_18 = arith.subi %div3A, %sub3A : i32
    %select_n3A = arith.select %and3A, %sub3A_18, %div3A : i32
    %add3A_19 = arith.constant 1 : i32
    %add3A_20 = arith.addi %add3A, %add3A_19 : i32
    %mul3A_21 = arith.constant 2500 : i32
    %mul3A_22 = arith.muli %mul3A_21, %add3A_20 : i32
    %jit3A_23 = arith.constant 32 : i32
    %div3A_24 = arith.divsi %mul3A_22, %jit3A_23 : i32
    %sign3A_25 = arith.constant 0 : i32
    %sign3A_26 = arith.cmpi sgt, %mul3A_22, %sign3A_25 : i32
    %sign3A_27 = arith.extui %sign3A_26 : i1 to i32
    %sign3A_28 = arith.constant 0 : i32
    %sign3A_29 = arith.cmpi slt, %mul3A_22, %sign3A_28 : i32
    %sign3A_30 = arith.extui %sign3A_29 : i1 to i32
    %sign3A_31 = arith.subi %sign3A_27, %sign3A_30 : i32
    %sign3A_32 = arith.constant 0 : i32
    %sign3A_33 = arith.cmpi sgt, %jit3A_23, %sign3A_32 : i32
    %sign3A_34 = arith.extui %sign3A_33 : i1 to i32
    %sign3A_35 = arith.constant 0 : i32
    %sign3A_36 = arith.cmpi slt, %jit3A_23, %sign3A_35 : i32
    %sign3A_37 = arith.extui %sign3A_36 : i1 to i32
    %sign3A_38 = arith.subi %sign3A_34, %sign3A_37 : i32
    %ne3A_39 = arith.cmpi ne, %sign3A_31, %sign3A_38 : i32
    %rem3A_40 = arith.remsi %mul3A_22, %jit3A_23 : i32
    %ne3A_41 = arith.constant 0 : i32
    %ne3A_42 = arith.cmpi ne, %rem3A_40, %ne3A_41 : i32
    %and3A_43 = arith.andi %ne3A_39, %ne3A_42 : i1
    %sub3A_44 = arith.constant 1 : i32
    %sub3A_45 = arith.subi %div3A_24, %sub3A_44 : i32
    %select_n3A_46 = arith.select %and3A_43, %sub3A_45, %div3A_24 : i32
    %sub3A_47 = arith.subi %select_n3A_46, %select_n3A : i32
    %scan3A = arith.constant 0 : i32
    %scan3A_48 = arith.constant 0 : i32
    %scan3A_49 = arith.constant 8 : i32
    %scan3A_50 = arith.addi %scan3A_48, %scan3A_49 : i32
    %scan3A_51 = arith.constant 1 : i32
    scf.for %scan3A_75 = %scan3A_48 to %scan3A_50 step %scan3A_51  : i32 {
      %broadcast_in_dim3A = arith.constant 1.000000e+00 : f32
      %broadcast_in_dim3A_76 = vector.broadcast %broadcast_in_dim3A : f32 to vector<16xf32>
      %mul3A_77 = arith.constant 16 : i32
      %mul3A_78 = arith.muli %scan3A_75, %mul3A_77 : i32
      %swap3A = arith.index_cast %mul3A_78 : i32 to index
      %swap3A_79 = tpu.vector_load %arg5[%swap3A] {strides = array<i32>} : memref<128xf32, #tpu.memory_space<vmem>>, vector<16xf32>,
      tpu.vector_store %arg5[%swap3A], %broadcast_in_dim3A_76 {strides = array<i32>} : memref<128xf32, #tpu.memory_space<vmem>>, vector<16xf32>,
    }
    %scan3A_52 = arith.constant 8 : i32
    %scan3A_53 = arith.constant 0 : i32
    %scan3A_54 = arith.constant 0 : i32
    %scan3A_55 = arith.constant 40 : i32
    %scan3A_56 = arith.addi %scan3A_54, %scan3A_55 : i32
    %scan3A_57 = arith.constant 1 : i32
    scf.for %scan3A_75 = %scan3A_54 to %scan3A_56 step %scan3A_57  : i32 {
      %broadcast_in_dim3A = arith.constant 0.000000e+00 : f32
      %broadcast_in_dim3A_76 = vector.broadcast %broadcast_in_dim3A : f32 to vector<16xf32>
      %mul3A_77 = arith.constant 16 : i32
      %mul3A_78 = arith.muli %scan3A_75, %mul3A_77 : i32
      %swap3A = arith.index_cast %mul3A_78 : i32 to index
      %swap3A_79 = tpu.vector_load %arg6[%swap3A] {strides = array<i32>} : memref<640xf32, #tpu.memory_space<vmem>>, vector<16xf32>,
      tpu.vector_store %arg6[%swap3A], %broadcast_in_dim3A_76 {strides = array<i32>} : memref<640xf32, #tpu.memory_space<vmem>>, vector<16xf32>,
    }
    %scan3A_58 = arith.constant 40 : i32
    %mul3A_59 = arith.constant 640 : i32
    %mul3A_60 = arith.muli %arg1, %mul3A_59 : i32
    "tpu.region"() ({
      %run_scoped3A_75 = tpu.sem_alloc : memref<!tpu.dma_semaphore, #tpu.memory_space<semaphore_mem>>
      %dma_start3A = tpu.memref_slice %arg7[%mul3A_60] : memref<10240xf32, #tpu.memory_space<vmem_shared>> -> memref<640xf32, #tpu.memory_space<vmem_shared>>
      %dma_start3A_76 = tpu.memref_slice %arg7[%mul3A_60] : memref<10240xf32, #tpu.memory_space<vmem_shared>> -> memref<640xf32, #tpu.memory_space<vmem_shared>>
      tpu.enqueue_dma source(%arg6 : memref<640xf32, #tpu.memory_space<vmem>>) target(%dma_start3A_76 : memref<640xf32, #tpu.memory_space<vmem_shared>>) target_semaphore(%run_scoped3A_75 : memref<!tpu.dma_semaphore, #tpu.memory_space<semaphore_mem>>)
      %dma_wait3A = tpu.memref_slice %arg7[%mul3A_60] : memref<10240xf32, #tpu.memory_space<vmem_shared>> -> memref<640xf32, #tpu.memory_space<vmem_shared>>
      %dma_wait3A_77 = tpu.memref_slice %arg7[%mul3A_60] : memref<10240xf32, #tpu.memory_space<vmem_shared>> -> memref<640xf32, #tpu.memory_space<vmem_shared>>
      tpu.wait_dma2 semaphore(%run_scoped3A_75 : memref<!tpu.dma_semaphore, #tpu.memory_space<semaphore_mem>>) src(%arg6 : memref<640xf32, #tpu.memory_space<vmem>>) dst(%dma_wait3A_77 : memref<640xf32, #tpu.memory_space<vmem_shared>>)
      tpu.yield
    }) : () -> ()
    %barrier3A = arith.constant 0 : index
    tpu.barrier barrier_id(%barrier3A)
    %run_scoped3A = arith.constant 1 : i32
    "tpu.region"() ({
      %run_scoped3A_75 = tpu.sem_alloc : memref<!tpu.dma_semaphore, #tpu.memory_space<semaphore_mem>>
      %dma_start3A = arith.constant 0 : i32
      %dma_start3A_76 = tpu.memref_slice %arg2[%run_scoped3A, %select_n3A, %dma_start3A] : memref<2x2500x128xi32, #tpu.memory_space<hbm>> -> memref<1x79x128xi32, #tpu.memory_space<hbm>>
      %dma_start3A_77 = tpu.memref_squeeze %dma_start3A_76 : memref<1x79x128xi32, #tpu.memory_space<hbm>> -> memref<79x128xi32, #tpu.memory_space<hbm>>
      %dma_start3A_78 = arith.constant 0 : i32
      %dma_start3A_79 = tpu.memref_slice %arg2[%run_scoped3A, %select_n3A, %dma_start3A_78] : memref<2x2500x128xi32, #tpu.memory_space<hbm>> -> memref<1x79x128xi32, #tpu.memory_space<hbm>>
      %dma_start3A_80 = tpu.memref_squeeze %dma_start3A_79 : memref<1x79x128xi32, #tpu.memory_space<hbm>> -> memref<79x128xi32, #tpu.memory_space<hbm>>
      tpu.enqueue_dma source(%dma_start3A_80 : memref<79x128xi32, #tpu.memory_space<hbm>>) target(%arg4 : memref<79x128xi32, #tpu.memory_space<vmem>>) target_semaphore(%run_scoped3A_75 : memref<!tpu.dma_semaphore, #tpu.memory_space<semaphore_mem>>)
      %dma_wait3A = arith.constant 0 : i32
      %dma_wait3A_81 = tpu.memref_slice %arg2[%run_scoped3A, %select_n3A, %dma_wait3A] : memref<2x2500x128xi32, #tpu.memory_space<hbm>> -> memref<1x79x128xi32, #tpu.memory_space<hbm>>
      %dma_wait3A_82 = tpu.memref_squeeze %dma_wait3A_81 : memref<1x79x128xi32, #tpu.memory_space<hbm>> -> memref<79x128xi32, #tpu.memory_space<hbm>>
      %dma_wait3A_83 = arith.constant 0 : i32
      %dma_wait3A_84 = tpu.memref_slice %arg2[%run_scoped3A, %select_n3A, %dma_wait3A_83] : memref<2x2500x128xi32, #tpu.memory_space<hbm>> -> memref<1x79x128xi32, #tpu.memory_space<hbm>>
      %dma_wait3A_85 = tpu.memref_squeeze %dma_wait3A_84 : memref<1x79x128xi32, #tpu.memory_space<hbm>> -> memref<79x128xi32, #tpu.memory_space<hbm>>
      tpu.wait_dma2 semaphore(%run_scoped3A_75 : memref<!tpu.dma_semaphore, #tpu.memory_space<semaphore_mem>>) src(%dma_wait3A_85 : memref<79x128xi32, #tpu.memory_space<hbm>>) dst(%arg4 : memref<79x128xi32, #tpu.memory_space<vmem>>)
      tpu.yield
    }) : () -> ()
    %while3A = arith.constant 0 : i32
    %while3A_61 = arith.constant 0 : i32
    %while3A_62 = arith.subi %sub3A_47, %while3A_61 : i32
    %while3A_63 = arith.addi %while3A_61, %while3A_62 : i32
    %while3A_64 = arith.constant 1 : i32
    %while3A_65 = arith.divsi %while3A_62, %while3A_64 : i32
    %while3A_66 = arith.muli %while3A_65, %while3A_64 : i32
    %while3A_67 = arith.addi %while3A_61, %while3A_66 : i32
    %while3A_68 = arith.constant 1 : i32
    scf.for %while3A_75 = %while3A_61 to %while3A_67 step %while3A_68  : i32 {
      "tpu.region"() ({
        %run_scoped3A_76 = tpu.sem_alloc : memref<!tpu.dma_semaphore, #tpu.memory_space<semaphore_mem>>
        %dma_start3A = arith.constant 0 : i32
        %dma_start3A_77 = tpu.memref_slice %arg4[%while3A_75, %dma_start3A] : memref<79x128xi32, #tpu.memory_space<vmem>> -> memref<1x128xi32, #tpu.memory_space<vmem>>
        %dma_start3A_78 = tpu.memref_squeeze %dma_start3A_77 : memref<1x128xi32, #tpu.memory_space<vmem>> -> memref<128xi32, #tpu.memory_space<vmem>>
        %dma_start3A_79 = arith.constant 0 : i32
        %dma_start3A_80 = tpu.memref_slice %arg7[%dma_start3A_79] : memref<10240xf32, #tpu.memory_space<vmem_shared>> -> memref<10240xf32, #tpu.memory_space<vmem_shared>>
        tpu.enqueue_indirect_dma source(%arg5 : memref<128xf32, #tpu.memory_space<vmem>>) target(%dma_start3A_80 : memref<10240xf32, #tpu.memory_space<vmem_shared>>) offsets(%dma_start3A_78 : memref<128xi32, #tpu.memory_space<vmem>>) semaphore(%run_scoped3A_76 : memref<!tpu.dma_semaphore, #tpu.memory_space<semaphore_mem>>) {add = true}
        %dma_wait3A = arith.constant 0 : i32
        %dma_wait3A_81 = tpu.memref_slice %arg4[%while3A_75, %dma_wait3A] : memref<79x128xi32, #tpu.memory_space<vmem>> -> memref<1x128xi32, #tpu.memory_space<vmem>>
        %dma_wait3A_82 = tpu.memref_squeeze %dma_wait3A_81 : memref<1x128xi32, #tpu.memory_space<vmem>> -> memref<128xi32, #tpu.memory_space<vmem>>
        %dma_wait3A_83 = arith.constant 0 : i32
        %dma_wait3A_84 = tpu.memref_slice %arg7[%dma_wait3A_83] : memref<10240xf32, #tpu.memory_space<vmem_shared>> -> memref<10240xf32, #tpu.memory_space<vmem_shared>>
        tpu.wait_indirect_dma semaphore(%run_scoped3A_76 : memref<!tpu.dma_semaphore, #tpu.memory_space<semaphore_mem>>) src(%arg5 : memref<128xf32, #tpu.memory_space<vmem>>) dst(%dma_wait3A_84 : memref<10240xf32, #tpu.memory_space<vmem_shared>>)
        tpu.yield
      }) : () -> ()
    }
    %while3A_69 = arith.constant 1 : i32
    scf.for %while3A_75 = %while3A_67 to %while3A_63 step %while3A_69  : i32 {
      "tpu.region"() ({
        %run_scoped3A_76 = tpu.sem_alloc : memref<!tpu.dma_semaphore, #tpu.memory_space<semaphore_mem>>
        %dma_start3A = arith.constant 0 : i32
        %dma_start3A_77 = tpu.memref_slice %arg4[%while3A_75, %dma_start3A] : memref<79x128xi32, #tpu.memory_space<vmem>> -> memref<1x128xi32, #tpu.memory_space<vmem>>
        %dma_start3A_78 = tpu.memref_squeeze %dma_start3A_77 : memref<1x128xi32, #tpu.memory_space<vmem>> -> memref<128xi32, #tpu.memory_space<vmem>>
        %dma_start3A_79 = arith.constant 0 : i32
        %dma_start3A_80 = tpu.memref_slice %arg7[%dma_start3A_79] : memref<10240xf32, #tpu.memory_space<vmem_shared>> -> memref<10240xf32, #tpu.memory_space<vmem_shared>>
        tpu.enqueue_indirect_dma source(%arg5 : memref<128xf32, #tpu.memory_space<vmem>>) target(%dma_start3A_80 : memref<10240xf32, #tpu.memory_space<vmem_shared>>) offsets(%dma_start3A_78 : memref<128xi32, #tpu.memory_space<vmem>>) semaphore(%run_scoped3A_76 : memref<!tpu.dma_semaphore, #tpu.memory_space<semaphore_mem>>) {add = true}
        %dma_wait3A = arith.constant 0 : i32
        %dma_wait3A_81 = tpu.memref_slice %arg4[%while3A_75, %dma_wait3A] : memref<79x128xi32, #tpu.memory_space<vmem>> -> memref<1x128xi32, #tpu.memory_space<vmem>>
        %dma_wait3A_82 = tpu.memref_squeeze %dma_wait3A_81 : memref<1x128xi32, #tpu.memory_space<vmem>> -> memref<128xi32, #tpu.memory_space<vmem>>
        %dma_wait3A_83 = arith.constant 0 : i32
        %dma_wait3A_84 = tpu.memref_slice %arg7[%dma_wait3A_83] : memref<10240xf32, #tpu.memory_space<vmem_shared>> -> memref<10240xf32, #tpu.memory_space<vmem_shared>>
        tpu.wait_indirect_dma semaphore(%run_scoped3A_76 : memref<!tpu.dma_semaphore, #tpu.memory_space<semaphore_mem>>) src(%arg5 : memref<128xf32, #tpu.memory_space<vmem>>) dst(%dma_wait3A_84 : memref<10240xf32, #tpu.memory_space<vmem_shared>>)
        tpu.yield
      }) : () -> ()
    }
    %barrier3A_70 = arith.constant 0 : index
    tpu.barrier barrier_id(%barrier3A_70)
    %mul3A_71 = arith.constant 640 : i32
    %mul3A_72 = arith.muli %arg1, %mul3A_71 : i32
    %mul3A_73 = arith.constant 640 : i32
    %mul3A_74 = arith.muli %arg1, %mul3A_73 : i32
    "tpu.region"() ({
      %run_scoped3A_75 = tpu.sem_alloc : memref<!tpu.dma_semaphore, #tpu.memory_space<semaphore_mem>>
      %dma_start3A = tpu.memref_slice %arg3[%arg0, %mul3A_74] : memref<8x10240xf32, #tpu.memory_space<hbm>> -> memref<1x640xf32, #tpu.memory_space<hbm>>
      %dma_start3A_76 = tpu.memref_squeeze %dma_start3A : memref<1x640xf32, #tpu.memory_space<hbm>> -> memref<640xf32, #tpu.memory_space<hbm>>
      %dma_start3A_77 = tpu.memref_slice %arg7[%mul3A_72] : memref<10240xf32, #tpu.memory_space<vmem_shared>> -> memref<640xf32, #tpu.memory_space<vmem_shared>>
      tpu.enqueue_dma source(%dma_start3A_77 : memref<640xf32, #tpu.memory_space<vmem_shared>>) target(%dma_start3A_76 : memref<640xf32, #tpu.memory_space<hbm>>) target_semaphore(%run_scoped3A_75 : memref<!tpu.dma_semaphore, #tpu.memory_space<semaphore_mem>>)
      %dma_wait3A = tpu.memref_slice %arg3[%arg0, %mul3A_74] : memref<8x10240xf32, #tpu.memory_space<hbm>> -> memref<1x640xf32, #tpu.memory_space<hbm>>
      %dma_wait3A_78 = tpu.memref_squeeze %dma_wait3A : memref<1x640xf32, #tpu.memory_space<hbm>> -> memref<640xf32, #tpu.memory_space<hbm>>
      %dma_wait3A_79 = tpu.memref_slice %arg7[%mul3A_72] : memref<10240xf32, #tpu.memory_space<vmem_shared>> -> memref<640xf32, #tpu.memory_space<vmem_shared>>
      tpu.wait_dma2 semaphore(%run_scoped3A_75 : memref<!tpu.dma_semaphore, #tpu.memory_space<semaphore_mem>>) src(%dma_wait3A_79 : memref<640xf32, #tpu.memory_space<vmem_shared>>) dst(%dma_wait3A_78 : memref<640xf32, #tpu.memory_space<hbm>>)
      tpu.yield
    }) : () -> ()
    return
  }
}

#map = affine_map<(d0, d1) -> (0, 0, 0)>
#map1 = affine_map<(d0, d1) -> (0, 0)>
module attributes {stable_mosaic.version = 14 : i64} {
  func.func @agg_kernel(%arg0: i32, %arg1: i32, %arg2: memref<2x2500x128xi32, #tpu.memory_space<hbm>>, %arg3: memref<48x10240xf32, #tpu.memory_space<hbm>>, %arg4: memref<2x48x10240xf32, #tpu.memory_space<hbm>>, %arg5: memref<79x128xi32, #tpu.memory_space<vmem>>, %arg6: memref<79x128xi32, #tpu.memory_space<vmem>>, %arg7: memref<128x48xf32, #tpu.memory_space<vmem>>, %arg8: memref<128x48xf32, #tpu.memory_space<vmem>>, %arg9: memref<48x640xf32, #tpu.memory_space<vmem>>, %arg10: memref<640x48xf32, #tpu.memory_space<vmem>>, %arg11: memref<!tpu.dma_semaphore, #tpu.memory_space<semaphore_mem>>, %arg12: memref<!tpu.dma_semaphore, #tpu.memory_space<semaphore_mem>>, %arg13: memref<10240x48xf32, #tpu.memory_space<vmem_shared>>, %arg14: memref<10240x48xf32, #tpu.memory_space<hbm>>, %arg15: memref<10240x48xf32, #tpu.memory_space<hbm>>) attributes {dimension_semantics = [#tpu.dimension_semantics<core_parallel>, #tpu.dimension_semantics<subcore_parallel>], iteration_bounds = array<i64: 2, 16>, scalar_prefetch = 0 : i64, scratch_operands = 11 : i64, tpu.core_type = #tpu.core_type<sc_vector_subcore>, window_params = [{transform_indices = #map}, {transform_indices = #map1}, {transform_indices = #map}]} {
    %mul3A = arith.constant 16 : i32
    %mul3A_0 = arith.muli %arg0, %mul3A : i32
    %add3A = arith.addi %mul3A_0, %arg1 : i32
    %mul3A_1 = arith.constant 2500 : i32
    %mul3A_2 = arith.muli %mul3A_1, %add3A : i32
    %jit3A = arith.constant 32 : i32
    %div3A = arith.divsi %mul3A_2, %jit3A : i32
    %sign3A = arith.constant 0 : i32
    %sign3A_3 = arith.cmpi sgt, %mul3A_2, %sign3A : i32
    %sign3A_4 = arith.extui %sign3A_3 : i1 to i32
    %sign3A_5 = arith.constant 0 : i32
    %sign3A_6 = arith.cmpi slt, %mul3A_2, %sign3A_5 : i32
    %sign3A_7 = arith.extui %sign3A_6 : i1 to i32
    %sign3A_8 = arith.subi %sign3A_4, %sign3A_7 : i32
    %sign3A_9 = arith.constant 0 : i32
    %sign3A_10 = arith.cmpi sgt, %jit3A, %sign3A_9 : i32
    %sign3A_11 = arith.extui %sign3A_10 : i1 to i32
    %sign3A_12 = arith.constant 0 : i32
    %sign3A_13 = arith.cmpi slt, %jit3A, %sign3A_12 : i32
    %sign3A_14 = arith.extui %sign3A_13 : i1 to i32
    %sign3A_15 = arith.subi %sign3A_11, %sign3A_14 : i32
    %ne3A = arith.cmpi ne, %sign3A_8, %sign3A_15 : i32
    %rem3A = arith.remsi %mul3A_2, %jit3A : i32
    %ne3A_16 = arith.constant 0 : i32
    %ne3A_17 = arith.cmpi ne, %rem3A, %ne3A_16 : i32
    %and3A = arith.andi %ne3A, %ne3A_17 : i1
    %sub3A = arith.constant 1 : i32
    %sub3A_18 = arith.subi %div3A, %sub3A : i32
    %select_n3A = arith.select %and3A, %sub3A_18, %div3A : i32
    %add3A_19 = arith.constant 1 : i32
    %add3A_20 = arith.addi %add3A, %add3A_19 : i32
    %mul3A_21 = arith.constant 2500 : i32
    %mul3A_22 = arith.muli %mul3A_21, %add3A_20 : i32
    %jit3A_23 = arith.constant 32 : i32
    %div3A_24 = arith.divsi %mul3A_22, %jit3A_23 : i32
    %sign3A_25 = arith.constant 0 : i32
    %sign3A_26 = arith.cmpi sgt, %mul3A_22, %sign3A_25 : i32
    %sign3A_27 = arith.extui %sign3A_26 : i1 to i32
    %sign3A_28 = arith.constant 0 : i32
    %sign3A_29 = arith.cmpi slt, %mul3A_22, %sign3A_28 : i32
    %sign3A_30 = arith.extui %sign3A_29 : i1 to i32
    %sign3A_31 = arith.subi %sign3A_27, %sign3A_30 : i32
    %sign3A_32 = arith.constant 0 : i32
    %sign3A_33 = arith.cmpi sgt, %jit3A_23, %sign3A_32 : i32
    %sign3A_34 = arith.extui %sign3A_33 : i1 to i32
    %sign3A_35 = arith.constant 0 : i32
    %sign3A_36 = arith.cmpi slt, %jit3A_23, %sign3A_35 : i32
    %sign3A_37 = arith.extui %sign3A_36 : i1 to i32
    %sign3A_38 = arith.subi %sign3A_34, %sign3A_37 : i32
    %ne3A_39 = arith.cmpi ne, %sign3A_31, %sign3A_38 : i32
    %rem3A_40 = arith.remsi %mul3A_22, %jit3A_23 : i32
    %ne3A_41 = arith.constant 0 : i32
    %ne3A_42 = arith.cmpi ne, %rem3A_40, %ne3A_41 : i32
    %and3A_43 = arith.andi %ne3A_39, %ne3A_42 : i1
    %sub3A_44 = arith.constant 1 : i32
    %sub3A_45 = arith.subi %div3A_24, %sub3A_44 : i32
    %select_n3A_46 = arith.select %and3A_43, %sub3A_45, %div3A_24 : i32
    %sub3A_47 = arith.subi %select_n3A_46, %select_n3A : i32
    %iota3A = tpu.iota {dimensions = array<i32: 0>} : vector<16xi32>
    %mul3A_48 = arith.constant 640 : i32
    %mul3A_49 = arith.muli %arg1, %mul3A_48 : i32
    "tpu.region"() ({
      %run_scoped3A_93 = tpu.sem_alloc : memref<!tpu.dma_semaphore, #tpu.memory_space<semaphore_mem>>
      %dma_start3A = arith.constant 0 : i32
      %dma_start3A_94 = tpu.memref_slice %arg3[%dma_start3A, %mul3A_49] : memref<48x10240xf32, #tpu.memory_space<hbm>> -> memref<48x640xf32, #tpu.memory_space<hbm>>
      %dma_start3A_95 = arith.constant 0 : i32
      %dma_start3A_96 = tpu.memref_slice %arg3[%dma_start3A_95, %mul3A_49] : memref<48x10240xf32, #tpu.memory_space<hbm>> -> memref<48x640xf32, #tpu.memory_space<hbm>>
      tpu.enqueue_dma source(%dma_start3A_96 : memref<48x640xf32, #tpu.memory_space<hbm>>) target(%arg9 : memref<48x640xf32, #tpu.memory_space<vmem>>) target_semaphore(%run_scoped3A_93 : memref<!tpu.dma_semaphore, #tpu.memory_space<semaphore_mem>>)
      %dma_wait3A = arith.constant 0 : i32
      %dma_wait3A_97 = tpu.memref_slice %arg3[%dma_wait3A, %mul3A_49] : memref<48x10240xf32, #tpu.memory_space<hbm>> -> memref<48x640xf32, #tpu.memory_space<hbm>>
      %dma_wait3A_98 = arith.constant 0 : i32
      %dma_wait3A_99 = tpu.memref_slice %arg3[%dma_wait3A_98, %mul3A_49] : memref<48x10240xf32, #tpu.memory_space<hbm>> -> memref<48x640xf32, #tpu.memory_space<hbm>>
      tpu.wait_dma2 semaphore(%run_scoped3A_93 : memref<!tpu.dma_semaphore, #tpu.memory_space<semaphore_mem>>) src(%dma_wait3A_99 : memref<48x640xf32, #tpu.memory_space<hbm>>) dst(%arg9 : memref<48x640xf32, #tpu.memory_space<vmem>>)
      tpu.yield
    }) : () -> ()
    %scan3A = arith.constant 0 : i32
    %scan3A_50 = arith.constant 0 : i32
    %scan3A_51 = arith.constant 40 : i32
    %scan3A_52 = arith.addi %scan3A_50, %scan3A_51 : i32
    %scan3A_53 = arith.constant 1 : i32
    scf.for %scan3A_93 = %scan3A_50 to %scan3A_52 step %scan3A_53  : i32 {
      %mul3A_94 = arith.constant 16 : i32
      %mul3A_95 = arith.muli %scan3A_93, %mul3A_94 : i32
      %broadcast_in_dim3A_96 = vector.broadcast %mul3A_95 : i32 to vector<16xi32>
      %add3A_97 = arith.constant 0 : i32
      %add3A_98 = vector.broadcast %add3A_97 : i32 to vector<16xi32>
      %add3A_99 = arith.addi %iota3A, %add3A_98 : vector<16xi32>
      %add3A_100 = arith.constant 0 : i32
      %add3A_101 = vector.broadcast %add3A_100 : i32 to vector<16xi32>
      %add3A_102 = arith.addi %broadcast_in_dim3A_96, %add3A_101 : vector<16xi32>
      %gather3A = tpu.vector_load_idx %arg9[%add3A_99, %add3A_102] : memref<48x640xf32, #tpu.memory_space<vmem>>[vector<16xi32>, vector<16xi32>], vector<16xf32>,
      %mul3A_103 = arith.constant 16 : i32
      %mul3A_104 = arith.muli %scan3A_93, %mul3A_103 : i32
      %add3A_105 = arith.constant 0 : i32
      %add3A_106 = arith.addi %mul3A_104, %add3A_105 : i32
      %swap3A = arith.index_cast %add3A_106 : i32 to index
      %swap3A_107 = arith.constant 0 : index
      %swap3A_108 = tpu.vector_load %arg10[%swap3A, %swap3A_107] {strides = array<i32>} : memref<640x48xf32, #tpu.memory_space<vmem>>, vector<16xf32>,
      tpu.vector_store %arg10[%swap3A, %swap3A_107], %gather3A {strides = array<i32>} : memref<640x48xf32, #tpu.memory_space<vmem>>, vector<16xf32>,
      %add3A_109 = arith.constant 16 : i32
      %add3A_110 = vector.broadcast %add3A_109 : i32 to vector<16xi32>
      %add3A_111 = arith.addi %iota3A, %add3A_110 : vector<16xi32>
      %add3A_112 = arith.constant 0 : i32
      %add3A_113 = vector.broadcast %add3A_112 : i32 to vector<16xi32>
      %add3A_114 = arith.addi %broadcast_in_dim3A_96, %add3A_113 : vector<16xi32>
      %gather3A_115 = tpu.vector_load_idx %arg9[%add3A_111, %add3A_114] : memref<48x640xf32, #tpu.memory_space<vmem>>[vector<16xi32>, vector<16xi32>], vector<16xf32>,
      %mul3A_116 = arith.constant 16 : i32
      %mul3A_117 = arith.muli %scan3A_93, %mul3A_116 : i32
      %add3A_118 = arith.constant 0 : i32
      %add3A_119 = arith.addi %mul3A_117, %add3A_118 : i32
      %swap3A_120 = arith.index_cast %add3A_119 : i32 to index
      %swap3A_121 = arith.constant 16 : index
      %swap3A_122 = tpu.vector_load %arg10[%swap3A_120, %swap3A_121] {strides = array<i32>} : memref<640x48xf32, #tpu.memory_space<vmem>>, vector<16xf32>,
      tpu.vector_store %arg10[%swap3A_120, %swap3A_121], %gather3A_115 {strides = array<i32>} : memref<640x48xf32, #tpu.memory_space<vmem>>, vector<16xf32>,
      %add3A_123 = arith.constant 32 : i32
      %add3A_124 = vector.broadcast %add3A_123 : i32 to vector<16xi32>
      %add3A_125 = arith.addi %iota3A, %add3A_124 : vector<16xi32>
      %add3A_126 = arith.constant 0 : i32
      %add3A_127 = vector.broadcast %add3A_126 : i32 to vector<16xi32>
      %add3A_128 = arith.addi %broadcast_in_dim3A_96, %add3A_127 : vector<16xi32>
      %gather3A_129 = tpu.vector_load_idx %arg9[%add3A_125, %add3A_128] : memref<48x640xf32, #tpu.memory_space<vmem>>[vector<16xi32>, vector<16xi32>], vector<16xf32>,
      %mul3A_130 = arith.constant 16 : i32
      %mul3A_131 = arith.muli %scan3A_93, %mul3A_130 : i32
      %add3A_132 = arith.constant 0 : i32
      %add3A_133 = arith.addi %mul3A_131, %add3A_132 : i32
      %swap3A_134 = arith.index_cast %add3A_133 : i32 to index
      %swap3A_135 = arith.constant 32 : index
      %swap3A_136 = tpu.vector_load %arg10[%swap3A_134, %swap3A_135] {strides = array<i32>} : memref<640x48xf32, #tpu.memory_space<vmem>>, vector<16xf32>,
      tpu.vector_store %arg10[%swap3A_134, %swap3A_135], %gather3A_129 {strides = array<i32>} : memref<640x48xf32, #tpu.memory_space<vmem>>, vector<16xf32>,
      %add3A_137 = arith.constant 0 : i32
      %add3A_138 = vector.broadcast %add3A_137 : i32 to vector<16xi32>
      %add3A_139 = arith.addi %iota3A, %add3A_138 : vector<16xi32>
      %add3A_140 = arith.constant 1 : i32
      %add3A_141 = vector.broadcast %add3A_140 : i32 to vector<16xi32>
      %add3A_142 = arith.addi %broadcast_in_dim3A_96, %add3A_141 : vector<16xi32>
      %gather3A_143 = tpu.vector_load_idx %arg9[%add3A_139, %add3A_142] : memref<48x640xf32, #tpu.memory_space<vmem>>[vector<16xi32>, vector<16xi32>], vector<16xf32>,
      %mul3A_144 = arith.constant 16 : i32
      %mul3A_145 = arith.muli %scan3A_93, %mul3A_144 : i32
      %add3A_146 = arith.constant 1 : i32
      %add3A_147 = arith.addi %mul3A_145, %add3A_146 : i32
      %swap3A_148 = arith.index_cast %add3A_147 : i32 to index
      %swap3A_149 = arith.constant 0 : index
      %swap3A_150 = tpu.vector_load %arg10[%swap3A_148, %swap3A_149] {strides = array<i32>} : memref<640x48xf32, #tpu.memory_space<vmem>>, vector<16xf32>,
      tpu.vector_store %arg10[%swap3A_148, %swap3A_149], %gather3A_143 {strides = array<i32>} : memref<640x48xf32, #tpu.memory_space<vmem>>, vector<16xf32>,
      %add3A_151 = arith.constant 16 : i32
      %add3A_152 = vector.broadcast %add3A_151 : i32 to vector<16xi32>
      %add3A_153 = arith.addi %iota3A, %add3A_152 : vector<16xi32>
      %add3A_154 = arith.constant 1 : i32
      %add3A_155 = vector.broadcast %add3A_154 : i32 to vector<16xi32>
      %add3A_156 = arith.addi %broadcast_in_dim3A_96, %add3A_155 : vector<16xi32>
      %gather3A_157 = tpu.vector_load_idx %arg9[%add3A_153, %add3A_156] : memref<48x640xf32, #tpu.memory_space<vmem>>[vector<16xi32>, vector<16xi32>], vector<16xf32>,
      %mul3A_158 = arith.constant 16 : i32
      %mul3A_159 = arith.muli %scan3A_93, %mul3A_158 : i32
      %add3A_160 = arith.constant 1 : i32
      %add3A_161 = arith.addi %mul3A_159, %add3A_160 : i32
      %swap3A_162 = arith.index_cast %add3A_161 : i32 to index
      %swap3A_163 = arith.constant 16 : index
      %swap3A_164 = tpu.vector_load %arg10[%swap3A_162, %swap3A_163] {strides = array<i32>} : memref<640x48xf32, #tpu.memory_space<vmem>>, vector<16xf32>,
      tpu.vector_store %arg10[%swap3A_162, %swap3A_163], %gather3A_157 {strides = array<i32>} : memref<640x48xf32, #tpu.memory_space<vmem>>, vector<16xf32>,
      %add3A_165 = arith.constant 32 : i32
      %add3A_166 = vector.broadcast %add3A_165 : i32 to vector<16xi32>
      %add3A_167 = arith.addi %iota3A, %add3A_166 : vector<16xi32>
      %add3A_168 = arith.constant 1 : i32
      %add3A_169 = vector.broadcast %add3A_168 : i32 to vector<16xi32>
      %add3A_170 = arith.addi %broadcast_in_dim3A_96, %add3A_169 : vector<16xi32>
      %gather3A_171 = tpu.vector_load_idx %arg9[%add3A_167, %add3A_170] : memref<48x640xf32, #tpu.memory_space<vmem>>[vector<16xi32>, vector<16xi32>], vector<16xf32>,
      %mul3A_172 = arith.constant 16 : i32
      %mul3A_173 = arith.muli %scan3A_93, %mul3A_172 : i32
      %add3A_174 = arith.constant 1 : i32
      %add3A_175 = arith.addi %mul3A_173, %add3A_174 : i32
      %swap3A_176 = arith.index_cast %add3A_175 : i32 to index
      %swap3A_177 = arith.constant 32 : index
      %swap3A_178 = tpu.vector_load %arg10[%swap3A_176, %swap3A_177] {strides = array<i32>} : memref<640x48xf32, #tpu.memory_space<vmem>>, vector<16xf32>,
      tpu.vector_store %arg10[%swap3A_176, %swap3A_177], %gather3A_171 {strides = array<i32>} : memref<640x48xf32, #tpu.memory_space<vmem>>, vector<16xf32>,
      %add3A_179 = arith.constant 0 : i32
      %add3A_180 = vector.broadcast %add3A_179 : i32 to vector<16xi32>
      %add3A_181 = arith.addi %iota3A, %add3A_180 : vector<16xi32>
      %add3A_182 = arith.constant 2 : i32
      %add3A_183 = vector.broadcast %add3A_182 : i32 to vector<16xi32>
      %add3A_184 = arith.addi %broadcast_in_dim3A_96, %add3A_183 : vector<16xi32>
      %gather3A_185 = tpu.vector_load_idx %arg9[%add3A_181, %add3A_184] : memref<48x640xf32, #tpu.memory_space<vmem>>[vector<16xi32>, vector<16xi32>], vector<16xf32>,
      %mul3A_186 = arith.constant 16 : i32
      %mul3A_187 = arith.muli %scan3A_93, %mul3A_186 : i32
      %add3A_188 = arith.constant 2 : i32
      %add3A_189 = arith.addi %mul3A_187, %add3A_188 : i32
      %swap3A_190 = arith.index_cast %add3A_189 : i32 to index
      %swap3A_191 = arith.constant 0 : index
      %swap3A_192 = tpu.vector_load %arg10[%swap3A_190, %swap3A_191] {strides = array<i32>} : memref<640x48xf32, #tpu.memory_space<vmem>>, vector<16xf32>,
      tpu.vector_store %arg10[%swap3A_190, %swap3A_191], %gather3A_185 {strides = array<i32>} : memref<640x48xf32, #tpu.memory_space<vmem>>, vector<16xf32>,
      %add3A_193 = arith.constant 16 : i32
      %add3A_194 = vector.broadcast %add3A_193 : i32 to vector<16xi32>
      %add3A_195 = arith.addi %iota3A, %add3A_194 : vector<16xi32>
      %add3A_196 = arith.constant 2 : i32
      %add3A_197 = vector.broadcast %add3A_196 : i32 to vector<16xi32>
      %add3A_198 = arith.addi %broadcast_in_dim3A_96, %add3A_197 : vector<16xi32>
      %gather3A_199 = tpu.vector_load_idx %arg9[%add3A_195, %add3A_198] : memref<48x640xf32, #tpu.memory_space<vmem>>[vector<16xi32>, vector<16xi32>], vector<16xf32>,
      %mul3A_200 = arith.constant 16 : i32
      %mul3A_201 = arith.muli %scan3A_93, %mul3A_200 : i32
      %add3A_202 = arith.constant 2 : i32
      %add3A_203 = arith.addi %mul3A_201, %add3A_202 : i32
      %swap3A_204 = arith.index_cast %add3A_203 : i32 to index
      %swap3A_205 = arith.constant 16 : index
      %swap3A_206 = tpu.vector_load %arg10[%swap3A_204, %swap3A_205] {strides = array<i32>} : memref<640x48xf32, #tpu.memory_space<vmem>>, vector<16xf32>,
      tpu.vector_store %arg10[%swap3A_204, %swap3A_205], %gather3A_199 {strides = array<i32>} : memref<640x48xf32, #tpu.memory_space<vmem>>, vector<16xf32>,
      %add3A_207 = arith.constant 32 : i32
      %add3A_208 = vector.broadcast %add3A_207 : i32 to vector<16xi32>
      %add3A_209 = arith.addi %iota3A, %add3A_208 : vector<16xi32>
      %add3A_210 = arith.constant 2 : i32
      %add3A_211 = vector.broadcast %add3A_210 : i32 to vector<16xi32>
      %add3A_212 = arith.addi %broadcast_in_dim3A_96, %add3A_211 : vector<16xi32>
      %gather3A_213 = tpu.vector_load_idx %arg9[%add3A_209, %add3A_212] : memref<48x640xf32, #tpu.memory_space<vmem>>[vector<16xi32>, vector<16xi32>], vector<16xf32>,
      %mul3A_214 = arith.constant 16 : i32
      %mul3A_215 = arith.muli %scan3A_93, %mul3A_214 : i32
      %add3A_216 = arith.constant 2 : i32
      %add3A_217 = arith.addi %mul3A_215, %add3A_216 : i32
      %swap3A_218 = arith.index_cast %add3A_217 : i32 to index
      %swap3A_219 = arith.constant 32 : index
      %swap3A_220 = tpu.vector_load %arg10[%swap3A_218, %swap3A_219] {strides = array<i32>} : memref<640x48xf32, #tpu.memory_space<vmem>>, vector<16xf32>,
      tpu.vector_store %arg10[%swap3A_218, %swap3A_219], %gather3A_213 {strides = array<i32>} : memref<640x48xf32, #tpu.memory_space<vmem>>, vector<16xf32>,
      %add3A_221 = arith.constant 0 : i32
      %add3A_222 = vector.broadcast %add3A_221 : i32 to vector<16xi32>
      %add3A_223 = arith.addi %iota3A, %add3A_222 : vector<16xi32>
      %add3A_224 = arith.constant 3 : i32
      %add3A_225 = vector.broadcast %add3A_224 : i32 to vector<16xi32>
      %add3A_226 = arith.addi %broadcast_in_dim3A_96, %add3A_225 : vector<16xi32>
      %gather3A_227 = tpu.vector_load_idx %arg9[%add3A_223, %add3A_226] : memref<48x640xf32, #tpu.memory_space<vmem>>[vector<16xi32>, vector<16xi32>], vector<16xf32>,
      %mul3A_228 = arith.constant 16 : i32
      %mul3A_229 = arith.muli %scan3A_93, %mul3A_228 : i32
      %add3A_230 = arith.constant 3 : i32
      %add3A_231 = arith.addi %mul3A_229, %add3A_230 : i32
      %swap3A_232 = arith.index_cast %add3A_231 : i32 to index
      %swap3A_233 = arith.constant 0 : index
      %swap3A_234 = tpu.vector_load %arg10[%swap3A_232, %swap3A_233] {strides = array<i32>} : memref<640x48xf32, #tpu.memory_space<vmem>>, vector<16xf32>,
      tpu.vector_store %arg10[%swap3A_232, %swap3A_233], %gather3A_227 {strides = array<i32>} : memref<640x48xf32, #tpu.memory_space<vmem>>, vector<16xf32>,
      %add3A_235 = arith.constant 16 : i32
      %add3A_236 = vector.broadcast %add3A_235 : i32 to vector<16xi32>
      %add3A_237 = arith.addi %iota3A, %add3A_236 : vector<16xi32>
      %add3A_238 = arith.constant 3 : i32
      %add3A_239 = vector.broadcast %add3A_238 : i32 to vector<16xi32>
      %add3A_240 = arith.addi %broadcast_in_dim3A_96, %add3A_239 : vector<16xi32>
      %gather3A_241 = tpu.vector_load_idx %arg9[%add3A_237, %add3A_240] : memref<48x640xf32, #tpu.memory_space<vmem>>[vector<16xi32>, vector<16xi32>], vector<16xf32>,
      %mul3A_242 = arith.constant 16 : i32
      %mul3A_243 = arith.muli %scan3A_93, %mul3A_242 : i32
      %add3A_244 = arith.constant 3 : i32
      %add3A_245 = arith.addi %mul3A_243, %add3A_244 : i32
      %swap3A_246 = arith.index_cast %add3A_245 : i32 to index
      %swap3A_247 = arith.constant 16 : index
      %swap3A_248 = tpu.vector_load %arg10[%swap3A_246, %swap3A_247] {strides = array<i32>} : memref<640x48xf32, #tpu.memory_space<vmem>>, vector<16xf32>,
      tpu.vector_store %arg10[%swap3A_246, %swap3A_247], %gather3A_241 {strides = array<i32>} : memref<640x48xf32, #tpu.memory_space<vmem>>, vector<16xf32>,
      %add3A_249 = arith.constant 32 : i32
      %add3A_250 = vector.broadcast %add3A_249 : i32 to vector<16xi32>
      %add3A_251 = arith.addi %iota3A, %add3A_250 : vector<16xi32>
      %add3A_252 = arith.constant 3 : i32
      %add3A_253 = vector.broadcast %add3A_252 : i32 to vector<16xi32>
      %add3A_254 = arith.addi %broadcast_in_dim3A_96, %add3A_253 : vector<16xi32>
      %gather3A_255 = tpu.vector_load_idx %arg9[%add3A_251, %add3A_254] : memref<48x640xf32, #tpu.memory_space<vmem>>[vector<16xi32>, vector<16xi32>], vector<16xf32>,
      %mul3A_256 = arith.constant 16 : i32
      %mul3A_257 = arith.muli %scan3A_93, %mul3A_256 : i32
      %add3A_258 = arith.constant 3 : i32
      %add3A_259 = arith.addi %mul3A_257, %add3A_258 : i32
      %swap3A_260 = arith.index_cast %add3A_259 : i32 to index
      %swap3A_261 = arith.constant 32 : index
      %swap3A_262 = tpu.vector_load %arg10[%swap3A_260, %swap3A_261] {strides = array<i32>} : memref<640x48xf32, #tpu.memory_space<vmem>>, vector<16xf32>,
      tpu.vector_store %arg10[%swap3A_260, %swap3A_261], %gather3A_255 {strides = array<i32>} : memref<640x48xf32, #tpu.memory_space<vmem>>, vector<16xf32>,
      %add3A_263 = arith.constant 0 : i32
      %add3A_264 = vector.broadcast %add3A_263 : i32 to vector<16xi32>
      %add3A_265 = arith.addi %iota3A, %add3A_264 : vector<16xi32>
      %add3A_266 = arith.constant 4 : i32
      %add3A_267 = vector.broadcast %add3A_266 : i32 to vector<16xi32>
      %add3A_268 = arith.addi %broadcast_in_dim3A_96, %add3A_267 : vector<16xi32>
      %gather3A_269 = tpu.vector_load_idx %arg9[%add3A_265, %add3A_268] : memref<48x640xf32, #tpu.memory_space<vmem>>[vector<16xi32>, vector<16xi32>], vector<16xf32>,
      %mul3A_270 = arith.constant 16 : i32
      %mul3A_271 = arith.muli %scan3A_93, %mul3A_270 : i32
      %add3A_272 = arith.constant 4 : i32
      %add3A_273 = arith.addi %mul3A_271, %add3A_272 : i32
      %swap3A_274 = arith.index_cast %add3A_273 : i32 to index
      %swap3A_275 = arith.constant 0 : index
      %swap3A_276 = tpu.vector_load %arg10[%swap3A_274, %swap3A_275] {strides = array<i32>} : memref<640x48xf32, #tpu.memory_space<vmem>>, vector<16xf32>,
      tpu.vector_store %arg10[%swap3A_274, %swap3A_275], %gather3A_269 {strides = array<i32>} : memref<640x48xf32, #tpu.memory_space<vmem>>, vector<16xf32>,
      %add3A_277 = arith.constant 16 : i32
      %add3A_278 = vector.broadcast %add3A_277 : i32 to vector<16xi32>
      %add3A_279 = arith.addi %iota3A, %add3A_278 : vector<16xi32>
      %add3A_280 = arith.constant 4 : i32
      %add3A_281 = vector.broadcast %add3A_280 : i32 to vector<16xi32>
      %add3A_282 = arith.addi %broadcast_in_dim3A_96, %add3A_281 : vector<16xi32>
      %gather3A_283 = tpu.vector_load_idx %arg9[%add3A_279, %add3A_282] : memref<48x640xf32, #tpu.memory_space<vmem>>[vector<16xi32>, vector<16xi32>], vector<16xf32>,
      %mul3A_284 = arith.constant 16 : i32
      %mul3A_285 = arith.muli %scan3A_93, %mul3A_284 : i32
      %add3A_286 = arith.constant 4 : i32
      %add3A_287 = arith.addi %mul3A_285, %add3A_286 : i32
      %swap3A_288 = arith.index_cast %add3A_287 : i32 to index
      %swap3A_289 = arith.constant 16 : index
      %swap3A_290 = tpu.vector_load %arg10[%swap3A_288, %swap3A_289] {strides = array<i32>} : memref<640x48xf32, #tpu.memory_space<vmem>>, vector<16xf32>,
      tpu.vector_store %arg10[%swap3A_288, %swap3A_289], %gather3A_283 {strides = array<i32>} : memref<640x48xf32, #tpu.memory_space<vmem>>, vector<16xf32>,
      %add3A_291 = arith.constant 32 : i32
      %add3A_292 = vector.broadcast %add3A_291 : i32 to vector<16xi32>
      %add3A_293 = arith.addi %iota3A, %add3A_292 : vector<16xi32>
      %add3A_294 = arith.constant 4 : i32
      %add3A_295 = vector.broadcast %add3A_294 : i32 to vector<16xi32>
      %add3A_296 = arith.addi %broadcast_in_dim3A_96, %add3A_295 : vector<16xi32>
      %gather3A_297 = tpu.vector_load_idx %arg9[%add3A_293, %add3A_296] : memref<48x640xf32, #tpu.memory_space<vmem>>[vector<16xi32>, vector<16xi32>], vector<16xf32>,
      %mul3A_298 = arith.constant 16 : i32
      %mul3A_299 = arith.muli %scan3A_93, %mul3A_298 : i32
      %add3A_300 = arith.constant 4 : i32
      %add3A_301 = arith.addi %mul3A_299, %add3A_300 : i32
      %swap3A_302 = arith.index_cast %add3A_301 : i32 to index
      %swap3A_303 = arith.constant 32 : index
      %swap3A_304 = tpu.vector_load %arg10[%swap3A_302, %swap3A_303] {strides = array<i32>} : memref<640x48xf32, #tpu.memory_space<vmem>>, vector<16xf32>,
      tpu.vector_store %arg10[%swap3A_302, %swap3A_303], %gather3A_297 {strides = array<i32>} : memref<640x48xf32, #tpu.memory_space<vmem>>, vector<16xf32>,
      %add3A_305 = arith.constant 0 : i32
      %add3A_306 = vector.broadcast %add3A_305 : i32 to vector<16xi32>
      %add3A_307 = arith.addi %iota3A, %add3A_306 : vector<16xi32>
      %add3A_308 = arith.constant 5 : i32
      %add3A_309 = vector.broadcast %add3A_308 : i32 to vector<16xi32>
      %add3A_310 = arith.addi %broadcast_in_dim3A_96, %add3A_309 : vector<16xi32>
      %gather3A_311 = tpu.vector_load_idx %arg9[%add3A_307, %add3A_310] : memref<48x640xf32, #tpu.memory_space<vmem>>[vector<16xi32>, vector<16xi32>], vector<16xf32>,
      %mul3A_312 = arith.constant 16 : i32
      %mul3A_313 = arith.muli %scan3A_93, %mul3A_312 : i32
      %add3A_314 = arith.constant 5 : i32
      %add3A_315 = arith.addi %mul3A_313, %add3A_314 : i32
      %swap3A_316 = arith.index_cast %add3A_315 : i32 to index
      %swap3A_317 = arith.constant 0 : index
      %swap3A_318 = tpu.vector_load %arg10[%swap3A_316, %swap3A_317] {strides = array<i32>} : memref<640x48xf32, #tpu.memory_space<vmem>>, vector<16xf32>,
      tpu.vector_store %arg10[%swap3A_316, %swap3A_317], %gather3A_311 {strides = array<i32>} : memref<640x48xf32, #tpu.memory_space<vmem>>, vector<16xf32>,
      %add3A_319 = arith.constant 16 : i32
      %add3A_320 = vector.broadcast %add3A_319 : i32 to vector<16xi32>
      %add3A_321 = arith.addi %iota3A, %add3A_320 : vector<16xi32>
      %add3A_322 = arith.constant 5 : i32
      %add3A_323 = vector.broadcast %add3A_322 : i32 to vector<16xi32>
      %add3A_324 = arith.addi %broadcast_in_dim3A_96, %add3A_323 : vector<16xi32>
      %gather3A_325 = tpu.vector_load_idx %arg9[%add3A_321, %add3A_324] : memref<48x640xf32, #tpu.memory_space<vmem>>[vector<16xi32>, vector<16xi32>], vector<16xf32>,
      %mul3A_326 = arith.constant 16 : i32
      %mul3A_327 = arith.muli %scan3A_93, %mul3A_326 : i32
      %add3A_328 = arith.constant 5 : i32
      %add3A_329 = arith.addi %mul3A_327, %add3A_328 : i32
      %swap3A_330 = arith.index_cast %add3A_329 : i32 to index
      %swap3A_331 = arith.constant 16 : index
      %swap3A_332 = tpu.vector_load %arg10[%swap3A_330, %swap3A_331] {strides = array<i32>} : memref<640x48xf32, #tpu.memory_space<vmem>>, vector<16xf32>,
      tpu.vector_store %arg10[%swap3A_330, %swap3A_331], %gather3A_325 {strides = array<i32>} : memref<640x48xf32, #tpu.memory_space<vmem>>, vector<16xf32>,
      %add3A_333 = arith.constant 32 : i32
      %add3A_334 = vector.broadcast %add3A_333 : i32 to vector<16xi32>
      %add3A_335 = arith.addi %iota3A, %add3A_334 : vector<16xi32>
      %add3A_336 = arith.constant 5 : i32
      %add3A_337 = vector.broadcast %add3A_336 : i32 to vector<16xi32>
      %add3A_338 = arith.addi %broadcast_in_dim3A_96, %add3A_337 : vector<16xi32>
      %gather3A_339 = tpu.vector_load_idx %arg9[%add3A_335, %add3A_338] : memref<48x640xf32, #tpu.memory_space<vmem>>[vector<16xi32>, vector<16xi32>], vector<16xf32>,
      %mul3A_340 = arith.constant 16 : i32
      %mul3A_341 = arith.muli %scan3A_93, %mul3A_340 : i32
      %add3A_342 = arith.constant 5 : i32
      %add3A_343 = arith.addi %mul3A_341, %add3A_342 : i32
      %swap3A_344 = arith.index_cast %add3A_343 : i32 to index
      %swap3A_345 = arith.constant 32 : index
      %swap3A_346 = tpu.vector_load %arg10[%swap3A_344, %swap3A_345] {strides = array<i32>} : memref<640x48xf32, #tpu.memory_space<vmem>>, vector<16xf32>,
      tpu.vector_store %arg10[%swap3A_344, %swap3A_345], %gather3A_339 {strides = array<i32>} : memref<640x48xf32, #tpu.memory_space<vmem>>, vector<16xf32>,
      %add3A_347 = arith.constant 0 : i32
      %add3A_348 = vector.broadcast %add3A_347 : i32 to vector<16xi32>
      %add3A_349 = arith.addi %iota3A, %add3A_348 : vector<16xi32>
      %add3A_350 = arith.constant 6 : i32
      %add3A_351 = vector.broadcast %add3A_350 : i32 to vector<16xi32>
      %add3A_352 = arith.addi %broadcast_in_dim3A_96, %add3A_351 : vector<16xi32>
      %gather3A_353 = tpu.vector_load_idx %arg9[%add3A_349, %add3A_352] : memref<48x640xf32, #tpu.memory_space<vmem>>[vector<16xi32>, vector<16xi32>], vector<16xf32>,
      %mul3A_354 = arith.constant 16 : i32
      %mul3A_355 = arith.muli %scan3A_93, %mul3A_354 : i32
      %add3A_356 = arith.constant 6 : i32
      %add3A_357 = arith.addi %mul3A_355, %add3A_356 : i32
      %swap3A_358 = arith.index_cast %add3A_357 : i32 to index
      %swap3A_359 = arith.constant 0 : index
      %swap3A_360 = tpu.vector_load %arg10[%swap3A_358, %swap3A_359] {strides = array<i32>} : memref<640x48xf32, #tpu.memory_space<vmem>>, vector<16xf32>,
      tpu.vector_store %arg10[%swap3A_358, %swap3A_359], %gather3A_353 {strides = array<i32>} : memref<640x48xf32, #tpu.memory_space<vmem>>, vector<16xf32>,
      %add3A_361 = arith.constant 16 : i32
      %add3A_362 = vector.broadcast %add3A_361 : i32 to vector<16xi32>
      %add3A_363 = arith.addi %iota3A, %add3A_362 : vector<16xi32>
      %add3A_364 = arith.constant 6 : i32
      %add3A_365 = vector.broadcast %add3A_364 : i32 to vector<16xi32>
      %add3A_366 = arith.addi %broadcast_in_dim3A_96, %add3A_365 : vector<16xi32>
      %gather3A_367 = tpu.vector_load_idx %arg9[%add3A_363, %add3A_366] : memref<48x640xf32, #tpu.memory_space<vmem>>[vector<16xi32>, vector<16xi32>], vector<16xf32>,
      %mul3A_368 = arith.constant 16 : i32
      %mul3A_369 = arith.muli %scan3A_93, %mul3A_368 : i32
      %add3A_370 = arith.constant 6 : i32
      %add3A_371 = arith.addi %mul3A_369, %add3A_370 : i32
      %swap3A_372 = arith.index_cast %add3A_371 : i32 to index
      %swap3A_373 = arith.constant 16 : index
      %swap3A_374 = tpu.vector_load %arg10[%swap3A_372, %swap3A_373] {strides = array<i32>} : memref<640x48xf32, #tpu.memory_space<vmem>>, vector<16xf32>,
      tpu.vector_store %arg10[%swap3A_372, %swap3A_373], %gather3A_367 {strides = array<i32>} : memref<640x48xf32, #tpu.memory_space<vmem>>, vector<16xf32>,
      %add3A_375 = arith.constant 32 : i32
      %add3A_376 = vector.broadcast %add3A_375 : i32 to vector<16xi32>
      %add3A_377 = arith.addi %iota3A, %add3A_376 : vector<16xi32>
      %add3A_378 = arith.constant 6 : i32
      %add3A_379 = vector.broadcast %add3A_378 : i32 to vector<16xi32>
      %add3A_380 = arith.addi %broadcast_in_dim3A_96, %add3A_379 : vector<16xi32>
      %gather3A_381 = tpu.vector_load_idx %arg9[%add3A_377, %add3A_380] : memref<48x640xf32, #tpu.memory_space<vmem>>[vector<16xi32>, vector<16xi32>], vector<16xf32>,
      %mul3A_382 = arith.constant 16 : i32
      %mul3A_383 = arith.muli %scan3A_93, %mul3A_382 : i32
      %add3A_384 = arith.constant 6 : i32
      %add3A_385 = arith.addi %mul3A_383, %add3A_384 : i32
      %swap3A_386 = arith.index_cast %add3A_385 : i32 to index
      %swap3A_387 = arith.constant 32 : index
      %swap3A_388 = tpu.vector_load %arg10[%swap3A_386, %swap3A_387] {strides = array<i32>} : memref<640x48xf32, #tpu.memory_space<vmem>>, vector<16xf32>,
      tpu.vector_store %arg10[%swap3A_386, %swap3A_387], %gather3A_381 {strides = array<i32>} : memref<640x48xf32, #tpu.memory_space<vmem>>, vector<16xf32>,
      %add3A_389 = arith.constant 0 : i32
      %add3A_390 = vector.broadcast %add3A_389 : i32 to vector<16xi32>
      %add3A_391 = arith.addi %iota3A, %add3A_390 : vector<16xi32>
      %add3A_392 = arith.constant 7 : i32
      %add3A_393 = vector.broadcast %add3A_392 : i32 to vector<16xi32>
      %add3A_394 = arith.addi %broadcast_in_dim3A_96, %add3A_393 : vector<16xi32>
      %gather3A_395 = tpu.vector_load_idx %arg9[%add3A_391, %add3A_394] : memref<48x640xf32, #tpu.memory_space<vmem>>[vector<16xi32>, vector<16xi32>], vector<16xf32>,
      %mul3A_396 = arith.constant 16 : i32
      %mul3A_397 = arith.muli %scan3A_93, %mul3A_396 : i32
      %add3A_398 = arith.constant 7 : i32
      %add3A_399 = arith.addi %mul3A_397, %add3A_398 : i32
      %swap3A_400 = arith.index_cast %add3A_399 : i32 to index
      %swap3A_401 = arith.constant 0 : index
      %swap3A_402 = tpu.vector_load %arg10[%swap3A_400, %swap3A_401] {strides = array<i32>} : memref<640x48xf32, #tpu.memory_space<vmem>>, vector<16xf32>,
      tpu.vector_store %arg10[%swap3A_400, %swap3A_401], %gather3A_395 {strides = array<i32>} : memref<640x48xf32, #tpu.memory_space<vmem>>, vector<16xf32>,
      %add3A_403 = arith.constant 16 : i32
      %add3A_404 = vector.broadcast %add3A_403 : i32 to vector<16xi32>
      %add3A_405 = arith.addi %iota3A, %add3A_404 : vector<16xi32>
      %add3A_406 = arith.constant 7 : i32
      %add3A_407 = vector.broadcast %add3A_406 : i32 to vector<16xi32>
      %add3A_408 = arith.addi %broadcast_in_dim3A_96, %add3A_407 : vector<16xi32>
      %gather3A_409 = tpu.vector_load_idx %arg9[%add3A_405, %add3A_408] : memref<48x640xf32, #tpu.memory_space<vmem>>[vector<16xi32>, vector<16xi32>], vector<16xf32>,
      %mul3A_410 = arith.constant 16 : i32
      %mul3A_411 = arith.muli %scan3A_93, %mul3A_410 : i32
      %add3A_412 = arith.constant 7 : i32
      %add3A_413 = arith.addi %mul3A_411, %add3A_412 : i32
      %swap3A_414 = arith.index_cast %add3A_413 : i32 to index
      %swap3A_415 = arith.constant 16 : index
      %swap3A_416 = tpu.vector_load %arg10[%swap3A_414, %swap3A_415] {strides = array<i32>} : memref<640x48xf32, #tpu.memory_space<vmem>>, vector<16xf32>,
      tpu.vector_store %arg10[%swap3A_414, %swap3A_415], %gather3A_409 {strides = array<i32>} : memref<640x48xf32, #tpu.memory_space<vmem>>, vector<16xf32>,
      %add3A_417 = arith.constant 32 : i32
      %add3A_418 = vector.broadcast %add3A_417 : i32 to vector<16xi32>
      %add3A_419 = arith.addi %iota3A, %add3A_418 : vector<16xi32>
      %add3A_420 = arith.constant 7 : i32
      %add3A_421 = vector.broadcast %add3A_420 : i32 to vector<16xi32>
      %add3A_422 = arith.addi %broadcast_in_dim3A_96, %add3A_421 : vector<16xi32>
      %gather3A_423 = tpu.vector_load_idx %arg9[%add3A_419, %add3A_422] : memref<48x640xf32, #tpu.memory_space<vmem>>[vector<16xi32>, vector<16xi32>], vector<16xf32>,
      %mul3A_424 = arith.constant 16 : i32
      %mul3A_425 = arith.muli %scan3A_93, %mul3A_424 : i32
      %add3A_426 = arith.constant 7 : i32
      %add3A_427 = arith.addi %mul3A_425, %add3A_426 : i32
      %swap3A_428 = arith.index_cast %add3A_427 : i32 to index
      %swap3A_429 = arith.constant 32 : index
      %swap3A_430 = tpu.vector_load %arg10[%swap3A_428, %swap3A_429] {strides = array<i32>} : memref<640x48xf32, #tpu.memory_space<vmem>>, vector<16xf32>,
      tpu.vector_store %arg10[%swap3A_428, %swap3A_429], %gather3A_423 {strides = array<i32>} : memref<640x48xf32, #tpu.memory_space<vmem>>, vector<16xf32>,
      %add3A_431 = arith.constant 0 : i32
      %add3A_432 = vector.broadcast %add3A_431 : i32 to vector<16xi32>
      %add3A_433 = arith.addi %iota3A, %add3A_432 : vector<16xi32>
      %add3A_434 = arith.constant 8 : i32
      %add3A_435 = vector.broadcast %add3A_434 : i32 to vector<16xi32>
      %add3A_436 = arith.addi %broadcast_in_dim3A_96, %add3A_435 : vector<16xi32>
      %gather3A_437 = tpu.vector_load_idx %arg9[%add3A_433, %add3A_436] : memref<48x640xf32, #tpu.memory_space<vmem>>[vector<16xi32>, vector<16xi32>], vector<16xf32>,
      %mul3A_438 = arith.constant 16 : i32
      %mul3A_439 = arith.muli %scan3A_93, %mul3A_438 : i32
      %add3A_440 = arith.constant 8 : i32
      %add3A_441 = arith.addi %mul3A_439, %add3A_440 : i32
      %swap3A_442 = arith.index_cast %add3A_441 : i32 to index
      %swap3A_443 = arith.constant 0 : index
      %swap3A_444 = tpu.vector_load %arg10[%swap3A_442, %swap3A_443] {strides = array<i32>} : memref<640x48xf32, #tpu.memory_space<vmem>>, vector<16xf32>,
      tpu.vector_store %arg10[%swap3A_442, %swap3A_443], %gather3A_437 {strides = array<i32>} : memref<640x48xf32, #tpu.memory_space<vmem>>, vector<16xf32>,
      %add3A_445 = arith.constant 16 : i32
      %add3A_446 = vector.broadcast %add3A_445 : i32 to vector<16xi32>
      %add3A_447 = arith.addi %iota3A, %add3A_446 : vector<16xi32>
      %add3A_448 = arith.constant 8 : i32
      %add3A_449 = vector.broadcast %add3A_448 : i32 to vector<16xi32>
      %add3A_450 = arith.addi %broadcast_in_dim3A_96, %add3A_449 : vector<16xi32>
      %gather3A_451 = tpu.vector_load_idx %arg9[%add3A_447, %add3A_450] : memref<48x640xf32, #tpu.memory_space<vmem>>[vector<16xi32>, vector<16xi32>], vector<16xf32>,
      %mul3A_452 = arith.constant 16 : i32
      %mul3A_453 = arith.muli %scan3A_93, %mul3A_452 : i32
      %add3A_454 = arith.constant 8 : i32
      %add3A_455 = arith.addi %mul3A_453, %add3A_454 : i32
      %swap3A_456 = arith.index_cast %add3A_455 : i32 to index
      %swap3A_457 = arith.constant 16 : index
      %swap3A_458 = tpu.vector_load %arg10[%swap3A_456, %swap3A_457] {strides = array<i32>} : memref<640x48xf32, #tpu.memory_space<vmem>>, vector<16xf32>,
      tpu.vector_store %arg10[%swap3A_456, %swap3A_457], %gather3A_451 {strides = array<i32>} : memref<640x48xf32, #tpu.memory_space<vmem>>, vector<16xf32>,
      %add3A_459 = arith.constant 32 : i32
      %add3A_460 = vector.broadcast %add3A_459 : i32 to vector<16xi32>
      %add3A_461 = arith.addi %iota3A, %add3A_460 : vector<16xi32>
      %add3A_462 = arith.constant 8 : i32
      %add3A_463 = vector.broadcast %add3A_462 : i32 to vector<16xi32>
      %add3A_464 = arith.addi %broadcast_in_dim3A_96, %add3A_463 : vector<16xi32>
      %gather3A_465 = tpu.vector_load_idx %arg9[%add3A_461, %add3A_464] : memref<48x640xf32, #tpu.memory_space<vmem>>[vector<16xi32>, vector<16xi32>], vector<16xf32>,
      %mul3A_466 = arith.constant 16 : i32
      %mul3A_467 = arith.muli %scan3A_93, %mul3A_466 : i32
      %add3A_468 = arith.constant 8 : i32
      %add3A_469 = arith.addi %mul3A_467, %add3A_468 : i32
      %swap3A_470 = arith.index_cast %add3A_469 : i32 to index
      %swap3A_471 = arith.constant 32 : index
      %swap3A_472 = tpu.vector_load %arg10[%swap3A_470, %swap3A_471] {strides = array<i32>} : memref<640x48xf32, #tpu.memory_space<vmem>>, vector<16xf32>,
      tpu.vector_store %arg10[%swap3A_470, %swap3A_471], %gather3A_465 {strides = array<i32>} : memref<640x48xf32, #tpu.memory_space<vmem>>, vector<16xf32>,
      %add3A_473 = arith.constant 0 : i32
      %add3A_474 = vector.broadcast %add3A_473 : i32 to vector<16xi32>
      %add3A_475 = arith.addi %iota3A, %add3A_474 : vector<16xi32>
      %add3A_476 = arith.constant 9 : i32
      %add3A_477 = vector.broadcast %add3A_476 : i32 to vector<16xi32>
      %add3A_478 = arith.addi %broadcast_in_dim3A_96, %add3A_477 : vector<16xi32>
      %gather3A_479 = tpu.vector_load_idx %arg9[%add3A_475, %add3A_478] : memref<48x640xf32, #tpu.memory_space<vmem>>[vector<16xi32>, vector<16xi32>], vector<16xf32>,
      %mul3A_480 = arith.constant 16 : i32
      %mul3A_481 = arith.muli %scan3A_93, %mul3A_480 : i32
      %add3A_482 = arith.constant 9 : i32
      %add3A_483 = arith.addi %mul3A_481, %add3A_482 : i32
      %swap3A_484 = arith.index_cast %add3A_483 : i32 to index
      %swap3A_485 = arith.constant 0 : index
      %swap3A_486 = tpu.vector_load %arg10[%swap3A_484, %swap3A_485] {strides = array<i32>} : memref<640x48xf32, #tpu.memory_space<vmem>>, vector<16xf32>,
      tpu.vector_store %arg10[%swap3A_484, %swap3A_485], %gather3A_479 {strides = array<i32>} : memref<640x48xf32, #tpu.memory_space<vmem>>, vector<16xf32>,
      %add3A_487 = arith.constant 16 : i32
      %add3A_488 = vector.broadcast %add3A_487 : i32 to vector<16xi32>
      %add3A_489 = arith.addi %iota3A, %add3A_488 : vector<16xi32>
      %add3A_490 = arith.constant 9 : i32
      %add3A_491 = vector.broadcast %add3A_490 : i32 to vector<16xi32>
      %add3A_492 = arith.addi %broadcast_in_dim3A_96, %add3A_491 : vector<16xi32>
      %gather3A_493 = tpu.vector_load_idx %arg9[%add3A_489, %add3A_492] : memref<48x640xf32, #tpu.memory_space<vmem>>[vector<16xi32>, vector<16xi32>], vector<16xf32>,
      %mul3A_494 = arith.constant 16 : i32
      %mul3A_495 = arith.muli %scan3A_93, %mul3A_494 : i32
      %add3A_496 = arith.constant 9 : i32
      %add3A_497 = arith.addi %mul3A_495, %add3A_496 : i32
      %swap3A_498 = arith.index_cast %add3A_497 : i32 to index
      %swap3A_499 = arith.constant 16 : index
      %swap3A_500 = tpu.vector_load %arg10[%swap3A_498, %swap3A_499] {strides = array<i32>} : memref<640x48xf32, #tpu.memory_space<vmem>>, vector<16xf32>,
      tpu.vector_store %arg10[%swap3A_498, %swap3A_499], %gather3A_493 {strides = array<i32>} : memref<640x48xf32, #tpu.memory_space<vmem>>, vector<16xf32>,
      %add3A_501 = arith.constant 32 : i32
      %add3A_502 = vector.broadcast %add3A_501 : i32 to vector<16xi32>
      %add3A_503 = arith.addi %iota3A, %add3A_502 : vector<16xi32>
      %add3A_504 = arith.constant 9 : i32
      %add3A_505 = vector.broadcast %add3A_504 : i32 to vector<16xi32>
      %add3A_506 = arith.addi %broadcast_in_dim3A_96, %add3A_505 : vector<16xi32>
      %gather3A_507 = tpu.vector_load_idx %arg9[%add3A_503, %add3A_506] : memref<48x640xf32, #tpu.memory_space<vmem>>[vector<16xi32>, vector<16xi32>], vector<16xf32>,
      %mul3A_508 = arith.constant 16 : i32
      %mul3A_509 = arith.muli %scan3A_93, %mul3A_508 : i32
      %add3A_510 = arith.constant 9 : i32
      %add3A_511 = arith.addi %mul3A_509, %add3A_510 : i32
      %swap3A_512 = arith.index_cast %add3A_511 : i32 to index
      %swap3A_513 = arith.constant 32 : index
      %swap3A_514 = tpu.vector_load %arg10[%swap3A_512, %swap3A_513] {strides = array<i32>} : memref<640x48xf32, #tpu.memory_space<vmem>>, vector<16xf32>,
      tpu.vector_store %arg10[%swap3A_512, %swap3A_513], %gather3A_507 {strides = array<i32>} : memref<640x48xf32, #tpu.memory_space<vmem>>, vector<16xf32>,
      %add3A_515 = arith.constant 0 : i32
      %add3A_516 = vector.broadcast %add3A_515 : i32 to vector<16xi32>
      %add3A_517 = arith.addi %iota3A, %add3A_516 : vector<16xi32>
      %add3A_518 = arith.constant 10 : i32
      %add3A_519 = vector.broadcast %add3A_518 : i32 to vector<16xi32>
      %add3A_520 = arith.addi %broadcast_in_dim3A_96, %add3A_519 : vector<16xi32>
      %gather3A_521 = tpu.vector_load_idx %arg9[%add3A_517, %add3A_520] : memref<48x640xf32, #tpu.memory_space<vmem>>[vector<16xi32>, vector<16xi32>], vector<16xf32>,
      %mul3A_522 = arith.constant 16 : i32
      %mul3A_523 = arith.muli %scan3A_93, %mul3A_522 : i32
      %add3A_524 = arith.constant 10 : i32
      %add3A_525 = arith.addi %mul3A_523, %add3A_524 : i32
      %swap3A_526 = arith.index_cast %add3A_525 : i32 to index
      %swap3A_527 = arith.constant 0 : index
      %swap3A_528 = tpu.vector_load %arg10[%swap3A_526, %swap3A_527] {strides = array<i32>} : memref<640x48xf32, #tpu.memory_space<vmem>>, vector<16xf32>,
      tpu.vector_store %arg10[%swap3A_526, %swap3A_527], %gather3A_521 {strides = array<i32>} : memref<640x48xf32, #tpu.memory_space<vmem>>, vector<16xf32>,
      %add3A_529 = arith.constant 16 : i32
      %add3A_530 = vector.broadcast %add3A_529 : i32 to vector<16xi32>
      %add3A_531 = arith.addi %iota3A, %add3A_530 : vector<16xi32>
      %add3A_532 = arith.constant 10 : i32
      %add3A_533 = vector.broadcast %add3A_532 : i32 to vector<16xi32>
      %add3A_534 = arith.addi %broadcast_in_dim3A_96, %add3A_533 : vector<16xi32>
      %gather3A_535 = tpu.vector_load_idx %arg9[%add3A_531, %add3A_534] : memref<48x640xf32, #tpu.memory_space<vmem>>[vector<16xi32>, vector<16xi32>], vector<16xf32>,
      %mul3A_536 = arith.constant 16 : i32
      %mul3A_537 = arith.muli %scan3A_93, %mul3A_536 : i32
      %add3A_538 = arith.constant 10 : i32
      %add3A_539 = arith.addi %mul3A_537, %add3A_538 : i32
      %swap3A_540 = arith.index_cast %add3A_539 : i32 to index
      %swap3A_541 = arith.constant 16 : index
      %swap3A_542 = tpu.vector_load %arg10[%swap3A_540, %swap3A_541] {strides = array<i32>} : memref<640x48xf32, #tpu.memory_space<vmem>>, vector<16xf32>,
      tpu.vector_store %arg10[%swap3A_540, %swap3A_541], %gather3A_535 {strides = array<i32>} : memref<640x48xf32, #tpu.memory_space<vmem>>, vector<16xf32>,
      %add3A_543 = arith.constant 32 : i32
      %add3A_544 = vector.broadcast %add3A_543 : i32 to vector<16xi32>
      %add3A_545 = arith.addi %iota3A, %add3A_544 : vector<16xi32>
      %add3A_546 = arith.constant 10 : i32
      %add3A_547 = vector.broadcast %add3A_546 : i32 to vector<16xi32>
      %add3A_548 = arith.addi %broadcast_in_dim3A_96, %add3A_547 : vector<16xi32>
      %gather3A_549 = tpu.vector_load_idx %arg9[%add3A_545, %add3A_548] : memref<48x640xf32, #tpu.memory_space<vmem>>[vector<16xi32>, vector<16xi32>], vector<16xf32>,
      %mul3A_550 = arith.constant 16 : i32
      %mul3A_551 = arith.muli %scan3A_93, %mul3A_550 : i32
      %add3A_552 = arith.constant 10 : i32
      %add3A_553 = arith.addi %mul3A_551, %add3A_552 : i32
      %swap3A_554 = arith.index_cast %add3A_553 : i32 to index
      %swap3A_555 = arith.constant 32 : index
      %swap3A_556 = tpu.vector_load %arg10[%swap3A_554, %swap3A_555] {strides = array<i32>} : memref<640x48xf32, #tpu.memory_space<vmem>>, vector<16xf32>,
      tpu.vector_store %arg10[%swap3A_554, %swap3A_555], %gather3A_549 {strides = array<i32>} : memref<640x48xf32, #tpu.memory_space<vmem>>, vector<16xf32>,
      %add3A_557 = arith.constant 0 : i32
      %add3A_558 = vector.broadcast %add3A_557 : i32 to vector<16xi32>
      %add3A_559 = arith.addi %iota3A, %add3A_558 : vector<16xi32>
      %add3A_560 = arith.constant 11 : i32
      %add3A_561 = vector.broadcast %add3A_560 : i32 to vector<16xi32>
      %add3A_562 = arith.addi %broadcast_in_dim3A_96, %add3A_561 : vector<16xi32>
      %gather3A_563 = tpu.vector_load_idx %arg9[%add3A_559, %add3A_562] : memref<48x640xf32, #tpu.memory_space<vmem>>[vector<16xi32>, vector<16xi32>], vector<16xf32>,
      %mul3A_564 = arith.constant 16 : i32
      %mul3A_565 = arith.muli %scan3A_93, %mul3A_564 : i32
      %add3A_566 = arith.constant 11 : i32
      %add3A_567 = arith.addi %mul3A_565, %add3A_566 : i32
      %swap3A_568 = arith.index_cast %add3A_567 : i32 to index
      %swap3A_569 = arith.constant 0 : index
      %swap3A_570 = tpu.vector_load %arg10[%swap3A_568, %swap3A_569] {strides = array<i32>} : memref<640x48xf32, #tpu.memory_space<vmem>>, vector<16xf32>,
      tpu.vector_store %arg10[%swap3A_568, %swap3A_569], %gather3A_563 {strides = array<i32>} : memref<640x48xf32, #tpu.memory_space<vmem>>, vector<16xf32>,
      %add3A_571 = arith.constant 16 : i32
      %add3A_572 = vector.broadcast %add3A_571 : i32 to vector<16xi32>
      %add3A_573 = arith.addi %iota3A, %add3A_572 : vector<16xi32>
      %add3A_574 = arith.constant 11 : i32
      %add3A_575 = vector.broadcast %add3A_574 : i32 to vector<16xi32>
      %add3A_576 = arith.addi %broadcast_in_dim3A_96, %add3A_575 : vector<16xi32>
      %gather3A_577 = tpu.vector_load_idx %arg9[%add3A_573, %add3A_576] : memref<48x640xf32, #tpu.memory_space<vmem>>[vector<16xi32>, vector<16xi32>], vector<16xf32>,
      %mul3A_578 = arith.constant 16 : i32
      %mul3A_579 = arith.muli %scan3A_93, %mul3A_578 : i32
      %add3A_580 = arith.constant 11 : i32
      %add3A_581 = arith.addi %mul3A_579, %add3A_580 : i32
      %swap3A_582 = arith.index_cast %add3A_581 : i32 to index
      %swap3A_583 = arith.constant 16 : index
      %swap3A_584 = tpu.vector_load %arg10[%swap3A_582, %swap3A_583] {strides = array<i32>} : memref<640x48xf32, #tpu.memory_space<vmem>>, vector<16xf32>,
      tpu.vector_store %arg10[%swap3A_582, %swap3A_583], %gather3A_577 {strides = array<i32>} : memref<640x48xf32, #tpu.memory_space<vmem>>, vector<16xf32>,
      %add3A_585 = arith.constant 32 : i32
      %add3A_586 = vector.broadcast %add3A_585 : i32 to vector<16xi32>
      %add3A_587 = arith.addi %iota3A, %add3A_586 : vector<16xi32>
      %add3A_588 = arith.constant 11 : i32
      %add3A_589 = vector.broadcast %add3A_588 : i32 to vector<16xi32>
      %add3A_590 = arith.addi %broadcast_in_dim3A_96, %add3A_589 : vector<16xi32>
      %gather3A_591 = tpu.vector_load_idx %arg9[%add3A_587, %add3A_590] : memref<48x640xf32, #tpu.memory_space<vmem>>[vector<16xi32>, vector<16xi32>], vector<16xf32>,
      %mul3A_592 = arith.constant 16 : i32
      %mul3A_593 = arith.muli %scan3A_93, %mul3A_592 : i32
      %add3A_594 = arith.constant 11 : i32
      %add3A_595 = arith.addi %mul3A_593, %add3A_594 : i32
      %swap3A_596 = arith.index_cast %add3A_595 : i32 to index
      %swap3A_597 = arith.constant 32 : index
      %swap3A_598 = tpu.vector_load %arg10[%swap3A_596, %swap3A_597] {strides = array<i32>} : memref<640x48xf32, #tpu.memory_space<vmem>>, vector<16xf32>,
      tpu.vector_store %arg10[%swap3A_596, %swap3A_597], %gather3A_591 {strides = array<i32>} : memref<640x48xf32, #tpu.memory_space<vmem>>, vector<16xf32>,
      %add3A_599 = arith.constant 0 : i32
      %add3A_600 = vector.broadcast %add3A_599 : i32 to vector<16xi32>
      %add3A_601 = arith.addi %iota3A, %add3A_600 : vector<16xi32>
      %add3A_602 = arith.constant 12 : i32
      %add3A_603 = vector.broadcast %add3A_602 : i32 to vector<16xi32>
      %add3A_604 = arith.addi %broadcast_in_dim3A_96, %add3A_603 : vector<16xi32>
      %gather3A_605 = tpu.vector_load_idx %arg9[%add3A_601, %add3A_604] : memref<48x640xf32, #tpu.memory_space<vmem>>[vector<16xi32>, vector<16xi32>], vector<16xf32>,
      %mul3A_606 = arith.constant 16 : i32
      %mul3A_607 = arith.muli %scan3A_93, %mul3A_606 : i32
      %add3A_608 = arith.constant 12 : i32
      %add3A_609 = arith.addi %mul3A_607, %add3A_608 : i32
      %swap3A_610 = arith.index_cast %add3A_609 : i32 to index
      %swap3A_611 = arith.constant 0 : index
      %swap3A_612 = tpu.vector_load %arg10[%swap3A_610, %swap3A_611] {strides = array<i32>} : memref<640x48xf32, #tpu.memory_space<vmem>>, vector<16xf32>,
      tpu.vector_store %arg10[%swap3A_610, %swap3A_611], %gather3A_605 {strides = array<i32>} : memref<640x48xf32, #tpu.memory_space<vmem>>, vector<16xf32>,
      %add3A_613 = arith.constant 16 : i32
      %add3A_614 = vector.broadcast %add3A_613 : i32 to vector<16xi32>
      %add3A_615 = arith.addi %iota3A, %add3A_614 : vector<16xi32>
      %add3A_616 = arith.constant 12 : i32
      %add3A_617 = vector.broadcast %add3A_616 : i32 to vector<16xi32>
      %add3A_618 = arith.addi %broadcast_in_dim3A_96, %add3A_617 : vector<16xi32>
      %gather3A_619 = tpu.vector_load_idx %arg9[%add3A_615, %add3A_618] : memref<48x640xf32, #tpu.memory_space<vmem>>[vector<16xi32>, vector<16xi32>], vector<16xf32>,
      %mul3A_620 = arith.constant 16 : i32
      %mul3A_621 = arith.muli %scan3A_93, %mul3A_620 : i32
      %add3A_622 = arith.constant 12 : i32
      %add3A_623 = arith.addi %mul3A_621, %add3A_622 : i32
      %swap3A_624 = arith.index_cast %add3A_623 : i32 to index
      %swap3A_625 = arith.constant 16 : index
      %swap3A_626 = tpu.vector_load %arg10[%swap3A_624, %swap3A_625] {strides = array<i32>} : memref<640x48xf32, #tpu.memory_space<vmem>>, vector<16xf32>,
      tpu.vector_store %arg10[%swap3A_624, %swap3A_625], %gather3A_619 {strides = array<i32>} : memref<640x48xf32, #tpu.memory_space<vmem>>, vector<16xf32>,
      %add3A_627 = arith.constant 32 : i32
      %add3A_628 = vector.broadcast %add3A_627 : i32 to vector<16xi32>
      %add3A_629 = arith.addi %iota3A, %add3A_628 : vector<16xi32>
      %add3A_630 = arith.constant 12 : i32
      %add3A_631 = vector.broadcast %add3A_630 : i32 to vector<16xi32>
      %add3A_632 = arith.addi %broadcast_in_dim3A_96, %add3A_631 : vector<16xi32>
      %gather3A_633 = tpu.vector_load_idx %arg9[%add3A_629, %add3A_632] : memref<48x640xf32, #tpu.memory_space<vmem>>[vector<16xi32>, vector<16xi32>], vector<16xf32>,
      %mul3A_634 = arith.constant 16 : i32
      %mul3A_635 = arith.muli %scan3A_93, %mul3A_634 : i32
      %add3A_636 = arith.constant 12 : i32
      %add3A_637 = arith.addi %mul3A_635, %add3A_636 : i32
      %swap3A_638 = arith.index_cast %add3A_637 : i32 to index
      %swap3A_639 = arith.constant 32 : index
      %swap3A_640 = tpu.vector_load %arg10[%swap3A_638, %swap3A_639] {strides = array<i32>} : memref<640x48xf32, #tpu.memory_space<vmem>>, vector<16xf32>,
      tpu.vector_store %arg10[%swap3A_638, %swap3A_639], %gather3A_633 {strides = array<i32>} : memref<640x48xf32, #tpu.memory_space<vmem>>, vector<16xf32>,
      %add3A_641 = arith.constant 0 : i32
      %add3A_642 = vector.broadcast %add3A_641 : i32 to vector<16xi32>
      %add3A_643 = arith.addi %iota3A, %add3A_642 : vector<16xi32>
      %add3A_644 = arith.constant 13 : i32
      %add3A_645 = vector.broadcast %add3A_644 : i32 to vector<16xi32>
      %add3A_646 = arith.addi %broadcast_in_dim3A_96, %add3A_645 : vector<16xi32>
      %gather3A_647 = tpu.vector_load_idx %arg9[%add3A_643, %add3A_646] : memref<48x640xf32, #tpu.memory_space<vmem>>[vector<16xi32>, vector<16xi32>], vector<16xf32>,
      %mul3A_648 = arith.constant 16 : i32
      %mul3A_649 = arith.muli %scan3A_93, %mul3A_648 : i32
      %add3A_650 = arith.constant 13 : i32
      %add3A_651 = arith.addi %mul3A_649, %add3A_650 : i32
      %swap3A_652 = arith.index_cast %add3A_651 : i32 to index
      %swap3A_653 = arith.constant 0 : index
      %swap3A_654 = tpu.vector_load %arg10[%swap3A_652, %swap3A_653] {strides = array<i32>} : memref<640x48xf32, #tpu.memory_space<vmem>>, vector<16xf32>,
      tpu.vector_store %arg10[%swap3A_652, %swap3A_653], %gather3A_647 {strides = array<i32>} : memref<640x48xf32, #tpu.memory_space<vmem>>, vector<16xf32>,
      %add3A_655 = arith.constant 16 : i32
      %add3A_656 = vector.broadcast %add3A_655 : i32 to vector<16xi32>
      %add3A_657 = arith.addi %iota3A, %add3A_656 : vector<16xi32>
      %add3A_658 = arith.constant 13 : i32
      %add3A_659 = vector.broadcast %add3A_658 : i32 to vector<16xi32>
      %add3A_660 = arith.addi %broadcast_in_dim3A_96, %add3A_659 : vector<16xi32>
      %gather3A_661 = tpu.vector_load_idx %arg9[%add3A_657, %add3A_660] : memref<48x640xf32, #tpu.memory_space<vmem>>[vector<16xi32>, vector<16xi32>], vector<16xf32>,
      %mul3A_662 = arith.constant 16 : i32
      %mul3A_663 = arith.muli %scan3A_93, %mul3A_662 : i32
      %add3A_664 = arith.constant 13 : i32
      %add3A_665 = arith.addi %mul3A_663, %add3A_664 : i32
      %swap3A_666 = arith.index_cast %add3A_665 : i32 to index
      %swap3A_667 = arith.constant 16 : index
      %swap3A_668 = tpu.vector_load %arg10[%swap3A_666, %swap3A_667] {strides = array<i32>} : memref<640x48xf32, #tpu.memory_space<vmem>>, vector<16xf32>,
      tpu.vector_store %arg10[%swap3A_666, %swap3A_667], %gather3A_661 {strides = array<i32>} : memref<640x48xf32, #tpu.memory_space<vmem>>, vector<16xf32>,
      %add3A_669 = arith.constant 32 : i32
      %add3A_670 = vector.broadcast %add3A_669 : i32 to vector<16xi32>
      %add3A_671 = arith.addi %iota3A, %add3A_670 : vector<16xi32>
      %add3A_672 = arith.constant 13 : i32
      %add3A_673 = vector.broadcast %add3A_672 : i32 to vector<16xi32>
      %add3A_674 = arith.addi %broadcast_in_dim3A_96, %add3A_673 : vector<16xi32>
      %gather3A_675 = tpu.vector_load_idx %arg9[%add3A_671, %add3A_674] : memref<48x640xf32, #tpu.memory_space<vmem>>[vector<16xi32>, vector<16xi32>], vector<16xf32>,
      %mul3A_676 = arith.constant 16 : i32
      %mul3A_677 = arith.muli %scan3A_93, %mul3A_676 : i32
      %add3A_678 = arith.constant 13 : i32
      %add3A_679 = arith.addi %mul3A_677, %add3A_678 : i32
      %swap3A_680 = arith.index_cast %add3A_679 : i32 to index
      %swap3A_681 = arith.constant 32 : index
      %swap3A_682 = tpu.vector_load %arg10[%swap3A_680, %swap3A_681] {strides = array<i32>} : memref<640x48xf32, #tpu.memory_space<vmem>>, vector<16xf32>,
      tpu.vector_store %arg10[%swap3A_680, %swap3A_681], %gather3A_675 {strides = array<i32>} : memref<640x48xf32, #tpu.memory_space<vmem>>, vector<16xf32>,
      %add3A_683 = arith.constant 0 : i32
      %add3A_684 = vector.broadcast %add3A_683 : i32 to vector<16xi32>
      %add3A_685 = arith.addi %iota3A, %add3A_684 : vector<16xi32>
      %add3A_686 = arith.constant 14 : i32
      %add3A_687 = vector.broadcast %add3A_686 : i32 to vector<16xi32>
      %add3A_688 = arith.addi %broadcast_in_dim3A_96, %add3A_687 : vector<16xi32>
      %gather3A_689 = tpu.vector_load_idx %arg9[%add3A_685, %add3A_688] : memref<48x640xf32, #tpu.memory_space<vmem>>[vector<16xi32>, vector<16xi32>], vector<16xf32>,
      %mul3A_690 = arith.constant 16 : i32
      %mul3A_691 = arith.muli %scan3A_93, %mul3A_690 : i32
      %add3A_692 = arith.constant 14 : i32
      %add3A_693 = arith.addi %mul3A_691, %add3A_692 : i32
      %swap3A_694 = arith.index_cast %add3A_693 : i32 to index
      %swap3A_695 = arith.constant 0 : index
      %swap3A_696 = tpu.vector_load %arg10[%swap3A_694, %swap3A_695] {strides = array<i32>} : memref<640x48xf32, #tpu.memory_space<vmem>>, vector<16xf32>,
      tpu.vector_store %arg10[%swap3A_694, %swap3A_695], %gather3A_689 {strides = array<i32>} : memref<640x48xf32, #tpu.memory_space<vmem>>, vector<16xf32>,
      %add3A_697 = arith.constant 16 : i32
      %add3A_698 = vector.broadcast %add3A_697 : i32 to vector<16xi32>
      %add3A_699 = arith.addi %iota3A, %add3A_698 : vector<16xi32>
      %add3A_700 = arith.constant 14 : i32
      %add3A_701 = vector.broadcast %add3A_700 : i32 to vector<16xi32>
      %add3A_702 = arith.addi %broadcast_in_dim3A_96, %add3A_701 : vector<16xi32>
      %gather3A_703 = tpu.vector_load_idx %arg9[%add3A_699, %add3A_702] : memref<48x640xf32, #tpu.memory_space<vmem>>[vector<16xi32>, vector<16xi32>], vector<16xf32>,
      %mul3A_704 = arith.constant 16 : i32
      %mul3A_705 = arith.muli %scan3A_93, %mul3A_704 : i32
      %add3A_706 = arith.constant 14 : i32
      %add3A_707 = arith.addi %mul3A_705, %add3A_706 : i32
      %swap3A_708 = arith.index_cast %add3A_707 : i32 to index
      %swap3A_709 = arith.constant 16 : index
      %swap3A_710 = tpu.vector_load %arg10[%swap3A_708, %swap3A_709] {strides = array<i32>} : memref<640x48xf32, #tpu.memory_space<vmem>>, vector<16xf32>,
      tpu.vector_store %arg10[%swap3A_708, %swap3A_709], %gather3A_703 {strides = array<i32>} : memref<640x48xf32, #tpu.memory_space<vmem>>, vector<16xf32>,
      %add3A_711 = arith.constant 32 : i32
      %add3A_712 = vector.broadcast %add3A_711 : i32 to vector<16xi32>
      %add3A_713 = arith.addi %iota3A, %add3A_712 : vector<16xi32>
      %add3A_714 = arith.constant 14 : i32
      %add3A_715 = vector.broadcast %add3A_714 : i32 to vector<16xi32>
      %add3A_716 = arith.addi %broadcast_in_dim3A_96, %add3A_715 : vector<16xi32>
      %gather3A_717 = tpu.vector_load_idx %arg9[%add3A_713, %add3A_716] : memref<48x640xf32, #tpu.memory_space<vmem>>[vector<16xi32>, vector<16xi32>], vector<16xf32>,
      %mul3A_718 = arith.constant 16 : i32
      %mul3A_719 = arith.muli %scan3A_93, %mul3A_718 : i32
      %add3A_720 = arith.constant 14 : i32
      %add3A_721 = arith.addi %mul3A_719, %add3A_720 : i32
      %swap3A_722 = arith.index_cast %add3A_721 : i32 to index
      %swap3A_723 = arith.constant 32 : index
      %swap3A_724 = tpu.vector_load %arg10[%swap3A_722, %swap3A_723] {strides = array<i32>} : memref<640x48xf32, #tpu.memory_space<vmem>>, vector<16xf32>,
      tpu.vector_store %arg10[%swap3A_722, %swap3A_723], %gather3A_717 {strides = array<i32>} : memref<640x48xf32, #tpu.memory_space<vmem>>, vector<16xf32>,
      %add3A_725 = arith.constant 0 : i32
      %add3A_726 = vector.broadcast %add3A_725 : i32 to vector<16xi32>
      %add3A_727 = arith.addi %iota3A, %add3A_726 : vector<16xi32>
      %add3A_728 = arith.constant 15 : i32
      %add3A_729 = vector.broadcast %add3A_728 : i32 to vector<16xi32>
      %add3A_730 = arith.addi %broadcast_in_dim3A_96, %add3A_729 : vector<16xi32>
      %gather3A_731 = tpu.vector_load_idx %arg9[%add3A_727, %add3A_730] : memref<48x640xf32, #tpu.memory_space<vmem>>[vector<16xi32>, vector<16xi32>], vector<16xf32>,
      %mul3A_732 = arith.constant 16 : i32
      %mul3A_733 = arith.muli %scan3A_93, %mul3A_732 : i32
      %add3A_734 = arith.constant 15 : i32
      %add3A_735 = arith.addi %mul3A_733, %add3A_734 : i32
      %swap3A_736 = arith.index_cast %add3A_735 : i32 to index
      %swap3A_737 = arith.constant 0 : index
      %swap3A_738 = tpu.vector_load %arg10[%swap3A_736, %swap3A_737] {strides = array<i32>} : memref<640x48xf32, #tpu.memory_space<vmem>>, vector<16xf32>,
      tpu.vector_store %arg10[%swap3A_736, %swap3A_737], %gather3A_731 {strides = array<i32>} : memref<640x48xf32, #tpu.memory_space<vmem>>, vector<16xf32>,
      %add3A_739 = arith.constant 16 : i32
      %add3A_740 = vector.broadcast %add3A_739 : i32 to vector<16xi32>
      %add3A_741 = arith.addi %iota3A, %add3A_740 : vector<16xi32>
      %add3A_742 = arith.constant 15 : i32
      %add3A_743 = vector.broadcast %add3A_742 : i32 to vector<16xi32>
      %add3A_744 = arith.addi %broadcast_in_dim3A_96, %add3A_743 : vector<16xi32>
      %gather3A_745 = tpu.vector_load_idx %arg9[%add3A_741, %add3A_744] : memref<48x640xf32, #tpu.memory_space<vmem>>[vector<16xi32>, vector<16xi32>], vector<16xf32>,
      %mul3A_746 = arith.constant 16 : i32
      %mul3A_747 = arith.muli %scan3A_93, %mul3A_746 : i32
      %add3A_748 = arith.constant 15 : i32
      %add3A_749 = arith.addi %mul3A_747, %add3A_748 : i32
      %swap3A_750 = arith.index_cast %add3A_749 : i32 to index
      %swap3A_751 = arith.constant 16 : index
      %swap3A_752 = tpu.vector_load %arg10[%swap3A_750, %swap3A_751] {strides = array<i32>} : memref<640x48xf32, #tpu.memory_space<vmem>>, vector<16xf32>,
      tpu.vector_store %arg10[%swap3A_750, %swap3A_751], %gather3A_745 {strides = array<i32>} : memref<640x48xf32, #tpu.memory_space<vmem>>, vector<16xf32>,
      %add3A_753 = arith.constant 32 : i32
      %add3A_754 = vector.broadcast %add3A_753 : i32 to vector<16xi32>
      %add3A_755 = arith.addi %iota3A, %add3A_754 : vector<16xi32>
      %add3A_756 = arith.constant 15 : i32
      %add3A_757 = vector.broadcast %add3A_756 : i32 to vector<16xi32>
      %add3A_758 = arith.addi %broadcast_in_dim3A_96, %add3A_757 : vector<16xi32>
      %gather3A_759 = tpu.vector_load_idx %arg9[%add3A_755, %add3A_758] : memref<48x640xf32, #tpu.memory_space<vmem>>[vector<16xi32>, vector<16xi32>], vector<16xf32>,
      %mul3A_760 = arith.constant 16 : i32
      %mul3A_761 = arith.muli %scan3A_93, %mul3A_760 : i32
      %add3A_762 = arith.constant 15 : i32
      %add3A_763 = arith.addi %mul3A_761, %add3A_762 : i32
      %swap3A_764 = arith.index_cast %add3A_763 : i32 to index
      %swap3A_765 = arith.constant 32 : index
      %swap3A_766 = tpu.vector_load %arg10[%swap3A_764, %swap3A_765] {strides = array<i32>} : memref<640x48xf32, #tpu.memory_space<vmem>>, vector<16xf32>,
      tpu.vector_store %arg10[%swap3A_764, %swap3A_765], %gather3A_759 {strides = array<i32>} : memref<640x48xf32, #tpu.memory_space<vmem>>, vector<16xf32>,
    }
    %scan3A_54 = arith.constant 40 : i32
    %eq3A = arith.constant 0 : i32
    %eq3A_55 = arith.cmpi eq, %arg0, %eq3A : i32
    %convert_element_type3A = arith.extui %eq3A_55 : i1 to i32
    %cond3A = arith.constant 0 : i32
    %cond3A_56 = arith.cmpi ne, %convert_element_type3A, %cond3A : i32
    scf.if %cond3A_56 {
      %mul3A_93 = arith.constant 640 : i32
      %mul3A_94 = arith.muli %arg1, %mul3A_93 : i32
      "tpu.region"() ({
        %run_scoped3A_95 = tpu.sem_alloc : memref<!tpu.dma_semaphore, #tpu.memory_space<semaphore_mem>>
        %dma_start3A = arith.constant 0 : i32
        %dma_start3A_96 = tpu.memref_slice %arg14[%mul3A_94, %dma_start3A] : memref<10240x48xf32, #tpu.memory_space<hbm>> -> memref<640x48xf32, #tpu.memory_space<hbm>>
        %dma_start3A_97 = arith.constant 0 : i32
        %dma_start3A_98 = tpu.memref_slice %arg14[%mul3A_94, %dma_start3A_97] : memref<10240x48xf32, #tpu.memory_space<hbm>> -> memref<640x48xf32, #tpu.memory_space<hbm>>
        tpu.enqueue_dma source(%arg10 : memref<640x48xf32, #tpu.memory_space<vmem>>) target(%dma_start3A_98 : memref<640x48xf32, #tpu.memory_space<hbm>>) target_semaphore(%run_scoped3A_95 : memref<!tpu.dma_semaphore, #tpu.memory_space<semaphore_mem>>)
        %dma_wait3A = arith.constant 0 : i32
        %dma_wait3A_99 = tpu.memref_slice %arg14[%mul3A_94, %dma_wait3A] : memref<10240x48xf32, #tpu.memory_space<hbm>> -> memref<640x48xf32, #tpu.memory_space<hbm>>
        %dma_wait3A_100 = arith.constant 0 : i32
        %dma_wait3A_101 = tpu.memref_slice %arg14[%mul3A_94, %dma_wait3A_100] : memref<10240x48xf32, #tpu.memory_space<hbm>> -> memref<640x48xf32, #tpu.memory_space<hbm>>
        tpu.wait_dma2 semaphore(%run_scoped3A_95 : memref<!tpu.dma_semaphore, #tpu.memory_space<semaphore_mem>>) src(%arg10 : memref<640x48xf32, #tpu.memory_space<vmem>>) dst(%dma_wait3A_101 : memref<640x48xf32, #tpu.memory_space<hbm>>)
        tpu.yield
      }) : () -> ()
    } else {
    }
    %eq3A_57 = arith.constant 1 : i32
    %eq3A_58 = arith.cmpi eq, %arg0, %eq3A_57 : i32
    %convert_element_type3A_59 = arith.extui %eq3A_58 : i1 to i32
    %cond3A_60 = arith.constant 0 : i32
    %cond3A_61 = arith.cmpi ne, %convert_element_type3A_59, %cond3A_60 : i32
    scf.if %cond3A_61 {
      %mul3A_93 = arith.constant 640 : i32
      %mul3A_94 = arith.muli %arg1, %mul3A_93 : i32
      "tpu.region"() ({
        %run_scoped3A_95 = tpu.sem_alloc : memref<!tpu.dma_semaphore, #tpu.memory_space<semaphore_mem>>
        %dma_start3A = arith.constant 0 : i32
        %dma_start3A_96 = tpu.memref_slice %arg15[%mul3A_94, %dma_start3A] : memref<10240x48xf32, #tpu.memory_space<hbm>> -> memref<640x48xf32, #tpu.memory_space<hbm>>
        %dma_start3A_97 = arith.constant 0 : i32
        %dma_start3A_98 = tpu.memref_slice %arg15[%mul3A_94, %dma_start3A_97] : memref<10240x48xf32, #tpu.memory_space<hbm>> -> memref<640x48xf32, #tpu.memory_space<hbm>>
        tpu.enqueue_dma source(%arg10 : memref<640x48xf32, #tpu.memory_space<vmem>>) target(%dma_start3A_98 : memref<640x48xf32, #tpu.memory_space<hbm>>) target_semaphore(%run_scoped3A_95 : memref<!tpu.dma_semaphore, #tpu.memory_space<semaphore_mem>>)
        %dma_wait3A = arith.constant 0 : i32
        %dma_wait3A_99 = tpu.memref_slice %arg15[%mul3A_94, %dma_wait3A] : memref<10240x48xf32, #tpu.memory_space<hbm>> -> memref<640x48xf32, #tpu.memory_space<hbm>>
        %dma_wait3A_100 = arith.constant 0 : i32
        %dma_wait3A_101 = tpu.memref_slice %arg15[%mul3A_94, %dma_wait3A_100] : memref<10240x48xf32, #tpu.memory_space<hbm>> -> memref<640x48xf32, #tpu.memory_space<hbm>>
        tpu.wait_dma2 semaphore(%run_scoped3A_95 : memref<!tpu.dma_semaphore, #tpu.memory_space<semaphore_mem>>) src(%arg10 : memref<640x48xf32, #tpu.memory_space<vmem>>) dst(%dma_wait3A_101 : memref<640x48xf32, #tpu.memory_space<hbm>>)
        tpu.yield
      }) : () -> ()
    } else {
    }
    %broadcast_in_dim3A = arith.constant 0.000000e+00 : f32
    %broadcast_in_dim3A_62 = vector.broadcast %broadcast_in_dim3A : f32 to vector<16xf32>
    %scan3A_63 = arith.constant 0 : i32
    %scan3A_64 = arith.constant 0 : i32
    %scan3A_65 = arith.constant 40 : i32
    %scan3A_66 = arith.addi %scan3A_64, %scan3A_65 : i32
    %scan3A_67 = arith.constant 1 : i32
    scf.for %scan3A_93 = %scan3A_64 to %scan3A_66 step %scan3A_67  : i32 {
      %mul3A_94 = arith.constant 16 : i32
      %mul3A_95 = arith.muli %scan3A_93, %mul3A_94 : i32
      %add3A_96 = arith.constant 0 : i32
      %add3A_97 = arith.addi %mul3A_95, %add3A_96 : i32
      %swap3A = arith.index_cast %add3A_97 : i32 to index
      %swap3A_98 = arith.constant 0 : index
      %swap3A_99 = tpu.vector_load %arg10[%swap3A, %swap3A_98] {strides = array<i32>} : memref<640x48xf32, #tpu.memory_space<vmem>>, vector<16xf32>,
      tpu.vector_store %arg10[%swap3A, %swap3A_98], %broadcast_in_dim3A_62 {strides = array<i32>} : memref<640x48xf32, #tpu.memory_space<vmem>>, vector<16xf32>,
      %mul3A_100 = arith.constant 16 : i32
      %mul3A_101 = arith.muli %scan3A_93, %mul3A_100 : i32
      %add3A_102 = arith.constant 0 : i32
      %add3A_103 = arith.addi %mul3A_101, %add3A_102 : i32
      %swap3A_104 = arith.index_cast %add3A_103 : i32 to index
      %swap3A_105 = arith.constant 16 : index
      %swap3A_106 = tpu.vector_load %arg10[%swap3A_104, %swap3A_105] {strides = array<i32>} : memref<640x48xf32, #tpu.memory_space<vmem>>, vector<16xf32>,
      tpu.vector_store %arg10[%swap3A_104, %swap3A_105], %broadcast_in_dim3A_62 {strides = array<i32>} : memref<640x48xf32, #tpu.memory_space<vmem>>, vector<16xf32>,
      %mul3A_107 = arith.constant 16 : i32
      %mul3A_108 = arith.muli %scan3A_93, %mul3A_107 : i32
      %add3A_109 = arith.constant 0 : i32
      %add3A_110 = arith.addi %mul3A_108, %add3A_109 : i32
      %swap3A_111 = arith.index_cast %add3A_110 : i32 to index
      %swap3A_112 = arith.constant 32 : index
      %swap3A_113 = tpu.vector_load %arg10[%swap3A_111, %swap3A_112] {strides = array<i32>} : memref<640x48xf32, #tpu.memory_space<vmem>>, vector<16xf32>,
      tpu.vector_store %arg10[%swap3A_111, %swap3A_112], %broadcast_in_dim3A_62 {strides = array<i32>} : memref<640x48xf32, #tpu.memory_space<vmem>>, vector<16xf32>,
      %mul3A_114 = arith.constant 16 : i32
      %mul3A_115 = arith.muli %scan3A_93, %mul3A_114 : i32
      %add3A_116 = arith.constant 1 : i32
      %add3A_117 = arith.addi %mul3A_115, %add3A_116 : i32
      %swap3A_118 = arith.index_cast %add3A_117 : i32 to index
      %swap3A_119 = arith.constant 0 : index
      %swap3A_120 = tpu.vector_load %arg10[%swap3A_118, %swap3A_119] {strides = array<i32>} : memref<640x48xf32, #tpu.memory_space<vmem>>, vector<16xf32>,
      tpu.vector_store %arg10[%swap3A_118, %swap3A_119], %broadcast_in_dim3A_62 {strides = array<i32>} : memref<640x48xf32, #tpu.memory_space<vmem>>, vector<16xf32>,
      %mul3A_121 = arith.constant 16 : i32
      %mul3A_122 = arith.muli %scan3A_93, %mul3A_121 : i32
      %add3A_123 = arith.constant 1 : i32
      %add3A_124 = arith.addi %mul3A_122, %add3A_123 : i32
      %swap3A_125 = arith.index_cast %add3A_124 : i32 to index
      %swap3A_126 = arith.constant 16 : index
      %swap3A_127 = tpu.vector_load %arg10[%swap3A_125, %swap3A_126] {strides = array<i32>} : memref<640x48xf32, #tpu.memory_space<vmem>>, vector<16xf32>,
      tpu.vector_store %arg10[%swap3A_125, %swap3A_126], %broadcast_in_dim3A_62 {strides = array<i32>} : memref<640x48xf32, #tpu.memory_space<vmem>>, vector<16xf32>,
      %mul3A_128 = arith.constant 16 : i32
      %mul3A_129 = arith.muli %scan3A_93, %mul3A_128 : i32
      %add3A_130 = arith.constant 1 : i32
      %add3A_131 = arith.addi %mul3A_129, %add3A_130 : i32
      %swap3A_132 = arith.index_cast %add3A_131 : i32 to index
      %swap3A_133 = arith.constant 32 : index
      %swap3A_134 = tpu.vector_load %arg10[%swap3A_132, %swap3A_133] {strides = array<i32>} : memref<640x48xf32, #tpu.memory_space<vmem>>, vector<16xf32>,
      tpu.vector_store %arg10[%swap3A_132, %swap3A_133], %broadcast_in_dim3A_62 {strides = array<i32>} : memref<640x48xf32, #tpu.memory_space<vmem>>, vector<16xf32>,
      %mul3A_135 = arith.constant 16 : i32
      %mul3A_136 = arith.muli %scan3A_93, %mul3A_135 : i32
      %add3A_137 = arith.constant 2 : i32
      %add3A_138 = arith.addi %mul3A_136, %add3A_137 : i32
      %swap3A_139 = arith.index_cast %add3A_138 : i32 to index
      %swap3A_140 = arith.constant 0 : index
      %swap3A_141 = tpu.vector_load %arg10[%swap3A_139, %swap3A_140] {strides = array<i32>} : memref<640x48xf32, #tpu.memory_space<vmem>>, vector<16xf32>,
      tpu.vector_store %arg10[%swap3A_139, %swap3A_140], %broadcast_in_dim3A_62 {strides = array<i32>} : memref<640x48xf32, #tpu.memory_space<vmem>>, vector<16xf32>,
      %mul3A_142 = arith.constant 16 : i32
      %mul3A_143 = arith.muli %scan3A_93, %mul3A_142 : i32
      %add3A_144 = arith.constant 2 : i32
      %add3A_145 = arith.addi %mul3A_143, %add3A_144 : i32
      %swap3A_146 = arith.index_cast %add3A_145 : i32 to index
      %swap3A_147 = arith.constant 16 : index
      %swap3A_148 = tpu.vector_load %arg10[%swap3A_146, %swap3A_147] {strides = array<i32>} : memref<640x48xf32, #tpu.memory_space<vmem>>, vector<16xf32>,
      tpu.vector_store %arg10[%swap3A_146, %swap3A_147], %broadcast_in_dim3A_62 {strides = array<i32>} : memref<640x48xf32, #tpu.memory_space<vmem>>, vector<16xf32>,
      %mul3A_149 = arith.constant 16 : i32
      %mul3A_150 = arith.muli %scan3A_93, %mul3A_149 : i32
      %add3A_151 = arith.constant 2 : i32
      %add3A_152 = arith.addi %mul3A_150, %add3A_151 : i32
      %swap3A_153 = arith.index_cast %add3A_152 : i32 to index
      %swap3A_154 = arith.constant 32 : index
      %swap3A_155 = tpu.vector_load %arg10[%swap3A_153, %swap3A_154] {strides = array<i32>} : memref<640x48xf32, #tpu.memory_space<vmem>>, vector<16xf32>,
      tpu.vector_store %arg10[%swap3A_153, %swap3A_154], %broadcast_in_dim3A_62 {strides = array<i32>} : memref<640x48xf32, #tpu.memory_space<vmem>>, vector<16xf32>,
      %mul3A_156 = arith.constant 16 : i32
      %mul3A_157 = arith.muli %scan3A_93, %mul3A_156 : i32
      %add3A_158 = arith.constant 3 : i32
      %add3A_159 = arith.addi %mul3A_157, %add3A_158 : i32
      %swap3A_160 = arith.index_cast %add3A_159 : i32 to index
      %swap3A_161 = arith.constant 0 : index
      %swap3A_162 = tpu.vector_load %arg10[%swap3A_160, %swap3A_161] {strides = array<i32>} : memref<640x48xf32, #tpu.memory_space<vmem>>, vector<16xf32>,
      tpu.vector_store %arg10[%swap3A_160, %swap3A_161], %broadcast_in_dim3A_62 {strides = array<i32>} : memref<640x48xf32, #tpu.memory_space<vmem>>, vector<16xf32>,
      %mul3A_163 = arith.constant 16 : i32
      %mul3A_164 = arith.muli %scan3A_93, %mul3A_163 : i32
      %add3A_165 = arith.constant 3 : i32
      %add3A_166 = arith.addi %mul3A_164, %add3A_165 : i32
      %swap3A_167 = arith.index_cast %add3A_166 : i32 to index
      %swap3A_168 = arith.constant 16 : index
      %swap3A_169 = tpu.vector_load %arg10[%swap3A_167, %swap3A_168] {strides = array<i32>} : memref<640x48xf32, #tpu.memory_space<vmem>>, vector<16xf32>,
      tpu.vector_store %arg10[%swap3A_167, %swap3A_168], %broadcast_in_dim3A_62 {strides = array<i32>} : memref<640x48xf32, #tpu.memory_space<vmem>>, vector<16xf32>,
      %mul3A_170 = arith.constant 16 : i32
      %mul3A_171 = arith.muli %scan3A_93, %mul3A_170 : i32
      %add3A_172 = arith.constant 3 : i32
      %add3A_173 = arith.addi %mul3A_171, %add3A_172 : i32
      %swap3A_174 = arith.index_cast %add3A_173 : i32 to index
      %swap3A_175 = arith.constant 32 : index
      %swap3A_176 = tpu.vector_load %arg10[%swap3A_174, %swap3A_175] {strides = array<i32>} : memref<640x48xf32, #tpu.memory_space<vmem>>, vector<16xf32>,
      tpu.vector_store %arg10[%swap3A_174, %swap3A_175], %broadcast_in_dim3A_62 {strides = array<i32>} : memref<640x48xf32, #tpu.memory_space<vmem>>, vector<16xf32>,
      %mul3A_177 = arith.constant 16 : i32
      %mul3A_178 = arith.muli %scan3A_93, %mul3A_177 : i32
      %add3A_179 = arith.constant 4 : i32
      %add3A_180 = arith.addi %mul3A_178, %add3A_179 : i32
      %swap3A_181 = arith.index_cast %add3A_180 : i32 to index
      %swap3A_182 = arith.constant 0 : index
      %swap3A_183 = tpu.vector_load %arg10[%swap3A_181, %swap3A_182] {strides = array<i32>} : memref<640x48xf32, #tpu.memory_space<vmem>>, vector<16xf32>,
      tpu.vector_store %arg10[%swap3A_181, %swap3A_182], %broadcast_in_dim3A_62 {strides = array<i32>} : memref<640x48xf32, #tpu.memory_space<vmem>>, vector<16xf32>,
      %mul3A_184 = arith.constant 16 : i32
      %mul3A_185 = arith.muli %scan3A_93, %mul3A_184 : i32
      %add3A_186 = arith.constant 4 : i32
      %add3A_187 = arith.addi %mul3A_185, %add3A_186 : i32
      %swap3A_188 = arith.index_cast %add3A_187 : i32 to index
      %swap3A_189 = arith.constant 16 : index
      %swap3A_190 = tpu.vector_load %arg10[%swap3A_188, %swap3A_189] {strides = array<i32>} : memref<640x48xf32, #tpu.memory_space<vmem>>, vector<16xf32>,
      tpu.vector_store %arg10[%swap3A_188, %swap3A_189], %broadcast_in_dim3A_62 {strides = array<i32>} : memref<640x48xf32, #tpu.memory_space<vmem>>, vector<16xf32>,
      %mul3A_191 = arith.constant 16 : i32
      %mul3A_192 = arith.muli %scan3A_93, %mul3A_191 : i32
      %add3A_193 = arith.constant 4 : i32
      %add3A_194 = arith.addi %mul3A_192, %add3A_193 : i32
      %swap3A_195 = arith.index_cast %add3A_194 : i32 to index
      %swap3A_196 = arith.constant 32 : index
      %swap3A_197 = tpu.vector_load %arg10[%swap3A_195, %swap3A_196] {strides = array<i32>} : memref<640x48xf32, #tpu.memory_space<vmem>>, vector<16xf32>,
      tpu.vector_store %arg10[%swap3A_195, %swap3A_196], %broadcast_in_dim3A_62 {strides = array<i32>} : memref<640x48xf32, #tpu.memory_space<vmem>>, vector<16xf32>,
      %mul3A_198 = arith.constant 16 : i32
      %mul3A_199 = arith.muli %scan3A_93, %mul3A_198 : i32
      %add3A_200 = arith.constant 5 : i32
      %add3A_201 = arith.addi %mul3A_199, %add3A_200 : i32
      %swap3A_202 = arith.index_cast %add3A_201 : i32 to index
      %swap3A_203 = arith.constant 0 : index
      %swap3A_204 = tpu.vector_load %arg10[%swap3A_202, %swap3A_203] {strides = array<i32>} : memref<640x48xf32, #tpu.memory_space<vmem>>, vector<16xf32>,
      tpu.vector_store %arg10[%swap3A_202, %swap3A_203], %broadcast_in_dim3A_62 {strides = array<i32>} : memref<640x48xf32, #tpu.memory_space<vmem>>, vector<16xf32>,
      %mul3A_205 = arith.constant 16 : i32
      %mul3A_206 = arith.muli %scan3A_93, %mul3A_205 : i32
      %add3A_207 = arith.constant 5 : i32
      %add3A_208 = arith.addi %mul3A_206, %add3A_207 : i32
      %swap3A_209 = arith.index_cast %add3A_208 : i32 to index
      %swap3A_210 = arith.constant 16 : index
      %swap3A_211 = tpu.vector_load %arg10[%swap3A_209, %swap3A_210] {strides = array<i32>} : memref<640x48xf32, #tpu.memory_space<vmem>>, vector<16xf32>,
      tpu.vector_store %arg10[%swap3A_209, %swap3A_210], %broadcast_in_dim3A_62 {strides = array<i32>} : memref<640x48xf32, #tpu.memory_space<vmem>>, vector<16xf32>,
      %mul3A_212 = arith.constant 16 : i32
      %mul3A_213 = arith.muli %scan3A_93, %mul3A_212 : i32
      %add3A_214 = arith.constant 5 : i32
      %add3A_215 = arith.addi %mul3A_213, %add3A_214 : i32
      %swap3A_216 = arith.index_cast %add3A_215 : i32 to index
      %swap3A_217 = arith.constant 32 : index
      %swap3A_218 = tpu.vector_load %arg10[%swap3A_216, %swap3A_217] {strides = array<i32>} : memref<640x48xf32, #tpu.memory_space<vmem>>, vector<16xf32>,
      tpu.vector_store %arg10[%swap3A_216, %swap3A_217], %broadcast_in_dim3A_62 {strides = array<i32>} : memref<640x48xf32, #tpu.memory_space<vmem>>, vector<16xf32>,
      %mul3A_219 = arith.constant 16 : i32
      %mul3A_220 = arith.muli %scan3A_93, %mul3A_219 : i32
      %add3A_221 = arith.constant 6 : i32
      %add3A_222 = arith.addi %mul3A_220, %add3A_221 : i32
      %swap3A_223 = arith.index_cast %add3A_222 : i32 to index
      %swap3A_224 = arith.constant 0 : index
      %swap3A_225 = tpu.vector_load %arg10[%swap3A_223, %swap3A_224] {strides = array<i32>} : memref<640x48xf32, #tpu.memory_space<vmem>>, vector<16xf32>,
      tpu.vector_store %arg10[%swap3A_223, %swap3A_224], %broadcast_in_dim3A_62 {strides = array<i32>} : memref<640x48xf32, #tpu.memory_space<vmem>>, vector<16xf32>,
      %mul3A_226 = arith.constant 16 : i32
      %mul3A_227 = arith.muli %scan3A_93, %mul3A_226 : i32
      %add3A_228 = arith.constant 6 : i32
      %add3A_229 = arith.addi %mul3A_227, %add3A_228 : i32
      %swap3A_230 = arith.index_cast %add3A_229 : i32 to index
      %swap3A_231 = arith.constant 16 : index
      %swap3A_232 = tpu.vector_load %arg10[%swap3A_230, %swap3A_231] {strides = array<i32>} : memref<640x48xf32, #tpu.memory_space<vmem>>, vector<16xf32>,
      tpu.vector_store %arg10[%swap3A_230, %swap3A_231], %broadcast_in_dim3A_62 {strides = array<i32>} : memref<640x48xf32, #tpu.memory_space<vmem>>, vector<16xf32>,
      %mul3A_233 = arith.constant 16 : i32
      %mul3A_234 = arith.muli %scan3A_93, %mul3A_233 : i32
      %add3A_235 = arith.constant 6 : i32
      %add3A_236 = arith.addi %mul3A_234, %add3A_235 : i32
      %swap3A_237 = arith.index_cast %add3A_236 : i32 to index
      %swap3A_238 = arith.constant 32 : index
      %swap3A_239 = tpu.vector_load %arg10[%swap3A_237, %swap3A_238] {strides = array<i32>} : memref<640x48xf32, #tpu.memory_space<vmem>>, vector<16xf32>,
      tpu.vector_store %arg10[%swap3A_237, %swap3A_238], %broadcast_in_dim3A_62 {strides = array<i32>} : memref<640x48xf32, #tpu.memory_space<vmem>>, vector<16xf32>,
      %mul3A_240 = arith.constant 16 : i32
      %mul3A_241 = arith.muli %scan3A_93, %mul3A_240 : i32
      %add3A_242 = arith.constant 7 : i32
      %add3A_243 = arith.addi %mul3A_241, %add3A_242 : i32
      %swap3A_244 = arith.index_cast %add3A_243 : i32 to index
      %swap3A_245 = arith.constant 0 : index
      %swap3A_246 = tpu.vector_load %arg10[%swap3A_244, %swap3A_245] {strides = array<i32>} : memref<640x48xf32, #tpu.memory_space<vmem>>, vector<16xf32>,
      tpu.vector_store %arg10[%swap3A_244, %swap3A_245], %broadcast_in_dim3A_62 {strides = array<i32>} : memref<640x48xf32, #tpu.memory_space<vmem>>, vector<16xf32>,
      %mul3A_247 = arith.constant 16 : i32
      %mul3A_248 = arith.muli %scan3A_93, %mul3A_247 : i32
      %add3A_249 = arith.constant 7 : i32
      %add3A_250 = arith.addi %mul3A_248, %add3A_249 : i32
      %swap3A_251 = arith.index_cast %add3A_250 : i32 to index
      %swap3A_252 = arith.constant 16 : index
      %swap3A_253 = tpu.vector_load %arg10[%swap3A_251, %swap3A_252] {strides = array<i32>} : memref<640x48xf32, #tpu.memory_space<vmem>>, vector<16xf32>,
      tpu.vector_store %arg10[%swap3A_251, %swap3A_252], %broadcast_in_dim3A_62 {strides = array<i32>} : memref<640x48xf32, #tpu.memory_space<vmem>>, vector<16xf32>,
      %mul3A_254 = arith.constant 16 : i32
      %mul3A_255 = arith.muli %scan3A_93, %mul3A_254 : i32
      %add3A_256 = arith.constant 7 : i32
      %add3A_257 = arith.addi %mul3A_255, %add3A_256 : i32
      %swap3A_258 = arith.index_cast %add3A_257 : i32 to index
      %swap3A_259 = arith.constant 32 : index
      %swap3A_260 = tpu.vector_load %arg10[%swap3A_258, %swap3A_259] {strides = array<i32>} : memref<640x48xf32, #tpu.memory_space<vmem>>, vector<16xf32>,
      tpu.vector_store %arg10[%swap3A_258, %swap3A_259], %broadcast_in_dim3A_62 {strides = array<i32>} : memref<640x48xf32, #tpu.memory_space<vmem>>, vector<16xf32>,
      %mul3A_261 = arith.constant 16 : i32
      %mul3A_262 = arith.muli %scan3A_93, %mul3A_261 : i32
      %add3A_263 = arith.constant 8 : i32
      %add3A_264 = arith.addi %mul3A_262, %add3A_263 : i32
      %swap3A_265 = arith.index_cast %add3A_264 : i32 to index
      %swap3A_266 = arith.constant 0 : index
      %swap3A_267 = tpu.vector_load %arg10[%swap3A_265, %swap3A_266] {strides = array<i32>} : memref<640x48xf32, #tpu.memory_space<vmem>>, vector<16xf32>,
      tpu.vector_store %arg10[%swap3A_265, %swap3A_266], %broadcast_in_dim3A_62 {strides = array<i32>} : memref<640x48xf32, #tpu.memory_space<vmem>>, vector<16xf32>,
      %mul3A_268 = arith.constant 16 : i32
      %mul3A_269 = arith.muli %scan3A_93, %mul3A_268 : i32
      %add3A_270 = arith.constant 8 : i32
      %add3A_271 = arith.addi %mul3A_269, %add3A_270 : i32
      %swap3A_272 = arith.index_cast %add3A_271 : i32 to index
      %swap3A_273 = arith.constant 16 : index
      %swap3A_274 = tpu.vector_load %arg10[%swap3A_272, %swap3A_273] {strides = array<i32>} : memref<640x48xf32, #tpu.memory_space<vmem>>, vector<16xf32>,
      tpu.vector_store %arg10[%swap3A_272, %swap3A_273], %broadcast_in_dim3A_62 {strides = array<i32>} : memref<640x48xf32, #tpu.memory_space<vmem>>, vector<16xf32>,
      %mul3A_275 = arith.constant 16 : i32
      %mul3A_276 = arith.muli %scan3A_93, %mul3A_275 : i32
      %add3A_277 = arith.constant 8 : i32
      %add3A_278 = arith.addi %mul3A_276, %add3A_277 : i32
      %swap3A_279 = arith.index_cast %add3A_278 : i32 to index
      %swap3A_280 = arith.constant 32 : index
      %swap3A_281 = tpu.vector_load %arg10[%swap3A_279, %swap3A_280] {strides = array<i32>} : memref<640x48xf32, #tpu.memory_space<vmem>>, vector<16xf32>,
      tpu.vector_store %arg10[%swap3A_279, %swap3A_280], %broadcast_in_dim3A_62 {strides = array<i32>} : memref<640x48xf32, #tpu.memory_space<vmem>>, vector<16xf32>,
      %mul3A_282 = arith.constant 16 : i32
      %mul3A_283 = arith.muli %scan3A_93, %mul3A_282 : i32
      %add3A_284 = arith.constant 9 : i32
      %add3A_285 = arith.addi %mul3A_283, %add3A_284 : i32
      %swap3A_286 = arith.index_cast %add3A_285 : i32 to index
      %swap3A_287 = arith.constant 0 : index
      %swap3A_288 = tpu.vector_load %arg10[%swap3A_286, %swap3A_287] {strides = array<i32>} : memref<640x48xf32, #tpu.memory_space<vmem>>, vector<16xf32>,
      tpu.vector_store %arg10[%swap3A_286, %swap3A_287], %broadcast_in_dim3A_62 {strides = array<i32>} : memref<640x48xf32, #tpu.memory_space<vmem>>, vector<16xf32>,
      %mul3A_289 = arith.constant 16 : i32
      %mul3A_290 = arith.muli %scan3A_93, %mul3A_289 : i32
      %add3A_291 = arith.constant 9 : i32
      %add3A_292 = arith.addi %mul3A_290, %add3A_291 : i32
      %swap3A_293 = arith.index_cast %add3A_292 : i32 to index
      %swap3A_294 = arith.constant 16 : index
      %swap3A_295 = tpu.vector_load %arg10[%swap3A_293, %swap3A_294] {strides = array<i32>} : memref<640x48xf32, #tpu.memory_space<vmem>>, vector<16xf32>,
      tpu.vector_store %arg10[%swap3A_293, %swap3A_294], %broadcast_in_dim3A_62 {strides = array<i32>} : memref<640x48xf32, #tpu.memory_space<vmem>>, vector<16xf32>,
      %mul3A_296 = arith.constant 16 : i32
      %mul3A_297 = arith.muli %scan3A_93, %mul3A_296 : i32
      %add3A_298 = arith.constant 9 : i32
      %add3A_299 = arith.addi %mul3A_297, %add3A_298 : i32
      %swap3A_300 = arith.index_cast %add3A_299 : i32 to index
      %swap3A_301 = arith.constant 32 : index
      %swap3A_302 = tpu.vector_load %arg10[%swap3A_300, %swap3A_301] {strides = array<i32>} : memref<640x48xf32, #tpu.memory_space<vmem>>, vector<16xf32>,
      tpu.vector_store %arg10[%swap3A_300, %swap3A_301], %broadcast_in_dim3A_62 {strides = array<i32>} : memref<640x48xf32, #tpu.memory_space<vmem>>, vector<16xf32>,
      %mul3A_303 = arith.constant 16 : i32
      %mul3A_304 = arith.muli %scan3A_93, %mul3A_303 : i32
      %add3A_305 = arith.constant 10 : i32
      %add3A_306 = arith.addi %mul3A_304, %add3A_305 : i32
      %swap3A_307 = arith.index_cast %add3A_306 : i32 to index
      %swap3A_308 = arith.constant 0 : index
      %swap3A_309 = tpu.vector_load %arg10[%swap3A_307, %swap3A_308] {strides = array<i32>} : memref<640x48xf32, #tpu.memory_space<vmem>>, vector<16xf32>,
      tpu.vector_store %arg10[%swap3A_307, %swap3A_308], %broadcast_in_dim3A_62 {strides = array<i32>} : memref<640x48xf32, #tpu.memory_space<vmem>>, vector<16xf32>,
      %mul3A_310 = arith.constant 16 : i32
      %mul3A_311 = arith.muli %scan3A_93, %mul3A_310 : i32
      %add3A_312 = arith.constant 10 : i32
      %add3A_313 = arith.addi %mul3A_311, %add3A_312 : i32
      %swap3A_314 = arith.index_cast %add3A_313 : i32 to index
      %swap3A_315 = arith.constant 16 : index
      %swap3A_316 = tpu.vector_load %arg10[%swap3A_314, %swap3A_315] {strides = array<i32>} : memref<640x48xf32, #tpu.memory_space<vmem>>, vector<16xf32>,
      tpu.vector_store %arg10[%swap3A_314, %swap3A_315], %broadcast_in_dim3A_62 {strides = array<i32>} : memref<640x48xf32, #tpu.memory_space<vmem>>, vector<16xf32>,
      %mul3A_317 = arith.constant 16 : i32
      %mul3A_318 = arith.muli %scan3A_93, %mul3A_317 : i32
      %add3A_319 = arith.constant 10 : i32
      %add3A_320 = arith.addi %mul3A_318, %add3A_319 : i32
      %swap3A_321 = arith.index_cast %add3A_320 : i32 to index
      %swap3A_322 = arith.constant 32 : index
      %swap3A_323 = tpu.vector_load %arg10[%swap3A_321, %swap3A_322] {strides = array<i32>} : memref<640x48xf32, #tpu.memory_space<vmem>>, vector<16xf32>,
      tpu.vector_store %arg10[%swap3A_321, %swap3A_322], %broadcast_in_dim3A_62 {strides = array<i32>} : memref<640x48xf32, #tpu.memory_space<vmem>>, vector<16xf32>,
      %mul3A_324 = arith.constant 16 : i32
      %mul3A_325 = arith.muli %scan3A_93, %mul3A_324 : i32
      %add3A_326 = arith.constant 11 : i32
      %add3A_327 = arith.addi %mul3A_325, %add3A_326 : i32
      %swap3A_328 = arith.index_cast %add3A_327 : i32 to index
      %swap3A_329 = arith.constant 0 : index
      %swap3A_330 = tpu.vector_load %arg10[%swap3A_328, %swap3A_329] {strides = array<i32>} : memref<640x48xf32, #tpu.memory_space<vmem>>, vector<16xf32>,
      tpu.vector_store %arg10[%swap3A_328, %swap3A_329], %broadcast_in_dim3A_62 {strides = array<i32>} : memref<640x48xf32, #tpu.memory_space<vmem>>, vector<16xf32>,
      %mul3A_331 = arith.constant 16 : i32
      %mul3A_332 = arith.muli %scan3A_93, %mul3A_331 : i32
      %add3A_333 = arith.constant 11 : i32
      %add3A_334 = arith.addi %mul3A_332, %add3A_333 : i32
      %swap3A_335 = arith.index_cast %add3A_334 : i32 to index
      %swap3A_336 = arith.constant 16 : index
      %swap3A_337 = tpu.vector_load %arg10[%swap3A_335, %swap3A_336] {strides = array<i32>} : memref<640x48xf32, #tpu.memory_space<vmem>>, vector<16xf32>,
      tpu.vector_store %arg10[%swap3A_335, %swap3A_336], %broadcast_in_dim3A_62 {strides = array<i32>} : memref<640x48xf32, #tpu.memory_space<vmem>>, vector<16xf32>,
      %mul3A_338 = arith.constant 16 : i32
      %mul3A_339 = arith.muli %scan3A_93, %mul3A_338 : i32
      %add3A_340 = arith.constant 11 : i32
      %add3A_341 = arith.addi %mul3A_339, %add3A_340 : i32
      %swap3A_342 = arith.index_cast %add3A_341 : i32 to index
      %swap3A_343 = arith.constant 32 : index
      %swap3A_344 = tpu.vector_load %arg10[%swap3A_342, %swap3A_343] {strides = array<i32>} : memref<640x48xf32, #tpu.memory_space<vmem>>, vector<16xf32>,
      tpu.vector_store %arg10[%swap3A_342, %swap3A_343], %broadcast_in_dim3A_62 {strides = array<i32>} : memref<640x48xf32, #tpu.memory_space<vmem>>, vector<16xf32>,
      %mul3A_345 = arith.constant 16 : i32
      %mul3A_346 = arith.muli %scan3A_93, %mul3A_345 : i32
      %add3A_347 = arith.constant 12 : i32
      %add3A_348 = arith.addi %mul3A_346, %add3A_347 : i32
      %swap3A_349 = arith.index_cast %add3A_348 : i32 to index
      %swap3A_350 = arith.constant 0 : index
      %swap3A_351 = tpu.vector_load %arg10[%swap3A_349, %swap3A_350] {strides = array<i32>} : memref<640x48xf32, #tpu.memory_space<vmem>>, vector<16xf32>,
      tpu.vector_store %arg10[%swap3A_349, %swap3A_350], %broadcast_in_dim3A_62 {strides = array<i32>} : memref<640x48xf32, #tpu.memory_space<vmem>>, vector<16xf32>,
      %mul3A_352 = arith.constant 16 : i32
      %mul3A_353 = arith.muli %scan3A_93, %mul3A_352 : i32
      %add3A_354 = arith.constant 12 : i32
      %add3A_355 = arith.addi %mul3A_353, %add3A_354 : i32
      %swap3A_356 = arith.index_cast %add3A_355 : i32 to index
      %swap3A_357 = arith.constant 16 : index
      %swap3A_358 = tpu.vector_load %arg10[%swap3A_356, %swap3A_357] {strides = array<i32>} : memref<640x48xf32, #tpu.memory_space<vmem>>, vector<16xf32>,
      tpu.vector_store %arg10[%swap3A_356, %swap3A_357], %broadcast_in_dim3A_62 {strides = array<i32>} : memref<640x48xf32, #tpu.memory_space<vmem>>, vector<16xf32>,
      %mul3A_359 = arith.constant 16 : i32
      %mul3A_360 = arith.muli %scan3A_93, %mul3A_359 : i32
      %add3A_361 = arith.constant 12 : i32
      %add3A_362 = arith.addi %mul3A_360, %add3A_361 : i32
      %swap3A_363 = arith.index_cast %add3A_362 : i32 to index
      %swap3A_364 = arith.constant 32 : index
      %swap3A_365 = tpu.vector_load %arg10[%swap3A_363, %swap3A_364] {strides = array<i32>} : memref<640x48xf32, #tpu.memory_space<vmem>>, vector<16xf32>,
      tpu.vector_store %arg10[%swap3A_363, %swap3A_364], %broadcast_in_dim3A_62 {strides = array<i32>} : memref<640x48xf32, #tpu.memory_space<vmem>>, vector<16xf32>,
      %mul3A_366 = arith.constant 16 : i32
      %mul3A_367 = arith.muli %scan3A_93, %mul3A_366 : i32
      %add3A_368 = arith.constant 13 : i32
      %add3A_369 = arith.addi %mul3A_367, %add3A_368 : i32
      %swap3A_370 = arith.index_cast %add3A_369 : i32 to index
      %swap3A_371 = arith.constant 0 : index
      %swap3A_372 = tpu.vector_load %arg10[%swap3A_370, %swap3A_371] {strides = array<i32>} : memref<640x48xf32, #tpu.memory_space<vmem>>, vector<16xf32>,
      tpu.vector_store %arg10[%swap3A_370, %swap3A_371], %broadcast_in_dim3A_62 {strides = array<i32>} : memref<640x48xf32, #tpu.memory_space<vmem>>, vector<16xf32>,
      %mul3A_373 = arith.constant 16 : i32
      %mul3A_374 = arith.muli %scan3A_93, %mul3A_373 : i32
      %add3A_375 = arith.constant 13 : i32
      %add3A_376 = arith.addi %mul3A_374, %add3A_375 : i32
      %swap3A_377 = arith.index_cast %add3A_376 : i32 to index
      %swap3A_378 = arith.constant 16 : index
      %swap3A_379 = tpu.vector_load %arg10[%swap3A_377, %swap3A_378] {strides = array<i32>} : memref<640x48xf32, #tpu.memory_space<vmem>>, vector<16xf32>,
      tpu.vector_store %arg10[%swap3A_377, %swap3A_378], %broadcast_in_dim3A_62 {strides = array<i32>} : memref<640x48xf32, #tpu.memory_space<vmem>>, vector<16xf32>,
      %mul3A_380 = arith.constant 16 : i32
      %mul3A_381 = arith.muli %scan3A_93, %mul3A_380 : i32
      %add3A_382 = arith.constant 13 : i32
      %add3A_383 = arith.addi %mul3A_381, %add3A_382 : i32
      %swap3A_384 = arith.index_cast %add3A_383 : i32 to index
      %swap3A_385 = arith.constant 32 : index
      %swap3A_386 = tpu.vector_load %arg10[%swap3A_384, %swap3A_385] {strides = array<i32>} : memref<640x48xf32, #tpu.memory_space<vmem>>, vector<16xf32>,
      tpu.vector_store %arg10[%swap3A_384, %swap3A_385], %broadcast_in_dim3A_62 {strides = array<i32>} : memref<640x48xf32, #tpu.memory_space<vmem>>, vector<16xf32>,
      %mul3A_387 = arith.constant 16 : i32
      %mul3A_388 = arith.muli %scan3A_93, %mul3A_387 : i32
      %add3A_389 = arith.constant 14 : i32
      %add3A_390 = arith.addi %mul3A_388, %add3A_389 : i32
      %swap3A_391 = arith.index_cast %add3A_390 : i32 to index
      %swap3A_392 = arith.constant 0 : index
      %swap3A_393 = tpu.vector_load %arg10[%swap3A_391, %swap3A_392] {strides = array<i32>} : memref<640x48xf32, #tpu.memory_space<vmem>>, vector<16xf32>,
      tpu.vector_store %arg10[%swap3A_391, %swap3A_392], %broadcast_in_dim3A_62 {strides = array<i32>} : memref<640x48xf32, #tpu.memory_space<vmem>>, vector<16xf32>,
      %mul3A_394 = arith.constant 16 : i32
      %mul3A_395 = arith.muli %scan3A_93, %mul3A_394 : i32
      %add3A_396 = arith.constant 14 : i32
      %add3A_397 = arith.addi %mul3A_395, %add3A_396 : i32
      %swap3A_398 = arith.index_cast %add3A_397 : i32 to index
      %swap3A_399 = arith.constant 16 : index
      %swap3A_400 = tpu.vector_load %arg10[%swap3A_398, %swap3A_399] {strides = array<i32>} : memref<640x48xf32, #tpu.memory_space<vmem>>, vector<16xf32>,
      tpu.vector_store %arg10[%swap3A_398, %swap3A_399], %broadcast_in_dim3A_62 {strides = array<i32>} : memref<640x48xf32, #tpu.memory_space<vmem>>, vector<16xf32>,
      %mul3A_401 = arith.constant 16 : i32
      %mul3A_402 = arith.muli %scan3A_93, %mul3A_401 : i32
      %add3A_403 = arith.constant 14 : i32
      %add3A_404 = arith.addi %mul3A_402, %add3A_403 : i32
      %swap3A_405 = arith.index_cast %add3A_404 : i32 to index
      %swap3A_406 = arith.constant 32 : index
      %swap3A_407 = tpu.vector_load %arg10[%swap3A_405, %swap3A_406] {strides = array<i32>} : memref<640x48xf32, #tpu.memory_space<vmem>>, vector<16xf32>,
      tpu.vector_store %arg10[%swap3A_405, %swap3A_406], %broadcast_in_dim3A_62 {strides = array<i32>} : memref<640x48xf32, #tpu.memory_space<vmem>>, vector<16xf32>,
      %mul3A_408 = arith.constant 16 : i32
      %mul3A_409 = arith.muli %scan3A_93, %mul3A_408 : i32
      %add3A_410 = arith.constant 15 : i32
      %add3A_411 = arith.addi %mul3A_409, %add3A_410 : i32
      %swap3A_412 = arith.index_cast %add3A_411 : i32 to index
      %swap3A_413 = arith.constant 0 : index
      %swap3A_414 = tpu.vector_load %arg10[%swap3A_412, %swap3A_413] {strides = array<i32>} : memref<640x48xf32, #tpu.memory_space<vmem>>, vector<16xf32>,
      tpu.vector_store %arg10[%swap3A_412, %swap3A_413], %broadcast_in_dim3A_62 {strides = array<i32>} : memref<640x48xf32, #tpu.memory_space<vmem>>, vector<16xf32>,
      %mul3A_415 = arith.constant 16 : i32
      %mul3A_416 = arith.muli %scan3A_93, %mul3A_415 : i32
      %add3A_417 = arith.constant 15 : i32
      %add3A_418 = arith.addi %mul3A_416, %add3A_417 : i32
      %swap3A_419 = arith.index_cast %add3A_418 : i32 to index
      %swap3A_420 = arith.constant 16 : index
      %swap3A_421 = tpu.vector_load %arg10[%swap3A_419, %swap3A_420] {strides = array<i32>} : memref<640x48xf32, #tpu.memory_space<vmem>>, vector<16xf32>,
      tpu.vector_store %arg10[%swap3A_419, %swap3A_420], %broadcast_in_dim3A_62 {strides = array<i32>} : memref<640x48xf32, #tpu.memory_space<vmem>>, vector<16xf32>,
      %mul3A_422 = arith.constant 16 : i32
      %mul3A_423 = arith.muli %scan3A_93, %mul3A_422 : i32
      %add3A_424 = arith.constant 15 : i32
      %add3A_425 = arith.addi %mul3A_423, %add3A_424 : i32
      %swap3A_426 = arith.index_cast %add3A_425 : i32 to index
      %swap3A_427 = arith.constant 32 : index
      %swap3A_428 = tpu.vector_load %arg10[%swap3A_426, %swap3A_427] {strides = array<i32>} : memref<640x48xf32, #tpu.memory_space<vmem>>, vector<16xf32>,
      tpu.vector_store %arg10[%swap3A_426, %swap3A_427], %broadcast_in_dim3A_62 {strides = array<i32>} : memref<640x48xf32, #tpu.memory_space<vmem>>, vector<16xf32>,
    }
    %scan3A_68 = arith.constant 40 : i32
    %mul3A_69 = arith.constant 640 : i32
    %mul3A_70 = arith.muli %arg1, %mul3A_69 : i32
    "tpu.region"() ({
      %run_scoped3A_93 = tpu.sem_alloc : memref<!tpu.dma_semaphore, #tpu.memory_space<semaphore_mem>>
      %dma_start3A = arith.constant 0 : i32
      %dma_start3A_94 = tpu.memref_slice %arg13[%mul3A_70, %dma_start3A] : memref<10240x48xf32, #tpu.memory_space<vmem_shared>> -> memref<640x48xf32, #tpu.memory_space<vmem_shared>>
      %dma_start3A_95 = arith.constant 0 : i32
      %dma_start3A_96 = tpu.memref_slice %arg13[%mul3A_70, %dma_start3A_95] : memref<10240x48xf32, #tpu.memory_space<vmem_shared>> -> memref<640x48xf32, #tpu.memory_space<vmem_shared>>
      tpu.enqueue_dma source(%arg10 : memref<640x48xf32, #tpu.memory_space<vmem>>) target(%dma_start3A_96 : memref<640x48xf32, #tpu.memory_space<vmem_shared>>) target_semaphore(%run_scoped3A_93 : memref<!tpu.dma_semaphore, #tpu.memory_space<semaphore_mem>>)
      %dma_wait3A = arith.constant 0 : i32
      %dma_wait3A_97 = tpu.memref_slice %arg13[%mul3A_70, %dma_wait3A] : memref<10240x48xf32, #tpu.memory_space<vmem_shared>> -> memref<640x48xf32, #tpu.memory_space<vmem_shared>>
      %dma_wait3A_98 = arith.constant 0 : i32
      %dma_wait3A_99 = tpu.memref_slice %arg13[%mul3A_70, %dma_wait3A_98] : memref<10240x48xf32, #tpu.memory_space<vmem_shared>> -> memref<640x48xf32, #tpu.memory_space<vmem_shared>>
      tpu.wait_dma2 semaphore(%run_scoped3A_93 : memref<!tpu.dma_semaphore, #tpu.memory_space<semaphore_mem>>) src(%arg10 : memref<640x48xf32, #tpu.memory_space<vmem>>) dst(%dma_wait3A_99 : memref<640x48xf32, #tpu.memory_space<vmem_shared>>)
      tpu.yield
    }) : () -> ()
    %barrier3A = arith.constant 0 : index
    tpu.barrier barrier_id(%barrier3A)
    %run_scoped3A = arith.constant 0 : i32
    "tpu.region"() ({
      %run_scoped3A_93 = tpu.sem_alloc : memref<!tpu.dma_semaphore, #tpu.memory_space<semaphore_mem>>
      %dma_start3A = arith.constant 0 : i32
      %dma_start3A_94 = tpu.memref_slice %arg2[%run_scoped3A, %select_n3A, %dma_start3A] : memref<2x2500x128xi32, #tpu.memory_space<hbm>> -> memref<1x79x128xi32, #tpu.memory_space<hbm>>
      %dma_start3A_95 = tpu.memref_squeeze %dma_start3A_94 : memref<1x79x128xi32, #tpu.memory_space<hbm>> -> memref<79x128xi32, #tpu.memory_space<hbm>>
      %dma_start3A_96 = arith.constant 0 : i32
      %dma_start3A_97 = tpu.memref_slice %arg2[%run_scoped3A, %select_n3A, %dma_start3A_96] : memref<2x2500x128xi32, #tpu.memory_space<hbm>> -> memref<1x79x128xi32, #tpu.memory_space<hbm>>
      %dma_start3A_98 = tpu.memref_squeeze %dma_start3A_97 : memref<1x79x128xi32, #tpu.memory_space<hbm>> -> memref<79x128xi32, #tpu.memory_space<hbm>>
      tpu.enqueue_dma source(%dma_start3A_98 : memref<79x128xi32, #tpu.memory_space<hbm>>) target(%arg5 : memref<79x128xi32, #tpu.memory_space<vmem>>) target_semaphore(%run_scoped3A_93 : memref<!tpu.dma_semaphore, #tpu.memory_space<semaphore_mem>>)
      %dma_wait3A = arith.constant 0 : i32
      %dma_wait3A_99 = tpu.memref_slice %arg2[%run_scoped3A, %select_n3A, %dma_wait3A] : memref<2x2500x128xi32, #tpu.memory_space<hbm>> -> memref<1x79x128xi32, #tpu.memory_space<hbm>>
      %dma_wait3A_100 = tpu.memref_squeeze %dma_wait3A_99 : memref<1x79x128xi32, #tpu.memory_space<hbm>> -> memref<79x128xi32, #tpu.memory_space<hbm>>
      %dma_wait3A_101 = arith.constant 0 : i32
      %dma_wait3A_102 = tpu.memref_slice %arg2[%run_scoped3A, %select_n3A, %dma_wait3A_101] : memref<2x2500x128xi32, #tpu.memory_space<hbm>> -> memref<1x79x128xi32, #tpu.memory_space<hbm>>
      %dma_wait3A_103 = tpu.memref_squeeze %dma_wait3A_102 : memref<1x79x128xi32, #tpu.memory_space<hbm>> -> memref<79x128xi32, #tpu.memory_space<hbm>>
      tpu.wait_dma2 semaphore(%run_scoped3A_93 : memref<!tpu.dma_semaphore, #tpu.memory_space<semaphore_mem>>) src(%dma_wait3A_103 : memref<79x128xi32, #tpu.memory_space<hbm>>) dst(%arg5 : memref<79x128xi32, #tpu.memory_space<vmem>>)
      tpu.yield
    }) : () -> ()
    %run_scoped3A_71 = arith.constant 1 : i32
    "tpu.region"() ({
      %run_scoped3A_93 = tpu.sem_alloc : memref<!tpu.dma_semaphore, #tpu.memory_space<semaphore_mem>>
      %dma_start3A = arith.constant 0 : i32
      %dma_start3A_94 = tpu.memref_slice %arg2[%run_scoped3A_71, %select_n3A, %dma_start3A] : memref<2x2500x128xi32, #tpu.memory_space<hbm>> -> memref<1x79x128xi32, #tpu.memory_space<hbm>>
      %dma_start3A_95 = tpu.memref_squeeze %dma_start3A_94 : memref<1x79x128xi32, #tpu.memory_space<hbm>> -> memref<79x128xi32, #tpu.memory_space<hbm>>
      %dma_start3A_96 = arith.constant 0 : i32
      %dma_start3A_97 = tpu.memref_slice %arg2[%run_scoped3A_71, %select_n3A, %dma_start3A_96] : memref<2x2500x128xi32, #tpu.memory_space<hbm>> -> memref<1x79x128xi32, #tpu.memory_space<hbm>>
      %dma_start3A_98 = tpu.memref_squeeze %dma_start3A_97 : memref<1x79x128xi32, #tpu.memory_space<hbm>> -> memref<79x128xi32, #tpu.memory_space<hbm>>
      tpu.enqueue_dma source(%dma_start3A_98 : memref<79x128xi32, #tpu.memory_space<hbm>>) target(%arg6 : memref<79x128xi32, #tpu.memory_space<vmem>>) target_semaphore(%run_scoped3A_93 : memref<!tpu.dma_semaphore, #tpu.memory_space<semaphore_mem>>)
      %dma_wait3A = arith.constant 0 : i32
      %dma_wait3A_99 = tpu.memref_slice %arg2[%run_scoped3A_71, %select_n3A, %dma_wait3A] : memref<2x2500x128xi32, #tpu.memory_space<hbm>> -> memref<1x79x128xi32, #tpu.memory_space<hbm>>
      %dma_wait3A_100 = tpu.memref_squeeze %dma_wait3A_99 : memref<1x79x128xi32, #tpu.memory_space<hbm>> -> memref<79x128xi32, #tpu.memory_space<hbm>>
      %dma_wait3A_101 = arith.constant 0 : i32
      %dma_wait3A_102 = tpu.memref_slice %arg2[%run_scoped3A_71, %select_n3A, %dma_wait3A_101] : memref<2x2500x128xi32, #tpu.memory_space<hbm>> -> memref<1x79x128xi32, #tpu.memory_space<hbm>>
      %dma_wait3A_103 = tpu.memref_squeeze %dma_wait3A_102 : memref<1x79x128xi32, #tpu.memory_space<hbm>> -> memref<79x128xi32, #tpu.memory_space<hbm>>
      tpu.wait_dma2 semaphore(%run_scoped3A_93 : memref<!tpu.dma_semaphore, #tpu.memory_space<semaphore_mem>>) src(%dma_wait3A_103 : memref<79x128xi32, #tpu.memory_space<hbm>>) dst(%arg6 : memref<79x128xi32, #tpu.memory_space<vmem>>)
      tpu.yield
    }) : () -> ()
    %eq3A_72 = arith.constant 0 : i32
    %eq3A_73 = arith.cmpi eq, %arg0, %eq3A_72 : i32
    %convert_element_type3A_74 = arith.extui %eq3A_73 : i1 to i32
    %cond3A_75 = arith.constant 0 : i32
    %cond3A_76 = arith.cmpi ne, %convert_element_type3A_74, %cond3A_75 : i32
    scf.if %cond3A_76 {
      %dma_start3A = arith.constant 0 : i32
      %dma_start3A_93 = arith.constant 0 : i32
      %dma_start3A_94 = tpu.memref_slice %arg5[%dma_start3A, %dma_start3A_93] : memref<79x128xi32, #tpu.memory_space<vmem>> -> memref<1x128xi32, #tpu.memory_space<vmem>>
      %dma_start3A_95 = tpu.memref_squeeze %dma_start3A_94 : memref<1x128xi32, #tpu.memory_space<vmem>> -> memref<128xi32, #tpu.memory_space<vmem>>
      %dma_start3A_96 = arith.constant 0 : i32
      %dma_start3A_97 = arith.constant 0 : i32
      %dma_start3A_98 = tpu.memref_slice %arg14[%dma_start3A_96, %dma_start3A_97] : memref<10240x48xf32, #tpu.memory_space<hbm>> -> memref<10240x48xf32, #tpu.memory_space<hbm>>
      tpu.enqueue_indirect_dma source(%dma_start3A_98 : memref<10240x48xf32, #tpu.memory_space<hbm>>) target(%arg7 : memref<128x48xf32, #tpu.memory_space<vmem>>) offsets(%dma_start3A_95 : memref<128xi32, #tpu.memory_space<vmem>>) semaphore(%arg11 : memref<!tpu.dma_semaphore, #tpu.memory_space<semaphore_mem>>)
      %add3A_99 = arith.constant 1 : i32
      %add3A_100 = arith.addi %sub3A_47, %add3A_99 : i32
      %jit3A_101 = arith.constant 2 : i32
      %div3A_102 = arith.divsi %add3A_100, %jit3A_101 : i32
      %sign3A_103 = arith.constant 0 : i32
      %sign3A_104 = arith.cmpi sgt, %add3A_100, %sign3A_103 : i32
      %sign3A_105 = arith.extui %sign3A_104 : i1 to i32
      %sign3A_106 = arith.constant 0 : i32
      %sign3A_107 = arith.cmpi slt, %add3A_100, %sign3A_106 : i32
      %sign3A_108 = arith.extui %sign3A_107 : i1 to i32
      %sign3A_109 = arith.subi %sign3A_105, %sign3A_108 : i32
      %sign3A_110 = arith.constant 0 : i32
      %sign3A_111 = arith.cmpi sgt, %jit3A_101, %sign3A_110 : i32
      %sign3A_112 = arith.extui %sign3A_111 : i1 to i32
      %sign3A_113 = arith.constant 0 : i32
      %sign3A_114 = arith.cmpi slt, %jit3A_101, %sign3A_113 : i32
      %sign3A_115 = arith.extui %sign3A_114 : i1 to i32
      %sign3A_116 = arith.subi %sign3A_112, %sign3A_115 : i32
      %ne3A_117 = arith.cmpi ne, %sign3A_109, %sign3A_116 : i32
      %rem3A_118 = arith.remsi %add3A_100, %jit3A_101 : i32
      %ne3A_119 = arith.constant 0 : i32
      %ne3A_120 = arith.cmpi ne, %rem3A_118, %ne3A_119 : i32
      %and3A_121 = arith.andi %ne3A_117, %ne3A_120 : i1
      %sub3A_122 = arith.constant 1 : i32
      %sub3A_123 = arith.subi %div3A_102, %sub3A_122 : i32
      %select_n3A_124 = arith.select %and3A_121, %sub3A_123, %div3A_102 : i32
      %while3A = arith.constant 0 : i32
      %while3A_125 = arith.constant 0 : i32
      %while3A_126 = arith.subi %select_n3A_124, %while3A_125 : i32
      %while3A_127 = arith.addi %while3A_125, %while3A_126 : i32
      %while3A_128 = arith.constant 1 : i32
      %while3A_129 = arith.divsi %while3A_126, %while3A_128 : i32
      %while3A_130 = arith.muli %while3A_129, %while3A_128 : i32
      %while3A_131 = arith.addi %while3A_125, %while3A_130 : i32
      %while3A_132 = arith.constant 1 : i32
      scf.for %while3A_134 = %while3A_125 to %while3A_131 step %while3A_132  : i32 {
        %mul3A_135 = arith.constant 2 : i32
        %mul3A_136 = arith.muli %mul3A_135, %while3A_134 : i32
        %add3A_137 = arith.constant 1 : i32
        %add3A_138 = arith.addi %mul3A_136, %add3A_137 : i32
        %lt3A = arith.cmpi slt, %add3A_138, %sub3A_47 : i32
        %convert_element_type3A_139 = arith.extui %lt3A : i1 to i32
        %cond3A_140 = arith.constant 0 : i32
        %cond3A_141 = arith.cmpi ne, %convert_element_type3A_139, %cond3A_140 : i32
        scf.if %cond3A_141 {
          %add3A_159 = arith.constant 1 : i32
          %add3A_160 = arith.addi %mul3A_136, %add3A_159 : i32
          %dma_start3A_161 = arith.constant 0 : i32
          %dma_start3A_162 = tpu.memref_slice %arg5[%add3A_160, %dma_start3A_161] : memref<79x128xi32, #tpu.memory_space<vmem>> -> memref<1x128xi32, #tpu.memory_space<vmem>>
          %dma_start3A_163 = tpu.memref_squeeze %dma_start3A_162 : memref<1x128xi32, #tpu.memory_space<vmem>> -> memref<128xi32, #tpu.memory_space<vmem>>
          %dma_start3A_164 = arith.constant 0 : i32
          %dma_start3A_165 = arith.constant 0 : i32
          %dma_start3A_166 = tpu.memref_slice %arg14[%dma_start3A_164, %dma_start3A_165] : memref<10240x48xf32, #tpu.memory_space<hbm>> -> memref<10240x48xf32, #tpu.memory_space<hbm>>
          tpu.enqueue_indirect_dma source(%dma_start3A_166 : memref<10240x48xf32, #tpu.memory_space<hbm>>) target(%arg8 : memref<128x48xf32, #tpu.memory_space<vmem>>) offsets(%dma_start3A_163 : memref<128xi32, #tpu.memory_space<vmem>>) semaphore(%arg12 : memref<!tpu.dma_semaphore, #tpu.memory_space<semaphore_mem>>)
        } else {
        }
        %dma_wait3A = arith.constant 0 : i32
        %dma_wait3A_142 = tpu.memref_slice %arg5[%mul3A_136, %dma_wait3A] : memref<79x128xi32, #tpu.memory_space<vmem>> -> memref<1x128xi32, #tpu.memory_space<vmem>>
        %dma_wait3A_143 = tpu.memref_squeeze %dma_wait3A_142 : memref<1x128xi32, #tpu.memory_space<vmem>> -> memref<128xi32, #tpu.memory_space<vmem>>
        %dma_wait3A_144 = arith.constant 0 : i32
        %dma_wait3A_145 = arith.constant 0 : i32
        %dma_wait3A_146 = tpu.memref_slice %arg14[%dma_wait3A_144, %dma_wait3A_145] : memref<10240x48xf32, #tpu.memory_space<hbm>> -> memref<10240x48xf32, #tpu.memory_space<hbm>>
        tpu.wait_indirect_dma semaphore(%arg11 : memref<!tpu.dma_semaphore, #tpu.memory_space<semaphore_mem>>) src(%dma_wait3A_146 : memref<10240x48xf32, #tpu.memory_space<hbm>>) dst(%arg7 : memref<128x48xf32, #tpu.memory_space<vmem>>)
        "tpu.region"() ({
          %run_scoped3A_159 = tpu.sem_alloc : memref<!tpu.dma_semaphore, #tpu.memory_space<semaphore_mem>>
          %dma_start3A_160 = arith.constant 0 : i32
          %dma_start3A_161 = tpu.memref_slice %arg6[%mul3A_136, %dma_start3A_160] : memref<79x128xi32, #tpu.memory_space<vmem>> -> memref<1x128xi32, #tpu.memory_space<vmem>>
          %dma_start3A_162 = tpu.memref_squeeze %dma_start3A_161 : memref<1x128xi32, #tpu.memory_space<vmem>> -> memref<128xi32, #tpu.memory_space<vmem>>
          %dma_start3A_163 = arith.constant 0 : i32
          %dma_start3A_164 = arith.constant 0 : i32
          %dma_start3A_165 = tpu.memref_slice %arg13[%dma_start3A_163, %dma_start3A_164] : memref<10240x48xf32, #tpu.memory_space<vmem_shared>> -> memref<10240x48xf32, #tpu.memory_space<vmem_shared>>
          tpu.enqueue_indirect_dma source(%arg7 : memref<128x48xf32, #tpu.memory_space<vmem>>) target(%dma_start3A_165 : memref<10240x48xf32, #tpu.memory_space<vmem_shared>>) offsets(%dma_start3A_162 : memref<128xi32, #tpu.memory_space<vmem>>) semaphore(%run_scoped3A_159 : memref<!tpu.dma_semaphore, #tpu.memory_space<semaphore_mem>>) {add = true}
          %dma_wait3A_166 = arith.constant 0 : i32
          %dma_wait3A_167 = tpu.memref_slice %arg6[%mul3A_136, %dma_wait3A_166] : memref<79x128xi32, #tpu.memory_space<vmem>> -> memref<1x128xi32, #tpu.memory_space<vmem>>
          %dma_wait3A_168 = tpu.memref_squeeze %dma_wait3A_167 : memref<1x128xi32, #tpu.memory_space<vmem>> -> memref<128xi32, #tpu.memory_space<vmem>>
          %dma_wait3A_169 = arith.constant 0 : i32
          %dma_wait3A_170 = arith.constant 0 : i32
          %dma_wait3A_171 = tpu.memref_slice %arg13[%dma_wait3A_169, %dma_wait3A_170] : memref<10240x48xf32, #tpu.memory_space<vmem_shared>> -> memref<10240x48xf32, #tpu.memory_space<vmem_shared>>
          tpu.wait_indirect_dma semaphore(%run_scoped3A_159 : memref<!tpu.dma_semaphore, #tpu.memory_space<semaphore_mem>>) src(%arg7 : memref<128x48xf32, #tpu.memory_space<vmem>>) dst(%dma_wait3A_171 : memref<10240x48xf32, #tpu.memory_space<vmem_shared>>)
          tpu.yield
        }) : () -> ()
        %add3A_147 = arith.constant 2 : i32
        %add3A_148 = arith.addi %mul3A_136, %add3A_147 : i32
        %lt3A_149 = arith.cmpi slt, %add3A_148, %sub3A_47 : i32
        %convert_element_type3A_150 = arith.extui %lt3A_149 : i1 to i32
        %cond3A_151 = arith.constant 0 : i32
        %cond3A_152 = arith.cmpi ne, %convert_element_type3A_150, %cond3A_151 : i32
        scf.if %cond3A_152 {
          %add3A_159 = arith.constant 2 : i32
          %add3A_160 = arith.addi %mul3A_136, %add3A_159 : i32
          %dma_start3A_161 = arith.constant 0 : i32
          %dma_start3A_162 = tpu.memref_slice %arg5[%add3A_160, %dma_start3A_161] : memref<79x128xi32, #tpu.memory_space<vmem>> -> memref<1x128xi32, #tpu.memory_space<vmem>>
          %dma_start3A_163 = tpu.memref_squeeze %dma_start3A_162 : memref<1x128xi32, #tpu.memory_space<vmem>> -> memref<128xi32, #tpu.memory_space<vmem>>
          %dma_start3A_164 = arith.constant 0 : i32
          %dma_start3A_165 = arith.constant 0 : i32
          %dma_start3A_166 = tpu.memref_slice %arg14[%dma_start3A_164, %dma_start3A_165] : memref<10240x48xf32, #tpu.memory_space<hbm>> -> memref<10240x48xf32, #tpu.memory_space<hbm>>
          tpu.enqueue_indirect_dma source(%dma_start3A_166 : memref<10240x48xf32, #tpu.memory_space<hbm>>) target(%arg7 : memref<128x48xf32, #tpu.memory_space<vmem>>) offsets(%dma_start3A_163 : memref<128xi32, #tpu.memory_space<vmem>>) semaphore(%arg11 : memref<!tpu.dma_semaphore, #tpu.memory_space<semaphore_mem>>)
        } else {
        }
        %add3A_153 = arith.constant 1 : i32
        %add3A_154 = arith.addi %mul3A_136, %add3A_153 : i32
        %lt3A_155 = arith.cmpi slt, %add3A_154, %sub3A_47 : i32
        %convert_element_type3A_156 = arith.extui %lt3A_155 : i1 to i32
        %cond3A_157 = arith.constant 0 : i32
        %cond3A_158 = arith.cmpi ne, %convert_element_type3A_156, %cond3A_157 : i32
        scf.if %cond3A_158 {
          %add3A_159 = arith.constant 1 : i32
          %add3A_160 = arith.addi %mul3A_136, %add3A_159 : i32
          %dma_wait3A_161 = arith.constant 0 : i32
          %dma_wait3A_162 = tpu.memref_slice %arg5[%add3A_160, %dma_wait3A_161] : memref<79x128xi32, #tpu.memory_space<vmem>> -> memref<1x128xi32, #tpu.memory_space<vmem>>
          %dma_wait3A_163 = tpu.memref_squeeze %dma_wait3A_162 : memref<1x128xi32, #tpu.memory_space<vmem>> -> memref<128xi32, #tpu.memory_space<vmem>>
          %dma_wait3A_164 = arith.constant 0 : i32
          %dma_wait3A_165 = arith.constant 0 : i32
          %dma_wait3A_166 = tpu.memref_slice %arg14[%dma_wait3A_164, %dma_wait3A_165] : memref<10240x48xf32, #tpu.memory_space<hbm>> -> memref<10240x48xf32, #tpu.memory_space<hbm>>
          tpu.wait_indirect_dma semaphore(%arg12 : memref<!tpu.dma_semaphore, #tpu.memory_space<semaphore_mem>>) src(%dma_wait3A_166 : memref<10240x48xf32, #tpu.memory_space<hbm>>) dst(%arg8 : memref<128x48xf32, #tpu.memory_space<vmem>>)
          %add3A_167 = arith.constant 1 : i32
          %add3A_168 = arith.addi %mul3A_136, %add3A_167 : i32
          "tpu.region"() ({
            %run_scoped3A_169 = tpu.sem_alloc : memref<!tpu.dma_semaphore, #tpu.memory_space<semaphore_mem>>
            %dma_start3A_170 = arith.constant 0 : i32
            %dma_start3A_171 = tpu.memref_slice %arg6[%add3A_168, %dma_start3A_170] : memref<79x128xi32, #tpu.memory_space<vmem>> -> memref<1x128xi32, #tpu.memory_space<vmem>>
            %dma_start3A_172 = tpu.memref_squeeze %dma_start3A_171 : memref<1x128xi32, #tpu.memory_space<vmem>> -> memref<128xi32, #tpu.memory_space<vmem>>
            %dma_start3A_173 = arith.constant 0 : i32
            %dma_start3A_174 = arith.constant 0 : i32
            %dma_start3A_175 = tpu.memref_slice %arg13[%dma_start3A_173, %dma_start3A_174] : memref<10240x48xf32, #tpu.memory_space<vmem_shared>> -> memref<10240x48xf32, #tpu.memory_space<vmem_shared>>
            tpu.enqueue_indirect_dma source(%arg8 : memref<128x48xf32, #tpu.memory_space<vmem>>) target(%dma_start3A_175 : memref<10240x48xf32, #tpu.memory_space<vmem_shared>>) offsets(%dma_start3A_172 : memref<128xi32, #tpu.memory_space<vmem>>) semaphore(%run_scoped3A_169 : memref<!tpu.dma_semaphore, #tpu.memory_space<semaphore_mem>>) {add = true}
            %dma_wait3A_176 = arith.constant 0 : i32
            %dma_wait3A_177 = tpu.memref_slice %arg6[%add3A_168, %dma_wait3A_176] : memref<79x128xi32, #tpu.memory_space<vmem>> -> memref<1x128xi32, #tpu.memory_space<vmem>>
            %dma_wait3A_178 = tpu.memref_squeeze %dma_wait3A_177 : memref<1x128xi32, #tpu.memory_space<vmem>> -> memref<128xi32, #tpu.memory_space<vmem>>
            %dma_wait3A_179 = arith.constant 0 : i32
            %dma_wait3A_180 = arith.constant 0 : i32
            %dma_wait3A_181 = tpu.memref_slice %arg13[%dma_wait3A_179, %dma_wait3A_180] : memref<10240x48xf32, #tpu.memory_space<vmem_shared>> -> memref<10240x48xf32, #tpu.memory_space<vmem_shared>>
            tpu.wait_indirect_dma semaphore(%run_scoped3A_169 : memref<!tpu.dma_semaphore, #tpu.memory_space<semaphore_mem>>) src(%arg8 : memref<128x48xf32, #tpu.memory_space<vmem>>) dst(%dma_wait3A_181 : memref<10240x48xf32, #tpu.memory_space<vmem_shared>>)
            tpu.yield
          }) : () -> ()
        } else {
        }
      }
      %while3A_133 = arith.constant 1 : i32
      scf.for %while3A_134 = %while3A_131 to %while3A_127 step %while3A_133  : i32 {
        %mul3A_135 = arith.constant 2 : i32
        %mul3A_136 = arith.muli %mul3A_135, %while3A_134 : i32
        %add3A_137 = arith.constant 1 : i32
        %add3A_138 = arith.addi %mul3A_136, %add3A_137 : i32
        %lt3A = arith.cmpi slt, %add3A_138, %sub3A_47 : i32
        %convert_element_type3A_139 = arith.extui %lt3A : i1 to i32
        %cond3A_140 = arith.constant 0 : i32
        %cond3A_141 = arith.cmpi ne, %convert_element_type3A_139, %cond3A_140 : i32
        scf.if %cond3A_141 {
          %add3A_159 = arith.constant 1 : i32
          %add3A_160 = arith.addi %mul3A_136, %add3A_159 : i32
          %dma_start3A_161 = arith.constant 0 : i32
          %dma_start3A_162 = tpu.memref_slice %arg5[%add3A_160, %dma_start3A_161] : memref<79x128xi32, #tpu.memory_space<vmem>> -> memref<1x128xi32, #tpu.memory_space<vmem>>
          %dma_start3A_163 = tpu.memref_squeeze %dma_start3A_162 : memref<1x128xi32, #tpu.memory_space<vmem>> -> memref<128xi32, #tpu.memory_space<vmem>>
          %dma_start3A_164 = arith.constant 0 : i32
          %dma_start3A_165 = arith.constant 0 : i32
          %dma_start3A_166 = tpu.memref_slice %arg14[%dma_start3A_164, %dma_start3A_165] : memref<10240x48xf32, #tpu.memory_space<hbm>> -> memref<10240x48xf32, #tpu.memory_space<hbm>>
          tpu.enqueue_indirect_dma source(%dma_start3A_166 : memref<10240x48xf32, #tpu.memory_space<hbm>>) target(%arg8 : memref<128x48xf32, #tpu.memory_space<vmem>>) offsets(%dma_start3A_163 : memref<128xi32, #tpu.memory_space<vmem>>) semaphore(%arg12 : memref<!tpu.dma_semaphore, #tpu.memory_space<semaphore_mem>>)
        } else {
        }
        %dma_wait3A = arith.constant 0 : i32
        %dma_wait3A_142 = tpu.memref_slice %arg5[%mul3A_136, %dma_wait3A] : memref<79x128xi32, #tpu.memory_space<vmem>> -> memref<1x128xi32, #tpu.memory_space<vmem>>
        %dma_wait3A_143 = tpu.memref_squeeze %dma_wait3A_142 : memref<1x128xi32, #tpu.memory_space<vmem>> -> memref<128xi32, #tpu.memory_space<vmem>>
        %dma_wait3A_144 = arith.constant 0 : i32
        %dma_wait3A_145 = arith.constant 0 : i32
        %dma_wait3A_146 = tpu.memref_slice %arg14[%dma_wait3A_144, %dma_wait3A_145] : memref<10240x48xf32, #tpu.memory_space<hbm>> -> memref<10240x48xf32, #tpu.memory_space<hbm>>
        tpu.wait_indirect_dma semaphore(%arg11 : memref<!tpu.dma_semaphore, #tpu.memory_space<semaphore_mem>>) src(%dma_wait3A_146 : memref<10240x48xf32, #tpu.memory_space<hbm>>) dst(%arg7 : memref<128x48xf32, #tpu.memory_space<vmem>>)
        "tpu.region"() ({
          %run_scoped3A_159 = tpu.sem_alloc : memref<!tpu.dma_semaphore, #tpu.memory_space<semaphore_mem>>
          %dma_start3A_160 = arith.constant 0 : i32
          %dma_start3A_161 = tpu.memref_slice %arg6[%mul3A_136, %dma_start3A_160] : memref<79x128xi32, #tpu.memory_space<vmem>> -> memref<1x128xi32, #tpu.memory_space<vmem>>
          %dma_start3A_162 = tpu.memref_squeeze %dma_start3A_161 : memref<1x128xi32, #tpu.memory_space<vmem>> -> memref<128xi32, #tpu.memory_space<vmem>>
          %dma_start3A_163 = arith.constant 0 : i32
          %dma_start3A_164 = arith.constant 0 : i32
          %dma_start3A_165 = tpu.memref_slice %arg13[%dma_start3A_163, %dma_start3A_164] : memref<10240x48xf32, #tpu.memory_space<vmem_shared>> -> memref<10240x48xf32, #tpu.memory_space<vmem_shared>>
          tpu.enqueue_indirect_dma source(%arg7 : memref<128x48xf32, #tpu.memory_space<vmem>>) target(%dma_start3A_165 : memref<10240x48xf32, #tpu.memory_space<vmem_shared>>) offsets(%dma_start3A_162 : memref<128xi32, #tpu.memory_space<vmem>>) semaphore(%run_scoped3A_159 : memref<!tpu.dma_semaphore, #tpu.memory_space<semaphore_mem>>) {add = true}
          %dma_wait3A_166 = arith.constant 0 : i32
          %dma_wait3A_167 = tpu.memref_slice %arg6[%mul3A_136, %dma_wait3A_166] : memref<79x128xi32, #tpu.memory_space<vmem>> -> memref<1x128xi32, #tpu.memory_space<vmem>>
          %dma_wait3A_168 = tpu.memref_squeeze %dma_wait3A_167 : memref<1x128xi32, #tpu.memory_space<vmem>> -> memref<128xi32, #tpu.memory_space<vmem>>
          %dma_wait3A_169 = arith.constant 0 : i32
          %dma_wait3A_170 = arith.constant 0 : i32
          %dma_wait3A_171 = tpu.memref_slice %arg13[%dma_wait3A_169, %dma_wait3A_170] : memref<10240x48xf32, #tpu.memory_space<vmem_shared>> -> memref<10240x48xf32, #tpu.memory_space<vmem_shared>>
          tpu.wait_indirect_dma semaphore(%run_scoped3A_159 : memref<!tpu.dma_semaphore, #tpu.memory_space<semaphore_mem>>) src(%arg7 : memref<128x48xf32, #tpu.memory_space<vmem>>) dst(%dma_wait3A_171 : memref<10240x48xf32, #tpu.memory_space<vmem_shared>>)
          tpu.yield
        }) : () -> ()
        %add3A_147 = arith.constant 2 : i32
        %add3A_148 = arith.addi %mul3A_136, %add3A_147 : i32
        %lt3A_149 = arith.cmpi slt, %add3A_148, %sub3A_47 : i32
        %convert_element_type3A_150 = arith.extui %lt3A_149 : i1 to i32
        %cond3A_151 = arith.constant 0 : i32
        %cond3A_152 = arith.cmpi ne, %convert_element_type3A_150, %cond3A_151 : i32
        scf.if %cond3A_152 {
          %add3A_159 = arith.constant 2 : i32
          %add3A_160 = arith.addi %mul3A_136, %add3A_159 : i32
          %dma_start3A_161 = arith.constant 0 : i32
          %dma_start3A_162 = tpu.memref_slice %arg5[%add3A_160, %dma_start3A_161] : memref<79x128xi32, #tpu.memory_space<vmem>> -> memref<1x128xi32, #tpu.memory_space<vmem>>
          %dma_start3A_163 = tpu.memref_squeeze %dma_start3A_162 : memref<1x128xi32, #tpu.memory_space<vmem>> -> memref<128xi32, #tpu.memory_space<vmem>>
          %dma_start3A_164 = arith.constant 0 : i32
          %dma_start3A_165 = arith.constant 0 : i32
          %dma_start3A_166 = tpu.memref_slice %arg14[%dma_start3A_164, %dma_start3A_165] : memref<10240x48xf32, #tpu.memory_space<hbm>> -> memref<10240x48xf32, #tpu.memory_space<hbm>>
          tpu.enqueue_indirect_dma source(%dma_start3A_166 : memref<10240x48xf32, #tpu.memory_space<hbm>>) target(%arg7 : memref<128x48xf32, #tpu.memory_space<vmem>>) offsets(%dma_start3A_163 : memref<128xi32, #tpu.memory_space<vmem>>) semaphore(%arg11 : memref<!tpu.dma_semaphore, #tpu.memory_space<semaphore_mem>>)
        } else {
        }
        %add3A_153 = arith.constant 1 : i32
        %add3A_154 = arith.addi %mul3A_136, %add3A_153 : i32
        %lt3A_155 = arith.cmpi slt, %add3A_154, %sub3A_47 : i32
        %convert_element_type3A_156 = arith.extui %lt3A_155 : i1 to i32
        %cond3A_157 = arith.constant 0 : i32
        %cond3A_158 = arith.cmpi ne, %convert_element_type3A_156, %cond3A_157 : i32
        scf.if %cond3A_158 {
          %add3A_159 = arith.constant 1 : i32
          %add3A_160 = arith.addi %mul3A_136, %add3A_159 : i32
          %dma_wait3A_161 = arith.constant 0 : i32
          %dma_wait3A_162 = tpu.memref_slice %arg5[%add3A_160, %dma_wait3A_161] : memref<79x128xi32, #tpu.memory_space<vmem>> -> memref<1x128xi32, #tpu.memory_space<vmem>>
          %dma_wait3A_163 = tpu.memref_squeeze %dma_wait3A_162 : memref<1x128xi32, #tpu.memory_space<vmem>> -> memref<128xi32, #tpu.memory_space<vmem>>
          %dma_wait3A_164 = arith.constant 0 : i32
          %dma_wait3A_165 = arith.constant 0 : i32
          %dma_wait3A_166 = tpu.memref_slice %arg14[%dma_wait3A_164, %dma_wait3A_165] : memref<10240x48xf32, #tpu.memory_space<hbm>> -> memref<10240x48xf32, #tpu.memory_space<hbm>>
          tpu.wait_indirect_dma semaphore(%arg12 : memref<!tpu.dma_semaphore, #tpu.memory_space<semaphore_mem>>) src(%dma_wait3A_166 : memref<10240x48xf32, #tpu.memory_space<hbm>>) dst(%arg8 : memref<128x48xf32, #tpu.memory_space<vmem>>)
          %add3A_167 = arith.constant 1 : i32
          %add3A_168 = arith.addi %mul3A_136, %add3A_167 : i32
          "tpu.region"() ({
            %run_scoped3A_169 = tpu.sem_alloc : memref<!tpu.dma_semaphore, #tpu.memory_space<semaphore_mem>>
            %dma_start3A_170 = arith.constant 0 : i32
            %dma_start3A_171 = tpu.memref_slice %arg6[%add3A_168, %dma_start3A_170] : memref<79x128xi32, #tpu.memory_space<vmem>> -> memref<1x128xi32, #tpu.memory_space<vmem>>
            %dma_start3A_172 = tpu.memref_squeeze %dma_start3A_171 : memref<1x128xi32, #tpu.memory_space<vmem>> -> memref<128xi32, #tpu.memory_space<vmem>>
            %dma_start3A_173 = arith.constant 0 : i32
            %dma_start3A_174 = arith.constant 0 : i32
            %dma_start3A_175 = tpu.memref_slice %arg13[%dma_start3A_173, %dma_start3A_174] : memref<10240x48xf32, #tpu.memory_space<vmem_shared>> -> memref<10240x48xf32, #tpu.memory_space<vmem_shared>>
            tpu.enqueue_indirect_dma source(%arg8 : memref<128x48xf32, #tpu.memory_space<vmem>>) target(%dma_start3A_175 : memref<10240x48xf32, #tpu.memory_space<vmem_shared>>) offsets(%dma_start3A_172 : memref<128xi32, #tpu.memory_space<vmem>>) semaphore(%run_scoped3A_169 : memref<!tpu.dma_semaphore, #tpu.memory_space<semaphore_mem>>) {add = true}
            %dma_wait3A_176 = arith.constant 0 : i32
            %dma_wait3A_177 = tpu.memref_slice %arg6[%add3A_168, %dma_wait3A_176] : memref<79x128xi32, #tpu.memory_space<vmem>> -> memref<1x128xi32, #tpu.memory_space<vmem>>
            %dma_wait3A_178 = tpu.memref_squeeze %dma_wait3A_177 : memref<1x128xi32, #tpu.memory_space<vmem>> -> memref<128xi32, #tpu.memory_space<vmem>>
            %dma_wait3A_179 = arith.constant 0 : i32
            %dma_wait3A_180 = arith.constant 0 : i32
            %dma_wait3A_181 = tpu.memref_slice %arg13[%dma_wait3A_179, %dma_wait3A_180] : memref<10240x48xf32, #tpu.memory_space<vmem_shared>> -> memref<10240x48xf32, #tpu.memory_space<vmem_shared>>
            tpu.wait_indirect_dma semaphore(%run_scoped3A_169 : memref<!tpu.dma_semaphore, #tpu.memory_space<semaphore_mem>>) src(%arg8 : memref<128x48xf32, #tpu.memory_space<vmem>>) dst(%dma_wait3A_181 : memref<10240x48xf32, #tpu.memory_space<vmem_shared>>)
            tpu.yield
          }) : () -> ()
        } else {
        }
      }
    } else {
    }
    %eq3A_77 = arith.constant 1 : i32
    %eq3A_78 = arith.cmpi eq, %arg0, %eq3A_77 : i32
    %convert_element_type3A_79 = arith.extui %eq3A_78 : i1 to i32
    %cond3A_80 = arith.constant 0 : i32
    %cond3A_81 = arith.cmpi ne, %convert_element_type3A_79, %cond3A_80 : i32
    scf.if %cond3A_81 {
      %dma_start3A = arith.constant 0 : i32
      %dma_start3A_93 = arith.constant 0 : i32
      %dma_start3A_94 = tpu.memref_slice %arg5[%dma_start3A, %dma_start3A_93] : memref<79x128xi32, #tpu.memory_space<vmem>> -> memref<1x128xi32, #tpu.memory_space<vmem>>
      %dma_start3A_95 = tpu.memref_squeeze %dma_start3A_94 : memref<1x128xi32, #tpu.memory_space<vmem>> -> memref<128xi32, #tpu.memory_space<vmem>>
      %dma_start3A_96 = arith.constant 0 : i32
      %dma_start3A_97 = arith.constant 0 : i32
      %dma_start3A_98 = tpu.memref_slice %arg15[%dma_start3A_96, %dma_start3A_97] : memref<10240x48xf32, #tpu.memory_space<hbm>> -> memref<10240x48xf32, #tpu.memory_space<hbm>>
      tpu.enqueue_indirect_dma source(%dma_start3A_98 : memref<10240x48xf32, #tpu.memory_space<hbm>>) target(%arg7 : memref<128x48xf32, #tpu.memory_space<vmem>>) offsets(%dma_start3A_95 : memref<128xi32, #tpu.memory_space<vmem>>) semaphore(%arg11 : memref<!tpu.dma_semaphore, #tpu.memory_space<semaphore_mem>>)
      %add3A_99 = arith.constant 1 : i32
      %add3A_100 = arith.addi %sub3A_47, %add3A_99 : i32
      %jit3A_101 = arith.constant 2 : i32
      %div3A_102 = arith.divsi %add3A_100, %jit3A_101 : i32
      %sign3A_103 = arith.constant 0 : i32
      %sign3A_104 = arith.cmpi sgt, %add3A_100, %sign3A_103 : i32
      %sign3A_105 = arith.extui %sign3A_104 : i1 to i32
      %sign3A_106 = arith.constant 0 : i32
      %sign3A_107 = arith.cmpi slt, %add3A_100, %sign3A_106 : i32
      %sign3A_108 = arith.extui %sign3A_107 : i1 to i32
      %sign3A_109 = arith.subi %sign3A_105, %sign3A_108 : i32
      %sign3A_110 = arith.constant 0 : i32
      %sign3A_111 = arith.cmpi sgt, %jit3A_101, %sign3A_110 : i32
      %sign3A_112 = arith.extui %sign3A_111 : i1 to i32
      %sign3A_113 = arith.constant 0 : i32
      %sign3A_114 = arith.cmpi slt, %jit3A_101, %sign3A_113 : i32
      %sign3A_115 = arith.extui %sign3A_114 : i1 to i32
      %sign3A_116 = arith.subi %sign3A_112, %sign3A_115 : i32
      %ne3A_117 = arith.cmpi ne, %sign3A_109, %sign3A_116 : i32
      %rem3A_118 = arith.remsi %add3A_100, %jit3A_101 : i32
      %ne3A_119 = arith.constant 0 : i32
      %ne3A_120 = arith.cmpi ne, %rem3A_118, %ne3A_119 : i32
      %and3A_121 = arith.andi %ne3A_117, %ne3A_120 : i1
      %sub3A_122 = arith.constant 1 : i32
      %sub3A_123 = arith.subi %div3A_102, %sub3A_122 : i32
      %select_n3A_124 = arith.select %and3A_121, %sub3A_123, %div3A_102 : i32
      %while3A = arith.constant 0 : i32
      %while3A_125 = arith.constant 0 : i32
      %while3A_126 = arith.subi %select_n3A_124, %while3A_125 : i32
      %while3A_127 = arith.addi %while3A_125, %while3A_126 : i32
      %while3A_128 = arith.constant 1 : i32
      %while3A_129 = arith.divsi %while3A_126, %while3A_128 : i32
      %while3A_130 = arith.muli %while3A_129, %while3A_128 : i32
      %while3A_131 = arith.addi %while3A_125, %while3A_130 : i32
      %while3A_132 = arith.constant 1 : i32
      scf.for %while3A_134 = %while3A_125 to %while3A_131 step %while3A_132  : i32 {
        %mul3A_135 = arith.constant 2 : i32
        %mul3A_136 = arith.muli %mul3A_135, %while3A_134 : i32
        %add3A_137 = arith.constant 1 : i32
        %add3A_138 = arith.addi %mul3A_136, %add3A_137 : i32
        %lt3A = arith.cmpi slt, %add3A_138, %sub3A_47 : i32
        %convert_element_type3A_139 = arith.extui %lt3A : i1 to i32
        %cond3A_140 = arith.constant 0 : i32
        %cond3A_141 = arith.cmpi ne, %convert_element_type3A_139, %cond3A_140 : i32
        scf.if %cond3A_141 {
          %add3A_159 = arith.constant 1 : i32
          %add3A_160 = arith.addi %mul3A_136, %add3A_159 : i32
          %dma_start3A_161 = arith.constant 0 : i32
          %dma_start3A_162 = tpu.memref_slice %arg5[%add3A_160, %dma_start3A_161] : memref<79x128xi32, #tpu.memory_space<vmem>> -> memref<1x128xi32, #tpu.memory_space<vmem>>
          %dma_start3A_163 = tpu.memref_squeeze %dma_start3A_162 : memref<1x128xi32, #tpu.memory_space<vmem>> -> memref<128xi32, #tpu.memory_space<vmem>>
          %dma_start3A_164 = arith.constant 0 : i32
          %dma_start3A_165 = arith.constant 0 : i32
          %dma_start3A_166 = tpu.memref_slice %arg15[%dma_start3A_164, %dma_start3A_165] : memref<10240x48xf32, #tpu.memory_space<hbm>> -> memref<10240x48xf32, #tpu.memory_space<hbm>>
          tpu.enqueue_indirect_dma source(%dma_start3A_166 : memref<10240x48xf32, #tpu.memory_space<hbm>>) target(%arg8 : memref<128x48xf32, #tpu.memory_space<vmem>>) offsets(%dma_start3A_163 : memref<128xi32, #tpu.memory_space<vmem>>) semaphore(%arg12 : memref<!tpu.dma_semaphore, #tpu.memory_space<semaphore_mem>>)
        } else {
        }
        %dma_wait3A = arith.constant 0 : i32
        %dma_wait3A_142 = tpu.memref_slice %arg5[%mul3A_136, %dma_wait3A] : memref<79x128xi32, #tpu.memory_space<vmem>> -> memref<1x128xi32, #tpu.memory_space<vmem>>
        %dma_wait3A_143 = tpu.memref_squeeze %dma_wait3A_142 : memref<1x128xi32, #tpu.memory_space<vmem>> -> memref<128xi32, #tpu.memory_space<vmem>>
        %dma_wait3A_144 = arith.constant 0 : i32
        %dma_wait3A_145 = arith.constant 0 : i32
        %dma_wait3A_146 = tpu.memref_slice %arg15[%dma_wait3A_144, %dma_wait3A_145] : memref<10240x48xf32, #tpu.memory_space<hbm>> -> memref<10240x48xf32, #tpu.memory_space<hbm>>
        tpu.wait_indirect_dma semaphore(%arg11 : memref<!tpu.dma_semaphore, #tpu.memory_space<semaphore_mem>>) src(%dma_wait3A_146 : memref<10240x48xf32, #tpu.memory_space<hbm>>) dst(%arg7 : memref<128x48xf32, #tpu.memory_space<vmem>>)
        "tpu.region"() ({
          %run_scoped3A_159 = tpu.sem_alloc : memref<!tpu.dma_semaphore, #tpu.memory_space<semaphore_mem>>
          %dma_start3A_160 = arith.constant 0 : i32
          %dma_start3A_161 = tpu.memref_slice %arg6[%mul3A_136, %dma_start3A_160] : memref<79x128xi32, #tpu.memory_space<vmem>> -> memref<1x128xi32, #tpu.memory_space<vmem>>
          %dma_start3A_162 = tpu.memref_squeeze %dma_start3A_161 : memref<1x128xi32, #tpu.memory_space<vmem>> -> memref<128xi32, #tpu.memory_space<vmem>>
          %dma_start3A_163 = arith.constant 0 : i32
          %dma_start3A_164 = arith.constant 0 : i32
          %dma_start3A_165 = tpu.memref_slice %arg13[%dma_start3A_163, %dma_start3A_164] : memref<10240x48xf32, #tpu.memory_space<vmem_shared>> -> memref<10240x48xf32, #tpu.memory_space<vmem_shared>>
          tpu.enqueue_indirect_dma source(%arg7 : memref<128x48xf32, #tpu.memory_space<vmem>>) target(%dma_start3A_165 : memref<10240x48xf32, #tpu.memory_space<vmem_shared>>) offsets(%dma_start3A_162 : memref<128xi32, #tpu.memory_space<vmem>>) semaphore(%run_scoped3A_159 : memref<!tpu.dma_semaphore, #tpu.memory_space<semaphore_mem>>) {add = true}
          %dma_wait3A_166 = arith.constant 0 : i32
          %dma_wait3A_167 = tpu.memref_slice %arg6[%mul3A_136, %dma_wait3A_166] : memref<79x128xi32, #tpu.memory_space<vmem>> -> memref<1x128xi32, #tpu.memory_space<vmem>>
          %dma_wait3A_168 = tpu.memref_squeeze %dma_wait3A_167 : memref<1x128xi32, #tpu.memory_space<vmem>> -> memref<128xi32, #tpu.memory_space<vmem>>
          %dma_wait3A_169 = arith.constant 0 : i32
          %dma_wait3A_170 = arith.constant 0 : i32
          %dma_wait3A_171 = tpu.memref_slice %arg13[%dma_wait3A_169, %dma_wait3A_170] : memref<10240x48xf32, #tpu.memory_space<vmem_shared>> -> memref<10240x48xf32, #tpu.memory_space<vmem_shared>>
          tpu.wait_indirect_dma semaphore(%run_scoped3A_159 : memref<!tpu.dma_semaphore, #tpu.memory_space<semaphore_mem>>) src(%arg7 : memref<128x48xf32, #tpu.memory_space<vmem>>) dst(%dma_wait3A_171 : memref<10240x48xf32, #tpu.memory_space<vmem_shared>>)
          tpu.yield
        }) : () -> ()
        %add3A_147 = arith.constant 2 : i32
        %add3A_148 = arith.addi %mul3A_136, %add3A_147 : i32
        %lt3A_149 = arith.cmpi slt, %add3A_148, %sub3A_47 : i32
        %convert_element_type3A_150 = arith.extui %lt3A_149 : i1 to i32
        %cond3A_151 = arith.constant 0 : i32
        %cond3A_152 = arith.cmpi ne, %convert_element_type3A_150, %cond3A_151 : i32
        scf.if %cond3A_152 {
          %add3A_159 = arith.constant 2 : i32
          %add3A_160 = arith.addi %mul3A_136, %add3A_159 : i32
          %dma_start3A_161 = arith.constant 0 : i32
          %dma_start3A_162 = tpu.memref_slice %arg5[%add3A_160, %dma_start3A_161] : memref<79x128xi32, #tpu.memory_space<vmem>> -> memref<1x128xi32, #tpu.memory_space<vmem>>
          %dma_start3A_163 = tpu.memref_squeeze %dma_start3A_162 : memref<1x128xi32, #tpu.memory_space<vmem>> -> memref<128xi32, #tpu.memory_space<vmem>>
          %dma_start3A_164 = arith.constant 0 : i32
          %dma_start3A_165 = arith.constant 0 : i32
          %dma_start3A_166 = tpu.memref_slice %arg15[%dma_start3A_164, %dma_start3A_165] : memref<10240x48xf32, #tpu.memory_space<hbm>> -> memref<10240x48xf32, #tpu.memory_space<hbm>>
          tpu.enqueue_indirect_dma source(%dma_start3A_166 : memref<10240x48xf32, #tpu.memory_space<hbm>>) target(%arg7 : memref<128x48xf32, #tpu.memory_space<vmem>>) offsets(%dma_start3A_163 : memref<128xi32, #tpu.memory_space<vmem>>) semaphore(%arg11 : memref<!tpu.dma_semaphore, #tpu.memory_space<semaphore_mem>>)
        } else {
        }
        %add3A_153 = arith.constant 1 : i32
        %add3A_154 = arith.addi %mul3A_136, %add3A_153 : i32
        %lt3A_155 = arith.cmpi slt, %add3A_154, %sub3A_47 : i32
        %convert_element_type3A_156 = arith.extui %lt3A_155 : i1 to i32
        %cond3A_157 = arith.constant 0 : i32
        %cond3A_158 = arith.cmpi ne, %convert_element_type3A_156, %cond3A_157 : i32
        scf.if %cond3A_158 {
          %add3A_159 = arith.constant 1 : i32
          %add3A_160 = arith.addi %mul3A_136, %add3A_159 : i32
          %dma_wait3A_161 = arith.constant 0 : i32
          %dma_wait3A_162 = tpu.memref_slice %arg5[%add3A_160, %dma_wait3A_161] : memref<79x128xi32, #tpu.memory_space<vmem>> -> memref<1x128xi32, #tpu.memory_space<vmem>>
          %dma_wait3A_163 = tpu.memref_squeeze %dma_wait3A_162 : memref<1x128xi32, #tpu.memory_space<vmem>> -> memref<128xi32, #tpu.memory_space<vmem>>
          %dma_wait3A_164 = arith.constant 0 : i32
          %dma_wait3A_165 = arith.constant 0 : i32
          %dma_wait3A_166 = tpu.memref_slice %arg15[%dma_wait3A_164, %dma_wait3A_165] : memref<10240x48xf32, #tpu.memory_space<hbm>> -> memref<10240x48xf32, #tpu.memory_space<hbm>>
          tpu.wait_indirect_dma semaphore(%arg12 : memref<!tpu.dma_semaphore, #tpu.memory_space<semaphore_mem>>) src(%dma_wait3A_166 : memref<10240x48xf32, #tpu.memory_space<hbm>>) dst(%arg8 : memref<128x48xf32, #tpu.memory_space<vmem>>)
          %add3A_167 = arith.constant 1 : i32
          %add3A_168 = arith.addi %mul3A_136, %add3A_167 : i32
          "tpu.region"() ({
            %run_scoped3A_169 = tpu.sem_alloc : memref<!tpu.dma_semaphore, #tpu.memory_space<semaphore_mem>>
            %dma_start3A_170 = arith.constant 0 : i32
            %dma_start3A_171 = tpu.memref_slice %arg6[%add3A_168, %dma_start3A_170] : memref<79x128xi32, #tpu.memory_space<vmem>> -> memref<1x128xi32, #tpu.memory_space<vmem>>
            %dma_start3A_172 = tpu.memref_squeeze %dma_start3A_171 : memref<1x128xi32, #tpu.memory_space<vmem>> -> memref<128xi32, #tpu.memory_space<vmem>>
            %dma_start3A_173 = arith.constant 0 : i32
            %dma_start3A_174 = arith.constant 0 : i32
            %dma_start3A_175 = tpu.memref_slice %arg13[%dma_start3A_173, %dma_start3A_174] : memref<10240x48xf32, #tpu.memory_space<vmem_shared>> -> memref<10240x48xf32, #tpu.memory_space<vmem_shared>>
            tpu.enqueue_indirect_dma source(%arg8 : memref<128x48xf32, #tpu.memory_space<vmem>>) target(%dma_start3A_175 : memref<10240x48xf32, #tpu.memory_space<vmem_shared>>) offsets(%dma_start3A_172 : memref<128xi32, #tpu.memory_space<vmem>>) semaphore(%run_scoped3A_169 : memref<!tpu.dma_semaphore, #tpu.memory_space<semaphore_mem>>) {add = true}
            %dma_wait3A_176 = arith.constant 0 : i32
            %dma_wait3A_177 = tpu.memref_slice %arg6[%add3A_168, %dma_wait3A_176] : memref<79x128xi32, #tpu.memory_space<vmem>> -> memref<1x128xi32, #tpu.memory_space<vmem>>
            %dma_wait3A_178 = tpu.memref_squeeze %dma_wait3A_177 : memref<1x128xi32, #tpu.memory_space<vmem>> -> memref<128xi32, #tpu.memory_space<vmem>>
            %dma_wait3A_179 = arith.constant 0 : i32
            %dma_wait3A_180 = arith.constant 0 : i32
            %dma_wait3A_181 = tpu.memref_slice %arg13[%dma_wait3A_179, %dma_wait3A_180] : memref<10240x48xf32, #tpu.memory_space<vmem_shared>> -> memref<10240x48xf32, #tpu.memory_space<vmem_shared>>
            tpu.wait_indirect_dma semaphore(%run_scoped3A_169 : memref<!tpu.dma_semaphore, #tpu.memory_space<semaphore_mem>>) src(%arg8 : memref<128x48xf32, #tpu.memory_space<vmem>>) dst(%dma_wait3A_181 : memref<10240x48xf32, #tpu.memory_space<vmem_shared>>)
            tpu.yield
          }) : () -> ()
        } else {
        }
      }
      %while3A_133 = arith.constant 1 : i32
      scf.for %while3A_134 = %while3A_131 to %while3A_127 step %while3A_133  : i32 {
        %mul3A_135 = arith.constant 2 : i32
        %mul3A_136 = arith.muli %mul3A_135, %while3A_134 : i32
        %add3A_137 = arith.constant 1 : i32
        %add3A_138 = arith.addi %mul3A_136, %add3A_137 : i32
        %lt3A = arith.cmpi slt, %add3A_138, %sub3A_47 : i32
        %convert_element_type3A_139 = arith.extui %lt3A : i1 to i32
        %cond3A_140 = arith.constant 0 : i32
        %cond3A_141 = arith.cmpi ne, %convert_element_type3A_139, %cond3A_140 : i32
        scf.if %cond3A_141 {
          %add3A_159 = arith.constant 1 : i32
          %add3A_160 = arith.addi %mul3A_136, %add3A_159 : i32
          %dma_start3A_161 = arith.constant 0 : i32
          %dma_start3A_162 = tpu.memref_slice %arg5[%add3A_160, %dma_start3A_161] : memref<79x128xi32, #tpu.memory_space<vmem>> -> memref<1x128xi32, #tpu.memory_space<vmem>>
          %dma_start3A_163 = tpu.memref_squeeze %dma_start3A_162 : memref<1x128xi32, #tpu.memory_space<vmem>> -> memref<128xi32, #tpu.memory_space<vmem>>
          %dma_start3A_164 = arith.constant 0 : i32
          %dma_start3A_165 = arith.constant 0 : i32
          %dma_start3A_166 = tpu.memref_slice %arg15[%dma_start3A_164, %dma_start3A_165] : memref<10240x48xf32, #tpu.memory_space<hbm>> -> memref<10240x48xf32, #tpu.memory_space<hbm>>
          tpu.enqueue_indirect_dma source(%dma_start3A_166 : memref<10240x48xf32, #tpu.memory_space<hbm>>) target(%arg8 : memref<128x48xf32, #tpu.memory_space<vmem>>) offsets(%dma_start3A_163 : memref<128xi32, #tpu.memory_space<vmem>>) semaphore(%arg12 : memref<!tpu.dma_semaphore, #tpu.memory_space<semaphore_mem>>)
        } else {
        }
        %dma_wait3A = arith.constant 0 : i32
        %dma_wait3A_142 = tpu.memref_slice %arg5[%mul3A_136, %dma_wait3A] : memref<79x128xi32, #tpu.memory_space<vmem>> -> memref<1x128xi32, #tpu.memory_space<vmem>>
        %dma_wait3A_143 = tpu.memref_squeeze %dma_wait3A_142 : memref<1x128xi32, #tpu.memory_space<vmem>> -> memref<128xi32, #tpu.memory_space<vmem>>
        %dma_wait3A_144 = arith.constant 0 : i32
        %dma_wait3A_145 = arith.constant 0 : i32
        %dma_wait3A_146 = tpu.memref_slice %arg15[%dma_wait3A_144, %dma_wait3A_145] : memref<10240x48xf32, #tpu.memory_space<hbm>> -> memref<10240x48xf32, #tpu.memory_space<hbm>>
        tpu.wait_indirect_dma semaphore(%arg11 : memref<!tpu.dma_semaphore, #tpu.memory_space<semaphore_mem>>) src(%dma_wait3A_146 : memref<10240x48xf32, #tpu.memory_space<hbm>>) dst(%arg7 : memref<128x48xf32, #tpu.memory_space<vmem>>)
        "tpu.region"() ({
          %run_scoped3A_159 = tpu.sem_alloc : memref<!tpu.dma_semaphore, #tpu.memory_space<semaphore_mem>>
          %dma_start3A_160 = arith.constant 0 : i32
          %dma_start3A_161 = tpu.memref_slice %arg6[%mul3A_136, %dma_start3A_160] : memref<79x128xi32, #tpu.memory_space<vmem>> -> memref<1x128xi32, #tpu.memory_space<vmem>>
          %dma_start3A_162 = tpu.memref_squeeze %dma_start3A_161 : memref<1x128xi32, #tpu.memory_space<vmem>> -> memref<128xi32, #tpu.memory_space<vmem>>
          %dma_start3A_163 = arith.constant 0 : i32
          %dma_start3A_164 = arith.constant 0 : i32
          %dma_start3A_165 = tpu.memref_slice %arg13[%dma_start3A_163, %dma_start3A_164] : memref<10240x48xf32, #tpu.memory_space<vmem_shared>> -> memref<10240x48xf32, #tpu.memory_space<vmem_shared>>
          tpu.enqueue_indirect_dma source(%arg7 : memref<128x48xf32, #tpu.memory_space<vmem>>) target(%dma_start3A_165 : memref<10240x48xf32, #tpu.memory_space<vmem_shared>>) offsets(%dma_start3A_162 : memref<128xi32, #tpu.memory_space<vmem>>) semaphore(%run_scoped3A_159 : memref<!tpu.dma_semaphore, #tpu.memory_space<semaphore_mem>>) {add = true}
          %dma_wait3A_166 = arith.constant 0 : i32
          %dma_wait3A_167 = tpu.memref_slice %arg6[%mul3A_136, %dma_wait3A_166] : memref<79x128xi32, #tpu.memory_space<vmem>> -> memref<1x128xi32, #tpu.memory_space<vmem>>
          %dma_wait3A_168 = tpu.memref_squeeze %dma_wait3A_167 : memref<1x128xi32, #tpu.memory_space<vmem>> -> memref<128xi32, #tpu.memory_space<vmem>>
          %dma_wait3A_169 = arith.constant 0 : i32
          %dma_wait3A_170 = arith.constant 0 : i32
          %dma_wait3A_171 = tpu.memref_slice %arg13[%dma_wait3A_169, %dma_wait3A_170] : memref<10240x48xf32, #tpu.memory_space<vmem_shared>> -> memref<10240x48xf32, #tpu.memory_space<vmem_shared>>
          tpu.wait_indirect_dma semaphore(%run_scoped3A_159 : memref<!tpu.dma_semaphore, #tpu.memory_space<semaphore_mem>>) src(%arg7 : memref<128x48xf32, #tpu.memory_space<vmem>>) dst(%dma_wait3A_171 : memref<10240x48xf32, #tpu.memory_space<vmem_shared>>)
          tpu.yield
        }) : () -> ()
        %add3A_147 = arith.constant 2 : i32
        %add3A_148 = arith.addi %mul3A_136, %add3A_147 : i32
        %lt3A_149 = arith.cmpi slt, %add3A_148, %sub3A_47 : i32
        %convert_element_type3A_150 = arith.extui %lt3A_149 : i1 to i32
        %cond3A_151 = arith.constant 0 : i32
        %cond3A_152 = arith.cmpi ne, %convert_element_type3A_150, %cond3A_151 : i32
        scf.if %cond3A_152 {
          %add3A_159 = arith.constant 2 : i32
          %add3A_160 = arith.addi %mul3A_136, %add3A_159 : i32
          %dma_start3A_161 = arith.constant 0 : i32
          %dma_start3A_162 = tpu.memref_slice %arg5[%add3A_160, %dma_start3A_161] : memref<79x128xi32, #tpu.memory_space<vmem>> -> memref<1x128xi32, #tpu.memory_space<vmem>>
          %dma_start3A_163 = tpu.memref_squeeze %dma_start3A_162 : memref<1x128xi32, #tpu.memory_space<vmem>> -> memref<128xi32, #tpu.memory_space<vmem>>
          %dma_start3A_164 = arith.constant 0 : i32
          %dma_start3A_165 = arith.constant 0 : i32
          %dma_start3A_166 = tpu.memref_slice %arg15[%dma_start3A_164, %dma_start3A_165] : memref<10240x48xf32, #tpu.memory_space<hbm>> -> memref<10240x48xf32, #tpu.memory_space<hbm>>
          tpu.enqueue_indirect_dma source(%dma_start3A_166 : memref<10240x48xf32, #tpu.memory_space<hbm>>) target(%arg7 : memref<128x48xf32, #tpu.memory_space<vmem>>) offsets(%dma_start3A_163 : memref<128xi32, #tpu.memory_space<vmem>>) semaphore(%arg11 : memref<!tpu.dma_semaphore, #tpu.memory_space<semaphore_mem>>)
        } else {
        }
        %add3A_153 = arith.constant 1 : i32
        %add3A_154 = arith.addi %mul3A_136, %add3A_153 : i32
        %lt3A_155 = arith.cmpi slt, %add3A_154, %sub3A_47 : i32
        %convert_element_type3A_156 = arith.extui %lt3A_155 : i1 to i32
        %cond3A_157 = arith.constant 0 : i32
        %cond3A_158 = arith.cmpi ne, %convert_element_type3A_156, %cond3A_157 : i32
        scf.if %cond3A_158 {
          %add3A_159 = arith.constant 1 : i32
          %add3A_160 = arith.addi %mul3A_136, %add3A_159 : i32
          %dma_wait3A_161 = arith.constant 0 : i32
          %dma_wait3A_162 = tpu.memref_slice %arg5[%add3A_160, %dma_wait3A_161] : memref<79x128xi32, #tpu.memory_space<vmem>> -> memref<1x128xi32, #tpu.memory_space<vmem>>
          %dma_wait3A_163 = tpu.memref_squeeze %dma_wait3A_162 : memref<1x128xi32, #tpu.memory_space<vmem>> -> memref<128xi32, #tpu.memory_space<vmem>>
          %dma_wait3A_164 = arith.constant 0 : i32
          %dma_wait3A_165 = arith.constant 0 : i32
          %dma_wait3A_166 = tpu.memref_slice %arg15[%dma_wait3A_164, %dma_wait3A_165] : memref<10240x48xf32, #tpu.memory_space<hbm>> -> memref<10240x48xf32, #tpu.memory_space<hbm>>
          tpu.wait_indirect_dma semaphore(%arg12 : memref<!tpu.dma_semaphore, #tpu.memory_space<semaphore_mem>>) src(%dma_wait3A_166 : memref<10240x48xf32, #tpu.memory_space<hbm>>) dst(%arg8 : memref<128x48xf32, #tpu.memory_space<vmem>>)
          %add3A_167 = arith.constant 1 : i32
          %add3A_168 = arith.addi %mul3A_136, %add3A_167 : i32
          "tpu.region"() ({
            %run_scoped3A_169 = tpu.sem_alloc : memref<!tpu.dma_semaphore, #tpu.memory_space<semaphore_mem>>
            %dma_start3A_170 = arith.constant 0 : i32
            %dma_start3A_171 = tpu.memref_slice %arg6[%add3A_168, %dma_start3A_170] : memref<79x128xi32, #tpu.memory_space<vmem>> -> memref<1x128xi32, #tpu.memory_space<vmem>>
            %dma_start3A_172 = tpu.memref_squeeze %dma_start3A_171 : memref<1x128xi32, #tpu.memory_space<vmem>> -> memref<128xi32, #tpu.memory_space<vmem>>
            %dma_start3A_173 = arith.constant 0 : i32
            %dma_start3A_174 = arith.constant 0 : i32
            %dma_start3A_175 = tpu.memref_slice %arg13[%dma_start3A_173, %dma_start3A_174] : memref<10240x48xf32, #tpu.memory_space<vmem_shared>> -> memref<10240x48xf32, #tpu.memory_space<vmem_shared>>
            tpu.enqueue_indirect_dma source(%arg8 : memref<128x48xf32, #tpu.memory_space<vmem>>) target(%dma_start3A_175 : memref<10240x48xf32, #tpu.memory_space<vmem_shared>>) offsets(%dma_start3A_172 : memref<128xi32, #tpu.memory_space<vmem>>) semaphore(%run_scoped3A_169 : memref<!tpu.dma_semaphore, #tpu.memory_space<semaphore_mem>>) {add = true}
            %dma_wait3A_176 = arith.constant 0 : i32
            %dma_wait3A_177 = tpu.memref_slice %arg6[%add3A_168, %dma_wait3A_176] : memref<79x128xi32, #tpu.memory_space<vmem>> -> memref<1x128xi32, #tpu.memory_space<vmem>>
            %dma_wait3A_178 = tpu.memref_squeeze %dma_wait3A_177 : memref<1x128xi32, #tpu.memory_space<vmem>> -> memref<128xi32, #tpu.memory_space<vmem>>
            %dma_wait3A_179 = arith.constant 0 : i32
            %dma_wait3A_180 = arith.constant 0 : i32
            %dma_wait3A_181 = tpu.memref_slice %arg13[%dma_wait3A_179, %dma_wait3A_180] : memref<10240x48xf32, #tpu.memory_space<vmem_shared>> -> memref<10240x48xf32, #tpu.memory_space<vmem_shared>>
            tpu.wait_indirect_dma semaphore(%run_scoped3A_169 : memref<!tpu.dma_semaphore, #tpu.memory_space<semaphore_mem>>) src(%arg8 : memref<128x48xf32, #tpu.memory_space<vmem>>) dst(%dma_wait3A_181 : memref<10240x48xf32, #tpu.memory_space<vmem_shared>>)
            tpu.yield
          }) : () -> ()
        } else {
        }
      }
    } else {
    }
    %barrier3A_82 = arith.constant 0 : index
    tpu.barrier barrier_id(%barrier3A_82)
    %mul3A_83 = arith.constant 640 : i32
    %mul3A_84 = arith.muli %arg1, %mul3A_83 : i32
    "tpu.region"() ({
      %run_scoped3A_93 = tpu.sem_alloc : memref<!tpu.dma_semaphore, #tpu.memory_space<semaphore_mem>>
      %dma_start3A = arith.constant 0 : i32
      %dma_start3A_94 = tpu.memref_slice %arg13[%mul3A_84, %dma_start3A] : memref<10240x48xf32, #tpu.memory_space<vmem_shared>> -> memref<640x48xf32, #tpu.memory_space<vmem_shared>>
      %dma_start3A_95 = arith.constant 0 : i32
      %dma_start3A_96 = tpu.memref_slice %arg13[%mul3A_84, %dma_start3A_95] : memref<10240x48xf32, #tpu.memory_space<vmem_shared>> -> memref<640x48xf32, #tpu.memory_space<vmem_shared>>
      tpu.enqueue_dma source(%dma_start3A_96 : memref<640x48xf32, #tpu.memory_space<vmem_shared>>) target(%arg10 : memref<640x48xf32, #tpu.memory_space<vmem>>) target_semaphore(%run_scoped3A_93 : memref<!tpu.dma_semaphore, #tpu.memory_space<semaphore_mem>>)
      %dma_wait3A = arith.constant 0 : i32
      %dma_wait3A_97 = tpu.memref_slice %arg13[%mul3A_84, %dma_wait3A] : memref<10240x48xf32, #tpu.memory_space<vmem_shared>> -> memref<640x48xf32, #tpu.memory_space<vmem_shared>>
      %dma_wait3A_98 = arith.constant 0 : i32
      %dma_wait3A_99 = tpu.memref_slice %arg13[%mul3A_84, %dma_wait3A_98] : memref<10240x48xf32, #tpu.memory_space<vmem_shared>> -> memref<640x48xf32, #tpu.memory_space<vmem_shared>>
      tpu.wait_dma2 semaphore(%run_scoped3A_93 : memref<!tpu.dma_semaphore, #tpu.memory_space<semaphore_mem>>) src(%dma_wait3A_99 : memref<640x48xf32, #tpu.memory_space<vmem_shared>>) dst(%arg10 : memref<640x48xf32, #tpu.memory_space<vmem>>)
      tpu.yield
    }) : () -> ()
    %scan3A_85 = arith.constant 0 : i32
    %scan3A_86 = arith.constant 0 : i32
    %scan3A_87 = arith.constant 40 : i32
    %scan3A_88 = arith.addi %scan3A_86, %scan3A_87 : i32
    %scan3A_89 = arith.constant 1 : i32
    scf.for %scan3A_93 = %scan3A_86 to %scan3A_88 step %scan3A_89  : i32 {
      %mul3A_94 = arith.constant 16 : i32
      %mul3A_95 = arith.muli %scan3A_93, %mul3A_94 : i32
      %broadcast_in_dim3A_96 = vector.broadcast %mul3A_95 : i32 to vector<16xi32>
      %add3A_97 = arith.constant 0 : i32
      %add3A_98 = vector.broadcast %add3A_97 : i32 to vector<16xi32>
      %add3A_99 = arith.addi %iota3A, %add3A_98 : vector<16xi32>
      %add3A_100 = arith.constant 0 : i32
      %add3A_101 = vector.broadcast %add3A_100 : i32 to vector<16xi32>
      %add3A_102 = arith.addi %broadcast_in_dim3A_96, %add3A_101 : vector<16xi32>
      %mul3A_103 = arith.constant 16 : i32
      %mul3A_104 = arith.muli %scan3A_93, %mul3A_103 : i32
      %add3A_105 = arith.constant 0 : i32
      %add3A_106 = arith.addi %mul3A_104, %add3A_105 : i32
      %get3A = arith.index_cast %add3A_106 : i32 to index
      %get3A_107 = arith.constant 0 : index
      %get3A_108 = tpu.vector_load %arg10[%get3A, %get3A_107] {strides = array<i32>} : memref<640x48xf32, #tpu.memory_space<vmem>>, vector<16xf32>,
      tpu.vector_store_idx %arg9[%add3A_99, %add3A_102], %get3A_108 : memref<48x640xf32, #tpu.memory_space<vmem>>[vector<16xi32>, vector<16xi32>], vector<16xf32>,
      %add3A_109 = arith.constant 16 : i32
      %add3A_110 = vector.broadcast %add3A_109 : i32 to vector<16xi32>
      %add3A_111 = arith.addi %iota3A, %add3A_110 : vector<16xi32>
      %add3A_112 = arith.constant 0 : i32
      %add3A_113 = vector.broadcast %add3A_112 : i32 to vector<16xi32>
      %add3A_114 = arith.addi %broadcast_in_dim3A_96, %add3A_113 : vector<16xi32>
      %mul3A_115 = arith.constant 16 : i32
      %mul3A_116 = arith.muli %scan3A_93, %mul3A_115 : i32
      %add3A_117 = arith.constant 0 : i32
      %add3A_118 = arith.addi %mul3A_116, %add3A_117 : i32
      %get3A_119 = arith.index_cast %add3A_118 : i32 to index
      %get3A_120 = arith.constant 16 : index
      %get3A_121 = tpu.vector_load %arg10[%get3A_119, %get3A_120] {strides = array<i32>} : memref<640x48xf32, #tpu.memory_space<vmem>>, vector<16xf32>,
      tpu.vector_store_idx %arg9[%add3A_111, %add3A_114], %get3A_121 : memref<48x640xf32, #tpu.memory_space<vmem>>[vector<16xi32>, vector<16xi32>], vector<16xf32>,
      %add3A_122 = arith.constant 32 : i32
      %add3A_123 = vector.broadcast %add3A_122 : i32 to vector<16xi32>
      %add3A_124 = arith.addi %iota3A, %add3A_123 : vector<16xi32>
      %add3A_125 = arith.constant 0 : i32
      %add3A_126 = vector.broadcast %add3A_125 : i32 to vector<16xi32>
      %add3A_127 = arith.addi %broadcast_in_dim3A_96, %add3A_126 : vector<16xi32>
      %mul3A_128 = arith.constant 16 : i32
      %mul3A_129 = arith.muli %scan3A_93, %mul3A_128 : i32
      %add3A_130 = arith.constant 0 : i32
      %add3A_131 = arith.addi %mul3A_129, %add3A_130 : i32
      %get3A_132 = arith.index_cast %add3A_131 : i32 to index
      %get3A_133 = arith.constant 32 : index
      %get3A_134 = tpu.vector_load %arg10[%get3A_132, %get3A_133] {strides = array<i32>} : memref<640x48xf32, #tpu.memory_space<vmem>>, vector<16xf32>,
      tpu.vector_store_idx %arg9[%add3A_124, %add3A_127], %get3A_134 : memref<48x640xf32, #tpu.memory_space<vmem>>[vector<16xi32>, vector<16xi32>], vector<16xf32>,
      %add3A_135 = arith.constant 0 : i32
      %add3A_136 = vector.broadcast %add3A_135 : i32 to vector<16xi32>
      %add3A_137 = arith.addi %iota3A, %add3A_136 : vector<16xi32>
      %add3A_138 = arith.constant 1 : i32
      %add3A_139 = vector.broadcast %add3A_138 : i32 to vector<16xi32>
      %add3A_140 = arith.addi %broadcast_in_dim3A_96, %add3A_139 : vector<16xi32>
      %mul3A_141 = arith.constant 16 : i32
      %mul3A_142 = arith.muli %scan3A_93, %mul3A_141 : i32
      %add3A_143 = arith.constant 1 : i32
      %add3A_144 = arith.addi %mul3A_142, %add3A_143 : i32
      %get3A_145 = arith.index_cast %add3A_144 : i32 to index
      %get3A_146 = arith.constant 0 : index
      %get3A_147 = tpu.vector_load %arg10[%get3A_145, %get3A_146] {strides = array<i32>} : memref<640x48xf32, #tpu.memory_space<vmem>>, vector<16xf32>,
      tpu.vector_store_idx %arg9[%add3A_137, %add3A_140], %get3A_147 : memref<48x640xf32, #tpu.memory_space<vmem>>[vector<16xi32>, vector<16xi32>], vector<16xf32>,
      %add3A_148 = arith.constant 16 : i32
      %add3A_149 = vector.broadcast %add3A_148 : i32 to vector<16xi32>
      %add3A_150 = arith.addi %iota3A, %add3A_149 : vector<16xi32>
      %add3A_151 = arith.constant 1 : i32
      %add3A_152 = vector.broadcast %add3A_151 : i32 to vector<16xi32>
      %add3A_153 = arith.addi %broadcast_in_dim3A_96, %add3A_152 : vector<16xi32>
      %mul3A_154 = arith.constant 16 : i32
      %mul3A_155 = arith.muli %scan3A_93, %mul3A_154 : i32
      %add3A_156 = arith.constant 1 : i32
      %add3A_157 = arith.addi %mul3A_155, %add3A_156 : i32
      %get3A_158 = arith.index_cast %add3A_157 : i32 to index
      %get3A_159 = arith.constant 16 : index
      %get3A_160 = tpu.vector_load %arg10[%get3A_158, %get3A_159] {strides = array<i32>} : memref<640x48xf32, #tpu.memory_space<vmem>>, vector<16xf32>,
      tpu.vector_store_idx %arg9[%add3A_150, %add3A_153], %get3A_160 : memref<48x640xf32, #tpu.memory_space<vmem>>[vector<16xi32>, vector<16xi32>], vector<16xf32>,
      %add3A_161 = arith.constant 32 : i32
      %add3A_162 = vector.broadcast %add3A_161 : i32 to vector<16xi32>
      %add3A_163 = arith.addi %iota3A, %add3A_162 : vector<16xi32>
      %add3A_164 = arith.constant 1 : i32
      %add3A_165 = vector.broadcast %add3A_164 : i32 to vector<16xi32>
      %add3A_166 = arith.addi %broadcast_in_dim3A_96, %add3A_165 : vector<16xi32>
      %mul3A_167 = arith.constant 16 : i32
      %mul3A_168 = arith.muli %scan3A_93, %mul3A_167 : i32
      %add3A_169 = arith.constant 1 : i32
      %add3A_170 = arith.addi %mul3A_168, %add3A_169 : i32
      %get3A_171 = arith.index_cast %add3A_170 : i32 to index
      %get3A_172 = arith.constant 32 : index
      %get3A_173 = tpu.vector_load %arg10[%get3A_171, %get3A_172] {strides = array<i32>} : memref<640x48xf32, #tpu.memory_space<vmem>>, vector<16xf32>,
      tpu.vector_store_idx %arg9[%add3A_163, %add3A_166], %get3A_173 : memref<48x640xf32, #tpu.memory_space<vmem>>[vector<16xi32>, vector<16xi32>], vector<16xf32>,
      %add3A_174 = arith.constant 0 : i32
      %add3A_175 = vector.broadcast %add3A_174 : i32 to vector<16xi32>
      %add3A_176 = arith.addi %iota3A, %add3A_175 : vector<16xi32>
      %add3A_177 = arith.constant 2 : i32
      %add3A_178 = vector.broadcast %add3A_177 : i32 to vector<16xi32>
      %add3A_179 = arith.addi %broadcast_in_dim3A_96, %add3A_178 : vector<16xi32>
      %mul3A_180 = arith.constant 16 : i32
      %mul3A_181 = arith.muli %scan3A_93, %mul3A_180 : i32
      %add3A_182 = arith.constant 2 : i32
      %add3A_183 = arith.addi %mul3A_181, %add3A_182 : i32
      %get3A_184 = arith.index_cast %add3A_183 : i32 to index
      %get3A_185 = arith.constant 0 : index
      %get3A_186 = tpu.vector_load %arg10[%get3A_184, %get3A_185] {strides = array<i32>} : memref<640x48xf32, #tpu.memory_space<vmem>>, vector<16xf32>,
      tpu.vector_store_idx %arg9[%add3A_176, %add3A_179], %get3A_186 : memref<48x640xf32, #tpu.memory_space<vmem>>[vector<16xi32>, vector<16xi32>], vector<16xf32>,
      %add3A_187 = arith.constant 16 : i32
      %add3A_188 = vector.broadcast %add3A_187 : i32 to vector<16xi32>
      %add3A_189 = arith.addi %iota3A, %add3A_188 : vector<16xi32>
      %add3A_190 = arith.constant 2 : i32
      %add3A_191 = vector.broadcast %add3A_190 : i32 to vector<16xi32>
      %add3A_192 = arith.addi %broadcast_in_dim3A_96, %add3A_191 : vector<16xi32>
      %mul3A_193 = arith.constant 16 : i32
      %mul3A_194 = arith.muli %scan3A_93, %mul3A_193 : i32
      %add3A_195 = arith.constant 2 : i32
      %add3A_196 = arith.addi %mul3A_194, %add3A_195 : i32
      %get3A_197 = arith.index_cast %add3A_196 : i32 to index
      %get3A_198 = arith.constant 16 : index
      %get3A_199 = tpu.vector_load %arg10[%get3A_197, %get3A_198] {strides = array<i32>} : memref<640x48xf32, #tpu.memory_space<vmem>>, vector<16xf32>,
      tpu.vector_store_idx %arg9[%add3A_189, %add3A_192], %get3A_199 : memref<48x640xf32, #tpu.memory_space<vmem>>[vector<16xi32>, vector<16xi32>], vector<16xf32>,
      %add3A_200 = arith.constant 32 : i32
      %add3A_201 = vector.broadcast %add3A_200 : i32 to vector<16xi32>
      %add3A_202 = arith.addi %iota3A, %add3A_201 : vector<16xi32>
      %add3A_203 = arith.constant 2 : i32
      %add3A_204 = vector.broadcast %add3A_203 : i32 to vector<16xi32>
      %add3A_205 = arith.addi %broadcast_in_dim3A_96, %add3A_204 : vector<16xi32>
      %mul3A_206 = arith.constant 16 : i32
      %mul3A_207 = arith.muli %scan3A_93, %mul3A_206 : i32
      %add3A_208 = arith.constant 2 : i32
      %add3A_209 = arith.addi %mul3A_207, %add3A_208 : i32
      %get3A_210 = arith.index_cast %add3A_209 : i32 to index
      %get3A_211 = arith.constant 32 : index
      %get3A_212 = tpu.vector_load %arg10[%get3A_210, %get3A_211] {strides = array<i32>} : memref<640x48xf32, #tpu.memory_space<vmem>>, vector<16xf32>,
      tpu.vector_store_idx %arg9[%add3A_202, %add3A_205], %get3A_212 : memref<48x640xf32, #tpu.memory_space<vmem>>[vector<16xi32>, vector<16xi32>], vector<16xf32>,
      %add3A_213 = arith.constant 0 : i32
      %add3A_214 = vector.broadcast %add3A_213 : i32 to vector<16xi32>
      %add3A_215 = arith.addi %iota3A, %add3A_214 : vector<16xi32>
      %add3A_216 = arith.constant 3 : i32
      %add3A_217 = vector.broadcast %add3A_216 : i32 to vector<16xi32>
      %add3A_218 = arith.addi %broadcast_in_dim3A_96, %add3A_217 : vector<16xi32>
      %mul3A_219 = arith.constant 16 : i32
      %mul3A_220 = arith.muli %scan3A_93, %mul3A_219 : i32
      %add3A_221 = arith.constant 3 : i32
      %add3A_222 = arith.addi %mul3A_220, %add3A_221 : i32
      %get3A_223 = arith.index_cast %add3A_222 : i32 to index
      %get3A_224 = arith.constant 0 : index
      %get3A_225 = tpu.vector_load %arg10[%get3A_223, %get3A_224] {strides = array<i32>} : memref<640x48xf32, #tpu.memory_space<vmem>>, vector<16xf32>,
      tpu.vector_store_idx %arg9[%add3A_215, %add3A_218], %get3A_225 : memref<48x640xf32, #tpu.memory_space<vmem>>[vector<16xi32>, vector<16xi32>], vector<16xf32>,
      %add3A_226 = arith.constant 16 : i32
      %add3A_227 = vector.broadcast %add3A_226 : i32 to vector<16xi32>
      %add3A_228 = arith.addi %iota3A, %add3A_227 : vector<16xi32>
      %add3A_229 = arith.constant 3 : i32
      %add3A_230 = vector.broadcast %add3A_229 : i32 to vector<16xi32>
      %add3A_231 = arith.addi %broadcast_in_dim3A_96, %add3A_230 : vector<16xi32>
      %mul3A_232 = arith.constant 16 : i32
      %mul3A_233 = arith.muli %scan3A_93, %mul3A_232 : i32
      %add3A_234 = arith.constant 3 : i32
      %add3A_235 = arith.addi %mul3A_233, %add3A_234 : i32
      %get3A_236 = arith.index_cast %add3A_235 : i32 to index
      %get3A_237 = arith.constant 16 : index
      %get3A_238 = tpu.vector_load %arg10[%get3A_236, %get3A_237] {strides = array<i32>} : memref<640x48xf32, #tpu.memory_space<vmem>>, vector<16xf32>,
      tpu.vector_store_idx %arg9[%add3A_228, %add3A_231], %get3A_238 : memref<48x640xf32, #tpu.memory_space<vmem>>[vector<16xi32>, vector<16xi32>], vector<16xf32>,
      %add3A_239 = arith.constant 32 : i32
      %add3A_240 = vector.broadcast %add3A_239 : i32 to vector<16xi32>
      %add3A_241 = arith.addi %iota3A, %add3A_240 : vector<16xi32>
      %add3A_242 = arith.constant 3 : i32
      %add3A_243 = vector.broadcast %add3A_242 : i32 to vector<16xi32>
      %add3A_244 = arith.addi %broadcast_in_dim3A_96, %add3A_243 : vector<16xi32>
      %mul3A_245 = arith.constant 16 : i32
      %mul3A_246 = arith.muli %scan3A_93, %mul3A_245 : i32
      %add3A_247 = arith.constant 3 : i32
      %add3A_248 = arith.addi %mul3A_246, %add3A_247 : i32
      %get3A_249 = arith.index_cast %add3A_248 : i32 to index
      %get3A_250 = arith.constant 32 : index
      %get3A_251 = tpu.vector_load %arg10[%get3A_249, %get3A_250] {strides = array<i32>} : memref<640x48xf32, #tpu.memory_space<vmem>>, vector<16xf32>,
      tpu.vector_store_idx %arg9[%add3A_241, %add3A_244], %get3A_251 : memref<48x640xf32, #tpu.memory_space<vmem>>[vector<16xi32>, vector<16xi32>], vector<16xf32>,
      %add3A_252 = arith.constant 0 : i32
      %add3A_253 = vector.broadcast %add3A_252 : i32 to vector<16xi32>
      %add3A_254 = arith.addi %iota3A, %add3A_253 : vector<16xi32>
      %add3A_255 = arith.constant 4 : i32
      %add3A_256 = vector.broadcast %add3A_255 : i32 to vector<16xi32>
      %add3A_257 = arith.addi %broadcast_in_dim3A_96, %add3A_256 : vector<16xi32>
      %mul3A_258 = arith.constant 16 : i32
      %mul3A_259 = arith.muli %scan3A_93, %mul3A_258 : i32
      %add3A_260 = arith.constant 4 : i32
      %add3A_261 = arith.addi %mul3A_259, %add3A_260 : i32
      %get3A_262 = arith.index_cast %add3A_261 : i32 to index
      %get3A_263 = arith.constant 0 : index
      %get3A_264 = tpu.vector_load %arg10[%get3A_262, %get3A_263] {strides = array<i32>} : memref<640x48xf32, #tpu.memory_space<vmem>>, vector<16xf32>,
      tpu.vector_store_idx %arg9[%add3A_254, %add3A_257], %get3A_264 : memref<48x640xf32, #tpu.memory_space<vmem>>[vector<16xi32>, vector<16xi32>], vector<16xf32>,
      %add3A_265 = arith.constant 16 : i32
      %add3A_266 = vector.broadcast %add3A_265 : i32 to vector<16xi32>
      %add3A_267 = arith.addi %iota3A, %add3A_266 : vector<16xi32>
      %add3A_268 = arith.constant 4 : i32
      %add3A_269 = vector.broadcast %add3A_268 : i32 to vector<16xi32>
      %add3A_270 = arith.addi %broadcast_in_dim3A_96, %add3A_269 : vector<16xi32>
      %mul3A_271 = arith.constant 16 : i32
      %mul3A_272 = arith.muli %scan3A_93, %mul3A_271 : i32
      %add3A_273 = arith.constant 4 : i32
      %add3A_274 = arith.addi %mul3A_272, %add3A_273 : i32
      %get3A_275 = arith.index_cast %add3A_274 : i32 to index
      %get3A_276 = arith.constant 16 : index
      %get3A_277 = tpu.vector_load %arg10[%get3A_275, %get3A_276] {strides = array<i32>} : memref<640x48xf32, #tpu.memory_space<vmem>>, vector<16xf32>,
      tpu.vector_store_idx %arg9[%add3A_267, %add3A_270], %get3A_277 : memref<48x640xf32, #tpu.memory_space<vmem>>[vector<16xi32>, vector<16xi32>], vector<16xf32>,
      %add3A_278 = arith.constant 32 : i32
      %add3A_279 = vector.broadcast %add3A_278 : i32 to vector<16xi32>
      %add3A_280 = arith.addi %iota3A, %add3A_279 : vector<16xi32>
      %add3A_281 = arith.constant 4 : i32
      %add3A_282 = vector.broadcast %add3A_281 : i32 to vector<16xi32>
      %add3A_283 = arith.addi %broadcast_in_dim3A_96, %add3A_282 : vector<16xi32>
      %mul3A_284 = arith.constant 16 : i32
      %mul3A_285 = arith.muli %scan3A_93, %mul3A_284 : i32
      %add3A_286 = arith.constant 4 : i32
      %add3A_287 = arith.addi %mul3A_285, %add3A_286 : i32
      %get3A_288 = arith.index_cast %add3A_287 : i32 to index
      %get3A_289 = arith.constant 32 : index
      %get3A_290 = tpu.vector_load %arg10[%get3A_288, %get3A_289] {strides = array<i32>} : memref<640x48xf32, #tpu.memory_space<vmem>>, vector<16xf32>,
      tpu.vector_store_idx %arg9[%add3A_280, %add3A_283], %get3A_290 : memref<48x640xf32, #tpu.memory_space<vmem>>[vector<16xi32>, vector<16xi32>], vector<16xf32>,
      %add3A_291 = arith.constant 0 : i32
      %add3A_292 = vector.broadcast %add3A_291 : i32 to vector<16xi32>
      %add3A_293 = arith.addi %iota3A, %add3A_292 : vector<16xi32>
      %add3A_294 = arith.constant 5 : i32
      %add3A_295 = vector.broadcast %add3A_294 : i32 to vector<16xi32>
      %add3A_296 = arith.addi %broadcast_in_dim3A_96, %add3A_295 : vector<16xi32>
      %mul3A_297 = arith.constant 16 : i32
      %mul3A_298 = arith.muli %scan3A_93, %mul3A_297 : i32
      %add3A_299 = arith.constant 5 : i32
      %add3A_300 = arith.addi %mul3A_298, %add3A_299 : i32
      %get3A_301 = arith.index_cast %add3A_300 : i32 to index
      %get3A_302 = arith.constant 0 : index
      %get3A_303 = tpu.vector_load %arg10[%get3A_301, %get3A_302] {strides = array<i32>} : memref<640x48xf32, #tpu.memory_space<vmem>>, vector<16xf32>,
      tpu.vector_store_idx %arg9[%add3A_293, %add3A_296], %get3A_303 : memref<48x640xf32, #tpu.memory_space<vmem>>[vector<16xi32>, vector<16xi32>], vector<16xf32>,
      %add3A_304 = arith.constant 16 : i32
      %add3A_305 = vector.broadcast %add3A_304 : i32 to vector<16xi32>
      %add3A_306 = arith.addi %iota3A, %add3A_305 : vector<16xi32>
      %add3A_307 = arith.constant 5 : i32
      %add3A_308 = vector.broadcast %add3A_307 : i32 to vector<16xi32>
      %add3A_309 = arith.addi %broadcast_in_dim3A_96, %add3A_308 : vector<16xi32>
      %mul3A_310 = arith.constant 16 : i32
      %mul3A_311 = arith.muli %scan3A_93, %mul3A_310 : i32
      %add3A_312 = arith.constant 5 : i32
      %add3A_313 = arith.addi %mul3A_311, %add3A_312 : i32
      %get3A_314 = arith.index_cast %add3A_313 : i32 to index
      %get3A_315 = arith.constant 16 : index
      %get3A_316 = tpu.vector_load %arg10[%get3A_314, %get3A_315] {strides = array<i32>} : memref<640x48xf32, #tpu.memory_space<vmem>>, vector<16xf32>,
      tpu.vector_store_idx %arg9[%add3A_306, %add3A_309], %get3A_316 : memref<48x640xf32, #tpu.memory_space<vmem>>[vector<16xi32>, vector<16xi32>], vector<16xf32>,
      %add3A_317 = arith.constant 32 : i32
      %add3A_318 = vector.broadcast %add3A_317 : i32 to vector<16xi32>
      %add3A_319 = arith.addi %iota3A, %add3A_318 : vector<16xi32>
      %add3A_320 = arith.constant 5 : i32
      %add3A_321 = vector.broadcast %add3A_320 : i32 to vector<16xi32>
      %add3A_322 = arith.addi %broadcast_in_dim3A_96, %add3A_321 : vector<16xi32>
      %mul3A_323 = arith.constant 16 : i32
      %mul3A_324 = arith.muli %scan3A_93, %mul3A_323 : i32
      %add3A_325 = arith.constant 5 : i32
      %add3A_326 = arith.addi %mul3A_324, %add3A_325 : i32
      %get3A_327 = arith.index_cast %add3A_326 : i32 to index
      %get3A_328 = arith.constant 32 : index
      %get3A_329 = tpu.vector_load %arg10[%get3A_327, %get3A_328] {strides = array<i32>} : memref<640x48xf32, #tpu.memory_space<vmem>>, vector<16xf32>,
      tpu.vector_store_idx %arg9[%add3A_319, %add3A_322], %get3A_329 : memref<48x640xf32, #tpu.memory_space<vmem>>[vector<16xi32>, vector<16xi32>], vector<16xf32>,
      %add3A_330 = arith.constant 0 : i32
      %add3A_331 = vector.broadcast %add3A_330 : i32 to vector<16xi32>
      %add3A_332 = arith.addi %iota3A, %add3A_331 : vector<16xi32>
      %add3A_333 = arith.constant 6 : i32
      %add3A_334 = vector.broadcast %add3A_333 : i32 to vector<16xi32>
      %add3A_335 = arith.addi %broadcast_in_dim3A_96, %add3A_334 : vector<16xi32>
      %mul3A_336 = arith.constant 16 : i32
      %mul3A_337 = arith.muli %scan3A_93, %mul3A_336 : i32
      %add3A_338 = arith.constant 6 : i32
      %add3A_339 = arith.addi %mul3A_337, %add3A_338 : i32
      %get3A_340 = arith.index_cast %add3A_339 : i32 to index
      %get3A_341 = arith.constant 0 : index
      %get3A_342 = tpu.vector_load %arg10[%get3A_340, %get3A_341] {strides = array<i32>} : memref<640x48xf32, #tpu.memory_space<vmem>>, vector<16xf32>,
      tpu.vector_store_idx %arg9[%add3A_332, %add3A_335], %get3A_342 : memref<48x640xf32, #tpu.memory_space<vmem>>[vector<16xi32>, vector<16xi32>], vector<16xf32>,
      %add3A_343 = arith.constant 16 : i32
      %add3A_344 = vector.broadcast %add3A_343 : i32 to vector<16xi32>
      %add3A_345 = arith.addi %iota3A, %add3A_344 : vector<16xi32>
      %add3A_346 = arith.constant 6 : i32
      %add3A_347 = vector.broadcast %add3A_346 : i32 to vector<16xi32>
      %add3A_348 = arith.addi %broadcast_in_dim3A_96, %add3A_347 : vector<16xi32>
      %mul3A_349 = arith.constant 16 : i32
      %mul3A_350 = arith.muli %scan3A_93, %mul3A_349 : i32
      %add3A_351 = arith.constant 6 : i32
      %add3A_352 = arith.addi %mul3A_350, %add3A_351 : i32
      %get3A_353 = arith.index_cast %add3A_352 : i32 to index
      %get3A_354 = arith.constant 16 : index
      %get3A_355 = tpu.vector_load %arg10[%get3A_353, %get3A_354] {strides = array<i32>} : memref<640x48xf32, #tpu.memory_space<vmem>>, vector<16xf32>,
      tpu.vector_store_idx %arg9[%add3A_345, %add3A_348], %get3A_355 : memref<48x640xf32, #tpu.memory_space<vmem>>[vector<16xi32>, vector<16xi32>], vector<16xf32>,
      %add3A_356 = arith.constant 32 : i32
      %add3A_357 = vector.broadcast %add3A_356 : i32 to vector<16xi32>
      %add3A_358 = arith.addi %iota3A, %add3A_357 : vector<16xi32>
      %add3A_359 = arith.constant 6 : i32
      %add3A_360 = vector.broadcast %add3A_359 : i32 to vector<16xi32>
      %add3A_361 = arith.addi %broadcast_in_dim3A_96, %add3A_360 : vector<16xi32>
      %mul3A_362 = arith.constant 16 : i32
      %mul3A_363 = arith.muli %scan3A_93, %mul3A_362 : i32
      %add3A_364 = arith.constant 6 : i32
      %add3A_365 = arith.addi %mul3A_363, %add3A_364 : i32
      %get3A_366 = arith.index_cast %add3A_365 : i32 to index
      %get3A_367 = arith.constant 32 : index
      %get3A_368 = tpu.vector_load %arg10[%get3A_366, %get3A_367] {strides = array<i32>} : memref<640x48xf32, #tpu.memory_space<vmem>>, vector<16xf32>,
      tpu.vector_store_idx %arg9[%add3A_358, %add3A_361], %get3A_368 : memref<48x640xf32, #tpu.memory_space<vmem>>[vector<16xi32>, vector<16xi32>], vector<16xf32>,
      %add3A_369 = arith.constant 0 : i32
      %add3A_370 = vector.broadcast %add3A_369 : i32 to vector<16xi32>
      %add3A_371 = arith.addi %iota3A, %add3A_370 : vector<16xi32>
      %add3A_372 = arith.constant 7 : i32
      %add3A_373 = vector.broadcast %add3A_372 : i32 to vector<16xi32>
      %add3A_374 = arith.addi %broadcast_in_dim3A_96, %add3A_373 : vector<16xi32>
      %mul3A_375 = arith.constant 16 : i32
      %mul3A_376 = arith.muli %scan3A_93, %mul3A_375 : i32
      %add3A_377 = arith.constant 7 : i32
      %add3A_378 = arith.addi %mul3A_376, %add3A_377 : i32
      %get3A_379 = arith.index_cast %add3A_378 : i32 to index
      %get3A_380 = arith.constant 0 : index
      %get3A_381 = tpu.vector_load %arg10[%get3A_379, %get3A_380] {strides = array<i32>} : memref<640x48xf32, #tpu.memory_space<vmem>>, vector<16xf32>,
      tpu.vector_store_idx %arg9[%add3A_371, %add3A_374], %get3A_381 : memref<48x640xf32, #tpu.memory_space<vmem>>[vector<16xi32>, vector<16xi32>], vector<16xf32>,
      %add3A_382 = arith.constant 16 : i32
      %add3A_383 = vector.broadcast %add3A_382 : i32 to vector<16xi32>
      %add3A_384 = arith.addi %iota3A, %add3A_383 : vector<16xi32>
      %add3A_385 = arith.constant 7 : i32
      %add3A_386 = vector.broadcast %add3A_385 : i32 to vector<16xi32>
      %add3A_387 = arith.addi %broadcast_in_dim3A_96, %add3A_386 : vector<16xi32>
      %mul3A_388 = arith.constant 16 : i32
      %mul3A_389 = arith.muli %scan3A_93, %mul3A_388 : i32
      %add3A_390 = arith.constant 7 : i32
      %add3A_391 = arith.addi %mul3A_389, %add3A_390 : i32
      %get3A_392 = arith.index_cast %add3A_391 : i32 to index
      %get3A_393 = arith.constant 16 : index
      %get3A_394 = tpu.vector_load %arg10[%get3A_392, %get3A_393] {strides = array<i32>} : memref<640x48xf32, #tpu.memory_space<vmem>>, vector<16xf32>,
      tpu.vector_store_idx %arg9[%add3A_384, %add3A_387], %get3A_394 : memref<48x640xf32, #tpu.memory_space<vmem>>[vector<16xi32>, vector<16xi32>], vector<16xf32>,
      %add3A_395 = arith.constant 32 : i32
      %add3A_396 = vector.broadcast %add3A_395 : i32 to vector<16xi32>
      %add3A_397 = arith.addi %iota3A, %add3A_396 : vector<16xi32>
      %add3A_398 = arith.constant 7 : i32
      %add3A_399 = vector.broadcast %add3A_398 : i32 to vector<16xi32>
      %add3A_400 = arith.addi %broadcast_in_dim3A_96, %add3A_399 : vector<16xi32>
      %mul3A_401 = arith.constant 16 : i32
      %mul3A_402 = arith.muli %scan3A_93, %mul3A_401 : i32
      %add3A_403 = arith.constant 7 : i32
      %add3A_404 = arith.addi %mul3A_402, %add3A_403 : i32
      %get3A_405 = arith.index_cast %add3A_404 : i32 to index
      %get3A_406 = arith.constant 32 : index
      %get3A_407 = tpu.vector_load %arg10[%get3A_405, %get3A_406] {strides = array<i32>} : memref<640x48xf32, #tpu.memory_space<vmem>>, vector<16xf32>,
      tpu.vector_store_idx %arg9[%add3A_397, %add3A_400], %get3A_407 : memref<48x640xf32, #tpu.memory_space<vmem>>[vector<16xi32>, vector<16xi32>], vector<16xf32>,
      %add3A_408 = arith.constant 0 : i32
      %add3A_409 = vector.broadcast %add3A_408 : i32 to vector<16xi32>
      %add3A_410 = arith.addi %iota3A, %add3A_409 : vector<16xi32>
      %add3A_411 = arith.constant 8 : i32
      %add3A_412 = vector.broadcast %add3A_411 : i32 to vector<16xi32>
      %add3A_413 = arith.addi %broadcast_in_dim3A_96, %add3A_412 : vector<16xi32>
      %mul3A_414 = arith.constant 16 : i32
      %mul3A_415 = arith.muli %scan3A_93, %mul3A_414 : i32
      %add3A_416 = arith.constant 8 : i32
      %add3A_417 = arith.addi %mul3A_415, %add3A_416 : i32
      %get3A_418 = arith.index_cast %add3A_417 : i32 to index
      %get3A_419 = arith.constant 0 : index
      %get3A_420 = tpu.vector_load %arg10[%get3A_418, %get3A_419] {strides = array<i32>} : memref<640x48xf32, #tpu.memory_space<vmem>>, vector<16xf32>,
      tpu.vector_store_idx %arg9[%add3A_410, %add3A_413], %get3A_420 : memref<48x640xf32, #tpu.memory_space<vmem>>[vector<16xi32>, vector<16xi32>], vector<16xf32>,
      %add3A_421 = arith.constant 16 : i32
      %add3A_422 = vector.broadcast %add3A_421 : i32 to vector<16xi32>
      %add3A_423 = arith.addi %iota3A, %add3A_422 : vector<16xi32>
      %add3A_424 = arith.constant 8 : i32
      %add3A_425 = vector.broadcast %add3A_424 : i32 to vector<16xi32>
      %add3A_426 = arith.addi %broadcast_in_dim3A_96, %add3A_425 : vector<16xi32>
      %mul3A_427 = arith.constant 16 : i32
      %mul3A_428 = arith.muli %scan3A_93, %mul3A_427 : i32
      %add3A_429 = arith.constant 8 : i32
      %add3A_430 = arith.addi %mul3A_428, %add3A_429 : i32
      %get3A_431 = arith.index_cast %add3A_430 : i32 to index
      %get3A_432 = arith.constant 16 : index
      %get3A_433 = tpu.vector_load %arg10[%get3A_431, %get3A_432] {strides = array<i32>} : memref<640x48xf32, #tpu.memory_space<vmem>>, vector<16xf32>,
      tpu.vector_store_idx %arg9[%add3A_423, %add3A_426], %get3A_433 : memref<48x640xf32, #tpu.memory_space<vmem>>[vector<16xi32>, vector<16xi32>], vector<16xf32>,
      %add3A_434 = arith.constant 32 : i32
      %add3A_435 = vector.broadcast %add3A_434 : i32 to vector<16xi32>
      %add3A_436 = arith.addi %iota3A, %add3A_435 : vector<16xi32>
      %add3A_437 = arith.constant 8 : i32
      %add3A_438 = vector.broadcast %add3A_437 : i32 to vector<16xi32>
      %add3A_439 = arith.addi %broadcast_in_dim3A_96, %add3A_438 : vector<16xi32>
      %mul3A_440 = arith.constant 16 : i32
      %mul3A_441 = arith.muli %scan3A_93, %mul3A_440 : i32
      %add3A_442 = arith.constant 8 : i32
      %add3A_443 = arith.addi %mul3A_441, %add3A_442 : i32
      %get3A_444 = arith.index_cast %add3A_443 : i32 to index
      %get3A_445 = arith.constant 32 : index
      %get3A_446 = tpu.vector_load %arg10[%get3A_444, %get3A_445] {strides = array<i32>} : memref<640x48xf32, #tpu.memory_space<vmem>>, vector<16xf32>,
      tpu.vector_store_idx %arg9[%add3A_436, %add3A_439], %get3A_446 : memref<48x640xf32, #tpu.memory_space<vmem>>[vector<16xi32>, vector<16xi32>], vector<16xf32>,
      %add3A_447 = arith.constant 0 : i32
      %add3A_448 = vector.broadcast %add3A_447 : i32 to vector<16xi32>
      %add3A_449 = arith.addi %iota3A, %add3A_448 : vector<16xi32>
      %add3A_450 = arith.constant 9 : i32
      %add3A_451 = vector.broadcast %add3A_450 : i32 to vector<16xi32>
      %add3A_452 = arith.addi %broadcast_in_dim3A_96, %add3A_451 : vector<16xi32>
      %mul3A_453 = arith.constant 16 : i32
      %mul3A_454 = arith.muli %scan3A_93, %mul3A_453 : i32
      %add3A_455 = arith.constant 9 : i32
      %add3A_456 = arith.addi %mul3A_454, %add3A_455 : i32
      %get3A_457 = arith.index_cast %add3A_456 : i32 to index
      %get3A_458 = arith.constant 0 : index
      %get3A_459 = tpu.vector_load %arg10[%get3A_457, %get3A_458] {strides = array<i32>} : memref<640x48xf32, #tpu.memory_space<vmem>>, vector<16xf32>,
      tpu.vector_store_idx %arg9[%add3A_449, %add3A_452], %get3A_459 : memref<48x640xf32, #tpu.memory_space<vmem>>[vector<16xi32>, vector<16xi32>], vector<16xf32>,
      %add3A_460 = arith.constant 16 : i32
      %add3A_461 = vector.broadcast %add3A_460 : i32 to vector<16xi32>
      %add3A_462 = arith.addi %iota3A, %add3A_461 : vector<16xi32>
      %add3A_463 = arith.constant 9 : i32
      %add3A_464 = vector.broadcast %add3A_463 : i32 to vector<16xi32>
      %add3A_465 = arith.addi %broadcast_in_dim3A_96, %add3A_464 : vector<16xi32>
      %mul3A_466 = arith.constant 16 : i32
      %mul3A_467 = arith.muli %scan3A_93, %mul3A_466 : i32
      %add3A_468 = arith.constant 9 : i32
      %add3A_469 = arith.addi %mul3A_467, %add3A_468 : i32
      %get3A_470 = arith.index_cast %add3A_469 : i32 to index
      %get3A_471 = arith.constant 16 : index
      %get3A_472 = tpu.vector_load %arg10[%get3A_470, %get3A_471] {strides = array<i32>} : memref<640x48xf32, #tpu.memory_space<vmem>>, vector<16xf32>,
      tpu.vector_store_idx %arg9[%add3A_462, %add3A_465], %get3A_472 : memref<48x640xf32, #tpu.memory_space<vmem>>[vector<16xi32>, vector<16xi32>], vector<16xf32>,
      %add3A_473 = arith.constant 32 : i32
      %add3A_474 = vector.broadcast %add3A_473 : i32 to vector<16xi32>
      %add3A_475 = arith.addi %iota3A, %add3A_474 : vector<16xi32>
      %add3A_476 = arith.constant 9 : i32
      %add3A_477 = vector.broadcast %add3A_476 : i32 to vector<16xi32>
      %add3A_478 = arith.addi %broadcast_in_dim3A_96, %add3A_477 : vector<16xi32>
      %mul3A_479 = arith.constant 16 : i32
      %mul3A_480 = arith.muli %scan3A_93, %mul3A_479 : i32
      %add3A_481 = arith.constant 9 : i32
      %add3A_482 = arith.addi %mul3A_480, %add3A_481 : i32
      %get3A_483 = arith.index_cast %add3A_482 : i32 to index
      %get3A_484 = arith.constant 32 : index
      %get3A_485 = tpu.vector_load %arg10[%get3A_483, %get3A_484] {strides = array<i32>} : memref<640x48xf32, #tpu.memory_space<vmem>>, vector<16xf32>,
      tpu.vector_store_idx %arg9[%add3A_475, %add3A_478], %get3A_485 : memref<48x640xf32, #tpu.memory_space<vmem>>[vector<16xi32>, vector<16xi32>], vector<16xf32>,
      %add3A_486 = arith.constant 0 : i32
      %add3A_487 = vector.broadcast %add3A_486 : i32 to vector<16xi32>
      %add3A_488 = arith.addi %iota3A, %add3A_487 : vector<16xi32>
      %add3A_489 = arith.constant 10 : i32
      %add3A_490 = vector.broadcast %add3A_489 : i32 to vector<16xi32>
      %add3A_491 = arith.addi %broadcast_in_dim3A_96, %add3A_490 : vector<16xi32>
      %mul3A_492 = arith.constant 16 : i32
      %mul3A_493 = arith.muli %scan3A_93, %mul3A_492 : i32
      %add3A_494 = arith.constant 10 : i32
      %add3A_495 = arith.addi %mul3A_493, %add3A_494 : i32
      %get3A_496 = arith.index_cast %add3A_495 : i32 to index
      %get3A_497 = arith.constant 0 : index
      %get3A_498 = tpu.vector_load %arg10[%get3A_496, %get3A_497] {strides = array<i32>} : memref<640x48xf32, #tpu.memory_space<vmem>>, vector<16xf32>,
      tpu.vector_store_idx %arg9[%add3A_488, %add3A_491], %get3A_498 : memref<48x640xf32, #tpu.memory_space<vmem>>[vector<16xi32>, vector<16xi32>], vector<16xf32>,
      %add3A_499 = arith.constant 16 : i32
      %add3A_500 = vector.broadcast %add3A_499 : i32 to vector<16xi32>
      %add3A_501 = arith.addi %iota3A, %add3A_500 : vector<16xi32>
      %add3A_502 = arith.constant 10 : i32
      %add3A_503 = vector.broadcast %add3A_502 : i32 to vector<16xi32>
      %add3A_504 = arith.addi %broadcast_in_dim3A_96, %add3A_503 : vector<16xi32>
      %mul3A_505 = arith.constant 16 : i32
      %mul3A_506 = arith.muli %scan3A_93, %mul3A_505 : i32
      %add3A_507 = arith.constant 10 : i32
      %add3A_508 = arith.addi %mul3A_506, %add3A_507 : i32
      %get3A_509 = arith.index_cast %add3A_508 : i32 to index
      %get3A_510 = arith.constant 16 : index
      %get3A_511 = tpu.vector_load %arg10[%get3A_509, %get3A_510] {strides = array<i32>} : memref<640x48xf32, #tpu.memory_space<vmem>>, vector<16xf32>,
      tpu.vector_store_idx %arg9[%add3A_501, %add3A_504], %get3A_511 : memref<48x640xf32, #tpu.memory_space<vmem>>[vector<16xi32>, vector<16xi32>], vector<16xf32>,
      %add3A_512 = arith.constant 32 : i32
      %add3A_513 = vector.broadcast %add3A_512 : i32 to vector<16xi32>
      %add3A_514 = arith.addi %iota3A, %add3A_513 : vector<16xi32>
      %add3A_515 = arith.constant 10 : i32
      %add3A_516 = vector.broadcast %add3A_515 : i32 to vector<16xi32>
      %add3A_517 = arith.addi %broadcast_in_dim3A_96, %add3A_516 : vector<16xi32>
      %mul3A_518 = arith.constant 16 : i32
      %mul3A_519 = arith.muli %scan3A_93, %mul3A_518 : i32
      %add3A_520 = arith.constant 10 : i32
      %add3A_521 = arith.addi %mul3A_519, %add3A_520 : i32
      %get3A_522 = arith.index_cast %add3A_521 : i32 to index
      %get3A_523 = arith.constant 32 : index
      %get3A_524 = tpu.vector_load %arg10[%get3A_522, %get3A_523] {strides = array<i32>} : memref<640x48xf32, #tpu.memory_space<vmem>>, vector<16xf32>,
      tpu.vector_store_idx %arg9[%add3A_514, %add3A_517], %get3A_524 : memref<48x640xf32, #tpu.memory_space<vmem>>[vector<16xi32>, vector<16xi32>], vector<16xf32>,
      %add3A_525 = arith.constant 0 : i32
      %add3A_526 = vector.broadcast %add3A_525 : i32 to vector<16xi32>
      %add3A_527 = arith.addi %iota3A, %add3A_526 : vector<16xi32>
      %add3A_528 = arith.constant 11 : i32
      %add3A_529 = vector.broadcast %add3A_528 : i32 to vector<16xi32>
      %add3A_530 = arith.addi %broadcast_in_dim3A_96, %add3A_529 : vector<16xi32>
      %mul3A_531 = arith.constant 16 : i32
      %mul3A_532 = arith.muli %scan3A_93, %mul3A_531 : i32
      %add3A_533 = arith.constant 11 : i32
      %add3A_534 = arith.addi %mul3A_532, %add3A_533 : i32
      %get3A_535 = arith.index_cast %add3A_534 : i32 to index
      %get3A_536 = arith.constant 0 : index
      %get3A_537 = tpu.vector_load %arg10[%get3A_535, %get3A_536] {strides = array<i32>} : memref<640x48xf32, #tpu.memory_space<vmem>>, vector<16xf32>,
      tpu.vector_store_idx %arg9[%add3A_527, %add3A_530], %get3A_537 : memref<48x640xf32, #tpu.memory_space<vmem>>[vector<16xi32>, vector<16xi32>], vector<16xf32>,
      %add3A_538 = arith.constant 16 : i32
      %add3A_539 = vector.broadcast %add3A_538 : i32 to vector<16xi32>
      %add3A_540 = arith.addi %iota3A, %add3A_539 : vector<16xi32>
      %add3A_541 = arith.constant 11 : i32
      %add3A_542 = vector.broadcast %add3A_541 : i32 to vector<16xi32>
      %add3A_543 = arith.addi %broadcast_in_dim3A_96, %add3A_542 : vector<16xi32>
      %mul3A_544 = arith.constant 16 : i32
      %mul3A_545 = arith.muli %scan3A_93, %mul3A_544 : i32
      %add3A_546 = arith.constant 11 : i32
      %add3A_547 = arith.addi %mul3A_545, %add3A_546 : i32
      %get3A_548 = arith.index_cast %add3A_547 : i32 to index
      %get3A_549 = arith.constant 16 : index
      %get3A_550 = tpu.vector_load %arg10[%get3A_548, %get3A_549] {strides = array<i32>} : memref<640x48xf32, #tpu.memory_space<vmem>>, vector<16xf32>,
      tpu.vector_store_idx %arg9[%add3A_540, %add3A_543], %get3A_550 : memref<48x640xf32, #tpu.memory_space<vmem>>[vector<16xi32>, vector<16xi32>], vector<16xf32>,
      %add3A_551 = arith.constant 32 : i32
      %add3A_552 = vector.broadcast %add3A_551 : i32 to vector<16xi32>
      %add3A_553 = arith.addi %iota3A, %add3A_552 : vector<16xi32>
      %add3A_554 = arith.constant 11 : i32
      %add3A_555 = vector.broadcast %add3A_554 : i32 to vector<16xi32>
      %add3A_556 = arith.addi %broadcast_in_dim3A_96, %add3A_555 : vector<16xi32>
      %mul3A_557 = arith.constant 16 : i32
      %mul3A_558 = arith.muli %scan3A_93, %mul3A_557 : i32
      %add3A_559 = arith.constant 11 : i32
      %add3A_560 = arith.addi %mul3A_558, %add3A_559 : i32
      %get3A_561 = arith.index_cast %add3A_560 : i32 to index
      %get3A_562 = arith.constant 32 : index
      %get3A_563 = tpu.vector_load %arg10[%get3A_561, %get3A_562] {strides = array<i32>} : memref<640x48xf32, #tpu.memory_space<vmem>>, vector<16xf32>,
      tpu.vector_store_idx %arg9[%add3A_553, %add3A_556], %get3A_563 : memref<48x640xf32, #tpu.memory_space<vmem>>[vector<16xi32>, vector<16xi32>], vector<16xf32>,
      %add3A_564 = arith.constant 0 : i32
      %add3A_565 = vector.broadcast %add3A_564 : i32 to vector<16xi32>
      %add3A_566 = arith.addi %iota3A, %add3A_565 : vector<16xi32>
      %add3A_567 = arith.constant 12 : i32
      %add3A_568 = vector.broadcast %add3A_567 : i32 to vector<16xi32>
      %add3A_569 = arith.addi %broadcast_in_dim3A_96, %add3A_568 : vector<16xi32>
      %mul3A_570 = arith.constant 16 : i32
      %mul3A_571 = arith.muli %scan3A_93, %mul3A_570 : i32
      %add3A_572 = arith.constant 12 : i32
      %add3A_573 = arith.addi %mul3A_571, %add3A_572 : i32
      %get3A_574 = arith.index_cast %add3A_573 : i32 to index
      %get3A_575 = arith.constant 0 : index
      %get3A_576 = tpu.vector_load %arg10[%get3A_574, %get3A_575] {strides = array<i32>} : memref<640x48xf32, #tpu.memory_space<vmem>>, vector<16xf32>,
      tpu.vector_store_idx %arg9[%add3A_566, %add3A_569], %get3A_576 : memref<48x640xf32, #tpu.memory_space<vmem>>[vector<16xi32>, vector<16xi32>], vector<16xf32>,
      %add3A_577 = arith.constant 16 : i32
      %add3A_578 = vector.broadcast %add3A_577 : i32 to vector<16xi32>
      %add3A_579 = arith.addi %iota3A, %add3A_578 : vector<16xi32>
      %add3A_580 = arith.constant 12 : i32
      %add3A_581 = vector.broadcast %add3A_580 : i32 to vector<16xi32>
      %add3A_582 = arith.addi %broadcast_in_dim3A_96, %add3A_581 : vector<16xi32>
      %mul3A_583 = arith.constant 16 : i32
      %mul3A_584 = arith.muli %scan3A_93, %mul3A_583 : i32
      %add3A_585 = arith.constant 12 : i32
      %add3A_586 = arith.addi %mul3A_584, %add3A_585 : i32
      %get3A_587 = arith.index_cast %add3A_586 : i32 to index
      %get3A_588 = arith.constant 16 : index
      %get3A_589 = tpu.vector_load %arg10[%get3A_587, %get3A_588] {strides = array<i32>} : memref<640x48xf32, #tpu.memory_space<vmem>>, vector<16xf32>,
      tpu.vector_store_idx %arg9[%add3A_579, %add3A_582], %get3A_589 : memref<48x640xf32, #tpu.memory_space<vmem>>[vector<16xi32>, vector<16xi32>], vector<16xf32>,
      %add3A_590 = arith.constant 32 : i32
      %add3A_591 = vector.broadcast %add3A_590 : i32 to vector<16xi32>
      %add3A_592 = arith.addi %iota3A, %add3A_591 : vector<16xi32>
      %add3A_593 = arith.constant 12 : i32
      %add3A_594 = vector.broadcast %add3A_593 : i32 to vector<16xi32>
      %add3A_595 = arith.addi %broadcast_in_dim3A_96, %add3A_594 : vector<16xi32>
      %mul3A_596 = arith.constant 16 : i32
      %mul3A_597 = arith.muli %scan3A_93, %mul3A_596 : i32
      %add3A_598 = arith.constant 12 : i32
      %add3A_599 = arith.addi %mul3A_597, %add3A_598 : i32
      %get3A_600 = arith.index_cast %add3A_599 : i32 to index
      %get3A_601 = arith.constant 32 : index
      %get3A_602 = tpu.vector_load %arg10[%get3A_600, %get3A_601] {strides = array<i32>} : memref<640x48xf32, #tpu.memory_space<vmem>>, vector<16xf32>,
      tpu.vector_store_idx %arg9[%add3A_592, %add3A_595], %get3A_602 : memref<48x640xf32, #tpu.memory_space<vmem>>[vector<16xi32>, vector<16xi32>], vector<16xf32>,
      %add3A_603 = arith.constant 0 : i32
      %add3A_604 = vector.broadcast %add3A_603 : i32 to vector<16xi32>
      %add3A_605 = arith.addi %iota3A, %add3A_604 : vector<16xi32>
      %add3A_606 = arith.constant 13 : i32
      %add3A_607 = vector.broadcast %add3A_606 : i32 to vector<16xi32>
      %add3A_608 = arith.addi %broadcast_in_dim3A_96, %add3A_607 : vector<16xi32>
      %mul3A_609 = arith.constant 16 : i32
      %mul3A_610 = arith.muli %scan3A_93, %mul3A_609 : i32
      %add3A_611 = arith.constant 13 : i32
      %add3A_612 = arith.addi %mul3A_610, %add3A_611 : i32
      %get3A_613 = arith.index_cast %add3A_612 : i32 to index
      %get3A_614 = arith.constant 0 : index
      %get3A_615 = tpu.vector_load %arg10[%get3A_613, %get3A_614] {strides = array<i32>} : memref<640x48xf32, #tpu.memory_space<vmem>>, vector<16xf32>,
      tpu.vector_store_idx %arg9[%add3A_605, %add3A_608], %get3A_615 : memref<48x640xf32, #tpu.memory_space<vmem>>[vector<16xi32>, vector<16xi32>], vector<16xf32>,
      %add3A_616 = arith.constant 16 : i32
      %add3A_617 = vector.broadcast %add3A_616 : i32 to vector<16xi32>
      %add3A_618 = arith.addi %iota3A, %add3A_617 : vector<16xi32>
      %add3A_619 = arith.constant 13 : i32
      %add3A_620 = vector.broadcast %add3A_619 : i32 to vector<16xi32>
      %add3A_621 = arith.addi %broadcast_in_dim3A_96, %add3A_620 : vector<16xi32>
      %mul3A_622 = arith.constant 16 : i32
      %mul3A_623 = arith.muli %scan3A_93, %mul3A_622 : i32
      %add3A_624 = arith.constant 13 : i32
      %add3A_625 = arith.addi %mul3A_623, %add3A_624 : i32
      %get3A_626 = arith.index_cast %add3A_625 : i32 to index
      %get3A_627 = arith.constant 16 : index
      %get3A_628 = tpu.vector_load %arg10[%get3A_626, %get3A_627] {strides = array<i32>} : memref<640x48xf32, #tpu.memory_space<vmem>>, vector<16xf32>,
      tpu.vector_store_idx %arg9[%add3A_618, %add3A_621], %get3A_628 : memref<48x640xf32, #tpu.memory_space<vmem>>[vector<16xi32>, vector<16xi32>], vector<16xf32>,
      %add3A_629 = arith.constant 32 : i32
      %add3A_630 = vector.broadcast %add3A_629 : i32 to vector<16xi32>
      %add3A_631 = arith.addi %iota3A, %add3A_630 : vector<16xi32>
      %add3A_632 = arith.constant 13 : i32
      %add3A_633 = vector.broadcast %add3A_632 : i32 to vector<16xi32>
      %add3A_634 = arith.addi %broadcast_in_dim3A_96, %add3A_633 : vector<16xi32>
      %mul3A_635 = arith.constant 16 : i32
      %mul3A_636 = arith.muli %scan3A_93, %mul3A_635 : i32
      %add3A_637 = arith.constant 13 : i32
      %add3A_638 = arith.addi %mul3A_636, %add3A_637 : i32
      %get3A_639 = arith.index_cast %add3A_638 : i32 to index
      %get3A_640 = arith.constant 32 : index
      %get3A_641 = tpu.vector_load %arg10[%get3A_639, %get3A_640] {strides = array<i32>} : memref<640x48xf32, #tpu.memory_space<vmem>>, vector<16xf32>,
      tpu.vector_store_idx %arg9[%add3A_631, %add3A_634], %get3A_641 : memref<48x640xf32, #tpu.memory_space<vmem>>[vector<16xi32>, vector<16xi32>], vector<16xf32>,
      %add3A_642 = arith.constant 0 : i32
      %add3A_643 = vector.broadcast %add3A_642 : i32 to vector<16xi32>
      %add3A_644 = arith.addi %iota3A, %add3A_643 : vector<16xi32>
      %add3A_645 = arith.constant 14 : i32
      %add3A_646 = vector.broadcast %add3A_645 : i32 to vector<16xi32>
      %add3A_647 = arith.addi %broadcast_in_dim3A_96, %add3A_646 : vector<16xi32>
      %mul3A_648 = arith.constant 16 : i32
      %mul3A_649 = arith.muli %scan3A_93, %mul3A_648 : i32
      %add3A_650 = arith.constant 14 : i32
      %add3A_651 = arith.addi %mul3A_649, %add3A_650 : i32
      %get3A_652 = arith.index_cast %add3A_651 : i32 to index
      %get3A_653 = arith.constant 0 : index
      %get3A_654 = tpu.vector_load %arg10[%get3A_652, %get3A_653] {strides = array<i32>} : memref<640x48xf32, #tpu.memory_space<vmem>>, vector<16xf32>,
      tpu.vector_store_idx %arg9[%add3A_644, %add3A_647], %get3A_654 : memref<48x640xf32, #tpu.memory_space<vmem>>[vector<16xi32>, vector<16xi32>], vector<16xf32>,
      %add3A_655 = arith.constant 16 : i32
      %add3A_656 = vector.broadcast %add3A_655 : i32 to vector<16xi32>
      %add3A_657 = arith.addi %iota3A, %add3A_656 : vector<16xi32>
      %add3A_658 = arith.constant 14 : i32
      %add3A_659 = vector.broadcast %add3A_658 : i32 to vector<16xi32>
      %add3A_660 = arith.addi %broadcast_in_dim3A_96, %add3A_659 : vector<16xi32>
      %mul3A_661 = arith.constant 16 : i32
      %mul3A_662 = arith.muli %scan3A_93, %mul3A_661 : i32
      %add3A_663 = arith.constant 14 : i32
      %add3A_664 = arith.addi %mul3A_662, %add3A_663 : i32
      %get3A_665 = arith.index_cast %add3A_664 : i32 to index
      %get3A_666 = arith.constant 16 : index
      %get3A_667 = tpu.vector_load %arg10[%get3A_665, %get3A_666] {strides = array<i32>} : memref<640x48xf32, #tpu.memory_space<vmem>>, vector<16xf32>,
      tpu.vector_store_idx %arg9[%add3A_657, %add3A_660], %get3A_667 : memref<48x640xf32, #tpu.memory_space<vmem>>[vector<16xi32>, vector<16xi32>], vector<16xf32>,
      %add3A_668 = arith.constant 32 : i32
      %add3A_669 = vector.broadcast %add3A_668 : i32 to vector<16xi32>
      %add3A_670 = arith.addi %iota3A, %add3A_669 : vector<16xi32>
      %add3A_671 = arith.constant 14 : i32
      %add3A_672 = vector.broadcast %add3A_671 : i32 to vector<16xi32>
      %add3A_673 = arith.addi %broadcast_in_dim3A_96, %add3A_672 : vector<16xi32>
      %mul3A_674 = arith.constant 16 : i32
      %mul3A_675 = arith.muli %scan3A_93, %mul3A_674 : i32
      %add3A_676 = arith.constant 14 : i32
      %add3A_677 = arith.addi %mul3A_675, %add3A_676 : i32
      %get3A_678 = arith.index_cast %add3A_677 : i32 to index
      %get3A_679 = arith.constant 32 : index
      %get3A_680 = tpu.vector_load %arg10[%get3A_678, %get3A_679] {strides = array<i32>} : memref<640x48xf32, #tpu.memory_space<vmem>>, vector<16xf32>,
      tpu.vector_store_idx %arg9[%add3A_670, %add3A_673], %get3A_680 : memref<48x640xf32, #tpu.memory_space<vmem>>[vector<16xi32>, vector<16xi32>], vector<16xf32>,
      %add3A_681 = arith.constant 0 : i32
      %add3A_682 = vector.broadcast %add3A_681 : i32 to vector<16xi32>
      %add3A_683 = arith.addi %iota3A, %add3A_682 : vector<16xi32>
      %add3A_684 = arith.constant 15 : i32
      %add3A_685 = vector.broadcast %add3A_684 : i32 to vector<16xi32>
      %add3A_686 = arith.addi %broadcast_in_dim3A_96, %add3A_685 : vector<16xi32>
      %mul3A_687 = arith.constant 16 : i32
      %mul3A_688 = arith.muli %scan3A_93, %mul3A_687 : i32
      %add3A_689 = arith.constant 15 : i32
      %add3A_690 = arith.addi %mul3A_688, %add3A_689 : i32
      %get3A_691 = arith.index_cast %add3A_690 : i32 to index
      %get3A_692 = arith.constant 0 : index
      %get3A_693 = tpu.vector_load %arg10[%get3A_691, %get3A_692] {strides = array<i32>} : memref<640x48xf32, #tpu.memory_space<vmem>>, vector<16xf32>,
      tpu.vector_store_idx %arg9[%add3A_683, %add3A_686], %get3A_693 : memref<48x640xf32, #tpu.memory_space<vmem>>[vector<16xi32>, vector<16xi32>], vector<16xf32>,
      %add3A_694 = arith.constant 16 : i32
      %add3A_695 = vector.broadcast %add3A_694 : i32 to vector<16xi32>
      %add3A_696 = arith.addi %iota3A, %add3A_695 : vector<16xi32>
      %add3A_697 = arith.constant 15 : i32
      %add3A_698 = vector.broadcast %add3A_697 : i32 to vector<16xi32>
      %add3A_699 = arith.addi %broadcast_in_dim3A_96, %add3A_698 : vector<16xi32>
      %mul3A_700 = arith.constant 16 : i32
      %mul3A_701 = arith.muli %scan3A_93, %mul3A_700 : i32
      %add3A_702 = arith.constant 15 : i32
      %add3A_703 = arith.addi %mul3A_701, %add3A_702 : i32
      %get3A_704 = arith.index_cast %add3A_703 : i32 to index
      %get3A_705 = arith.constant 16 : index
      %get3A_706 = tpu.vector_load %arg10[%get3A_704, %get3A_705] {strides = array<i32>} : memref<640x48xf32, #tpu.memory_space<vmem>>, vector<16xf32>,
      tpu.vector_store_idx %arg9[%add3A_696, %add3A_699], %get3A_706 : memref<48x640xf32, #tpu.memory_space<vmem>>[vector<16xi32>, vector<16xi32>], vector<16xf32>,
      %add3A_707 = arith.constant 32 : i32
      %add3A_708 = vector.broadcast %add3A_707 : i32 to vector<16xi32>
      %add3A_709 = arith.addi %iota3A, %add3A_708 : vector<16xi32>
      %add3A_710 = arith.constant 15 : i32
      %add3A_711 = vector.broadcast %add3A_710 : i32 to vector<16xi32>
      %add3A_712 = arith.addi %broadcast_in_dim3A_96, %add3A_711 : vector<16xi32>
      %mul3A_713 = arith.constant 16 : i32
      %mul3A_714 = arith.muli %scan3A_93, %mul3A_713 : i32
      %add3A_715 = arith.constant 15 : i32
      %add3A_716 = arith.addi %mul3A_714, %add3A_715 : i32
      %get3A_717 = arith.index_cast %add3A_716 : i32 to index
      %get3A_718 = arith.constant 32 : index
      %get3A_719 = tpu.vector_load %arg10[%get3A_717, %get3A_718] {strides = array<i32>} : memref<640x48xf32, #tpu.memory_space<vmem>>, vector<16xf32>,
      tpu.vector_store_idx %arg9[%add3A_709, %add3A_712], %get3A_719 : memref<48x640xf32, #tpu.memory_space<vmem>>[vector<16xi32>, vector<16xi32>], vector<16xf32>,
    }
    %scan3A_90 = arith.constant 40 : i32
    %mul3A_91 = arith.constant 640 : i32
    %mul3A_92 = arith.muli %arg1, %mul3A_91 : i32
    "tpu.region"() ({
      %run_scoped3A_93 = tpu.sem_alloc : memref<!tpu.dma_semaphore, #tpu.memory_space<semaphore_mem>>
      %dma_start3A = arith.constant 0 : i32
      %dma_start3A_94 = tpu.memref_slice %arg4[%arg0, %dma_start3A, %mul3A_92] : memref<2x48x10240xf32, #tpu.memory_space<hbm>> -> memref<1x48x640xf32, #tpu.memory_space<hbm>>
      %dma_start3A_95 = tpu.memref_squeeze %dma_start3A_94 : memref<1x48x640xf32, #tpu.memory_space<hbm>> -> memref<48x640xf32, #tpu.memory_space<hbm>>
      %dma_start3A_96 = arith.constant 0 : i32
      %dma_start3A_97 = tpu.memref_slice %arg4[%arg0, %dma_start3A_96, %mul3A_92] : memref<2x48x10240xf32, #tpu.memory_space<hbm>> -> memref<1x48x640xf32, #tpu.memory_space<hbm>>
      %dma_start3A_98 = tpu.memref_squeeze %dma_start3A_97 : memref<1x48x640xf32, #tpu.memory_space<hbm>> -> memref<48x640xf32, #tpu.memory_space<hbm>>
      tpu.enqueue_dma source(%arg9 : memref<48x640xf32, #tpu.memory_space<vmem>>) target(%dma_start3A_98 : memref<48x640xf32, #tpu.memory_space<hbm>>) target_semaphore(%run_scoped3A_93 : memref<!tpu.dma_semaphore, #tpu.memory_space<semaphore_mem>>)
      %dma_wait3A = arith.constant 0 : i32
      %dma_wait3A_99 = tpu.memref_slice %arg4[%arg0, %dma_wait3A, %mul3A_92] : memref<2x48x10240xf32, #tpu.memory_space<hbm>> -> memref<1x48x640xf32, #tpu.memory_space<hbm>>
      %dma_wait3A_100 = tpu.memref_squeeze %dma_wait3A_99 : memref<1x48x640xf32, #tpu.memory_space<hbm>> -> memref<48x640xf32, #tpu.memory_space<hbm>>
      %dma_wait3A_101 = arith.constant 0 : i32
      %dma_wait3A_102 = tpu.memref_slice %arg4[%arg0, %dma_wait3A_101, %mul3A_92] : memref<2x48x10240xf32, #tpu.memory_space<hbm>> -> memref<1x48x640xf32, #tpu.memory_space<hbm>>
      %dma_wait3A_103 = tpu.memref_squeeze %dma_wait3A_102 : memref<1x48x640xf32, #tpu.memory_space<hbm>> -> memref<48x640xf32, #tpu.memory_space<hbm>>
      tpu.wait_dma2 semaphore(%run_scoped3A_93 : memref<!tpu.dma_semaphore, #tpu.memory_space<semaphore_mem>>) src(%arg9 : memref<48x640xf32, #tpu.memory_space<vmem>>) dst(%dma_wait3A_103 : memref<48x640xf32, #tpu.memory_space<hbm>>)
      tpu.yield
    }) : () -> ()
    return
  }
}

module attributes {stable_mosaic.version = 14 : i64} {
  func.func @body(%arg0: memref<10000x128xf32, #tpu.memory_space<vmem>>, %arg1: memref<128x16xf32, #tpu.memory_space<vmem>>, %arg2: memref<8x10240xf32, #tpu.memory_space<vmem>>, %arg3: memref<16x10240xf32, #tpu.memory_space<vmem>>) attributes {dimension_semantics = [], scalar_prefetch = 0 : i64, scratch_operands = 0 : i64, tpu.core_type = #tpu.core_type<tc>} {
    %get3A = arith.constant 0 : index
    %get3A_0 = arith.constant 0 : index
    %get3A_1 = vector.load %arg2[%get3A, %get3A_0] : memref<8x10240xf32, #tpu.memory_space<vmem>>, vector<8x10240xf32>
    %slice3A = vector.extract_strided_slice %get3A_1 {offsets = [0, 0], sizes = [1, 10240], strides = [1, 1]} : vector<8x10240xf32> to vector<1x10240xf32>
    %slice3A_2 = vector.extract_strided_slice %get3A_1 {offsets = [1, 0], sizes = [1, 10240], strides = [1, 1]} : vector<8x10240xf32> to vector<1x10240xf32>
    %add3A = arith.addf %slice3A, %slice3A_2 : vector<1x10240xf32>
    %add3A_3 = arith.constant 1.000000e+00 : f32
    %add3A_4 = vector.broadcast %add3A_3 : f32 to vector<1x10240xf32>
    %add3A_5 = arith.addf %add3A, %add3A_4 : vector<1x10240xf32>
    %rsqrt3A = math.rsqrt %add3A_5 : vector<1x10240xf32>
    %get3A_6 = arith.constant 0 : index
    %get3A_7 = arith.constant 0 : index
    %get3A_8 = vector.load %arg1[%get3A_6, %get3A_7] : memref<128x16xf32, #tpu.memory_space<vmem>>, vector<128x16xf32>
    %get3A_9 = arith.constant 0 : index
    %get3A_10 = arith.constant 0 : index
    %get3A_11 = vector.load %arg0[%get3A_9, %get3A_10] : memref<10000x128xf32, #tpu.memory_space<vmem>>, vector<10000x128xf32>
    %dot_general3A = arith.constant dense<0.000000e+00> : vector<16x10000xf32>
    %dot_general3A_12 = tpu.matmul %get3A_8, %get3A_11, %dot_general3A {dimension_numbers = #tpu.dot_dimension_numbers<[0], [1], [1], [0], [0, 1, 1, 0], [], []>, transpose_lhs_hint = false} : vector<128x16xf32>, vector<10000x128xf32>, vector<16x10000xf32> -> vector<16x10000xf32>
    %slice3A_13 = vector.extract_strided_slice %rsqrt3A {offsets = [0, 0], sizes = [1, 10000], strides = [1, 1]} : vector<1x10240xf32> to vector<1x10000xf32>
    %mul3A = vector.broadcast %slice3A_13 : vector<1x10000xf32> to vector<16x10000xf32>
    %mul3A_14 = arith.mulf %dot_general3A_12, %mul3A : vector<16x10000xf32>
    %swap3A = arith.constant 0 : index
    %swap3A_15 = arith.constant 0 : index
    %swap3A_16 = vector.load %arg3[%swap3A, %swap3A_15] : memref<16x10240xf32, #tpu.memory_space<vmem>>, vector<16x10000xf32>
    tpu.vector_store %arg3[%swap3A, %swap3A_15], %mul3A_14 {strides = array<i32>} : memref<16x10240xf32, #tpu.memory_space<vmem>>, vector<16x10000xf32>,
    return
  }
}

module attributes {stable_mosaic.version = 14 : i64} {
  func.func @body(%arg0: memref<8x10240xf32, #tpu.memory_space<vmem>>, %arg1: memref<2x16x10240xf32, #tpu.memory_space<vmem>>, %arg2: memref<16x10240xf32, #tpu.memory_space<vmem>>, %arg3: memref<16x48xf32, #tpu.memory_space<vmem>>, %arg4: memref<16x1xf32, #tpu.memory_space<vmem>>, %arg5: memref<48x10240xf32, #tpu.memory_space<vmem>>) attributes {dimension_semantics = [], scalar_prefetch = 0 : i64, scratch_operands = 0 : i64, tpu.core_type = #tpu.core_type<tc>} {
    %get3A = arith.constant 0 : index
    %get3A_0 = arith.constant 0 : index
    %get3A_1 = vector.load %arg0[%get3A, %get3A_0] : memref<8x10240xf32, #tpu.memory_space<vmem>>, vector<8x10240xf32>
    %slice3A = vector.extract_strided_slice %get3A_1 {offsets = [0, 0], sizes = [1, 10240], strides = [1, 1]} : vector<8x10240xf32> to vector<1x10240xf32>
    %slice3A_2 = vector.extract_strided_slice %get3A_1 {offsets = [1, 0], sizes = [1, 10240], strides = [1, 1]} : vector<8x10240xf32> to vector<1x10240xf32>
    %add3A = arith.addf %slice3A, %slice3A_2 : vector<1x10240xf32>
    %add3A_3 = arith.constant 1.000000e+00 : f32
    %add3A_4 = vector.broadcast %add3A_3 : f32 to vector<1x10240xf32>
    %add3A_5 = arith.addf %add3A, %add3A_4 : vector<1x10240xf32>
    %rsqrt3A = math.rsqrt %add3A_5 : vector<1x10240xf32>
    %get3A_6 = arith.constant 0 : index
    %get3A_7 = arith.constant 0 : index
    %get3A_8 = arith.constant 0 : index
    %get3A_9 = vector.load %arg1[%get3A_6, %get3A_7, %get3A_8] : memref<2x16x10240xf32, #tpu.memory_space<vmem>>, vector<2x16x10240xf32>
    %slice3A_10 = vector.extract_strided_slice %get3A_9 {offsets = [0, 0, 0], sizes = [1, 16, 10240], strides = [1, 1, 1]} : vector<2x16x10240xf32> to vector<1x16x10240xf32>
    %squeeze3A = vector.shape_cast %slice3A_10 : vector<1x16x10240xf32> to vector<16x10240xf32>
    %slice3A_11 = vector.extract_strided_slice %get3A_9 {offsets = [1, 0, 0], sizes = [1, 16, 10240], strides = [1, 1, 1]} : vector<2x16x10240xf32> to vector<1x16x10240xf32>
    %squeeze3A_12 = vector.shape_cast %slice3A_11 : vector<1x16x10240xf32> to vector<16x10240xf32>
    %add3A_13 = arith.addf %squeeze3A, %squeeze3A_12 : vector<16x10240xf32>
    %get3A_14 = arith.constant 0 : index
    %get3A_15 = arith.constant 0 : index
    %get3A_16 = vector.load %arg2[%get3A_14, %get3A_15] : memref<16x10240xf32, #tpu.memory_space<vmem>>, vector<16x10240xf32>
    %add3A_17 = arith.addf %add3A_13, %get3A_16 : vector<16x10240xf32>
    %mul3A = vector.broadcast %rsqrt3A : vector<1x10240xf32> to vector<16x10240xf32>
    %mul3A_18 = arith.mulf %mul3A, %add3A_17 : vector<16x10240xf32>
    %get3A_19 = arith.constant 0 : index
    %get3A_20 = arith.constant 0 : index
    %get3A_21 = vector.load %arg4[%get3A_19, %get3A_20] : memref<16x1xf32, #tpu.memory_space<vmem>>, vector<16x1xf32>
    %add3A_22 = vector.broadcast %get3A_21 : vector<16x1xf32> to vector<16x10240xf32>
    %add3A_23 = arith.addf %mul3A_18, %add3A_22 : vector<16x10240xf32>
    %max3A = arith.constant 0.000000e+00 : f32
    %max3A_24 = vector.broadcast %max3A : f32 to vector<16x10240xf32>
    %max3A_25 = arith.maximumf %add3A_23, %max3A_24 : vector<16x10240xf32>
    %get3A_26 = arith.constant 0 : index
    %get3A_27 = arith.constant 0 : index
    %get3A_28 = vector.load %arg3[%get3A_26, %get3A_27] : memref<16x48xf32, #tpu.memory_space<vmem>>, vector<16x48xf32>
    %dot_general3A = arith.constant dense<0.000000e+00> : vector<48x10240xf32>
    %dot_general3A_29 = tpu.matmul %get3A_28, %max3A_25, %dot_general3A {dimension_numbers = #tpu.dot_dimension_numbers<[0], [0], [1], [1], [0, 1, 1, 1], [], []>, transpose_lhs_hint = false} : vector<16x48xf32>, vector<16x10240xf32>, vector<48x10240xf32> -> vector<48x10240xf32>
    %mul3A_30 = vector.broadcast %rsqrt3A : vector<1x10240xf32> to vector<48x10240xf32>
    %mul3A_31 = arith.mulf %dot_general3A_29, %mul3A_30 : vector<48x10240xf32>
    %swap3A = arith.constant 0 : index
    %swap3A_32 = arith.constant 0 : index
    %swap3A_33 = vector.load %arg5[%swap3A, %swap3A_32] : memref<48x10240xf32, #tpu.memory_space<vmem>>, vector<48x10240xf32>
    tpu.vector_store %arg5[%swap3A, %swap3A_32], %mul3A_31 {strides = array<i32>} : memref<48x10240xf32, #tpu.memory_space<vmem>>, vector<48x10240xf32>,
    return
  }
}

module attributes {stable_mosaic.version = 14 : i64} {
  func.func @body(%arg0: memref<8x10240xf32, #tpu.memory_space<vmem>>, %arg1: memref<2x48x10240xf32, #tpu.memory_space<vmem>>, %arg2: memref<48x10240xf32, #tpu.memory_space<vmem>>, %arg3: memref<48x1xf32, #tpu.memory_space<vmem>>, %arg4: memref<10000x40xf32, #tpu.memory_space<vmem>>) attributes {dimension_semantics = [], scalar_prefetch = 0 : i64, scratch_operands = 0 : i64, tpu.core_type = #tpu.core_type<tc>} {
    %get3A = arith.constant 0 : index
    %get3A_0 = arith.constant 0 : index
    %get3A_1 = vector.load %arg0[%get3A, %get3A_0] : memref<8x10240xf32, #tpu.memory_space<vmem>>, vector<8x10240xf32>
    %slice3A = vector.extract_strided_slice %get3A_1 {offsets = [0, 0], sizes = [1, 10240], strides = [1, 1]} : vector<8x10240xf32> to vector<1x10240xf32>
    %slice3A_2 = vector.extract_strided_slice %get3A_1 {offsets = [1, 0], sizes = [1, 10240], strides = [1, 1]} : vector<8x10240xf32> to vector<1x10240xf32>
    %add3A = arith.addf %slice3A, %slice3A_2 : vector<1x10240xf32>
    %add3A_3 = arith.constant 1.000000e+00 : f32
    %add3A_4 = vector.broadcast %add3A_3 : f32 to vector<1x10240xf32>
    %add3A_5 = arith.addf %add3A, %add3A_4 : vector<1x10240xf32>
    %rsqrt3A = math.rsqrt %add3A_5 : vector<1x10240xf32>
    %get3A_6 = arith.constant 0 : index
    %get3A_7 = arith.constant 0 : index
    %get3A_8 = arith.constant 0 : index
    %get3A_9 = vector.load %arg1[%get3A_6, %get3A_7, %get3A_8] : memref<2x48x10240xf32, #tpu.memory_space<vmem>>, vector<2x48x10240xf32>
    %slice3A_10 = vector.extract_strided_slice %get3A_9 {offsets = [0, 0, 0], sizes = [1, 48, 10240], strides = [1, 1, 1]} : vector<2x48x10240xf32> to vector<1x48x10240xf32>
    %squeeze3A = vector.shape_cast %slice3A_10 : vector<1x48x10240xf32> to vector<48x10240xf32>
    %slice3A_11 = vector.extract_strided_slice %get3A_9 {offsets = [1, 0, 0], sizes = [1, 48, 10240], strides = [1, 1, 1]} : vector<2x48x10240xf32> to vector<1x48x10240xf32>
    %squeeze3A_12 = vector.shape_cast %slice3A_11 : vector<1x48x10240xf32> to vector<48x10240xf32>
    %add3A_13 = arith.addf %squeeze3A, %squeeze3A_12 : vector<48x10240xf32>
    %get3A_14 = arith.constant 0 : index
    %get3A_15 = arith.constant 0 : index
    %get3A_16 = vector.load %arg2[%get3A_14, %get3A_15] : memref<48x10240xf32, #tpu.memory_space<vmem>>, vector<48x10240xf32>
    %add3A_17 = arith.addf %add3A_13, %get3A_16 : vector<48x10240xf32>
    %mul3A = vector.broadcast %rsqrt3A : vector<1x10240xf32> to vector<48x10240xf32>
    %mul3A_18 = arith.mulf %mul3A, %add3A_17 : vector<48x10240xf32>
    %get3A_19 = arith.constant 0 : index
    %get3A_20 = arith.constant 0 : index
    %get3A_21 = vector.load %arg3[%get3A_19, %get3A_20] : memref<48x1xf32, #tpu.memory_space<vmem>>, vector<48x1xf32>
    %add3A_22 = vector.broadcast %get3A_21 : vector<48x1xf32> to vector<48x10240xf32>
    %add3A_23 = arith.addf %mul3A_18, %add3A_22 : vector<48x10240xf32>
    %slice3A_24 = vector.extract_strided_slice %add3A_23 {offsets = [0, 0], sizes = [40, 10000], strides = [1, 1]} : vector<48x10240xf32> to vector<40x10000xf32>
    %reduce_max3A = arith.constant dense<0xFF800000> : vector<10000xf32>
    %reduce_max3A_25 = vector.multi_reduction <maximumf>, %slice3A_24, %reduce_max3A [0] : vector<40x10000xf32> to vector<10000xf32>
    %broadcast_in_dim3A = vector.shape_cast %reduce_max3A_25 : vector<10000xf32> to vector<1x10000xf32>
    %sub3A = vector.broadcast %broadcast_in_dim3A : vector<1x10000xf32> to vector<40x10000xf32>
    %sub3A_26 = arith.subf %slice3A_24, %sub3A : vector<40x10000xf32>
    %exp3A = math.exp %sub3A_26 : vector<40x10000xf32>
    %reduce_sum3A = arith.constant dense<0.000000e+00> : vector<10000xf32>
    %reduce_sum3A_27 = vector.multi_reduction <add>, %exp3A, %reduce_sum3A [0] : vector<40x10000xf32> to vector<10000xf32>
    %broadcast_in_dim3A_28 = vector.shape_cast %reduce_sum3A_27 : vector<10000xf32> to vector<1x10000xf32>
    %log3A = math.log %broadcast_in_dim3A_28 : vector<1x10000xf32>
    %add3A_29 = arith.addf %broadcast_in_dim3A, %log3A : vector<1x10000xf32>
    %sub3A_30 = vector.broadcast %add3A_29 : vector<1x10000xf32> to vector<40x10000xf32>
    %sub3A_31 = arith.subf %slice3A_24, %sub3A_30 : vector<40x10000xf32>
    %transpose3A = tpu.transpose %sub3A_31, [1, 0] : vector<40x10000xf32> -> vector<10000x40xf32>
    %swap3A = arith.constant 0 : index
    %swap3A_32 = arith.constant 0 : index
    %swap3A_33 = vector.load %arg4[%swap3A, %swap3A_32] : memref<10000x40xf32, #tpu.memory_space<vmem>>, vector<10000x40xf32>
    tpu.vector_store %arg4[%swap3A, %swap3A_32], %transpose3A {strides = array<i32>} : memref<10000x40xf32, #tpu.memory_space<vmem>>, vector<10000x40xf32>,
    return
  }
}

</mosaic_0001>

<sc_bundles>
// kernel: kernel.11.cloned.1.call-start
scs
__scs_entry_jumppad:
0x0: {  	(pc) =	sbr.rel $0x88, $3  }
0x1: {  	(tag) =	ssettag $0x0;
	lr =	simm.s32 $0x1  }
0x2: {  	[smem:$0x3F9B] =	sst lr;
	_ =	strace $0xD0000000  }
0x3: {  	_ = 	snop  }
0x4: {  	_ = 	snop  }
0x5: {  	_ = 	snop  }
0x6: {  	_ = 	snop  }
0x7: {  	_ = 	snop  }
__scs_overlays_trampoline_lowered:
0x8: {  	[smem:$0x3FAA] =	sst s0  }
0x9: {  	[smem:$0x3FAB] =	sst s1  }
0xa: {  	[smem:$0x3FAC] =	sst s2  }
0xb: {  	[smem:$0x3FAD] =	sst s3  }
0xc: {  	[smem:$0x3FAE] =	sst s4  }
0xd: {  	[smem:$0x3FAF] =	sst s5  }
0xe: {  	[smem:$0x3FB0] =	sst s6  }
0xf: {  	[smem:$0x3FB1] =	sst s7  }
0x10: {  	[smem:$0x3FB2] =	sst s8  }
0x11: {  	[smem:$0x3FB3] =	sst s9;
	s0 =	simm.s32 @!p0 $0x0  }
0x12: {  	s1 =	sld [smem:$0x3F99];
	s0 =	simm.s32 @p0 $0x1  }
0x13: {  	[smem:$0x3FB4] =	sst s0;
	s0 =	simm.s32 @!p1 $0x0  }
0x14: {  	s2 =	sld [smem:$0x3F98];
	s0 =	simm.s32 @p1 $0x1  }
0x15: {  	[smem:$0x3FB5] =	sst s0;
	s0 =	simm.s32 @!p2 $0x0  }
0x16: {  	s3 =	sld [smem:$0x3FDB];
	s0 =	simm.s32 @p2 $0x1  }
0x17: {  	s4 =	simm.s32 $0x1BF5;
	[smem:$0x3FB7] =	sst s0  }
0x18: {  	s0 =	sld [smem:$0x3F9A];
	_ =	swait.ge [sflag:s4], $0x0  }
0x19: {  	s7 =	sld [smem:$0x3F9B]  }
0x1a: {  	s8 =	sadd.s32 $0xFFFFE003, lr  }
0x1b: {  	s9 =	sadd.s32 $0xFFFFFEF7, lr;
	s5 =	simm.s32 $0xFFFFFFFF;
	p2 =	slt.u32 s8, $0xFFFFF086  }
0x1c: {  	p1 =	slt.u32 s9, $0xF7A;
	s5 =	simm.s32 @!p2 $0x0  }
0x1d: {  	s5 =	simm.s32 @p1 $0x1;
	p0 =	seq.s32 s7, s2  }
0x1e: {  	s7 =	smul.u32 @!p0 $0xF7A, s2;
	p2 =	seq.s32 @!p0 s5, $0x0  }
0x1f: {  	s9 =	smul.u32 $0xF7A, s1;
	s8 =	simm.s32 @!p0 $0x1BF5;
	p2 =	por !p2, p0  }
0x20: {  	[sflag:s8] =	ssyncset.s32 @!p0 $0xFFFFF086;
	s6 =	sadd.s32 @!p0 s3, s7;
	s7 =	simm.s32 @!p0 $0x108  }
0x21: {  	s3 =	sadd.s32 s3, s9;
	s6 =	sadd.s32 @!p0 $0x88, s6;
	s7 =	simm.s32 @p2 $0x1082  }
0x22: {  	[simem:s7], [sflag:s8] =	dma.local @!p0 [hbm:s6], $0xF7A  }
0x23: {  	s9 =	sor.u32 $0xD0000000, s2;
	s6 =	simm.s32 $0x108;
	_ =	swait.ge @!p0 [sflag:s8], $0x0  }
0x24: {  	s3 =	sadd.s32 $0x88, s3;
	s6 =	simm.s32 @!p1 $0x1082;
	[sflag:s4] =	ssyncset.s32 $0xFFFFF086  }
0x25: {  	[simem:s6], [sflag:s4] =	dma.local [hbm:s3], $0xF7A  }
0x26: {  	[smem:$0x3F9B] =	sst s1;
	(tag) =	ssettag s2;
	_ =	strace s9  }
0x27: {  	s1 =	sld [smem:$0x3FAB]  }
0x28: {  	s2 =	sld [smem:$0x3FAC]  }
0x29: {  	s4 =	sld [smem:$0x3FAE]  }
0x2a: {  	p0 =	seq.s32 s5, $0x0;
	s5 =	sld [smem:$0x3FAF]  }
0x2b: {  	s6 =	sld [smem:$0x3FB0]  }
0x2c: {  	s7 =	sld [smem:$0x3FB1]  }
0x2d: {  	s3 =	simm.s32 $0x108;
	s8 =	sld [smem:$0x3FB2]  }
0x2e: {  	s3 =	simm.s32 @!p0 $0x1082;
	s9 =	sld [smem:$0x3FB3]  }
0x2f: {  	lr =	sadd.s32 s0, s3;
	s0 =	sld [smem:$0x3FAA]  }
0x30: {  	s3 =	sld [smem:$0x3FAD]  }
0x31: {  	[smem:$0x3FB6] =	sst s10  }
0x32: {  	s10 =	sld [smem:$0x3FB4];
	_ =	sdelay $0x3  }
0x33: {  	p0 =	seq.s32 s10, $0x1;
	s10 =	sld [smem:$0x3FB6];
	_ =	sdelay $0x3  }
0x34: {  	[smem:$0x3FB6] =	sst s10  }
0x35: {  	s10 =	sld [smem:$0x3FB5];
	_ =	sdelay $0x3  }
0x36: {  	p1 =	seq.s32 s10, $0x1;
	s10 =	sld [smem:$0x3FB6];
	_ =	sdelay $0x3  }
0x37: {  	[smem:$0x3FB6] =	sst s10  }
0x38: {  	s10 =	sld [smem:$0x3FB7]  }
0x39: {  	_ = 	snop;
	(pc) =	sbr.ind lr, $3  }
0x3a: {  	_ = 	snop  }
0x3b: {  	_ = 	snop  }
0x3c: {  	p2 =	seq.s32 s10, $0x1;
	s10 =	sld [smem:$0x3FB6]  }
0x3d: {  	_ =	shalt  }
0x3e: {  	_ =	shalt  }
0x3f: {  	_ =	shalt  }
0x40: {  	_ =	shalt  }
0x41: {  	_ =	shalt  }
0x42: {  	_ =	shalt  }
0x43: {  	_ =	shalt  }
0x44: {  	_ =	shalt  }
0x45: {  	_ =	shalt  }
0x46: {  	_ =	shalt  }
0x47: {  	_ =	shalt  }
0x48: {  	_ =	shalt  }
0x49: {  	_ =	shalt  }
0x4a: {  	_ =	shalt  }
0x4b: {  	_ =	shalt  }
0x4c: {  	_ =	shalt  }
0x4d: {  	_ =	shalt  }
0x4e: {  	_ =	shalt  }
0x4f: {  	_ =	shalt  }
0x50: {  	_ =	shalt  }
0x51: {  	_ =	shalt  }
0x52: {  	_ =	shalt  }
0x53: {  	_ =	shalt  }
0x54: {  	_ =	shalt  }
0x55: {  	_ =	shalt  }
0x56: {  	_ =	shalt  }
0x57: {  	_ =	shalt  }
0x58: {  	_ =	shalt  }
0x59: {  	_ =	shalt  }
0x5a: {  	_ =	shalt  }
0x5b: {  	_ =	shalt  }
0x5c: {  	_ =	shalt  }
0x5d: {  	_ =	shalt  }
0x5e: {  	_ =	shalt  }
0x5f: {  	_ =	shalt  }
0x60: {  	_ =	shalt  }
0x61: {  	_ =	shalt  }
0x62: {  	_ =	shalt  }
0x63: {  	_ =	shalt  }
0x64: {  	_ =	shalt  }
0x65: {  	_ =	shalt  }
0x66: {  	_ =	shalt  }
0x67: {  	_ =	shalt  }
0x68: {  	_ =	shalt  }
0x69: {  	_ =	shalt  }
0x6a: {  	_ =	shalt  }
0x6b: {  	_ =	shalt  }
0x6c: {  	_ =	shalt  }
0x6d: {  	_ =	shalt  }
0x6e: {  	_ =	shalt  }
0x6f: {  	_ =	shalt  }
0x70: {  	_ =	shalt  }
0x71: {  	_ =	shalt  }
0x72: {  	_ =	shalt  }
0x73: {  	_ =	shalt  }
0x74: {  	_ =	shalt  }
0x75: {  	_ =	shalt  }
0x76: {  	_ =	shalt  }
0x77: {  	_ =	shalt  }
0x78: {  	_ =	shalt  }
0x79: {  	_ =	shalt  }
0x7a: {  	_ =	shalt  }
0x7b: {  	_ =	shalt  }
0x7c: {  	_ =	shalt  }
0x7d: {  	_ =	shalt  }
0x7e: {  	_ =	shalt  }
0x7f: {  	_ =	shalt  }
0x80: {  	_ =	shalt  }
0x81: {  	_ =	shalt  }
0x82: {  	_ =	shalt  }
0x83: {  	_ =	shalt  }
0x84: {  	_ =	shalt  }
0x85: {  	_ =	shalt  }
0x86: {  	_ =	shalt  }
0x87: {  	_ =	shalt  }
.Lfunc_end0:
.L_simem_size_0:
called_computation.1_lowered:
.L_overlay_start_0:
0x88: {  	s2 =	sld [smem:$0x3FD9]  }
0x89: {  	s3 =	sld [smem:$0x3FFE];
	_ =	sdelay $0x1  }
0x8a: {  	s1 =	srdreg.scid  }
0x8b: {  	s0 =	sand.u32 $0x1, s1  }
0x8c: {  	s17 =	sshll.u32 s0, $0xA;
	s2 =	sadd.s32 s3, s2  }
0x8d: {  	s3 =	sadd.s32 s2, s17  }
0x8e: {  	[smem:$0x3FC2] =	sst s3  }
0x8f: {  	_ = 	snop  }
0x90: {  	s3 =	sld [smem:$0x3FD0];
	(tm) =	ssettm $0x1  }
0x91: {  	s4 =	sld [smem:$0x3FFB];
	_ =	sdelay $0x3  }
0x92: {  	_ =	strace s4  }
0x93: {  	s4 =	sld [smem:$0x3FFC];
	_ =	sdelay $0x3  }
0x94: {  	_ =	strace s4  }
0x95: {  	s4 =	sld [smem:$0x3FFD];
	_ =	sdelay $0x3  }
0x96: {  	_ =	strace s4  }
0x97: {  	_ =	strace $0x8FFFFFFF  }
0x98: {  	s18 =	sld [smem:$0x3FDB];
	_ =	sdelay $0x1  }
0x99: {  	s5 =	simm.s32 $_scs_section_size  }
0x9a: {  	s6 =	simm.s32 $_size__tile_overlayer_lowered;
	s7 =	simm.s32 $_tile_overlayer_lowered  }
0x9b: {  	s21 =	simm.s32 $0x1BFF;
	s20 =	sshll.u32 s7, $0x1;
	s4 =	sadd.s32 s5, s18  }
0x9c: {  	s8 =	simm.s32 $0x0;
	s19 =	sshll.u32 s6, $0x1;
	s6 =	sadd.s32 s20, s4  }
0x9d: {  	[timem:s8], [sflag:s21] =	dma.local [hbm:s6], s19  }
0x9e: {  	_ =	swait.ge [sflag:s21], s19  }
0x9f: {  	s5 =	ssub.s32 $0x0, s19;
	[sflag:s21] =	ssyncset.done $0x0  }
0xa0: {  	[sflag:s21] =	ssyncadd.s32 s5;
	_ =	sdelay $0x1  }
0xa1: {  	s22 =	simm.s32 $0x1B8B  }
0xa2: {  	_ =	swait.ge [sflag:s22], $0x1  }
0xa3: {  	[sflag:s22] =	ssyncset.done $0x0  }
0xa4: {  	s24 =	simm.s32 $0x1B8E;
	s23 =	sld [smem:$0x3FFE];
	[sflag:s22] =	ssyncadd.s32 $0xFFFFFFFF  }
0xa5: {  	s25 =	simm.s32 $execute0_lowered;
	[smem:$0x3FD2] =	sst s24  }
0xa6: {  	s6 =	sshll.u32 s25, $0x1;
	_ =	strace $0x80000049;
	[dreg:$0x1] =	wrdreg $0xFFFFFFFF  }
0xa7: {  	s26 =	simm.s32 $_size_execute0_lowered;
	s4 =	sadd.s32 s4, s6;
	[dreg:$0x0] =	wrdreg $0x0  }
0xa8: {  	s6 =	sshll.u32 s26, $0x1;
	[dreg:$0x2] =	wrdreg s4  }
0xa9: {  	[dreg:$0x3] =	wrdreg s6  }
0xaa: {  	[dreg:$0x4] =	wrdreg $0xC0  }
0xab: {  	_ =	task [dreg:s8], $0x5FFFF  }
0xac: {  	[dreg:$0x1] =	wrdreg $0xFFFFFFFF  }
0xad: {  	[dreg:$0x0] =	wrdreg $0x60  }
0xae: {  	[dreg:$0x2] =	wrdreg s23  }
0xaf: {  	s28 =	sadd.s32 $0x800, s2;
	[dreg:$0x3] =	wrdreg s3  }
0xb0: {  	s2 =	sadd.s32 $0x5800, s2;
	[dreg:$0x4] =	wrdreg s28  }
0xb1: {  	[dreg:$0x5] =	wrdreg s2  }
0xb2: {  	[dreg:$0x6] =	wrdreg $0xAF000  }
0xb3: {  	[dreg:$0x7] =	wrdreg $0x9  }
0xb4: {  	_ =	task.clear_ibuf [dreg:s8], $0x8FFFF;
	_ =	strace $0x90000049  }
0xb5: {  	s29 =	simm.s32 $0x9;
	_ =	strace $0x8000004B  }
0xb6: {  	_ =	swait.ge [sflag:s29], $0x1  }
0xb7: {  	[sflag:s29] =	ssyncadd.s32 $0xFFFFFFFF  }
0xb8: {  	_ =	strace $0x9000004B  }
0xb9: {  	_ =	sfence  }
0xba: {  	s30 =	sld [smem:$0x0];
	_ =	sdelay $0x2  }
0xbb: {  	s31 =	sshll.u32 s1, $0xD;
	s1 =	sshrl.u32 s1, $0x2  }
0xbc: {  	s3 =	sand.u32 $0x4000, s31;
	s1 =	sadd.s32 s1, s30  }
0xbd: {  	s0 =	sor.u32 s3, s0;
	s1 =	sshll.u32 s1, $0x11  }
0xbe: {  	s0 =	sor.u32 s1, s0  }
0xbf: {  	s0 =	sadd.s32 $0x8F2B, s0  }
0xc0: {  	[sflag:s0] =	ssyncadd.remote.s32 $0x1  }
0xc1: {  	_ =	sfence.sel $0xFFFF  }
0xc2: {  	[dreg:$0x0] =	wrdreg $0xFFFFFFFF;
	(pc) =	sbr.abs _section_cstart, $3  }
0xc3: {  	[dreg:$0x1] =	wrdreg $0xFFFFFFFF  }
0xc4: {  	_ =	task.clear_ibuf [dreg:s8], $0x2FFFF;
	_ =	strace $0x9FFFFFFF  }
0xc5: {  	(tm) =	ssettm $0x7FFFFFFF  }
tec
execute0_lowered:
.L_overlay_start_1:
0x0: {  	(tag) =	ssettag $0x1  }
0x1: {  	s6 =	rddreg [dreg:$0x0]  }
0x2: {  	s13 =	rddreg [dreg:$0x1]  }
0x3: {  	s1 =	rddreg [dreg:$0x2]  }
0x4: {  	s0 =	srdreg.scid;
	s3 =	rddreg [dreg:$0x3]  }
0x5: {  	s18 =	stileid.u32;
	s4 =	rddreg [dreg:$0x4]  }
0x6: {  	s5 =	simm.s32 $0x0;
	s16 =	simm.s32 $0x1;
	s17 =	simm.s32 $0x5F00  }
0x7: {  	s21 =	sand.u32 $0x1, s0;
	[smem:$0x7FF] =	sst s5;
	s11 =	smul.u32 $0x280, s18  }
0x8: {  	s23 =	smul.u32 $0xA000, s18;
	s2 =	sshll.u32 s21, $0x4;
	_ =	strace $0x8000004A  }
0x9: {  	s12 =	ssub.s32 $0x2, s21;
	p0 =	seq.s32 s21, $0x0;
	s29 =	smul.u32 $0x28000, s21  }
0xa: {  	s2 =	sor.u32 s18, s2;
	s19 =	sshrl.u32 s11, $0x3;
	s22 =	sshrl.u32 s12, $0x1  }
0xb: {  	s7 =	smul.u32 $0x9C4, s2;
	s14 =	ssub.s32 s12, s22;
	s11 =	sor.u32 s11, s29  }
0xc: {  	s22 =	simm.s32 $0x4F00;
	s31 =	sshrl.u32 s11, $0x3;
	s11 =	simm.s32 $0x1  }
0xd: {  	s14 =	smax.u32 s14, $0x1;
	s8 =	sshrl.u32 s7, $0x5;
	s7 =	sadd.s32 $0x9C4, s7  }
0xe: {  	s13 =	sadd.s32 s13, s31;
	s9 =	sshll.u32 s8, $0x4;
	s20 =	sshrl.u32 s7, $0x5  }
0xf: {  	s10 =	sadd.s32 s9, s6;
	s9 =	sadd.s32 s19, s6;
	s6 =	ssub.s32 s20, s8  }
0x10: {  	s8 =	sshrl.u32 s23, $0x2;
	s19 =	smul.u32 $0x500, s18;
	s20 =	smov.u32 s3  }
0x11: {  	s18 =	simm.s32 $0x3;
	s23 =	simm.s32 $0x80;
	s24 =	sadd.s32 $0x15200, s9  }
0x12: {  	s25 =	sadd.s32 $0x1, s6;
	s8 =	sadd.s32 s8, s4;
	s28 =	sadd.s32 $0x1800, s10  }
0x13: {  	v0 =	vlaneseq.u32;
	p1 =	slt.s32 s6, $0x0;
	s10 =	sadd.s32 $0xB440, s10;
	s20 =	smov.u32 @p0 s1  }
0x14: {  	v0 =	vmul.u32 $0x280, v0;
	p0 =	sne.s32 s21, $0x0;
	s26 =	sand.u32 $0x8000, s25;
	s12 =	sand.u32 $0x1, s25  }
0x15: {  	v16 =	vimm.f32 $0.0e+00;
	[dreg:$0x6] =	wrdreg s24;
	s15 =	sshrl.u32 s26, $0xF;
	p2 =	seq.s32 s12, $0x1  }
0x16: {  	v1 =	vor.u32 $0x1, v0;
	v2 =	vor.u32 $0x2, v0;
	v3 =	vor.u32 $0x3, v0;
	[dreg:$0x7] =	wrdreg s28;
	s15 =	sadd.s32 s15, s25;
	p1 =	por !p1, !p2  }
0x17: {  	v4 =	vor.u32 $0x4, v0;
	v5 =	vor.u32 $0x5, v0;
	v6 =	vor.u32 $0x6, v0;
	s19 =	sadd.s32 s19, s20;
	s15 =	sshll.u32 s15, $0x10;
	p1 =	por !p1, !p1  }
0x18: {  	v7 =	vor.u32 $0x7, v0;
	v8 =	vor.u32 $0x8, v0;
	v9 =	vor.u32 $0x9, v0;
	s20 =	simm.s32 $0x8700;
	s30 =	sshra.s32 s15, $0x11;
	s16 =	simm.s32 @!p1 $0x0  }
0x19: {  	v10 =	vor.u32 $0xA, v0;
	v11 =	vor.u32 $0xB, v0;
	v12 =	vor.u32 $0xC, v0;
	s24 =	simm.s32 $0x4;
	s25 =	simm.s32 $0x0;
	s12 =	ssub.s32 s30, s16  }
0x1a: {  	v13 =	vor.u32 $0xD, v0;
	v14 =	vor.u32 $0xE, v0;
	v15 =	vor.u32 $0xF, v0;
	s15 =	simm.s32 $0x280;
	s16 =	simm.s32 $0x2800;
	p1 =	slt.s32 s12, $0x1  }
.LBB2_1:
0x1b: {  	v17 =	vadd.s32 s5, v0;
	s0 =	rddreg [dreg:$0x6]  }
0x1c: {  	[tilespmem:s17], [sflag:$0x3] =	stream.strided.gather [hbm4b:s0+s15], $0x2800, s16, s15, $0x38;
	[tilespmem:$0xD700] =	vst v63  }
0x1d: {  	_ =	swait.ge [sflag:s18], $0x2800  }
0x1e: {  	[sflag:s18] =	ssyncset.done $0x0  }
0x1f: {  	[sflag:s18] =	ssyncadd.s32 $0xFFFFD800  }
0x20: {  	v17 =	vld.idx.msk [tilespmem:v17+s17+$0x0], $0xffff  }
0x21: {  	v18 =	vadd.s32 s5, v1;
	_ =	sdelay $0x2  }
0x22: {  	s26 =	simm.s32 $0x8780  }
0x23: {  	[tilespmem:s26+$0xFFFFFF80] =	vst v17  }
0x24: {  	v17 =	vld.idx.msk [tilespmem:v18+s17+$0x0], $0xffff  }
0x25: {  	v18 =	vadd.s32 s5, v2;
	_ =	sdelay $0x3  }
0x26: {  	[tilespmem:s26+$0xFFFFFF90] =	vst v17  }
0x27: {  	v17 =	vld.idx.msk [tilespmem:v18+s17+$0x0], $0xffff  }
0x28: {  	v18 =	vadd.s32 s5, v3;
	_ =	sdelay $0x3  }
0x29: {  	[tilespmem:s26+$0xFFFFFFA0] =	vst v17  }
0x2a: {  	v17 =	vld.idx.msk [tilespmem:v18+s17+$0x0], $0xffff  }
0x2b: {  	v18 =	vadd.s32 s5, v4;
	_ =	sdelay $0x3  }
0x2c: {  	[tilespmem:s26+$0xFFFFFFB0] =	vst v17  }
0x2d: {  	v17 =	vld.idx.msk [tilespmem:v18+s17+$0x0], $0xffff  }
0x2e: {  	v18 =	vadd.s32 s5, v5;
	_ =	sdelay $0x3  }
0x2f: {  	[tilespmem:s26+$0xFFFFFFC0] =	vst v17  }
0x30: {  	v17 =	vld.idx.msk [tilespmem:v18+s17+$0x0], $0xffff  }
0x31: {  	v18 =	vadd.s32 s5, v6;
	_ =	sdelay $0x3  }
0x32: {  	[tilespmem:s26+$0xFFFFFFD0] =	vst v17  }
0x33: {  	v17 =	vld.idx.msk [tilespmem:v18+s17+$0x0], $0xffff  }
0x34: {  	v18 =	vadd.s32 s5, v7;
	_ =	sdelay $0x3  }
0x35: {  	[tilespmem:s26+$0xFFFFFFE0] =	vst v17  }
0x36: {  	v17 =	vld.idx.msk [tilespmem:v18+s17+$0x0], $0xffff  }
0x37: {  	v18 =	vadd.s32 s5, v8;
	_ =	sdelay $0x3  }
0x38: {  	[tilespmem:s26+$0xFFFFFFF0] =	vst v17  }
0x39: {  	v17 =	vld.idx.msk [tilespmem:v18+s17+$0x0], $0xffff  }
0x3a: {  	v18 =	vadd.s32 s5, v9;
	_ =	sdelay $0x3  }
0x3b: {  	[tilespmem:s26+$0x0] =	vst v17  }
0x3c: {  	v17 =	vld.idx.msk [tilespmem:v18+s17+$0x0], $0xffff  }
0x3d: {  	v18 =	vadd.s32 s5, v10;
	_ =	sdelay $0x3  }
0x3e: {  	[tilespmem:s26+$0x10] =	vst v17  }
0x3f: {  	v17 =	vld.idx.msk [tilespmem:v18+s17+$0x0], $0xffff  }
0x40: {  	v18 =	vadd.s32 s5, v11;
	_ =	sdelay $0x3  }
0x41: {  	[tilespmem:s26+$0x20] =	vst v17  }
0x42: {  	v17 =	vld.idx.msk [tilespmem:v18+s17+$0x0], $0xffff  }
0x43: {  	v18 =	vadd.s32 s5, v12;
	_ =	sdelay $0x3  }
0x44: {  	[tilespmem:s26+$0x30] =	vst v17  }
0x45: {  	v17 =	vld.idx.msk [tilespmem:v18+s17+$0x0], $0xffff  }
0x46: {  	v18 =	vadd.s32 s5, v13;
	_ =	sdelay $0x3  }
0x47: {  	[tilespmem:s26+$0x40] =	vst v17  }
0x48: {  	v17 =	vld.idx.msk [tilespmem:v18+s17+$0x0], $0xffff  }
0x49: {  	v18 =	vadd.s32 s5, v14;
	_ =	sdelay $0x3  }
0x4a: {  	[tilespmem:s26+$0x50] =	vst v17  }
0x4b: {  	v17 =	vld.idx.msk [tilespmem:v18+s17+$0x0], $0xffff  }
0x4c: {  	v18 =	vadd.s32 s5, v15;
	_ =	sdelay $0x3  }
0x4d: {  	[tilespmem:s26+$0x60] =	vst v17  }
0x4e: {  	s28 =	simm.s32 $0x10;
	v17 =	vld.idx.msk [tilespmem:v18+s17+$0x0], $0xffff  }
0x4f: {  	s29 =	simm.s32 $0x20;
	v18 =	vadd.s32 s28, v0  }
.LBB2_2:
0x50: {  	p2 =	sne.s32 s29, $0x270;
	_ =	sdelay $0x2  }
0x51: {  	[tilespmem:s26+$0x70] =	vst v17  }
0x52: {  	v17 =	vld.idx.msk [tilespmem:v18+s17+$0x0], $0xffff;
	_ =	sdelay $0x1  }
0x53: {  	v18 =	vadd.s32 s28, v1;
	_ =	sdelay $0x2  }
0x54: {  	s26 =	sadd.s32 $0x100, s26  }
0x55: {  	[tilespmem:s26+$0xFFFFFF80] =	vst v17  }
0x56: {  	v17 =	vld.idx.msk [tilespmem:v18+s17+$0x0], $0xffff;
	_ =	sdelay $0x1  }
0x57: {  	v18 =	vadd.s32 s28, v2;
	_ =	sdelay $0x3  }
0x58: {  	[tilespmem:s26+$0xFFFFFF90] =	vst v17  }
0x59: {  	v17 =	vld.idx.msk [tilespmem:v18+s17+$0x0], $0xffff;
	_ =	sdelay $0x1  }
0x5a: {  	v18 =	vadd.s32 s28, v3;
	_ =	sdelay $0x3  }
0x5b: {  	[tilespmem:s26+$0xFFFFFFA0] =	vst v17  }
0x5c: {  	v17 =	vld.idx.msk [tilespmem:v18+s17+$0x0], $0xffff;
	_ =	sdelay $0x1  }
0x5d: {  	v18 =	vadd.s32 s28, v4;
	_ =	sdelay $0x3  }
0x5e: {  	[tilespmem:s26+$0xFFFFFFB0] =	vst v17  }
0x5f: {  	v17 =	vld.idx.msk [tilespmem:v18+s17+$0x0], $0xffff;
	_ =	sdelay $0x1  }
0x60: {  	v18 =	vadd.s32 s28, v5;
	_ =	sdelay $0x3  }
0x61: {  	[tilespmem:s26+$0xFFFFFFC0] =	vst v17  }
0x62: {  	v17 =	vld.idx.msk [tilespmem:v18+s17+$0x0], $0xffff;
	_ =	sdelay $0x1  }
0x63: {  	v18 =	vadd.s32 s28, v6;
	_ =	sdelay $0x3  }
0x64: {  	[tilespmem:s26+$0xFFFFFFD0] =	vst v17  }
0x65: {  	v17 =	vld.idx.msk [tilespmem:v18+s17+$0x0], $0xffff;
	_ =	sdelay $0x1  }
0x66: {  	v18 =	vadd.s32 s28, v7;
	_ =	sdelay $0x3  }
0x67: {  	[tilespmem:s26+$0xFFFFFFE0] =	vst v17  }
0x68: {  	v17 =	vld.idx.msk [tilespmem:v18+s17+$0x0], $0xffff;
	_ =	sdelay $0x1  }
0x69: {  	v18 =	vadd.s32 s28, v8;
	_ =	sdelay $0x3  }
0x6a: {  	[tilespmem:s26+$0xFFFFFFF0] =	vst v17  }
0x6b: {  	v17 =	vld.idx.msk [tilespmem:v18+s17+$0x0], $0xffff;
	_ =	sdelay $0x1  }
0x6c: {  	v18 =	vadd.s32 s28, v9;
	_ =	sdelay $0x3  }
0x6d: {  	[tilespmem:s26+$0x0] =	vst v17  }
0x6e: {  	v17 =	vld.idx.msk [tilespmem:v18+s17+$0x0], $0xffff;
	_ =	sdelay $0x1  }
0x6f: {  	v18 =	vadd.s32 s28, v10;
	_ =	sdelay $0x3  }
0x70: {  	[tilespmem:s26+$0x10] =	vst v17  }
0x71: {  	v17 =	vld.idx.msk [tilespmem:v18+s17+$0x0], $0xffff;
	_ =	sdelay $0x1  }
0x72: {  	v18 =	vadd.s32 s28, v11;
	_ =	sdelay $0x3  }
0x73: {  	[tilespmem:s26+$0x20] =	vst v17  }
0x74: {  	v17 =	vld.idx.msk [tilespmem:v18+s17+$0x0], $0xffff;
	_ =	sdelay $0x1  }
0x75: {  	v18 =	vadd.s32 s28, v12;
	_ =	sdelay $0x3  }
0x76: {  	[tilespmem:s26+$0x30] =	vst v17  }
0x77: {  	v17 =	vld.idx.msk [tilespmem:v18+s17+$0x0], $0xffff;
	_ =	sdelay $0x1  }
0x78: {  	v18 =	vadd.s32 s28, v13;
	_ =	sdelay $0x3  }
0x79: {  	[tilespmem:s26+$0x40] =	vst v17  }
0x7a: {  	v17 =	vld.idx.msk [tilespmem:v18+s17+$0x0], $0xffff;
	_ =	sdelay $0x1  }
0x7b: {  	v18 =	vadd.s32 s28, v14;
	_ =	sdelay $0x3  }
0x7c: {  	[tilespmem:s26+$0x50] =	vst v17  }
0x7d: {  	v17 =	vld.idx.msk [tilespmem:v18+s17+$0x0], $0xffff;
	_ =	sdelay $0x1  }
0x7e: {  	v18 =	vadd.s32 s28, v15;
	s28 =	smov.u32 s29;
	_ =	sdelay $0x2  }
.Ltmp0:
0x7f: {  	(pc) =	sbr.rel @p2 .LBB2_2-.Ltmp0, $3  }
0x80: {  	[tilespmem:s26+$0x60] =	vst v17  }
0x81: {  	v17 =	vld.idx.msk [tilespmem:v18+s17+$0x0], $0xffff;
	_ =	sdelay $0x1  }
0x82: {  	s29 =	sadd.s32 $0x10, s29;
	v18 =	vadd.s32 s28, v0  }
0x83: {  	_ =	sdelay $0x2  }
0x84: {  	[tilespmem:s26+$0x70] =	vst v17  }
0x85: {  	v17 =	vld.idx.msk [tilespmem:v18+s17+$0x0], $0xffff  }
0x86: {  	v18 =	vadd.s32 s28, v1;
	_ =	sdelay $0x2  }
0x87: {  	s30 =	sadd.s32 $0x100, s26  }
0x88: {  	[tilespmem:s30+$0xFFFFFF80] =	vst v17  }
0x89: {  	v17 =	vld.idx.msk [tilespmem:v18+s17+$0x0], $0xffff  }
0x8a: {  	v18 =	vadd.s32 s28, v2;
	_ =	sdelay $0x3  }
0x8b: {  	[tilespmem:s30+$0xFFFFFF90] =	vst v17  }
0x8c: {  	v17 =	vld.idx.msk [tilespmem:v18+s17+$0x0], $0xffff  }
0x8d: {  	v18 =	vadd.s32 s28, v3;
	_ =	sdelay $0x3  }
0x8e: {  	[tilespmem:s30+$0xFFFFFFA0] =	vst v17  }
0x8f: {  	v17 =	vld.idx.msk [tilespmem:v18+s17+$0x0], $0xffff  }
0x90: {  	v18 =	vadd.s32 s28, v4;
	_ =	sdelay $0x3  }
0x91: {  	[tilespmem:s30+$0xFFFFFFB0] =	vst v17  }
0x92: {  	v17 =	vld.idx.msk [tilespmem:v18+s17+$0x0], $0xffff  }
0x93: {  	v18 =	vadd.s32 s28, v5;
	_ =	sdelay $0x3  }
0x94: {  	[tilespmem:s30+$0xFFFFFFC0] =	vst v17  }
0x95: {  	v17 =	vld.idx.msk [tilespmem:v18+s17+$0x0], $0xffff  }
0x96: {  	v18 =	vadd.s32 s28, v6;
	_ =	sdelay $0x3  }
0x97: {  	[tilespmem:s30+$0xFFFFFFD0] =	vst v17  }
0x98: {  	v17 =	vld.idx.msk [tilespmem:v18+s17+$0x0], $0xffff  }
0x99: {  	v18 =	vadd.s32 s28, v7;
	_ =	sdelay $0x3  }
0x9a: {  	[tilespmem:s30+$0xFFFFFFE0] =	vst v17  }
0x9b: {  	v17 =	vld.idx.msk [tilespmem:v18+s17+$0x0], $0xffff  }
0x9c: {  	v18 =	vadd.s32 s28, v8;
	_ =	sdelay $0x3  }
0x9d: {  	[tilespmem:s30+$0xFFFFFFF0] =	vst v17  }
0x9e: {  	v17 =	vld.idx.msk [tilespmem:v18+s17+$0x0], $0xffff  }
0x9f: {  	v18 =	vadd.s32 s28, v9;
	_ =	sdelay $0x3  }
0xa0: {  	[tilespmem:s30+$0x0] =	vst v17  }
0xa1: {  	v17 =	vld.idx.msk [tilespmem:v18+s17+$0x0], $0xffff  }
0xa2: {  	v18 =	vadd.s32 s28, v10;
	_ =	sdelay $0x3  }
0xa3: {  	[tilespmem:s30+$0x10] =	vst v17  }
0xa4: {  	v17 =	vld.idx.msk [tilespmem:v18+s17+$0x0], $0xffff  }
0xa5: {  	v18 =	vadd.s32 s28, v11;
	_ =	sdelay $0x3  }
0xa6: {  	[tilespmem:s30+$0x20] =	vst v17  }
0xa7: {  	v17 =	vld.idx.msk [tilespmem:v18+s17+$0x0], $0xffff  }
0xa8: {  	v18 =	vadd.s32 s28, v12;
	_ =	sdelay $0x3  }
0xa9: {  	[tilespmem:s30+$0x30] =	vst v17  }
0xaa: {  	v17 =	vld.idx.msk [tilespmem:v18+s17+$0x0], $0xffff  }
0xab: {  	v18 =	vadd.s32 s28, v13;
	_ =	sdelay $0x3  }
0xac: {  	[tilespmem:s30+$0x40] =	vst v17  }
0xad: {  	v17 =	vld.idx.msk [tilespmem:v18+s17+$0x0], $0xffff  }
0xae: {  	v18 =	vadd.s32 s28, v14;
	_ =	sdelay $0x3  }
0xaf: {  	[tilespmem:s30+$0x50] =	vst v17  }
0xb0: {  	v17 =	vld.idx.msk [tilespmem:v18+s17+$0x0], $0xffff  }
0xb1: {  	v18 =	vadd.s32 s28, v15;
	_ =	sdelay $0x3  }
0xb2: {  	[tilespmem:s30+$0x60] =	vst v17  }
0xb3: {  	v17 =	vld.idx.msk [tilespmem:v18+s17+$0x0], $0xffff;
	_ =	sdelay $0x4  }
0xb4: {  	s31 =	simm.s32 $0x0;
	[tilespmem:s30+$0x70] =	vst v17  }
0xb5: {  	[hbm4b:s19+s31] =	stream.linear.scatter [tilespmem:s20], [sflag:$0x3], $0x2800, $0x38;
	[tilespmem:$0xD700] =	vst v63  }
0xb6: {  	_ =	swait.ge [sflag:s18], $0x2800  }
0xb7: {  	[sflag:s18] =	ssyncset.done $0x0  }
0xb8: {  	s26 =	simm.s32 $0x0;
	s28 =	simm.s32 $0x400;
	[sflag:s18] =	ssyncadd.s32 $0xFFFFD800  }
.LBB2_4:
0xb9: {  	p2 =	sne.s32 s28, $0x9C00;
	[tilespmem:s26+$0x87F0] =	vst v16  }
0xba: {  	[tilespmem:s26+$0x8700] =	vst v16  }
0xbb: {  	[tilespmem:s26+$0x8710] =	vst v16  }
0xbc: {  	[tilespmem:s26+$0x8720] =	vst v16  }
0xbd: {  	[tilespmem:s26+$0x8730] =	vst v16  }
0xbe: {  	[tilespmem:s26+$0x8740] =	vst v16  }
0xbf: {  	[tilespmem:s26+$0x8750] =	vst v16  }
0xc0: {  	[tilespmem:s26+$0x8760] =	vst v16  }
0xc1: {  	[tilespmem:s26+$0x8770] =	vst v16  }
0xc2: {  	[tilespmem:s26+$0x8780] =	vst v16  }
0xc3: {  	[tilespmem:s26+$0x8790] =	vst v16  }
.Ltmp1:
0xc4: {  	[tilespmem:s26+$0x87A0] =	vst v16;
	(pc) =	sbr.rel @p2 .LBB2_4-.Ltmp1, $4  }
0xc5: {  	[tilespmem:s26+$0x87B0] =	vst v16  }
0xc6: {  	[tilespmem:s26+$0x87C0] =	vst v16  }
0xc7: {  	[tilespmem:s26+$0x87D0] =	vst v16  }
0xc8: {  	[tilespmem:s26+$0x87E0] =	vst v16;
	s26 =	sshra.s32 s28, $0x2;
	s28 =	sadd.s32 $0x400, s28  }
0xc9: {  	[tilespmem:s26+$0x87F0] =	vst v16  }
0xca: {  	[tilespmem:s26+$0x8700] =	vst v16  }
0xcb: {  	[tilespmem:s26+$0x8710] =	vst v16  }
0xcc: {  	[tilespmem:s26+$0x8720] =	vst v16  }
0xcd: {  	[tilespmem:s26+$0x8730] =	vst v16  }
0xce: {  	[tilespmem:s26+$0x8740] =	vst v16  }
0xcf: {  	[tilespmem:s26+$0x8750] =	vst v16  }
0xd0: {  	[tilespmem:s26+$0x8760] =	vst v16  }
0xd1: {  	[tilespmem:s26+$0x8770] =	vst v16  }
0xd2: {  	[tilespmem:s26+$0x8780] =	vst v16  }
0xd3: {  	[tilespmem:s26+$0x8790] =	vst v16  }
0xd4: {  	[tilespmem:s26+$0x87A0] =	vst v16  }
0xd5: {  	[tilespmem:s26+$0x87B0] =	vst v16  }
0xd6: {  	[tilespmem:s26+$0x87C0] =	vst v16  }
0xd7: {  	[tilespmem:s26+$0x87D0] =	vst v16  }
0xd8: {  	[tilespmem:s26+$0x87E0] =	vst v16  }
0xd9: {  	[spmem:s8] =	stream.linear.scatter [tilespmem:s20], [sflag:$0x3], $0x2800, $0x38;
	[tilespmem:$0xD700] =	vst v63  }
0xda: {  	_ =	swait.ge [sflag:s18], $0x2800  }
0xdb: {  	[sflag:s18] =	ssyncset.done $0x0  }
0xdc: {  	[sflag:s18] =	ssyncadd.s32 $0xFFFFD800  }
0xdd: {  	[bflag:$0x0] =	sbarrier.arrive $0xFFFF  }
0xde: {  	s0 =	rddreg [dreg:$0x7]  }
0xdf: {  	[tilespmem:s5], [sflag:$0x3] =	stream.linear.gather [hbm4b:s0+s5], $0x2780, $0x38;
	[tilespmem:$0xD700] =	vst v63  }
0xe0: {  	_ =	swait.ge [sflag:s18], $0x2780  }
0xe1: {  	[sflag:s18] =	ssyncset.done $0x0  }
.Ltmp2:
0xe2: {  	s31 =	simm.s32 $0x2780;
	[sflag:s18] =	ssyncadd.s32 $0xFFFFD880;
	(pc) =	sbr.rel @p0 .LBB2_12-.Ltmp2, $4  }
0xe3: {  	[tilespmem:s31], [sflag:$0x3] =	stream.linear.gather [hbm4b:s10+s5], $0x2780, $0x38;
	[tilespmem:$0xD700] =	vst v63  }
0xe4: {  	_ =	swait.ge [sflag:s18], $0x2780  }
0xe5: {  	[sflag:s18] =	ssyncset.done $0x0  }
0xe6: {  	s28 =	simm.s32 $0x80;
	[sflag:s18] =	ssyncadd.s32 $0xFFFFD880  }
.Ltmp3:
0xe7: {  	(pc) =	sbr.rel @p1 .LBB2_18-.Ltmp3, $3  }
0xe8: {  	_ =	sdelay $0x1  }
0xe9: {  	s26 =	simm.s32 $0x0  }
0xea: {  	[tilespmem:s22], [sflag:$0x1] =	stream.indirect.gather [hbm4b:s1+s28], $0x10, s26, s28, $0xb8;
	[tilespmem:$0xD700] =	vst v63  }
0xeb: {  	p2 =	sgt.s32 s12, $0x1  }
.Ltmp4:
0xec: {  	_ = 	snop;
	(pc) =	sbr.rel @!p2 .LBB2_8-.Ltmp4, $3  }
0xed: {  	_ =	sdelay $0x1  }
0xee: {  	s26 =	simm.s32 $0x2780  }
0xef: {  	s29 =	simm.s32 $0x1;
	p5 =	sle.s32 s6, $0x1;
	p3 =	por $0x0, $0x0  }
0xf0: {  	s29 =	simm.s32 @!p5 $0x80;
	s2 =	simm.s32 @!p5 $0x5700;
	p2 =	por p5, p5  }
0xf1: {  	[tilespmem:s2], [sflag:$0x2] =	stream.indirect.gather @!p2 [hbm4b:s1+s29], $0x10, s28, s29, $0xb8;
	[tilespmem:$0xD700] =	vst v63  }
0xf2: {  	_ =	swait.ge [sflag:s11], $0x800  }
0xf3: {  	[sflag:s11] =	ssyncset.done $0x0  }
0xf4: {  	p3 =	sle.s32 s6, $0x2;
	[sflag:s11] =	ssyncadd.s32 $0xFFFFF800  }
0xf5: {  	[spmem:s4] =	stream.indirect.scatter.add.f32 [tilespmem:s22], [sflag:$0x4], $0x10, s26, s23, $0xb8;
	[tilespmem:$0xD700] =	vst v63  }
0xf6: {  	p4 =	sgt.s32 s12, $0x2;
	p5 =	sle.s32 s6, $0x3;
	_ =	swait.ge [sflag:s24], $0x800  }
0xf7: {  	s28 =	simm.s32 @!p2 $0x2;
	s30 =	simm.s32 @!p3 $0x80;
	[sflag:s24] =	ssyncset.done $0x0  }
0xf8: {  	s31 =	simm.s32 @!p3 $0x4F00;
	s26 =	simm.s32 @!p3 $0x100;
	[sflag:s24] =	ssyncadd.s32 $0xFFFFF800  }
0xf9: {  	[tilespmem:s31], [sflag:$0x1] =	stream.indirect.gather @!p3 [hbm4b:s1+s30], $0x10, s26, s30, $0xb8;
	[tilespmem:$0xD700] =	vst v63  }
.Ltmp5:
0xfa: {  	s30 =	simm.s32 $0x2;
	_ =	swait.ge @!p2 [sflag:s28], $0x800;
	(pc) =	sbr.rel @!p4 .LBB2_11-.Ltmp5, $4  }
0xfb: {  	s26 =	simm.s32 @!p2 $0x2800;
	s31 =	simm.s32 @!p2 $0x3;
	[sflag:s28] =	ssyncset.done @!p2 $0x0  }
0xfc: {  	p3 =	por $0x1, $0x1;
	[sflag:s28] =	ssyncadd.s32 @!p2 $0xFFFFF800;
	s28 =	simm.s32 $0x180  }
0xfd: {  	[spmem:s4] =	stream.indirect.scatter.add.f32 @!p2 [tilespmem:s2], [sflag:$0x3], $0x10, s26, s29, $0xb8;
	[tilespmem:$0xD700] =	vst v63  }
0xfe: {  	s29 =	simm.s32 $0x3;
	s26 =	simm.s32 $0x2880;
	_ =	swait.ge @!p2 [sflag:s31], $0x800  }
.LBB2_10:
0xff: {  	s2 =	simm.s32 @!p5 $0x80;
	s0 =	simm.s32 @!p5 $0x5700;
	[sflag:s31] =	ssyncset.done @!p2 $0x0  }
0x100: {  	s30 =	sadd.s32 $0x1, s30;
	[sflag:s31] =	ssyncadd.s32 @!p2 $0xFFFFF800;
	p2 =	por p5, p5  }
0x101: {  	[tilespmem:s0], [sflag:$0x2] =	stream.indirect.gather @!p2 [hbm4b:s1+s2], $0x10, s28, s2, $0xb8;
	[tilespmem:$0xD700] =	vst v63  }
0x102: {  	p4 =	slt.s32 s30, s12;
	_ =	swait.ge [sflag:s11], $0x800  }
0x103: {  	[sflag:s11] =	ssyncset.done $0x0  }
0x104: {  	s31 =	sadd.s32 $0x1, s29;
	[sflag:s11] =	ssyncadd.s32 $0xFFFFF800  }
0x105: {  	[spmem:s4] =	stream.indirect.scatter.add.f32 [tilespmem:s22], [sflag:$0x4], $0x10, s26, s23, $0xb8;
	[tilespmem:$0xD700] =	vst v63  }
0x106: {  	p5 =	sge.s32 s31, s6;
	_ =	swait.ge [sflag:s24], $0x800  }
0x107: {  	s21 =	simm.s32 @!p2 $0x2;
	s31 =	sadd.s32 @!p5 $0x80, s28;
	[sflag:s24] =	ssyncset.done $0x0  }
0x108: {  	s7 =	simm.s32 @!p5 $0x80;
	s9 =	simm.s32 @!p5 $0x4F00;
	[sflag:s24] =	ssyncadd.s32 $0xFFFFF800  }
0x109: {  	[tilespmem:s9], [sflag:$0x1] =	stream.indirect.gather @!p5 [hbm4b:s1+s7], $0x10, s31, s7, $0xb8;
	[tilespmem:$0xD700] =	vst v63  }
.Ltmp6:
0x10a: {  	_ =	swait.ge @!p2 [sflag:s21], $0x800;
	(pc) =	sbr.rel @p4 .LBB2_10-.Ltmp6, $4  }
0x10b: {  	s7 =	sadd.s32 @!p2 $0x80, s26;
	s31 =	simm.s32 @!p2 $0x3;
	[sflag:s21] =	ssyncset.done @!p2 $0x0  }
0x10c: {  	s29 =	sadd.s32 $0x2, s29;
	s28 =	sadd.s32 $0x100, s28;
	[sflag:s21] =	ssyncadd.s32 @!p2 $0xFFFFF800  }
0x10d: {  	[spmem:s4] =	stream.indirect.scatter.add.f32 @!p2 [tilespmem:s0], [sflag:$0x3], $0x10, s7, s2, $0xb8;
	[tilespmem:$0xD700] =	vst v63  }
0x10e: {  	p5 =	sge.s32 s29, s6;
	s26 =	sadd.s32 $0x100, s26;
	_ =	swait.ge @!p2 [sflag:s31], $0x800  }
.LBB2_11:
0x10f: {  	p2 =	por p2, !p3  }
0x110: {  	s0 =	simm.s32 @!p5 $0x80;
	[sflag:s31] =	ssyncset.done @!p2 $0x0  }
0x111: {  	s2 =	simm.s32 @!p5 $0x5700;
	[sflag:s31] =	ssyncadd.s32 @!p2 $0xFFFFF800;
	p2 =	por p5, p5  }
0x112: {  	[tilespmem:s2], [sflag:$0x2] =	stream.indirect.gather @!p2 [hbm4b:s1+s0], $0x10, s28, s0, $0xb8;
	[tilespmem:$0xD700] =	vst v63  }
0x113: {  	_ =	swait.ge [sflag:s11], $0x800  }
0x114: {  	[sflag:s11] =	ssyncset.done $0x0  }
0x115: {  	s7 =	sadd.s32 $0x1, s29;
	[sflag:s11] =	ssyncadd.s32 $0xFFFFF800  }
0x116: {  	[spmem:s4] =	stream.indirect.scatter.add.f32 [tilespmem:s22], [sflag:$0x4], $0x10, s26, s23, $0xb8;
	[tilespmem:$0xD700] =	vst v63  }
0x117: {  	p3 =	sge.s32 s7, s6;
	_ =	swait.ge [sflag:s24], $0x800  }
0x118: {  	s7 =	sadd.s32 @!p3 $0x80, s28;
	s21 =	simm.s32 @!p3 $0x80;
	[sflag:s24] =	ssyncset.done $0x0  }
0x119: {  	s9 =	simm.s32 @!p2 $0x2;
	s28 =	simm.s32 @!p3 $0x4F00;
	[sflag:s24] =	ssyncadd.s32 $0xFFFFF800  }
0x11a: {  	[tilespmem:s28], [sflag:$0x1] =	stream.indirect.gather @!p3 [hbm4b:s1+s21], $0x10, s7, s21, $0xb8;
	[tilespmem:$0xD700] =	vst v63  }
0x11b: {  	_ =	swait.ge @!p2 [sflag:s9], $0x800  }
0x11c: {  	s7 =	sadd.s32 @!p2 $0x80, s26;
	[sflag:s9] =	ssyncset.done @!p2 $0x0  }
.Ltmp7:
0x11d: {  	s21 =	simm.s32 @!p2 $0x3;
	[sflag:s9] =	ssyncadd.s32 @!p2 $0xFFFFF800;
	(pc) =	sbr.rel .LBB2_18-.Ltmp7, $4  }
0x11e: {  	[spmem:s4] =	stream.indirect.scatter.add.f32 @!p2 [tilespmem:s2], [sflag:$0x3], $0x10, s7, s0, $0xb8;
	[tilespmem:$0xD700] =	vst v63  }
0x11f: {  	_ =	swait.ge @!p2 [sflag:s21], $0x800  }
0x120: {  	[sflag:s21] =	ssyncset.done @!p2 $0x0  }
0x121: {  	[sflag:s21] =	ssyncadd.s32 @!p2 $0xFFFFF800  }
.LBB2_12:
.Ltmp8:
0x122: {  	(pc) =	sbr.rel @p1 .LBB2_18-.Ltmp8, $3  }
0x123: {  	_ =	sdelay $0x1  }
0x124: {  	s0 =	simm.s32 $0x0  }
0x125: {  	[tilespmem:s22], [sflag:$0x1] =	stream.indirect.gather [hbm4b:s3+s28], $0x10, s0, s28, $0xb8;
	[tilespmem:$0xD700] =	vst v63  }
0x126: {  	p2 =	sgt.s32 s12, $0x1  }
.Ltmp9:
0x127: {  	_ = 	snop;
	(pc) =	sbr.rel @!p2 .LBB2_14-.Ltmp9, $3  }
0x128: {  	_ =	sdelay $0x1  }
0x129: {  	s26 =	simm.s32 $0x2780  }
0x12a: {  	s29 =	simm.s32 $0x1;
	p5 =	sle.s32 s6, $0x1;
	p3 =	por $0x0, $0x0  }
0x12b: {  	s0 =	simm.s32 @!p5 $0x80;
	s2 =	simm.s32 @!p5 $0x5700;
	p2 =	por p5, p5  }
0x12c: {  	[tilespmem:s2], [sflag:$0x2] =	stream.indirect.gather @!p2 [hbm4b:s3+s0], $0x10, s28, s0, $0xb8;
	[tilespmem:$0xD700] =	vst v63  }
0x12d: {  	_ =	swait.ge [sflag:s11], $0x800  }
0x12e: {  	[sflag:s11] =	ssyncset.done $0x0  }
0x12f: {  	p3 =	sle.s32 s6, $0x2;
	[sflag:s11] =	ssyncadd.s32 $0xFFFFF800  }
0x130: {  	[spmem:s4] =	stream.indirect.scatter.add.f32 [tilespmem:s22], [sflag:$0x4], $0x10, s26, s23, $0xb8;
	[tilespmem:$0xD700] =	vst v63  }
0x131: {  	s30 =	simm.s32 $0x2;
	p4 =	sgt.s32 s12, $0x2;
	_ =	swait.ge [sflag:s24], $0x800  }
0x132: {  	s7 =	simm.s32 @!p3 $0x100;
	s9 =	simm.s32 @!p2 $0x2;
	[sflag:s24] =	ssyncset.done $0x0  }
0x133: {  	s21 =	simm.s32 @!p3 $0x80;
	s26 =	simm.s32 @!p3 $0x4F00;
	[sflag:s24] =	ssyncadd.s32 $0xFFFFF800  }
0x134: {  	[tilespmem:s26], [sflag:$0x1] =	stream.indirect.gather @!p3 [hbm4b:s3+s21], $0x10, s7, s21, $0xb8;
	[tilespmem:$0xD700] =	vst v63  }
.Ltmp10:
0x135: {  	s29 =	simm.s32 $0x3;
	_ =	swait.ge @!p2 [sflag:s9], $0x800;
	(pc) =	sbr.rel @!p4 .LBB2_17-.Ltmp10, $4  }
0x136: {  	p5 =	sle.s32 s6, $0x3;
	s31 =	simm.s32 @!p2 $0x3;
	[sflag:s9] =	ssyncset.done @!p2 $0x0  }
0x137: {  	s28 =	simm.s32 $0x180;
	s7 =	simm.s32 @!p2 $0x2800;
	[sflag:s9] =	ssyncadd.s32 @!p2 $0xFFFFF800  }
0x138: {  	[spmem:s4] =	stream.indirect.scatter.add.f32 @!p2 [tilespmem:s2], [sflag:$0x3], $0x10, s7, s0, $0xb8;
	[tilespmem:$0xD700] =	vst v63  }
0x139: {  	s26 =	simm.s32 $0x2880;
	p3 =	por $0x1, $0x1;
	_ =	swait.ge @!p2 [sflag:s31], $0x800  }
.LBB2_16:
0x13a: {  	s0 =	simm.s32 @!p5 $0x80;
	s2 =	simm.s32 @!p5 $0x5700;
	[sflag:s31] =	ssyncset.done @!p2 $0x0  }
0x13b: {  	s30 =	sadd.s32 $0x1, s30;
	[sflag:s31] =	ssyncadd.s32 @!p2 $0xFFFFF800;
	p2 =	por p5, p5  }
0x13c: {  	[tilespmem:s2], [sflag:$0x2] =	stream.indirect.gather @!p2 [hbm4b:s3+s0], $0x10, s28, s0, $0xb8;
	[tilespmem:$0xD700] =	vst v63  }
0x13d: {  	p4 =	slt.s32 s30, s12;
	_ =	swait.ge [sflag:s11], $0x800  }
0x13e: {  	[sflag:s11] =	ssyncset.done $0x0  }
0x13f: {  	s7 =	sadd.s32 $0x1, s29;
	[sflag:s11] =	ssyncadd.s32 $0xFFFFF800  }
0x140: {  	[spmem:s4] =	stream.indirect.scatter.add.f32 [tilespmem:s22], [sflag:$0x4], $0x10, s26, s23, $0xb8;
	[tilespmem:$0xD700] =	vst v63  }
0x141: {  	p5 =	sge.s32 s7, s6;
	_ =	swait.ge [sflag:s24], $0x800  }
0x142: {  	s7 =	sadd.s32 @!p5 $0x80, s28;
	s9 =	simm.s32 @!p2 $0x2;
	[sflag:s24] =	ssyncset.done $0x0  }
0x143: {  	s21 =	simm.s32 @!p5 $0x80;
	s31 =	simm.s32 @!p5 $0x4F00;
	[sflag:s24] =	ssyncadd.s32 $0xFFFFF800  }
0x144: {  	[tilespmem:s31], [sflag:$0x1] =	stream.indirect.gather @!p5 [hbm4b:s3+s21], $0x10, s7, s21, $0xb8;
	[tilespmem:$0xD700] =	vst v63  }
.Ltmp11:
0x145: {  	_ =	swait.ge @!p2 [sflag:s9], $0x800;
	(pc) =	sbr.rel @p4 .LBB2_16-.Ltmp11, $4  }
0x146: {  	s7 =	sadd.s32 @!p2 $0x80, s26;
	s31 =	simm.s32 @!p2 $0x3;
	[sflag:s9] =	ssyncset.done @!p2 $0x0  }
0x147: {  	s29 =	sadd.s32 $0x2, s29;
	s28 =	sadd.s32 $0x100, s28;
	[sflag:s9] =	ssyncadd.s32 @!p2 $0xFFFFF800  }
0x148: {  	[spmem:s4] =	stream.indirect.scatter.add.f32 @!p2 [tilespmem:s2], [sflag:$0x3], $0x10, s7, s0, $0xb8;
	[tilespmem:$0xD700] =	vst v63  }
0x149: {  	p5 =	sge.s32 s29, s6;
	s26 =	sadd.s32 $0x100, s26;
	_ =	swait.ge @!p2 [sflag:s31], $0x800  }
.LBB2_17:
0x14a: {  	p2 =	por p2, !p3  }
0x14b: {  	s0 =	simm.s32 @!p5 $0x80;
	[sflag:s31] =	ssyncset.done @!p2 $0x0  }
0x14c: {  	s2 =	simm.s32 @!p5 $0x5700;
	[sflag:s31] =	ssyncadd.s32 @!p2 $0xFFFFF800;
	p2 =	por p5, p5  }
0x14d: {  	[tilespmem:s2], [sflag:$0x2] =	stream.indirect.gather @!p2 [hbm4b:s3+s0], $0x10, s28, s0, $0xb8;
	[tilespmem:$0xD700] =	vst v63  }
0x14e: {  	_ =	swait.ge [sflag:s11], $0x800  }
0x14f: {  	[sflag:s11] =	ssyncset.done $0x0  }
0x150: {  	s7 =	sadd.s32 $0x1, s29;
	[sflag:s11] =	ssyncadd.s32 $0xFFFFF800  }
0x151: {  	[spmem:s4] =	stream.indirect.scatter.add.f32 [tilespmem:s22], [sflag:$0x4], $0x10, s26, s23, $0xb8;
	[tilespmem:$0xD700] =	vst v63  }
0x152: {  	p3 =	sge.s32 s7, s6;
	_ =	swait.ge [sflag:s24], $0x800  }
0x153: {  	s7 =	sadd.s32 @!p3 $0x80, s28;
	s21 =	simm.s32 @!p3 $0x80;
	[sflag:s24] =	ssyncset.done $0x0  }
0x154: {  	s9 =	simm.s32 @!p2 $0x2;
	s28 =	simm.s32 @!p3 $0x4F00;
	[sflag:s24] =	ssyncadd.s32 $0xFFFFF800  }
0x155: {  	[tilespmem:s28], [sflag:$0x1] =	stream.indirect.gather @!p3 [hbm4b:s3+s21], $0x10, s7, s21, $0xb8;
	[tilespmem:$0xD700] =	vst v63  }
0x156: {  	_ =	swait.ge @!p2 [sflag:s9], $0x800  }
0x157: {  	[sflag:s9] =	ssyncset.done @!p2 $0x0  }
0x158: {  	s7 =	sadd.s32 @!p2 $0x80, s26;
	s21 =	simm.s32 @!p2 $0x3;
	[sflag:s9] =	ssyncadd.s32 @!p2 $0xFFFFF800  }
0x159: {  	[spmem:s4] =	stream.indirect.scatter.add.f32 @!p2 [tilespmem:s2], [sflag:$0x3], $0x10, s7, s0, $0xb8;
	[tilespmem:$0xD700] =	vst v63  }
0x15a: {  	_ =	swait.ge @!p2 [sflag:s21], $0x800  }
0x15b: {  	[sflag:s21] =	ssyncset.done @!p2 $0x0  }
0x15c: {  	[sflag:s21] =	ssyncadd.s32 @!p2 $0xFFFFF800  }
.LBB2_18:
0x15d: {  	[bflag:$0x0] =	sbarrier.arrive $0xFFFF  }
0x15e: {  	[tilespmem:s20], [sflag:$0x3] =	stream.linear.gather [spmem:s8], $0x2800, $0x38;
	[tilespmem:$0xD700] =	vst v63  }
0x15f: {  	_ =	swait.ge [sflag:s18], $0x2800  }
0x160: {  	[sflag:s18] =	ssyncset.done $0x0  }
0x161: {  	s26 =	simm.s32 $0x0;
	s28 =	simm.s32 $0x8780;
	[sflag:s18] =	ssyncadd.s32 $0xFFFFD800  }
0x162: {  	s29 =	simm.s32 $0x10;
	v18 =	vadd.s32 s26, v0;
	v17 =	vld [tilespmem:s28+$0xFFFFFF80]  }
.LBB2_19:
0x163: {  	p2 =	sne.s32 s29, $0x270;
	_ =	sdelay $0x3  }
0x164: {  	[tilespmem:v18+s17+$0x0] =	vst.idx.msk $0xffff, v17  }
0x165: {  	v18 =	vadd.s32 s26, v1;
	v17 =	vld [tilespmem:s28+$0xFFFFFF90];
	_ =	sdelay $0x4  }
0x166: {  	[tilespmem:v18+s17+$0x0] =	vst.idx.msk $0xffff, v17  }
0x167: {  	v18 =	vadd.s32 s26, v2;
	v17 =	vld [tilespmem:s28+$0xFFFFFFA0];
	_ =	sdelay $0x4  }
0x168: {  	[tilespmem:v18+s17+$0x0] =	vst.idx.msk $0xffff, v17  }
0x169: {  	v18 =	vadd.s32 s26, v3;
	v17 =	vld [tilespmem:s28+$0xFFFFFFB0];
	_ =	sdelay $0x4  }
0x16a: {  	[tilespmem:v18+s17+$0x0] =	vst.idx.msk $0xffff, v17  }
0x16b: {  	v18 =	vadd.s32 s26, v4;
	v17 =	vld [tilespmem:s28+$0xFFFFFFC0];
	_ =	sdelay $0x4  }
0x16c: {  	[tilespmem:v18+s17+$0x0] =	vst.idx.msk $0xffff, v17  }
0x16d: {  	v18 =	vadd.s32 s26, v5;
	v17 =	vld [tilespmem:s28+$0xFFFFFFD0];
	_ =	sdelay $0x4  }
0x16e: {  	[tilespmem:v18+s17+$0x0] =	vst.idx.msk $0xffff, v17  }
0x16f: {  	v18 =	vadd.s32 s26, v6;
	v17 =	vld [tilespmem:s28+$0xFFFFFFE0];
	_ =	sdelay $0x4  }
0x170: {  	[tilespmem:v18+s17+$0x0] =	vst.idx.msk $0xffff, v17  }
0x171: {  	v18 =	vadd.s32 s26, v7;
	v17 =	vld [tilespmem:s28+$0xFFFFFFF0];
	_ =	sdelay $0x4  }
0x172: {  	[tilespmem:v18+s17+$0x0] =	vst.idx.msk $0xffff, v17  }
0x173: {  	v18 =	vadd.s32 s26, v8;
	v17 =	vld [tilespmem:s28+$0x0];
	_ =	sdelay $0x4  }
0x174: {  	[tilespmem:v18+s17+$0x0] =	vst.idx.msk $0xffff, v17  }
0x175: {  	v18 =	vadd.s32 s26, v9;
	v17 =	vld [tilespmem:s28+$0x10];
	_ =	sdelay $0x4  }
0x176: {  	[tilespmem:v18+s17+$0x0] =	vst.idx.msk $0xffff, v17  }
0x177: {  	v18 =	vadd.s32 s26, v10;
	v17 =	vld [tilespmem:s28+$0x20];
	_ =	sdelay $0x4  }
0x178: {  	[tilespmem:v18+s17+$0x0] =	vst.idx.msk $0xffff, v17  }
0x179: {  	v18 =	vadd.s32 s26, v11;
	v17 =	vld [tilespmem:s28+$0x30];
	_ =	sdelay $0x4  }
0x17a: {  	[tilespmem:v18+s17+$0x0] =	vst.idx.msk $0xffff, v17  }
0x17b: {  	v18 =	vadd.s32 s26, v12;
	v17 =	vld [tilespmem:s28+$0x40];
	_ =	sdelay $0x4  }
0x17c: {  	[tilespmem:v18+s17+$0x0] =	vst.idx.msk $0xffff, v17  }
0x17d: {  	v18 =	vadd.s32 s26, v13;
	v17 =	vld [tilespmem:s28+$0x50];
	_ =	sdelay $0x4  }
0x17e: {  	[tilespmem:v18+s17+$0x0] =	vst.idx.msk $0xffff, v17  }
0x17f: {  	v18 =	vadd.s32 s26, v14;
	v17 =	vld [tilespmem:s28+$0x60];
	_ =	sdelay $0x4  }
0x180: {  	[tilespmem:v18+s17+$0x0] =	vst.idx.msk $0xffff, v17  }
0x181: {  	v18 =	vadd.s32 s26, v15;
	s26 =	smov.u32 s29;
	v17 =	vld [tilespmem:s28+$0x70];
	_ =	sdelay $0x1  }
.Ltmp12:
0x182: {  	(pc) =	sbr.rel @p2 .LBB2_19-.Ltmp12, $3  }
0x183: {  	_ =	sdelay $0x1  }
0x184: {  	s28 =	sadd.s32 $0x100, s28;
	[tilespmem:v18+s17+$0x0] =	vst.idx.msk $0xffff, v17  }
0x185: {  	s29 =	sadd.s32 $0x10, s29;
	v18 =	vadd.s32 s26, v0;
	v17 =	vld [tilespmem:s28+$0xFFFFFF80]  }
0x186: {  	_ =	sdelay $0x3  }
0x187: {  	[tilespmem:v18+s17+$0x0] =	vst.idx.msk $0xffff, v17  }
0x188: {  	v18 =	vadd.s32 s26, v1;
	v17 =	vld [tilespmem:s28+$0xFFFFFF90];
	_ =	sdelay $0x4  }
0x189: {  	[tilespmem:v18+s17+$0x0] =	vst.idx.msk $0xffff, v17  }
0x18a: {  	v18 =	vadd.s32 s26, v2;
	v17 =	vld [tilespmem:s28+$0xFFFFFFA0];
	_ =	sdelay $0x4  }
0x18b: {  	[tilespmem:v18+s17+$0x0] =	vst.idx.msk $0xffff, v17  }
0x18c: {  	v18 =	vadd.s32 s26, v3;
	v17 =	vld [tilespmem:s28+$0xFFFFFFB0];
	_ =	sdelay $0x4  }
0x18d: {  	[tilespmem:v18+s17+$0x0] =	vst.idx.msk $0xffff, v17  }
0x18e: {  	v18 =	vadd.s32 s26, v4;
	v17 =	vld [tilespmem:s28+$0xFFFFFFC0];
	_ =	sdelay $0x4  }
0x18f: {  	[tilespmem:v18+s17+$0x0] =	vst.idx.msk $0xffff, v17  }
0x190: {  	v18 =	vadd.s32 s26, v5;
	v17 =	vld [tilespmem:s28+$0xFFFFFFD0];
	_ =	sdelay $0x4  }
0x191: {  	[tilespmem:v18+s17+$0x0] =	vst.idx.msk $0xffff, v17  }
0x192: {  	v18 =	vadd.s32 s26, v6;
	v17 =	vld [tilespmem:s28+$0xFFFFFFE0];
	_ =	sdelay $0x4  }
0x193: {  	[tilespmem:v18+s17+$0x0] =	vst.idx.msk $0xffff, v17  }
0x194: {  	v18 =	vadd.s32 s26, v7;
	v17 =	vld [tilespmem:s28+$0xFFFFFFF0];
	_ =	sdelay $0x4  }
0x195: {  	[tilespmem:v18+s17+$0x0] =	vst.idx.msk $0xffff, v17  }
0x196: {  	v18 =	vadd.s32 s26, v8;
	v17 =	vld [tilespmem:s28+$0x0];
	_ =	sdelay $0x4  }
0x197: {  	[tilespmem:v18+s17+$0x0] =	vst.idx.msk $0xffff, v17  }
0x198: {  	v18 =	vadd.s32 s26, v9;
	v17 =	vld [tilespmem:s28+$0x10];
	_ =	sdelay $0x4  }
0x199: {  	[tilespmem:v18+s17+$0x0] =	vst.idx.msk $0xffff, v17  }
0x19a: {  	v18 =	vadd.s32 s26, v10;
	v17 =	vld [tilespmem:s28+$0x20];
	_ =	sdelay $0x4  }
0x19b: {  	[tilespmem:v18+s17+$0x0] =	vst.idx.msk $0xffff, v17  }
0x19c: {  	v18 =	vadd.s32 s26, v11;
	v17 =	vld [tilespmem:s28+$0x30];
	_ =	sdelay $0x4  }
0x19d: {  	[tilespmem:v18+s17+$0x0] =	vst.idx.msk $0xffff, v17  }
0x19e: {  	v18 =	vadd.s32 s26, v12;
	v17 =	vld [tilespmem:s28+$0x40];
	_ =	sdelay $0x4  }
0x19f: {  	[tilespmem:v18+s17+$0x0] =	vst.idx.msk $0xffff, v17  }
0x1a0: {  	v18 =	vadd.s32 s26, v13;
	v17 =	vld [tilespmem:s28+$0x50];
	_ =	sdelay $0x4  }
0x1a1: {  	[tilespmem:v18+s17+$0x0] =	vst.idx.msk $0xffff, v17  }
0x1a2: {  	v18 =	vadd.s32 s26, v14;
	v17 =	vld [tilespmem:s28+$0x60];
	_ =	sdelay $0x4  }
0x1a3: {  	[tilespmem:v18+s17+$0x0] =	vst.idx.msk $0xffff, v17  }
0x1a4: {  	v18 =	vadd.s32 s26, v15;
	v17 =	vld [tilespmem:s28+$0x70];
	_ =	sdelay $0x3  }
0x1a5: {  	s25 =	sadd.s32 $0x1, s25  }
0x1a6: {  	p2 =	sne.s32 s25, s14;
	[tilespmem:v18+s17+$0x0] =	vst.idx.msk $0xffff, v17  }
0x1a7: {  	[hbm4b:s13+s15] =	stream.strided.scatter [tilespmem:s17], [sflag:$0x3], $0x2800, s16, s15, $0x38;
	[tilespmem:$0xD700] =	vst v63  }
.Ltmp13:
0x1a8: {  	_ = 	snop;
	(pc) =	sbr.rel @p2 .LBB2_1-.Ltmp13, $4  }
.Ltmp14:
0x1a9: {  	_ = 	snop;
	(pc) =	sbr.rel @!p2 .LBB2_21-.Ltmp14, $4  }
0x1aa: {  	_ =	swait.ge [sflag:s18], $0x2800  }
0x1ab: {  	[sflag:s18] =	ssyncset.done $0x0  }
0x1ac: {  	[sflag:s18] =	ssyncadd.s32 $0xFFFFD800  }
0x1ad: {  	_ = 	snop  }
.LBB2_8:
.Ltmp15:
0x1ae: {  	(pc) =	sbr.rel .LBB2_11-.Ltmp15, $2  }
0x1af: {  	_ =	sdelay $0x2  }
0x1b0: {  	_ = 	snop  }
.LBB2_14:
.Ltmp16:
0x1b1: {  	(pc) =	sbr.rel .LBB2_17-.Ltmp16, $2  }
0x1b2: {  	_ =	sdelay $0x2  }
0x1b3: {  	_ = 	snop  }
.LBB2_21:
0x1b4: {  	_ =	sfence.sel $0x180000  }
0x1b5: {  	[bflag:$0x0] =	sbarrier.arrive $0xFFFF  }
0x1b6: {  	_ =	strace $0x9000004A  }
0x1b7: {  	s0 =	stileid.u32;
	[bflag:$0x2] =	sbarrier.arrive $0xFFFF  }
0x1b8: {  	p0 =	sne.s32 s0, $0x0;
	s0 =	rddreg [dreg:$0x5]  }
0x1b9: {  	s0 =	sadd.s32 @!p0 $0x100000, s0  }
0x1ba: {  	[sflag:s0] =	ssyncadd.tile.s32 @!p0 $0x1;
	_ =	shalt  }
.Lfunc_end2:
_tile_overlayer_lowered:
.L_overlay_start_2:
0x1bb: {  	(tag) =	ssettag $0x2  }
0x1bc: {  	s0 =	rddreg [dreg:$0x0];
	s2 =	stileid.u32  }
0x1bd: {  	s1 =	rddreg [dreg:$0x1];
	p0 =	sne.s32 s2, $0x0  }
0x1be: {  	s3 =	rddreg [dreg:$0x2];
	[bflag:$0x3] =	sbarrier.arrive $0xFFFF;
	s2 =	simm.s32 @!p0 $0x1C03  }
0x1bf: {  	[timem:s3], [sflag:s2] =	dma.local @!p0 [hbm:s0], s1  }
0x1c0: {  	s0 =	simm.s32 @!p0 $0x3  }
0x1c1: {  	_ =	swait.ge @!p0 [sflag:s0], s1  }
0x1c2: {  	s1 =	ssub.s32 @!p0 $0x0, s1;
	[sflag:s0] =	ssyncset.done @!p0 $0x0  }
0x1c3: {  	[sflag:s0] =	ssyncadd.s32 @!p0 s1  }
0x1c4: {  	[bflag:$0x3] =	sbarrier.arrive $0xFFFF  }
0x1c5: {  	_ =	shalt  }

// kernel: kernel.14.cloned.1.call-start
scs
__scs_entry_jumppad:
0x0: {  	(pc) =	sbr.rel $0x88, $3  }
0x1: {  	(tag) =	ssettag $0x0;
	lr =	simm.s32 $0x1  }
0x2: {  	[smem:$0x3F9B] =	sst lr;
	_ =	strace $0xD0000000  }
0x3: {  	_ = 	snop  }
0x4: {  	_ = 	snop  }
0x5: {  	_ = 	snop  }
0x6: {  	_ = 	snop  }
0x7: {  	_ = 	snop  }
__scs_overlays_trampoline_lowered:
0x8: {  	[smem:$0x3FAA] =	sst s0  }
0x9: {  	[smem:$0x3FAB] =	sst s1  }
0xa: {  	[smem:$0x3FAC] =	sst s2  }
0xb: {  	[smem:$0x3FAD] =	sst s3  }
0xc: {  	[smem:$0x3FAE] =	sst s4  }
0xd: {  	[smem:$0x3FAF] =	sst s5  }
0xe: {  	[smem:$0x3FB0] =	sst s6  }
0xf: {  	[smem:$0x3FB1] =	sst s7  }
0x10: {  	[smem:$0x3FB2] =	sst s8  }
0x11: {  	[smem:$0x3FB3] =	sst s9;
	s0 =	simm.s32 @!p0 $0x0  }
0x12: {  	s1 =	sld [smem:$0x3F99];
	s0 =	simm.s32 @p0 $0x1  }
0x13: {  	[smem:$0x3FB4] =	sst s0;
	s0 =	simm.s32 @!p1 $0x0  }
0x14: {  	s2 =	sld [smem:$0x3F98];
	s0 =	simm.s32 @p1 $0x1  }
0x15: {  	[smem:$0x3FB5] =	sst s0;
	s0 =	simm.s32 @!p2 $0x0  }
0x16: {  	s3 =	sld [smem:$0x3FDB];
	s0 =	simm.s32 @p2 $0x1  }
0x17: {  	s4 =	simm.s32 $0x1BF5;
	[smem:$0x3FB7] =	sst s0  }
0x18: {  	s0 =	sld [smem:$0x3F9A];
	_ =	swait.ge [sflag:s4], $0x0  }
0x19: {  	s7 =	sld [smem:$0x3F9B]  }
0x1a: {  	s8 =	sadd.s32 $0xFFFFE003, lr  }
0x1b: {  	s9 =	sadd.s32 $0xFFFFFEF7, lr;
	s5 =	simm.s32 $0xFFFFFFFF;
	p2 =	slt.u32 s8, $0xFFFFF086  }
0x1c: {  	p1 =	slt.u32 s9, $0xF7A;
	s5 =	simm.s32 @!p2 $0x0  }
0x1d: {  	s5 =	simm.s32 @p1 $0x1;
	p0 =	seq.s32 s7, s2  }
0x1e: {  	s7 =	smul.u32 @!p0 $0xF7A, s2;
	p2 =	seq.s32 @!p0 s5, $0x0  }
0x1f: {  	s9 =	smul.u32 $0xF7A, s1;
	s8 =	simm.s32 @!p0 $0x1BF5;
	p2 =	por !p2, p0  }
0x20: {  	[sflag:s8] =	ssyncset.s32 @!p0 $0xFFFFF086;
	s6 =	sadd.s32 @!p0 s3, s7;
	s7 =	simm.s32 @!p0 $0x108  }
0x21: {  	s3 =	sadd.s32 s3, s9;
	s6 =	sadd.s32 @!p0 $0x88, s6;
	s7 =	simm.s32 @p2 $0x1082  }
0x22: {  	[simem:s7], [sflag:s8] =	dma.local @!p0 [hbm:s6], $0xF7A  }
0x23: {  	s9 =	sor.u32 $0xD0000000, s2;
	s6 =	simm.s32 $0x108;
	_ =	swait.ge @!p0 [sflag:s8], $0x0  }
0x24: {  	s3 =	sadd.s32 $0x88, s3;
	s6 =	simm.s32 @!p1 $0x1082;
	[sflag:s4] =	ssyncset.s32 $0xFFFFF086  }
0x25: {  	[simem:s6], [sflag:s4] =	dma.local [hbm:s3], $0xF7A  }
0x26: {  	[smem:$0x3F9B] =	sst s1;
	(tag) =	ssettag s2;
	_ =	strace s9  }
0x27: {  	s1 =	sld [smem:$0x3FAB]  }
0x28: {  	s2 =	sld [smem:$0x3FAC]  }
0x29: {  	s4 =	sld [smem:$0x3FAE]  }
0x2a: {  	p0 =	seq.s32 s5, $0x0;
	s5 =	sld [smem:$0x3FAF]  }
0x2b: {  	s6 =	sld [smem:$0x3FB0]  }
0x2c: {  	s7 =	sld [smem:$0x3FB1]  }
0x2d: {  	s3 =	simm.s32 $0x108;
	s8 =	sld [smem:$0x3FB2]  }
0x2e: {  	s3 =	simm.s32 @!p0 $0x1082;
	s9 =	sld [smem:$0x3FB3]  }
0x2f: {  	lr =	sadd.s32 s0, s3;
	s0 =	sld [smem:$0x3FAA]  }
0x30: {  	s3 =	sld [smem:$0x3FAD]  }
0x31: {  	[smem:$0x3FB6] =	sst s10  }
0x32: {  	s10 =	sld [smem:$0x3FB4];
	_ =	sdelay $0x3  }
0x33: {  	p0 =	seq.s32 s10, $0x1;
	s10 =	sld [smem:$0x3FB6];
	_ =	sdelay $0x3  }
0x34: {  	[smem:$0x3FB6] =	sst s10  }
0x35: {  	s10 =	sld [smem:$0x3FB5];
	_ =	sdelay $0x3  }
0x36: {  	p1 =	seq.s32 s10, $0x1;
	s10 =	sld [smem:$0x3FB6];
	_ =	sdelay $0x3  }
0x37: {  	[smem:$0x3FB6] =	sst s10  }
0x38: {  	s10 =	sld [smem:$0x3FB7]  }
0x39: {  	_ = 	snop;
	(pc) =	sbr.ind lr, $3  }
0x3a: {  	_ = 	snop  }
0x3b: {  	_ = 	snop  }
0x3c: {  	p2 =	seq.s32 s10, $0x1;
	s10 =	sld [smem:$0x3FB6]  }
0x3d: {  	_ =	shalt  }
0x3e: {  	_ =	shalt  }
0x3f: {  	_ =	shalt  }
0x40: {  	_ =	shalt  }
0x41: {  	_ =	shalt  }
0x42: {  	_ =	shalt  }
0x43: {  	_ =	shalt  }
0x44: {  	_ =	shalt  }
0x45: {  	_ =	shalt  }
0x46: {  	_ =	shalt  }
0x47: {  	_ =	shalt  }
0x48: {  	_ =	shalt  }
0x49: {  	_ =	shalt  }
0x4a: {  	_ =	shalt  }
0x4b: {  	_ =	shalt  }
0x4c: {  	_ =	shalt  }
0x4d: {  	_ =	shalt  }
0x4e: {  	_ =	shalt  }
0x4f: {  	_ =	shalt  }
0x50: {  	_ =	shalt  }
0x51: {  	_ =	shalt  }
0x52: {  	_ =	shalt  }
0x53: {  	_ =	shalt  }
0x54: {  	_ =	shalt  }
0x55: {  	_ =	shalt  }
0x56: {  	_ =	shalt  }
0x57: {  	_ =	shalt  }
0x58: {  	_ =	shalt  }
0x59: {  	_ =	shalt  }
0x5a: {  	_ =	shalt  }
0x5b: {  	_ =	shalt  }
0x5c: {  	_ =	shalt  }
0x5d: {  	_ =	shalt  }
0x5e: {  	_ =	shalt  }
0x5f: {  	_ =	shalt  }
0x60: {  	_ =	shalt  }
0x61: {  	_ =	shalt  }
0x62: {  	_ =	shalt  }
0x63: {  	_ =	shalt  }
0x64: {  	_ =	shalt  }
0x65: {  	_ =	shalt  }
0x66: {  	_ =	shalt  }
0x67: {  	_ =	shalt  }
0x68: {  	_ =	shalt  }
0x69: {  	_ =	shalt  }
0x6a: {  	_ =	shalt  }
0x6b: {  	_ =	shalt  }
0x6c: {  	_ =	shalt  }
0x6d: {  	_ =	shalt  }
0x6e: {  	_ =	shalt  }
0x6f: {  	_ =	shalt  }
0x70: {  	_ =	shalt  }
0x71: {  	_ =	shalt  }
0x72: {  	_ =	shalt  }
0x73: {  	_ =	shalt  }
0x74: {  	_ =	shalt  }
0x75: {  	_ =	shalt  }
0x76: {  	_ =	shalt  }
0x77: {  	_ =	shalt  }
0x78: {  	_ =	shalt  }
0x79: {  	_ =	shalt  }
0x7a: {  	_ =	shalt  }
0x7b: {  	_ =	shalt  }
0x7c: {  	_ =	shalt  }
0x7d: {  	_ =	shalt  }
0x7e: {  	_ =	shalt  }
0x7f: {  	_ =	shalt  }
0x80: {  	_ =	shalt  }
0x81: {  	_ =	shalt  }
0x82: {  	_ =	shalt  }
0x83: {  	_ =	shalt  }
0x84: {  	_ =	shalt  }
0x85: {  	_ =	shalt  }
0x86: {  	_ =	shalt  }
0x87: {  	_ =	shalt  }
.Lfunc_end0:
.L_simem_size_0:
called_computation.2_lowered:
.L_overlay_start_0:
0x88: {  	s2 =	sld [smem:$0x3FD9]  }
0x89: {  	s3 =	sld [smem:$0x3FFE];
	_ =	sdelay $0x1  }
0x8a: {  	s1 =	srdreg.scid  }
0x8b: {  	s0 =	sand.u32 $0x1, s1  }
0x8c: {  	s16 =	sshll.u32 s0, $0xA;
	s2 =	sadd.s32 s3, s2  }
0x8d: {  	s3 =	sadd.s32 s2, s16  }
0x8e: {  	[smem:$0x3FC2] =	sst s3  }
0x8f: {  	_ = 	snop  }
0x90: {  	(tm) =	ssettm $0x1  }
0x91: {  	s17 =	sld [smem:$0x3FFB];
	_ =	sdelay $0x3  }
0x92: {  	_ =	strace s17  }
0x93: {  	s3 =	sld [smem:$0x3FFC];
	_ =	sdelay $0x3  }
0x94: {  	_ =	strace s3  }
0x95: {  	s3 =	sld [smem:$0x3FFD];
	_ =	sdelay $0x3  }
0x96: {  	_ =	strace s3  }
0x97: {  	_ =	strace $0x8FFFFFFF  }
0x98: {  	s18 =	sld [smem:$0x3FDB];
	_ =	sdelay $0x1  }
0x99: {  	s4 =	simm.s32 $_scs_section_size  }
0x9a: {  	s5 =	simm.s32 $_size__tile_overlayer_lowered;
	s6 =	simm.s32 $_tile_overlayer_lowered  }
0x9b: {  	s21 =	simm.s32 $0x1BFF;
	s20 =	sshll.u32 s6, $0x1;
	s3 =	sadd.s32 s4, s18  }
0x9c: {  	s7 =	simm.s32 $0x0;
	s19 =	sshll.u32 s5, $0x1;
	s5 =	sadd.s32 s20, s3  }
0x9d: {  	[timem:s7], [sflag:s21] =	dma.local [hbm:s5], s19  }
0x9e: {  	_ =	swait.ge [sflag:s21], s19  }
0x9f: {  	s4 =	ssub.s32 $0x0, s19;
	[sflag:s21] =	ssyncset.done $0x0  }
0xa0: {  	[sflag:s21] =	ssyncadd.s32 s4;
	_ =	sdelay $0x1  }
0xa1: {  	s22 =	simm.s32 $0x1B8B  }
0xa2: {  	_ =	swait.ge [sflag:s22], $0x1  }
0xa3: {  	[sflag:s22] =	ssyncset.done $0x0  }
0xa4: {  	s24 =	simm.s32 $0x1B8E;
	s23 =	sld [smem:$0x3FFE];
	[sflag:s22] =	ssyncadd.s32 $0xFFFFFFFF  }
0xa5: {  	s25 =	simm.s32 $execute0_lowered;
	[smem:$0x3FD2] =	sst s24  }
0xa6: {  	s5 =	sshll.u32 s25, $0x1;
	_ =	strace $0x8000004C;
	[dreg:$0x1] =	wrdreg $0xFFFFFFFF  }
0xa7: {  	s26 =	simm.s32 $_size_execute0_lowered;
	s3 =	sadd.s32 s3, s5;
	[dreg:$0x0] =	wrdreg $0x0  }
0xa8: {  	s5 =	sshll.u32 s26, $0x1;
	[dreg:$0x2] =	wrdreg s3  }
0xa9: {  	[dreg:$0x3] =	wrdreg s5  }
0xaa: {  	[dreg:$0x4] =	wrdreg $0xC0  }
0xab: {  	_ =	task [dreg:s7], $0x5FFFF  }
0xac: {  	[dreg:$0x1] =	wrdreg $0xFFFFFFFF  }
0xad: {  	[dreg:$0x0] =	wrdreg $0x60  }
0xae: {  	s28 =	sadd.s32 $0x800, s2;
	[dreg:$0x2] =	wrdreg s23  }
0xaf: {  	s2 =	sadd.s32 $0xF800, s2;
	[dreg:$0x3] =	wrdreg s28  }
0xb0: {  	[dreg:$0x4] =	wrdreg s2  }
0xb1: {  	[dreg:$0x5] =	wrdreg $0x16F000  }
0xb2: {  	[dreg:$0x6] =	wrdreg $0x9  }
0xb3: {  	_ =	task.clear_ibuf [dreg:s7], $0x7FFFF;
	_ =	strace $0x9000004C  }
0xb4: {  	s29 =	simm.s32 $0x9;
	_ =	strace $0x8000004E  }
0xb5: {  	_ =	swait.ge [sflag:s29], $0x1  }
0xb6: {  	[sflag:s29] =	ssyncadd.s32 $0xFFFFFFFF  }
0xb7: {  	_ =	strace $0x9000004E  }
0xb8: {  	_ =	sfence  }
0xb9: {  	s30 =	sld [smem:$0x0];
	_ =	sdelay $0x2  }
0xba: {  	s31 =	sshll.u32 s1, $0xD;
	s1 =	sshrl.u32 s1, $0x2  }
0xbb: {  	s3 =	sand.u32 $0x4000, s31;
	s1 =	sadd.s32 s1, s30  }
0xbc: {  	s0 =	sor.u32 s3, s0;
	s1 =	sshll.u32 s1, $0x11  }
0xbd: {  	s0 =	sor.u32 s1, s0  }
0xbe: {  	s0 =	sadd.s32 $0x8F2B, s0  }
0xbf: {  	[sflag:s0] =	ssyncadd.remote.s32 $0x1  }
0xc0: {  	_ =	sfence.sel $0xFFFF  }
0xc1: {  	[dreg:$0x0] =	wrdreg $0xFFFFFFFF;
	(pc) =	sbr.abs _section_cstart, $3  }
0xc2: {  	[dreg:$0x1] =	wrdreg $0xFFFFFFFF  }
0xc3: {  	_ =	task.clear_ibuf [dreg:s7], $0x2FFFF;
	_ =	strace $0x9FFFFFFF  }
0xc4: {  	(tm) =	ssettm $0x7FFFFFFF  }
0xc5: {  	_ =	shalt  }
tec
execute0_lowered:
.L_overlay_start_1:
0x0: {  	(tag) =	ssettag $0x1  }
0x1: {  	s6 =	rddreg [dreg:$0x0]  }
0x2: {  	s1 =	rddreg [dreg:$0x1]  }
0x3: {  	s0 =	srdreg.scid;
	s3 =	rddreg [dreg:$0x2]  }
0x4: {  	s18 =	stileid.u32;
	s4 =	rddreg [dreg:$0x3]  }
0x5: {  	s5 =	simm.s32 $0x0;
	s30 =	simm.s32 $0x280;
	s16 =	simm.s32 $0x2800  }
0x6: {  	s17 =	simm.s32 $0x7F00;
	s21 =	sand.u32 $0x1, s0;
	s8 =	smul.u32 $0x280, s18  }
0x7: {  	v0 =	vlaneseq.u32;
	[smem:$0x7FF] =	sst s5;
	s24 =	smul.u32 $0x1E000, s18;
	s2 =	sshll.u32 s21, $0x4  }
0x8: {  	v0 =	vmul.u32 $0x280, v0;
	s10 =	smul.u32 $0x78000, s21;
	_ =	strace $0x8000004D;
	s20 =	ssub.s32 $0x2, s21  }
0x9: {  	p0 =	seq.s32 s21, $0x0;
	s2 =	sor.u32 s18, s2;
	s12 =	sshrl.u32 s8, $0x3  }
0xa: {  	v48 =	vimm.f32 $0.0e+00;
	v1 =	vadd.s32 $0x2800, v0;
	v2 =	vadd.s32 $0x5000, v0;
	s22 =	sshrl.u32 s20, $0x1;
	s7 =	smul.u32 $0x9C4, s2;
	s8 =	sor.u32 s8, s10  }
0xb: {  	v3 =	vor.u32 $0x1, v0;
	v4 =	vadd.s32 $0x2801, v0;
	v5 =	vadd.s32 $0x5001, v0;
	s19 =	sadd.s32 s12, s6;
	s14 =	ssub.s32 s20, s22;
	s20 =	smov.u32 s3  }
0xc: {  	v6 =	vor.u32 $0x2, v0;
	v7 =	vadd.s32 $0x2802, v0;
	v8 =	vadd.s32 $0x5002, v0;
	s22 =	simm.s32 $0x4F00;
	s8 =	sshrl.u32 s8, $0x3;
	s25 =	sadd.s32 $0x15200, s19  }
0xd: {  	v9 =	vor.u32 $0x3, v0;
	v10 =	vadd.s32 $0x2803, v0;
	v11 =	vadd.s32 $0x5003, v0;
	s19 =	smul.u32 $0xF00, s18;
	s14 =	smax.u32 s14, $0x1;
	s20 =	smov.u32 @p0 s1  }
0xe: {  	v12 =	vor.u32 $0x4, v0;
	v13 =	vadd.s32 $0x2804, v0;
	v14 =	vadd.s32 $0x5004, v0;
	s18 =	simm.s32 $0x3;
	p0 =	sne.s32 s21, $0x0;
	s9 =	sshrl.u32 s7, $0x5  }
0xf: {  	v15 =	vor.u32 $0x5, v0;
	v16 =	vadd.s32 $0x2805, v0;
	v17 =	vadd.s32 $0x5005, v0;
	s13 =	sadd.s32 s8, s6;
	s7 =	sadd.s32 $0x9C4, s7;
	[dreg:$0x5] =	wrdreg s25  }
0x10: {  	v18 =	vor.u32 $0x6, v0;
	v19 =	vadd.s32 $0x2806, v0;
	v20 =	vadd.s32 $0x5006, v0;
	s8 =	sshrl.u32 s24, $0x2;
	s11 =	sshll.u32 s9, $0x4;
	s23 =	sshrl.u32 s7, $0x5  }
0x11: {  	v21 =	vor.u32 $0x7, v0;
	v22 =	vadd.s32 $0x2807, v0;
	v23 =	vadd.s32 $0x5007, v0;
	s24 =	simm.s32 $0x4;
	s11 =	sadd.s32 s11, s6;
	s6 =	ssub.s32 s23, s9  }
0x12: {  	v24 =	vor.u32 $0x8, v0;
	v25 =	vadd.s32 $0x2808, v0;
	v26 =	vadd.s32 $0x5008, v0;
	s25 =	simm.s32 $0x0;
	s8 =	sadd.s32 s8, s4;
	s26 =	sadd.s32 $0x1, s6  }
0x13: {  	v27 =	vor.u32 $0x9, v0;
	v28 =	vadd.s32 $0x2809, v0;
	v29 =	vadd.s32 $0x5009, v0;
	s13 =	sadd.s32 $0x24200, s13;
	s28 =	sand.u32 $0x8000, s26;
	s29 =	sand.u32 $0x1, s26  }
0x14: {  	v30 =	vor.u32 $0xA, v0;
	v31 =	vadd.s32 $0x280A, v0;
	v32 =	vadd.s32 $0x500A, v0;
	p1 =	slt.s32 s6, $0x0;
	s15 =	sshrl.u32 s28, $0xF;
	p2 =	seq.s32 s29, $0x1  }
0x15: {  	v33 =	vor.u32 $0xB, v0;
	v34 =	vadd.s32 $0x280B, v0;
	v35 =	vadd.s32 $0x500B, v0;
	s19 =	sadd.s32 s19, s20;
	s10 =	sadd.s32 s15, s26;
	p1 =	por !p1, !p2  }
0x16: {  	v36 =	vor.u32 $0xC, v0;
	v37 =	vadd.s32 $0x280C, v0;
	v38 =	vadd.s32 $0x500C, v0;
	s15 =	simm.s32 $0x1;
	s31 =	sshll.u32 s10, $0x10;
	p1 =	por !p1, !p1  }
0x17: {  	v39 =	vor.u32 $0xD, v0;
	v40 =	vadd.s32 $0x280D, v0;
	v41 =	vadd.s32 $0x500D, v0;
	s20 =	simm.s32 $0xF700;
	s12 =	sshra.s32 s31, $0x11;
	s15 =	simm.s32 @!p1 $0x0  }
0x18: {  	v42 =	vor.u32 $0xE, v0;
	v43 =	vadd.s32 $0x280E, v0;
	v44 =	vadd.s32 $0x500E, v0;
	s23 =	simm.s32 $0x80;
	s9 =	sadd.s32 $0x1800, s11;
	s12 =	ssub.s32 s12, s15  }
0x19: {  	v45 =	vor.u32 $0xF, v0;
	v46 =	vadd.s32 $0x280F, v0;
	v47 =	vadd.s32 $0x500F, v0;
	s10 =	sadd.s32 $0xB440, s11;
	s11 =	simm.s32 $0x1;
	p1 =	slt.s32 s12, $0x1  }
.LBB2_1:
0x1a: {  	v49 =	vadd.s32 s5, v0;
	s0 =	rddreg [dreg:$0x5]  }
0x1b: {  	[tilespmem:s17], [sflag:$0x3] =	stream.strided.gather [hbm4b:s0+s30], $0x7800, s16, s30, $0x38;
	[tilespmem:$0x1E700] =	vst v63  }
0x1c: {  	_ =	swait.ge [sflag:s18], $0x7800  }
0x1d: {  	[sflag:s18] =	ssyncset.done $0x0  }
0x1e: {  	[sflag:s18] =	ssyncadd.s32 $0xFFFF8800  }
0x1f: {  	v49 =	vld.idx.msk [tilespmem:v49+s17+$0x0], $0xffff  }
0x20: {  	v50 =	vadd.s32 s5, v1;
	_ =	sdelay $0x2  }
0x21: {  	s26 =	simm.s32 $0xF880  }
0x22: {  	[tilespmem:s26+$0xFFFFFE80] =	vst v49  }
0x23: {  	v49 =	vld.idx.msk [tilespmem:v50+s17+$0x0], $0xffff  }
0x24: {  	v54 =	vadd.s32 s5, v2;
	_ =	sdelay $0x3  }
0x25: {  	[tilespmem:s26+$0xFFFFFE90] =	vst v49  }
0x26: {  	v49 =	vld.idx.msk [tilespmem:v54+s17+$0x0], $0xffff  }
0x27: {  	v55 =	vadd.s32 s5, v3;
	_ =	sdelay $0x3  }
0x28: {  	[tilespmem:s26+$0xFFFFFEA0] =	vst v49  }
0x29: {  	v49 =	vld.idx.msk [tilespmem:v55+s17+$0x0], $0xffff  }
0x2a: {  	v56 =	vadd.s32 s5, v4;
	_ =	sdelay $0x3  }
0x2b: {  	[tilespmem:s26+$0xFFFFFEB0] =	vst v49  }
0x2c: {  	v49 =	vld.idx.msk [tilespmem:v56+s17+$0x0], $0xffff  }
0x2d: {  	v57 =	vadd.s32 s5, v5;
	_ =	sdelay $0x3  }
0x2e: {  	[tilespmem:s26+$0xFFFFFEC0] =	vst v49  }
0x2f: {  	v49 =	vld.idx.msk [tilespmem:v57+s17+$0x0], $0xffff  }
0x30: {  	v58 =	vadd.s32 s5, v6;
	_ =	sdelay $0x3  }
0x31: {  	[tilespmem:s26+$0xFFFFFED0] =	vst v49  }
0x32: {  	v49 =	vld.idx.msk [tilespmem:v58+s17+$0x0], $0xffff  }
0x33: {  	v59 =	vadd.s32 s5, v7;
	_ =	sdelay $0x3  }
0x34: {  	[tilespmem:s26+$0xFFFFFEE0] =	vst v49  }
0x35: {  	v49 =	vld.idx.msk [tilespmem:v59+s17+$0x0], $0xffff  }
0x36: {  	v60 =	vadd.s32 s5, v8;
	_ =	sdelay $0x3  }
0x37: {  	[tilespmem:s26+$0xFFFFFEF0] =	vst v49  }
0x38: {  	v49 =	vld.idx.msk [tilespmem:v60+s17+$0x0], $0xffff  }
0x39: {  	v61 =	vadd.s32 s5, v9;
	_ =	sdelay $0x3  }
0x3a: {  	[tilespmem:s26+$0xFFFFFF00] =	vst v49  }
0x3b: {  	v49 =	vld.idx.msk [tilespmem:v61+s17+$0x0], $0xffff  }
0x3c: {  	v62 =	vadd.s32 s5, v10;
	_ =	sdelay $0x3  }
0x3d: {  	[tilespmem:s26+$0xFFFFFF10] =	vst v49  }
0x3e: {  	v49 =	vld.idx.msk [tilespmem:v62+s17+$0x0], $0xffff  }
0x3f: {  	v63 =	vadd.s32 s5, v11;
	_ =	sdelay $0x3  }
0x40: {  	[tilespmem:s26+$0xFFFFFF20] =	vst v49  }
0x41: {  	v49 =	vld.idx.msk [tilespmem:v63+s17+$0x0], $0xffff  }
0x42: {  	v52 =	vadd.s32 s5, v12;
	_ =	sdelay $0x3  }
0x43: {  	[tilespmem:s26+$0xFFFFFF30] =	vst v49  }
0x44: {  	v49 =	vld.idx.msk [tilespmem:v52+s17+$0x0], $0xffff  }
0x45: {  	v53 =	vadd.s32 s5, v13;
	_ =	sdelay $0x3  }
0x46: {  	[tilespmem:s26+$0xFFFFFF40] =	vst v49  }
0x47: {  	v49 =	vld.idx.msk [tilespmem:v53+s17+$0x0], $0xffff  }
0x48: {  	v54 =	vadd.s32 s5, v14;
	_ =	sdelay $0x3  }
0x49: {  	[tilespmem:s26+$0xFFFFFF50] =	vst v49  }
0x4a: {  	v49 =	vld.idx.msk [tilespmem:v54+s17+$0x0], $0xffff  }
0x4b: {  	v55 =	vadd.s32 s5, v15;
	_ =	sdelay $0x3  }
0x4c: {  	[tilespmem:s26+$0xFFFFFF60] =	vst v49  }
0x4d: {  	v49 =	vld.idx.msk [tilespmem:v55+s17+$0x0], $0xffff  }
0x4e: {  	v56 =	vadd.s32 s5, v16;
	_ =	sdelay $0x3  }
0x4f: {  	[tilespmem:s26+$0xFFFFFF70] =	vst v49  }
0x50: {  	v49 =	vld.idx.msk [tilespmem:v56+s17+$0x0], $0xffff  }
0x51: {  	v57 =	vadd.s32 s5, v17;
	_ =	sdelay $0x3  }
0x52: {  	[tilespmem:s26+$0xFFFFFF80] =	vst v49  }
0x53: {  	v49 =	vld.idx.msk [tilespmem:v57+s17+$0x0], $0xffff  }
0x54: {  	v58 =	vadd.s32 s5, v18;
	_ =	sdelay $0x3  }
0x55: {  	[tilespmem:s26+$0xFFFFFF90] =	vst v49  }
0x56: {  	v49 =	vld.idx.msk [tilespmem:v58+s17+$0x0], $0xffff  }
0x57: {  	v59 =	vadd.s32 s5, v19;
	_ =	sdelay $0x3  }
0x58: {  	[tilespmem:s26+$0xFFFFFFA0] =	vst v49  }
0x59: {  	v49 =	vld.idx.msk [tilespmem:v59+s17+$0x0], $0xffff  }
0x5a: {  	v60 =	vadd.s32 s5, v20;
	_ =	sdelay $0x3  }
0x5b: {  	[tilespmem:s26+$0xFFFFFFB0] =	vst v49  }
0x5c: {  	v49 =	vld.idx.msk [tilespmem:v60+s17+$0x0], $0xffff  }
0x5d: {  	v61 =	vadd.s32 s5, v21;
	_ =	sdelay $0x3  }
0x5e: {  	[tilespmem:s26+$0xFFFFFFC0] =	vst v49  }
0x5f: {  	v49 =	vld.idx.msk [tilespmem:v61+s17+$0x0], $0xffff  }
0x60: {  	v62 =	vadd.s32 s5, v22;
	_ =	sdelay $0x3  }
0x61: {  	[tilespmem:s26+$0xFFFFFFD0] =	vst v49  }
0x62: {  	v49 =	vld.idx.msk [tilespmem:v62+s17+$0x0], $0xffff  }
0x63: {  	v63 =	vadd.s32 s5, v23;
	_ =	sdelay $0x3  }
0x64: {  	[tilespmem:s26+$0xFFFFFFE0] =	vst v49  }
0x65: {  	v49 =	vld.idx.msk [tilespmem:v63+s17+$0x0], $0xffff  }
0x66: {  	v52 =	vadd.s32 s5, v24;
	_ =	sdelay $0x3  }
0x67: {  	[tilespmem:s26+$0xFFFFFFF0] =	vst v49  }
0x68: {  	v49 =	vld.idx.msk [tilespmem:v52+s17+$0x0], $0xffff  }
0x69: {  	v53 =	vadd.s32 s5, v25;
	_ =	sdelay $0x3  }
0x6a: {  	[tilespmem:s26+$0x0] =	vst v49  }
0x6b: {  	v49 =	vld.idx.msk [tilespmem:v53+s17+$0x0], $0xffff  }
0x6c: {  	v54 =	vadd.s32 s5, v26;
	_ =	sdelay $0x3  }
0x6d: {  	[tilespmem:s26+$0x10] =	vst v49  }
0x6e: {  	v49 =	vld.idx.msk [tilespmem:v54+s17+$0x0], $0xffff  }
0x6f: {  	v55 =	vadd.s32 s5, v27;
	_ =	sdelay $0x3  }
0x70: {  	[tilespmem:s26+$0x20] =	vst v49  }
0x71: {  	v49 =	vld.idx.msk [tilespmem:v55+s17+$0x0], $0xffff  }
0x72: {  	v56 =	vadd.s32 s5, v28;
	_ =	sdelay $0x3  }
0x73: {  	[tilespmem:s26+$0x30] =	vst v49  }
0x74: {  	v49 =	vld.idx.msk [tilespmem:v56+s17+$0x0], $0xffff  }
0x75: {  	v57 =	vadd.s32 s5, v29;
	_ =	sdelay $0x3  }
0x76: {  	[tilespmem:s26+$0x40] =	vst v49  }
0x77: {  	v49 =	vld.idx.msk [tilespmem:v57+s17+$0x0], $0xffff  }
0x78: {  	v58 =	vadd.s32 s5, v30;
	_ =	sdelay $0x3  }
0x79: {  	[tilespmem:s26+$0x50] =	vst v49  }
0x7a: {  	v49 =	vld.idx.msk [tilespmem:v58+s17+$0x0], $0xffff  }
0x7b: {  	v59 =	vadd.s32 s5, v31;
	_ =	sdelay $0x3  }
0x7c: {  	[tilespmem:s26+$0x60] =	vst v49  }
0x7d: {  	v49 =	vld.idx.msk [tilespmem:v59+s17+$0x0], $0xffff  }
0x7e: {  	v60 =	vadd.s32 s5, v32;
	_ =	sdelay $0x3  }
0x7f: {  	[tilespmem:s26+$0x70] =	vst v49  }
0x80: {  	v49 =	vld.idx.msk [tilespmem:v60+s17+$0x0], $0xffff  }
0x81: {  	v61 =	vadd.s32 s5, v33;
	_ =	sdelay $0x3  }
0x82: {  	[tilespmem:s26+$0x80] =	vst v49  }
0x83: {  	v49 =	vld.idx.msk [tilespmem:v61+s17+$0x0], $0xffff  }
0x84: {  	v62 =	vadd.s32 s5, v34;
	_ =	sdelay $0x3  }
0x85: {  	[tilespmem:s26+$0x90] =	vst v49  }
0x86: {  	v49 =	vld.idx.msk [tilespmem:v62+s17+$0x0], $0xffff  }
0x87: {  	v63 =	vadd.s32 s5, v35;
	_ =	sdelay $0x3  }
0x88: {  	[tilespmem:s26+$0xA0] =	vst v49  }
0x89: {  	v49 =	vld.idx.msk [tilespmem:v63+s17+$0x0], $0xffff  }
0x8a: {  	v52 =	vadd.s32 s5, v36;
	_ =	sdelay $0x3  }
0x8b: {  	[tilespmem:s26+$0xB0] =	vst v49  }
0x8c: {  	v49 =	vld.idx.msk [tilespmem:v52+s17+$0x0], $0xffff  }
0x8d: {  	v53 =	vadd.s32 s5, v37;
	_ =	sdelay $0x3  }
0x8e: {  	[tilespmem:s26+$0xC0] =	vst v49  }
0x8f: {  	v49 =	vld.idx.msk [tilespmem:v53+s17+$0x0], $0xffff  }
0x90: {  	v54 =	vadd.s32 s5, v38;
	_ =	sdelay $0x3  }
0x91: {  	[tilespmem:s26+$0xD0] =	vst v49  }
0x92: {  	v49 =	vld.idx.msk [tilespmem:v54+s17+$0x0], $0xffff  }
0x93: {  	v55 =	vadd.s32 s5, v39;
	_ =	sdelay $0x3  }
0x94: {  	[tilespmem:s26+$0xE0] =	vst v49  }
0x95: {  	v49 =	vld.idx.msk [tilespmem:v55+s17+$0x0], $0xffff  }
0x96: {  	v56 =	vadd.s32 s5, v40;
	_ =	sdelay $0x3  }
0x97: {  	[tilespmem:s26+$0xF0] =	vst v49  }
0x98: {  	v49 =	vld.idx.msk [tilespmem:v56+s17+$0x0], $0xffff  }
0x99: {  	v57 =	vadd.s32 s5, v41;
	_ =	sdelay $0x3  }
0x9a: {  	[tilespmem:s26+$0x100] =	vst v49  }
0x9b: {  	v49 =	vld.idx.msk [tilespmem:v57+s17+$0x0], $0xffff  }
0x9c: {  	v58 =	vadd.s32 s5, v42;
	_ =	sdelay $0x3  }
0x9d: {  	[tilespmem:s26+$0x110] =	vst v49  }
0x9e: {  	v49 =	vld.idx.msk [tilespmem:v58+s17+$0x0], $0xffff  }
0x9f: {  	v59 =	vadd.s32 s5, v43;
	_ =	sdelay $0x3  }
0xa0: {  	[tilespmem:s26+$0x120] =	vst v49  }
0xa1: {  	v49 =	vld.idx.msk [tilespmem:v59+s17+$0x0], $0xffff  }
0xa2: {  	v60 =	vadd.s32 s5, v44;
	_ =	sdelay $0x3  }
0xa3: {  	[tilespmem:s26+$0x130] =	vst v49  }
0xa4: {  	v49 =	vld.idx.msk [tilespmem:v60+s17+$0x0], $0xffff  }
0xa5: {  	v61 =	vadd.s32 s5, v45;
	_ =	sdelay $0x3  }
0xa6: {  	[tilespmem:s26+$0x140] =	vst v49  }
0xa7: {  	v49 =	vld.idx.msk [tilespmem:v61+s17+$0x0], $0xffff  }
0xa8: {  	v62 =	vadd.s32 s5, v46;
	_ =	sdelay $0x3  }
0xa9: {  	[tilespmem:s26+$0x150] =	vst v49  }
0xaa: {  	v49 =	vld.idx.msk [tilespmem:v62+s17+$0x0], $0xffff  }
0xab: {  	v63 =	vadd.s32 s5, v47;
	_ =	sdelay $0x3  }
0xac: {  	[tilespmem:s26+$0x160] =	vst v49  }
0xad: {  	s28 =	simm.s32 $0x10;
	v49 =	vld.idx.msk [tilespmem:v63+s17+$0x0], $0xffff  }
0xae: {  	s29 =	simm.s32 $0x20;
	v50 =	vadd.s32 s28, v0  }
.LBB2_2:
0xaf: {  	p2 =	sne.s32 s29, $0x270;
	_ =	sdelay $0x2  }
0xb0: {  	[tilespmem:s26+$0x170] =	vst v49  }
0xb1: {  	v49 =	vld.idx.msk [tilespmem:v50+s17+$0x0], $0xffff;
	_ =	sdelay $0x1  }
0xb2: {  	v50 =	vadd.s32 s28, v1;
	_ =	sdelay $0x2  }
0xb3: {  	s26 =	sadd.s32 $0x300, s26  }
0xb4: {  	[tilespmem:s26+$0xFFFFFE80] =	vst v49  }
0xb5: {  	v49 =	vld.idx.msk [tilespmem:v50+s17+$0x0], $0xffff;
	_ =	sdelay $0x1  }
0xb6: {  	v50 =	vadd.s32 s28, v2;
	_ =	sdelay $0x3  }
0xb7: {  	[tilespmem:s26+$0xFFFFFE90] =	vst v49  }
0xb8: {  	v49 =	vld.idx.msk [tilespmem:v50+s17+$0x0], $0xffff;
	_ =	sdelay $0x1  }
0xb9: {  	v50 =	vadd.s32 s28, v3;
	_ =	sdelay $0x3  }
0xba: {  	[tilespmem:s26+$0xFFFFFEA0] =	vst v49  }
0xbb: {  	v49 =	vld.idx.msk [tilespmem:v50+s17+$0x0], $0xffff;
	_ =	sdelay $0x1  }
0xbc: {  	v50 =	vadd.s32 s28, v4;
	_ =	sdelay $0x3  }
0xbd: {  	[tilespmem:s26+$0xFFFFFEB0] =	vst v49  }
0xbe: {  	v49 =	vld.idx.msk [tilespmem:v50+s17+$0x0], $0xffff;
	_ =	sdelay $0x1  }
0xbf: {  	v50 =	vadd.s32 s28, v5;
	_ =	sdelay $0x3  }
0xc0: {  	[tilespmem:s26+$0xFFFFFEC0] =	vst v49  }
0xc1: {  	v49 =	vld.idx.msk [tilespmem:v50+s17+$0x0], $0xffff;
	_ =	sdelay $0x1  }
0xc2: {  	v50 =	vadd.s32 s28, v6;
	_ =	sdelay $0x3  }
0xc3: {  	[tilespmem:s26+$0xFFFFFED0] =	vst v49  }
0xc4: {  	v49 =	vld.idx.msk [tilespmem:v50+s17+$0x0], $0xffff;
	_ =	sdelay $0x1  }
0xc5: {  	v50 =	vadd.s32 s28, v7;
	_ =	sdelay $0x3  }
0xc6: {  	[tilespmem:s26+$0xFFFFFEE0] =	vst v49  }
0xc7: {  	v49 =	vld.idx.msk [tilespmem:v50+s17+$0x0], $0xffff;
	_ =	sdelay $0x1  }
0xc8: {  	v50 =	vadd.s32 s28, v8;
	_ =	sdelay $0x3  }
0xc9: {  	[tilespmem:s26+$0xFFFFFEF0] =	vst v49  }
0xca: {  	v49 =	vld.idx.msk [tilespmem:v50+s17+$0x0], $0xffff;
	_ =	sdelay $0x1  }
0xcb: {  	v50 =	vadd.s32 s28, v9;
	_ =	sdelay $0x3  }
0xcc: {  	[tilespmem:s26+$0xFFFFFF00] =	vst v49  }
0xcd: {  	v49 =	vld.idx.msk [tilespmem:v50+s17+$0x0], $0xffff;
	_ =	sdelay $0x1  }
0xce: {  	v50 =	vadd.s32 s28, v10;
	_ =	sdelay $0x3  }
0xcf: {  	[tilespmem:s26+$0xFFFFFF10] =	vst v49  }
0xd0: {  	v49 =	vld.idx.msk [tilespmem:v50+s17+$0x0], $0xffff;
	_ =	sdelay $0x1  }
0xd1: {  	v50 =	vadd.s32 s28, v11;
	_ =	sdelay $0x3  }
0xd2: {  	[tilespmem:s26+$0xFFFFFF20] =	vst v49  }
0xd3: {  	v49 =	vld.idx.msk [tilespmem:v50+s17+$0x0], $0xffff;
	_ =	sdelay $0x1  }
0xd4: {  	v50 =	vadd.s32 s28, v12;
	_ =	sdelay $0x3  }
0xd5: {  	[tilespmem:s26+$0xFFFFFF30] =	vst v49  }
0xd6: {  	v49 =	vld.idx.msk [tilespmem:v50+s17+$0x0], $0xffff;
	_ =	sdelay $0x1  }
0xd7: {  	v50 =	vadd.s32 s28, v13;
	_ =	sdelay $0x3  }
0xd8: {  	[tilespmem:s26+$0xFFFFFF40] =	vst v49  }
0xd9: {  	v49 =	vld.idx.msk [tilespmem:v50+s17+$0x0], $0xffff;
	_ =	sdelay $0x1  }
0xda: {  	v50 =	vadd.s32 s28, v14;
	_ =	sdelay $0x3  }
0xdb: {  	[tilespmem:s26+$0xFFFFFF50] =	vst v49  }
0xdc: {  	v49 =	vld.idx.msk [tilespmem:v50+s17+$0x0], $0xffff;
	_ =	sdelay $0x1  }
0xdd: {  	v50 =	vadd.s32 s28, v15;
	_ =	sdelay $0x3  }
0xde: {  	[tilespmem:s26+$0xFFFFFF60] =	vst v49  }
0xdf: {  	v49 =	vld.idx.msk [tilespmem:v50+s17+$0x0], $0xffff;
	_ =	sdelay $0x1  }
0xe0: {  	v50 =	vadd.s32 s28, v16;
	_ =	sdelay $0x3  }
0xe1: {  	[tilespmem:s26+$0xFFFFFF70] =	vst v49  }
0xe2: {  	v49 =	vld.idx.msk [tilespmem:v50+s17+$0x0], $0xffff;
	_ =	sdelay $0x1  }
0xe3: {  	v50 =	vadd.s32 s28, v17;
	_ =	sdelay $0x3  }
0xe4: {  	[tilespmem:s26+$0xFFFFFF80] =	vst v49  }
0xe5: {  	v49 =	vld.idx.msk [tilespmem:v50+s17+$0x0], $0xffff;
	_ =	sdelay $0x1  }
0xe6: {  	v50 =	vadd.s32 s28, v18;
	_ =	sdelay $0x3  }
0xe7: {  	[tilespmem:s26+$0xFFFFFF90] =	vst v49  }
0xe8: {  	v49 =	vld.idx.msk [tilespmem:v50+s17+$0x0], $0xffff;
	_ =	sdelay $0x1  }
0xe9: {  	v50 =	vadd.s32 s28, v19;
	_ =	sdelay $0x3  }
0xea: {  	[tilespmem:s26+$0xFFFFFFA0] =	vst v49  }
0xeb: {  	v49 =	vld.idx.msk [tilespmem:v50+s17+$0x0], $0xffff;
	_ =	sdelay $0x1  }
0xec: {  	v50 =	vadd.s32 s28, v20;
	_ =	sdelay $0x3  }
0xed: {  	[tilespmem:s26+$0xFFFFFFB0] =	vst v49  }
0xee: {  	v49 =	vld.idx.msk [tilespmem:v50+s17+$0x0], $0xffff;
	_ =	sdelay $0x1  }
0xef: {  	v50 =	vadd.s32 s28, v21;
	_ =	sdelay $0x3  }
0xf0: {  	[tilespmem:s26+$0xFFFFFFC0] =	vst v49  }
0xf1: {  	v49 =	vld.idx.msk [tilespmem:v50+s17+$0x0], $0xffff;
	_ =	sdelay $0x1  }
0xf2: {  	v50 =	vadd.s32 s28, v22;
	_ =	sdelay $0x3  }
0xf3: {  	[tilespmem:s26+$0xFFFFFFD0] =	vst v49  }
0xf4: {  	v49 =	vld.idx.msk [tilespmem:v50+s17+$0x0], $0xffff;
	_ =	sdelay $0x1  }
0xf5: {  	v50 =	vadd.s32 s28, v23;
	_ =	sdelay $0x3  }
0xf6: {  	[tilespmem:s26+$0xFFFFFFE0] =	vst v49  }
0xf7: {  	v49 =	vld.idx.msk [tilespmem:v50+s17+$0x0], $0xffff;
	_ =	sdelay $0x1  }
0xf8: {  	v50 =	vadd.s32 s28, v24;
	_ =	sdelay $0x3  }
0xf9: {  	[tilespmem:s26+$0xFFFFFFF0] =	vst v49  }
0xfa: {  	v49 =	vld.idx.msk [tilespmem:v50+s17+$0x0], $0xffff;
	_ =	sdelay $0x1  }
0xfb: {  	v50 =	vadd.s32 s28, v25;
	_ =	sdelay $0x3  }
0xfc: {  	[tilespmem:s26+$0x0] =	vst v49  }
0xfd: {  	v49 =	vld.idx.msk [tilespmem:v50+s17+$0x0], $0xffff;
	_ =	sdelay $0x1  }
0xfe: {  	v50 =	vadd.s32 s28, v26;
	_ =	sdelay $0x3  }
0xff: {  	[tilespmem:s26+$0x10] =	vst v49  }
0x100: {  	v49 =	vld.idx.msk [tilespmem:v50+s17+$0x0], $0xffff;
	_ =	sdelay $0x1  }
0x101: {  	v50 =	vadd.s32 s28, v27;
	_ =	sdelay $0x3  }
0x102: {  	[tilespmem:s26+$0x20] =	vst v49  }
0x103: {  	v49 =	vld.idx.msk [tilespmem:v50+s17+$0x0], $0xffff;
	_ =	sdelay $0x1  }
0x104: {  	v50 =	vadd.s32 s28, v28;
	_ =	sdelay $0x3  }
0x105: {  	[tilespmem:s26+$0x30] =	vst v49  }
0x106: {  	v49 =	vld.idx.msk [tilespmem:v50+s17+$0x0], $0xffff;
	_ =	sdelay $0x1  }
0x107: {  	v50 =	vadd.s32 s28, v29;
	_ =	sdelay $0x3  }
0x108: {  	[tilespmem:s26+$0x40] =	vst v49  }
0x109: {  	v49 =	vld.idx.msk [tilespmem:v50+s17+$0x0], $0xffff;
	_ =	sdelay $0x1  }
0x10a: {  	v50 =	vadd.s32 s28, v30;
	_ =	sdelay $0x3  }
0x10b: {  	[tilespmem:s26+$0x50] =	vst v49  }
0x10c: {  	v49 =	vld.idx.msk [tilespmem:v50+s17+$0x0], $0xffff;
	_ =	sdelay $0x1  }
0x10d: {  	v50 =	vadd.s32 s28, v31;
	_ =	sdelay $0x3  }
0x10e: {  	[tilespmem:s26+$0x60] =	vst v49  }
0x10f: {  	v49 =	vld.idx.msk [tilespmem:v50+s17+$0x0], $0xffff;
	_ =	sdelay $0x1  }
0x110: {  	v50 =	vadd.s32 s28, v32;
	_ =	sdelay $0x3  }
0x111: {  	[tilespmem:s26+$0x70] =	vst v49  }
0x112: {  	v49 =	vld.idx.msk [tilespmem:v50+s17+$0x0], $0xffff;
	_ =	sdelay $0x1  }
0x113: {  	v50 =	vadd.s32 s28, v33;
	_ =	sdelay $0x3  }
0x114: {  	[tilespmem:s26+$0x80] =	vst v49  }
0x115: {  	v49 =	vld.idx.msk [tilespmem:v50+s17+$0x0], $0xffff;
	_ =	sdelay $0x1  }
0x116: {  	v50 =	vadd.s32 s28, v34;
	_ =	sdelay $0x3  }
0x117: {  	[tilespmem:s26+$0x90] =	vst v49  }
0x118: {  	v49 =	vld.idx.msk [tilespmem:v50+s17+$0x0], $0xffff;
	_ =	sdelay $0x1  }
0x119: {  	v50 =	vadd.s32 s28, v35;
	_ =	sdelay $0x3  }
0x11a: {  	[tilespmem:s26+$0xA0] =	vst v49  }
0x11b: {  	v49 =	vld.idx.msk [tilespmem:v50+s17+$0x0], $0xffff;
	_ =	sdelay $0x1  }
0x11c: {  	v50 =	vadd.s32 s28, v36;
	_ =	sdelay $0x3  }
0x11d: {  	[tilespmem:s26+$0xB0] =	vst v49  }
0x11e: {  	v49 =	vld.idx.msk [tilespmem:v50+s17+$0x0], $0xffff;
	_ =	sdelay $0x1  }
0x11f: {  	v50 =	vadd.s32 s28, v37;
	_ =	sdelay $0x3  }
0x120: {  	[tilespmem:s26+$0xC0] =	vst v49  }
0x121: {  	v49 =	vld.idx.msk [tilespmem:v50+s17+$0x0], $0xffff;
	_ =	sdelay $0x1  }
0x122: {  	v50 =	vadd.s32 s28, v38;
	_ =	sdelay $0x3  }
0x123: {  	[tilespmem:s26+$0xD0] =	vst v49  }
0x124: {  	v49 =	vld.idx.msk [tilespmem:v50+s17+$0x0], $0xffff;
	_ =	sdelay $0x1  }
0x125: {  	v50 =	vadd.s32 s28, v39;
	_ =	sdelay $0x3  }
0x126: {  	[tilespmem:s26+$0xE0] =	vst v49  }
0x127: {  	v49 =	vld.idx.msk [tilespmem:v50+s17+$0x0], $0xffff;
	_ =	sdelay $0x1  }
0x128: {  	v50 =	vadd.s32 s28, v40;
	_ =	sdelay $0x3  }
0x129: {  	[tilespmem:s26+$0xF0] =	vst v49  }
0x12a: {  	v49 =	vld.idx.msk [tilespmem:v50+s17+$0x0], $0xffff;
	_ =	sdelay $0x1  }
0x12b: {  	v50 =	vadd.s32 s28, v41;
	_ =	sdelay $0x3  }
0x12c: {  	[tilespmem:s26+$0x100] =	vst v49  }
0x12d: {  	v49 =	vld.idx.msk [tilespmem:v50+s17+$0x0], $0xffff;
	_ =	sdelay $0x1  }
0x12e: {  	v50 =	vadd.s32 s28, v42;
	_ =	sdelay $0x3  }
0x12f: {  	[tilespmem:s26+$0x110] =	vst v49  }
0x130: {  	v49 =	vld.idx.msk [tilespmem:v50+s17+$0x0], $0xffff;
	_ =	sdelay $0x1  }
0x131: {  	v50 =	vadd.s32 s28, v43;
	_ =	sdelay $0x3  }
0x132: {  	[tilespmem:s26+$0x120] =	vst v49  }
0x133: {  	v49 =	vld.idx.msk [tilespmem:v50+s17+$0x0], $0xffff;
	_ =	sdelay $0x1  }
0x134: {  	v50 =	vadd.s32 s28, v44;
	_ =	sdelay $0x3  }
0x135: {  	[tilespmem:s26+$0x130] =	vst v49  }
0x136: {  	v49 =	vld.idx.msk [tilespmem:v50+s17+$0x0], $0xffff;
	_ =	sdelay $0x1  }
0x137: {  	v50 =	vadd.s32 s28, v45;
	_ =	sdelay $0x3  }
0x138: {  	[tilespmem:s26+$0x140] =	vst v49  }
0x139: {  	v49 =	vld.idx.msk [tilespmem:v50+s17+$0x0], $0xffff;
	_ =	sdelay $0x1  }
0x13a: {  	v50 =	vadd.s32 s28, v46;
	_ =	sdelay $0x3  }
0x13b: {  	[tilespmem:s26+$0x150] =	vst v49  }
0x13c: {  	v49 =	vld.idx.msk [tilespmem:v50+s17+$0x0], $0xffff;
	_ =	sdelay $0x1  }
0x13d: {  	v50 =	vadd.s32 s28, v47;
	s28 =	smov.u32 s29;
	_ =	sdelay $0x2  }
.Ltmp0:
0x13e: {  	(pc) =	sbr.rel @p2 .LBB2_2-.Ltmp0, $3  }
0x13f: {  	[tilespmem:s26+$0x160] =	vst v49  }
0x140: {  	v49 =	vld.idx.msk [tilespmem:v50+s17+$0x0], $0xffff;
	_ =	sdelay $0x1  }
0x141: {  	s29 =	sadd.s32 $0x10, s29;
	v50 =	vadd.s32 s28, v0  }
0x142: {  	_ =	sdelay $0x2  }
0x143: {  	[tilespmem:s26+$0x170] =	vst v49  }
0x144: {  	v49 =	vld.idx.msk [tilespmem:v50+s17+$0x0], $0xffff  }
0x145: {  	v53 =	vadd.s32 s28, v1;
	_ =	sdelay $0x2  }
0x146: {  	s29 =	sadd.s32 $0x300, s26  }
0x147: {  	[tilespmem:s29+$0xFFFFFE80] =	vst v49  }
0x148: {  	v49 =	vld.idx.msk [tilespmem:v53+s17+$0x0], $0xffff  }
0x149: {  	v54 =	vadd.s32 s28, v2;
	_ =	sdelay $0x3  }
0x14a: {  	[tilespmem:s29+$0xFFFFFE90] =	vst v49  }
0x14b: {  	v49 =	vld.idx.msk [tilespmem:v54+s17+$0x0], $0xffff  }
0x14c: {  	v55 =	vadd.s32 s28, v3;
	_ =	sdelay $0x3  }
0x14d: {  	[tilespmem:s29+$0xFFFFFEA0] =	vst v49  }
0x14e: {  	v49 =	vld.idx.msk [tilespmem:v55+s17+$0x0], $0xffff  }
0x14f: {  	v56 =	vadd.s32 s28, v4;
	_ =	sdelay $0x3  }
0x150: {  	[tilespmem:s29+$0xFFFFFEB0] =	vst v49  }
0x151: {  	v49 =	vld.idx.msk [tilespmem:v56+s17+$0x0], $0xffff  }
0x152: {  	v57 =	vadd.s32 s28, v5;
	_ =	sdelay $0x3  }
0x153: {  	[tilespmem:s29+$0xFFFFFEC0] =	vst v49  }
0x154: {  	v49 =	vld.idx.msk [tilespmem:v57+s17+$0x0], $0xffff  }
0x155: {  	v58 =	vadd.s32 s28, v6;
	_ =	sdelay $0x3  }
0x156: {  	[tilespmem:s29+$0xFFFFFED0] =	vst v49  }
0x157: {  	v49 =	vld.idx.msk [tilespmem:v58+s17+$0x0], $0xffff  }
0x158: {  	v59 =	vadd.s32 s28, v7;
	_ =	sdelay $0x3  }
0x159: {  	[tilespmem:s29+$0xFFFFFEE0] =	vst v49  }
0x15a: {  	v49 =	vld.idx.msk [tilespmem:v59+s17+$0x0], $0xffff  }
0x15b: {  	v60 =	vadd.s32 s28, v8;
	_ =	sdelay $0x3  }
0x15c: {  	[tilespmem:s29+$0xFFFFFEF0] =	vst v49  }
0x15d: {  	v49 =	vld.idx.msk [tilespmem:v60+s17+$0x0], $0xffff  }
0x15e: {  	v61 =	vadd.s32 s28, v9;
	_ =	sdelay $0x3  }
0x15f: {  	[tilespmem:s29+$0xFFFFFF00] =	vst v49  }
0x160: {  	v49 =	vld.idx.msk [tilespmem:v61+s17+$0x0], $0xffff  }
0x161: {  	v62 =	vadd.s32 s28, v10;
	_ =	sdelay $0x3  }
0x162: {  	[tilespmem:s29+$0xFFFFFF10] =	vst v49  }
0x163: {  	v49 =	vld.idx.msk [tilespmem:v62+s17+$0x0], $0xffff  }
0x164: {  	v63 =	vadd.s32 s28, v11;
	_ =	sdelay $0x3  }
0x165: {  	[tilespmem:s29+$0xFFFFFF20] =	vst v49  }
0x166: {  	v49 =	vld.idx.msk [tilespmem:v63+s17+$0x0], $0xffff  }
0x167: {  	v52 =	vadd.s32 s28, v12;
	_ =	sdelay $0x3  }
0x168: {  	[tilespmem:s29+$0xFFFFFF30] =	vst v49  }
0x169: {  	v49 =	vld.idx.msk [tilespmem:v52+s17+$0x0], $0xffff  }
0x16a: {  	v53 =	vadd.s32 s28, v13;
	_ =	sdelay $0x3  }
0x16b: {  	[tilespmem:s29+$0xFFFFFF40] =	vst v49  }
0x16c: {  	v49 =	vld.idx.msk [tilespmem:v53+s17+$0x0], $0xffff  }
0x16d: {  	v54 =	vadd.s32 s28, v14;
	_ =	sdelay $0x3  }
0x16e: {  	[tilespmem:s29+$0xFFFFFF50] =	vst v49  }
0x16f: {  	v49 =	vld.idx.msk [tilespmem:v54+s17+$0x0], $0xffff  }
0x170: {  	v55 =	vadd.s32 s28, v15;
	_ =	sdelay $0x3  }
0x171: {  	[tilespmem:s29+$0xFFFFFF60] =	vst v49  }
0x172: {  	v49 =	vld.idx.msk [tilespmem:v55+s17+$0x0], $0xffff  }
0x173: {  	v56 =	vadd.s32 s28, v16;
	_ =	sdelay $0x3  }
0x174: {  	[tilespmem:s29+$0xFFFFFF70] =	vst v49  }
0x175: {  	v49 =	vld.idx.msk [tilespmem:v56+s17+$0x0], $0xffff  }
0x176: {  	v57 =	vadd.s32 s28, v17;
	_ =	sdelay $0x3  }
0x177: {  	[tilespmem:s29+$0xFFFFFF80] =	vst v49  }
0x178: {  	v49 =	vld.idx.msk [tilespmem:v57+s17+$0x0], $0xffff  }
0x179: {  	v58 =	vadd.s32 s28, v18;
	_ =	sdelay $0x3  }
0x17a: {  	[tilespmem:s29+$0xFFFFFF90] =	vst v49  }
0x17b: {  	v49 =	vld.idx.msk [tilespmem:v58+s17+$0x0], $0xffff  }
0x17c: {  	v59 =	vadd.s32 s28, v19;
	_ =	sdelay $0x3  }
0x17d: {  	[tilespmem:s29+$0xFFFFFFA0] =	vst v49  }
0x17e: {  	v49 =	vld.idx.msk [tilespmem:v59+s17+$0x0], $0xffff  }
0x17f: {  	v60 =	vadd.s32 s28, v20;
	_ =	sdelay $0x3  }
0x180: {  	[tilespmem:s29+$0xFFFFFFB0] =	vst v49  }
0x181: {  	v49 =	vld.idx.msk [tilespmem:v60+s17+$0x0], $0xffff  }
0x182: {  	v61 =	vadd.s32 s28, v21;
	_ =	sdelay $0x3  }
0x183: {  	[tilespmem:s29+$0xFFFFFFC0] =	vst v49  }
0x184: {  	v49 =	vld.idx.msk [tilespmem:v61+s17+$0x0], $0xffff  }
0x185: {  	v62 =	vadd.s32 s28, v22;
	_ =	sdelay $0x3  }
0x186: {  	[tilespmem:s29+$0xFFFFFFD0] =	vst v49  }
0x187: {  	v49 =	vld.idx.msk [tilespmem:v62+s17+$0x0], $0xffff  }
0x188: {  	v63 =	vadd.s32 s28, v23;
	_ =	sdelay $0x3  }
0x189: {  	[tilespmem:s29+$0xFFFFFFE0] =	vst v49  }
0x18a: {  	v49 =	vld.idx.msk [tilespmem:v63+s17+$0x0], $0xffff  }
0x18b: {  	v52 =	vadd.s32 s28, v24;
	_ =	sdelay $0x3  }
0x18c: {  	[tilespmem:s29+$0xFFFFFFF0] =	vst v49  }
0x18d: {  	v49 =	vld.idx.msk [tilespmem:v52+s17+$0x0], $0xffff  }
0x18e: {  	v53 =	vadd.s32 s28, v25;
	_ =	sdelay $0x3  }
0x18f: {  	[tilespmem:s29+$0x0] =	vst v49  }
0x190: {  	v49 =	vld.idx.msk [tilespmem:v53+s17+$0x0], $0xffff  }
0x191: {  	v54 =	vadd.s32 s28, v26;
	_ =	sdelay $0x3  }
0x192: {  	[tilespmem:s29+$0x10] =	vst v49  }
0x193: {  	v49 =	vld.idx.msk [tilespmem:v54+s17+$0x0], $0xffff  }
0x194: {  	v55 =	vadd.s32 s28, v27;
	_ =	sdelay $0x3  }
0x195: {  	[tilespmem:s29+$0x20] =	vst v49  }
0x196: {  	v49 =	vld.idx.msk [tilespmem:v55+s17+$0x0], $0xffff  }
0x197: {  	v56 =	vadd.s32 s28, v28;
	_ =	sdelay $0x3  }
0x198: {  	[tilespmem:s29+$0x30] =	vst v49  }
0x199: {  	v49 =	vld.idx.msk [tilespmem:v56+s17+$0x0], $0xffff  }
0x19a: {  	v57 =	vadd.s32 s28, v29;
	_ =	sdelay $0x3  }
0x19b: {  	[tilespmem:s29+$0x40] =	vst v49  }
0x19c: {  	v49 =	vld.idx.msk [tilespmem:v57+s17+$0x0], $0xffff  }
0x19d: {  	v58 =	vadd.s32 s28, v30;
	_ =	sdelay $0x3  }
0x19e: {  	[tilespmem:s29+$0x50] =	vst v49  }
0x19f: {  	v49 =	vld.idx.msk [tilespmem:v58+s17+$0x0], $0xffff  }
0x1a0: {  	v59 =	vadd.s32 s28, v31;
	_ =	sdelay $0x3  }
0x1a1: {  	[tilespmem:s29+$0x60] =	vst v49  }
0x1a2: {  	v49 =	vld.idx.msk [tilespmem:v59+s17+$0x0], $0xffff  }
0x1a3: {  	v60 =	vadd.s32 s28, v32;
	_ =	sdelay $0x3  }
0x1a4: {  	[tilespmem:s29+$0x70] =	vst v49  }
0x1a5: {  	v49 =	vld.idx.msk [tilespmem:v60+s17+$0x0], $0xffff  }
0x1a6: {  	v61 =	vadd.s32 s28, v33;
	_ =	sdelay $0x3  }
0x1a7: {  	[tilespmem:s29+$0x80] =	vst v49  }
0x1a8: {  	v49 =	vld.idx.msk [tilespmem:v61+s17+$0x0], $0xffff  }
0x1a9: {  	v62 =	vadd.s32 s28, v34;
	_ =	sdelay $0x3  }
0x1aa: {  	[tilespmem:s29+$0x90] =	vst v49  }
0x1ab: {  	v49 =	vld.idx.msk [tilespmem:v62+s17+$0x0], $0xffff  }
0x1ac: {  	v63 =	vadd.s32 s28, v35;
	_ =	sdelay $0x3  }
0x1ad: {  	[tilespmem:s29+$0xA0] =	vst v49  }
0x1ae: {  	v49 =	vld.idx.msk [tilespmem:v63+s17+$0x0], $0xffff  }
0x1af: {  	v52 =	vadd.s32 s28, v36;
	_ =	sdelay $0x3  }
0x1b0: {  	[tilespmem:s29+$0xB0] =	vst v49  }
0x1b1: {  	v49 =	vld.idx.msk [tilespmem:v52+s17+$0x0], $0xffff  }
0x1b2: {  	v53 =	vadd.s32 s28, v37;
	_ =	sdelay $0x3  }
0x1b3: {  	[tilespmem:s29+$0xC0] =	vst v49  }
0x1b4: {  	v49 =	vld.idx.msk [tilespmem:v53+s17+$0x0], $0xffff  }
0x1b5: {  	v54 =	vadd.s32 s28, v38;
	_ =	sdelay $0x3  }
0x1b6: {  	[tilespmem:s29+$0xD0] =	vst v49  }
0x1b7: {  	v49 =	vld.idx.msk [tilespmem:v54+s17+$0x0], $0xffff  }
0x1b8: {  	v55 =	vadd.s32 s28, v39;
	_ =	sdelay $0x3  }
0x1b9: {  	[tilespmem:s29+$0xE0] =	vst v49  }
0x1ba: {  	v49 =	vld.idx.msk [tilespmem:v55+s17+$0x0], $0xffff  }
0x1bb: {  	v56 =	vadd.s32 s28, v40;
	_ =	sdelay $0x3  }
0x1bc: {  	[tilespmem:s29+$0xF0] =	vst v49  }
0x1bd: {  	v49 =	vld.idx.msk [tilespmem:v56+s17+$0x0], $0xffff  }
0x1be: {  	v57 =	vadd.s32 s28, v41;
	_ =	sdelay $0x3  }
0x1bf: {  	[tilespmem:s29+$0x100] =	vst v49  }
0x1c0: {  	v49 =	vld.idx.msk [tilespmem:v57+s17+$0x0], $0xffff  }
0x1c1: {  	v58 =	vadd.s32 s28, v42;
	_ =	sdelay $0x3  }
0x1c2: {  	[tilespmem:s29+$0x110] =	vst v49  }
0x1c3: {  	v49 =	vld.idx.msk [tilespmem:v58+s17+$0x0], $0xffff  }
0x1c4: {  	v59 =	vadd.s32 s28, v43;
	_ =	sdelay $0x3  }
0x1c5: {  	[tilespmem:s29+$0x120] =	vst v49  }
0x1c6: {  	v49 =	vld.idx.msk [tilespmem:v59+s17+$0x0], $0xffff  }
0x1c7: {  	v60 =	vadd.s32 s28, v44;
	_ =	sdelay $0x3  }
0x1c8: {  	[tilespmem:s29+$0x130] =	vst v49  }
0x1c9: {  	v49 =	vld.idx.msk [tilespmem:v60+s17+$0x0], $0xffff  }
0x1ca: {  	v61 =	vadd.s32 s28, v45;
	_ =	sdelay $0x3  }
0x1cb: {  	[tilespmem:s29+$0x140] =	vst v49  }
0x1cc: {  	v49 =	vld.idx.msk [tilespmem:v61+s17+$0x0], $0xffff  }
0x1cd: {  	v62 =	vadd.s32 s28, v46;
	_ =	sdelay $0x3  }
0x1ce: {  	[tilespmem:s29+$0x150] =	vst v49  }
0x1cf: {  	v49 =	vld.idx.msk [tilespmem:v62+s17+$0x0], $0xffff  }
0x1d0: {  	v63 =	vadd.s32 s28, v47;
	_ =	sdelay $0x3  }
0x1d1: {  	[tilespmem:s29+$0x160] =	vst v49  }
0x1d2: {  	v49 =	vld.idx.msk [tilespmem:v63+s17+$0x0], $0xffff;
	_ =	sdelay $0x4  }
0x1d3: {  	s31 =	simm.s32 $0x0;
	[tilespmem:s29+$0x170] =	vst v49  }
0x1d4: {  	[hbm4b:s19+s31] =	stream.linear.scatter [tilespmem:s20], [sflag:$0x3], $0x7800, $0x38;
	[tilespmem:$0x1E700] =	vst v63  }
0x1d5: {  	_ =	swait.ge [sflag:s18], $0x7800  }
0x1d6: {  	[sflag:s18] =	ssyncset.done $0x0  }
0x1d7: {  	s26 =	simm.s32 $0x0;
	s28 =	simm.s32 $0xC00;
	[sflag:s18] =	ssyncadd.s32 $0xFFFF8800  }
.LBB2_4:
0x1d8: {  	p2 =	sne.s32 s28, $0x1D400;
	[tilespmem:s26+$0xF9F0] =	vst v48  }
0x1d9: {  	[tilespmem:s26+$0xF700] =	vst v48  }
0x1da: {  	[tilespmem:s26+$0xF710] =	vst v48  }
0x1db: {  	[tilespmem:s26+$0xF720] =	vst v48  }
0x1dc: {  	[tilespmem:s26+$0xF730] =	vst v48  }
0x1dd: {  	[tilespmem:s26+$0xF740] =	vst v48  }
0x1de: {  	[tilespmem:s26+$0xF750] =	vst v48  }
0x1df: {  	[tilespmem:s26+$0xF760] =	vst v48  }
0x1e0: {  	[tilespmem:s26+$0xF770] =	vst v48  }
0x1e1: {  	[tilespmem:s26+$0xF780] =	vst v48  }
0x1e2: {  	[tilespmem:s26+$0xF790] =	vst v48  }
0x1e3: {  	[tilespmem:s26+$0xF7A0] =	vst v48  }
0x1e4: {  	[tilespmem:s26+$0xF7B0] =	vst v48  }
0x1e5: {  	[tilespmem:s26+$0xF7C0] =	vst v48  }
0x1e6: {  	[tilespmem:s26+$0xF7D0] =	vst v48  }
0x1e7: {  	[tilespmem:s26+$0xF7E0] =	vst v48  }
0x1e8: {  	[tilespmem:s26+$0xF7F0] =	vst v48  }
0x1e9: {  	[tilespmem:s26+$0xF800] =	vst v48  }
0x1ea: {  	[tilespmem:s26+$0xF810] =	vst v48  }
0x1eb: {  	[tilespmem:s26+$0xF820] =	vst v48  }
0x1ec: {  	[tilespmem:s26+$0xF830] =	vst v48  }
0x1ed: {  	[tilespmem:s26+$0xF840] =	vst v48  }
0x1ee: {  	[tilespmem:s26+$0xF850] =	vst v48  }
0x1ef: {  	[tilespmem:s26+$0xF860] =	vst v48  }
0x1f0: {  	[tilespmem:s26+$0xF870] =	vst v48  }
0x1f1: {  	[tilespmem:s26+$0xF880] =	vst v48  }
0x1f2: {  	[tilespmem:s26+$0xF890] =	vst v48  }
0x1f3: {  	[tilespmem:s26+$0xF8A0] =	vst v48  }
0x1f4: {  	[tilespmem:s26+$0xF8B0] =	vst v48  }
0x1f5: {  	[tilespmem:s26+$0xF8C0] =	vst v48  }
0x1f6: {  	[tilespmem:s26+$0xF8D0] =	vst v48  }
0x1f7: {  	[tilespmem:s26+$0xF8E0] =	vst v48  }
0x1f8: {  	[tilespmem:s26+$0xF8F0] =	vst v48  }
0x1f9: {  	[tilespmem:s26+$0xF900] =	vst v48  }
0x1fa: {  	[tilespmem:s26+$0xF910] =	vst v48  }
0x1fb: {  	[tilespmem:s26+$0xF920] =	vst v48  }
0x1fc: {  	[tilespmem:s26+$0xF930] =	vst v48  }
0x1fd: {  	[tilespmem:s26+$0xF940] =	vst v48  }
0x1fe: {  	[tilespmem:s26+$0xF950] =	vst v48  }
0x1ff: {  	[tilespmem:s26+$0xF960] =	vst v48  }
0x200: {  	[tilespmem:s26+$0xF970] =	vst v48  }
0x201: {  	[tilespmem:s26+$0xF980] =	vst v48  }
0x202: {  	[tilespmem:s26+$0xF990] =	vst v48  }
.Ltmp1:
0x203: {  	[tilespmem:s26+$0xF9A0] =	vst v48;
	(pc) =	sbr.rel @p2 .LBB2_4-.Ltmp1, $4  }
0x204: {  	[tilespmem:s26+$0xF9B0] =	vst v48  }
0x205: {  	[tilespmem:s26+$0xF9C0] =	vst v48  }
0x206: {  	[tilespmem:s26+$0xF9D0] =	vst v48  }
0x207: {  	[tilespmem:s26+$0xF9E0] =	vst v48;
	s26 =	sshra.s32 s28, $0x2;
	s28 =	sadd.s32 $0xC00, s28  }
0x208: {  	[tilespmem:s26+$0xF9F0] =	vst v48  }
0x209: {  	[tilespmem:s26+$0xF700] =	vst v48  }
0x20a: {  	[tilespmem:s26+$0xF710] =	vst v48  }
0x20b: {  	[tilespmem:s26+$0xF720] =	vst v48  }
0x20c: {  	[tilespmem:s26+$0xF730] =	vst v48  }
0x20d: {  	[tilespmem:s26+$0xF740] =	vst v48  }
0x20e: {  	[tilespmem:s26+$0xF750] =	vst v48  }
0x20f: {  	[tilespmem:s26+$0xF760] =	vst v48  }
0x210: {  	[tilespmem:s26+$0xF770] =	vst v48  }
0x211: {  	[tilespmem:s26+$0xF780] =	vst v48  }
0x212: {  	[tilespmem:s26+$0xF790] =	vst v48  }
0x213: {  	[tilespmem:s26+$0xF7A0] =	vst v48  }
0x214: {  	[tilespmem:s26+$0xF7B0] =	vst v48  }
0x215: {  	[tilespmem:s26+$0xF7C0] =	vst v48  }
0x216: {  	[tilespmem:s26+$0xF7D0] =	vst v48  }
0x217: {  	[tilespmem:s26+$0xF7E0] =	vst v48  }
0x218: {  	[tilespmem:s26+$0xF7F0] =	vst v48  }
0x219: {  	[tilespmem:s26+$0xF800] =	vst v48  }
0x21a: {  	[tilespmem:s26+$0xF810] =	vst v48  }
0x21b: {  	[tilespmem:s26+$0xF820] =	vst v48  }
0x21c: {  	[tilespmem:s26+$0xF830] =	vst v48  }
0x21d: {  	[tilespmem:s26+$0xF840] =	vst v48  }
0x21e: {  	[tilespmem:s26+$0xF850] =	vst v48  }
0x21f: {  	[tilespmem:s26+$0xF860] =	vst v48  }
0x220: {  	[tilespmem:s26+$0xF870] =	vst v48  }
0x221: {  	[tilespmem:s26+$0xF880] =	vst v48  }
0x222: {  	[tilespmem:s26+$0xF890] =	vst v48  }
0x223: {  	[tilespmem:s26+$0xF8A0] =	vst v48  }
0x224: {  	[tilespmem:s26+$0xF8B0] =	vst v48  }
0x225: {  	[tilespmem:s26+$0xF8C0] =	vst v48  }
0x226: {  	[tilespmem:s26+$0xF8D0] =	vst v48  }
0x227: {  	[tilespmem:s26+$0xF8E0] =	vst v48  }
0x228: {  	[tilespmem:s26+$0xF8F0] =	vst v48  }
0x229: {  	[tilespmem:s26+$0xF900] =	vst v48  }
0x22a: {  	[tilespmem:s26+$0xF910] =	vst v48  }
0x22b: {  	[tilespmem:s26+$0xF920] =	vst v48  }
0x22c: {  	[tilespmem:s26+$0xF930] =	vst v48  }
0x22d: {  	[tilespmem:s26+$0xF940] =	vst v48  }
0x22e: {  	[tilespmem:s26+$0xF950] =	vst v48  }
0x22f: {  	[tilespmem:s26+$0xF960] =	vst v48  }
0x230: {  	[tilespmem:s26+$0xF970] =	vst v48  }
0x231: {  	[tilespmem:s26+$0xF980] =	vst v48  }
0x232: {  	[tilespmem:s26+$0xF990] =	vst v48  }
0x233: {  	[tilespmem:s26+$0xF9A0] =	vst v48  }
0x234: {  	[tilespmem:s26+$0xF9B0] =	vst v48  }
0x235: {  	[tilespmem:s26+$0xF9C0] =	vst v48  }
0x236: {  	[tilespmem:s26+$0xF9D0] =	vst v48  }
0x237: {  	[tilespmem:s26+$0xF9E0] =	vst v48  }
0x238: {  	[spmem:s8] =	stream.linear.scatter [tilespmem:s20], [sflag:$0x3], $0x7800, $0x38;
	[tilespmem:$0x1E700] =	vst v63  }
0x239: {  	_ =	swait.ge [sflag:s18], $0x7800  }
0x23a: {  	[sflag:s18] =	ssyncset.done $0x0  }
0x23b: {  	[sflag:s18] =	ssyncadd.s32 $0xFFFF8800  }
0x23c: {  	[bflag:$0x0] =	sbarrier.arrive $0xFFFF  }
0x23d: {  	[tilespmem:s5], [sflag:$0x3] =	stream.linear.gather [hbm4b:s9+s5], $0x2780, $0x38;
	[tilespmem:$0x1E700] =	vst v63  }
0x23e: {  	_ =	swait.ge [sflag:s18], $0x2780  }
0x23f: {  	[sflag:s18] =	ssyncset.done $0x0  }
.Ltmp2:
0x240: {  	s0 =	simm.s32 $0x2780;
	[sflag:s18] =	ssyncadd.s32 $0xFFFFD880;
	(pc) =	sbr.rel @p0 .LBB2_14-.Ltmp2, $4  }
0x241: {  	[tilespmem:s0], [sflag:$0x3] =	stream.linear.gather [hbm4b:s10+s5], $0x2780, $0x38;
	[tilespmem:$0x1E700] =	vst v63  }
0x242: {  	_ =	swait.ge [sflag:s18], $0x2780  }
0x243: {  	[sflag:s18] =	ssyncset.done $0x0  }
0x244: {  	s28 =	simm.s32 $0x80;
	[sflag:s18] =	ssyncadd.s32 $0xFFFFD880  }
.Ltmp3:
0x245: {  	(pc) =	sbr.rel @p1 .LBB2_22-.Ltmp3, $3  }
0x246: {  	_ =	sdelay $0x1  }
0x247: {  	s26 =	simm.s32 $0x0  }
0x248: {  	[tilespmem:s22], [sflag:$0x1] =	stream.indirect.gather [hbm4b:s1+s28], $0x30, s26, s28, $0xb8;
	[tilespmem:$0x1E700] =	vst v63  }
0x249: {  	p2 =	sgt.s32 s12, $0x1  }
.Ltmp4:
0x24a: {  	_ = 	snop;
	(pc) =	sbr.rel @!p2 .LBB2_8-.Ltmp4, $3  }
0x24b: {  	_ =	sdelay $0x1  }
0x24c: {  	s26 =	simm.s32 $0x2780  }
0x24d: {  	s29 =	simm.s32 $0x1;
	p5 =	sle.s32 s6, $0x1;
	p3 =	por $0x0, $0x0  }
0x24e: {  	s29 =	simm.s32 @!p5 $0x80;
	s2 =	simm.s32 @!p5 $0x6700;
	p2 =	por p5, p5  }
0x24f: {  	[tilespmem:s2], [sflag:$0x2] =	stream.indirect.gather @!p2 [hbm4b:s1+s29], $0x30, s28, s29, $0xb8;
	[tilespmem:$0x1E700] =	vst v63  }
0x250: {  	_ =	swait.ge [sflag:s11], $0x1800  }
0x251: {  	[sflag:s11] =	ssyncset.done $0x0  }
0x252: {  	p3 =	sle.s32 s6, $0x2;
	[sflag:s11] =	ssyncadd.s32 $0xFFFFE800  }
0x253: {  	[spmem:s4] =	stream.indirect.scatter.add.f32 [tilespmem:s22], [sflag:$0x4], $0x30, s26, s23, $0xb8;
	[tilespmem:$0x1E700] =	vst v63  }
0x254: {  	p4 =	sgt.s32 s12, $0x2;
	p5 =	sle.s32 s6, $0x3;
	_ =	swait.ge [sflag:s24], $0x1800  }
0x255: {  	s28 =	simm.s32 @!p2 $0x2;
	s30 =	simm.s32 @!p3 $0x80;
	[sflag:s24] =	ssyncset.done $0x0  }
0x256: {  	s31 =	simm.s32 @!p3 $0x4F00;
	s26 =	simm.s32 @!p3 $0x100;
	[sflag:s24] =	ssyncadd.s32 $0xFFFFE800  }
0x257: {  	[tilespmem:s31], [sflag:$0x1] =	stream.indirect.gather @!p3 [hbm4b:s1+s30], $0x30, s26, s30, $0xb8;
	[tilespmem:$0x1E700] =	vst v63  }
.Ltmp5:
0x258: {  	s30 =	simm.s32 $0x2;
	_ =	swait.ge @!p2 [sflag:s28], $0x1800;
	(pc) =	sbr.rel @!p4 .LBB2_10-.Ltmp5, $4  }
0x259: {  	s26 =	simm.s32 @!p2 $0x2800;
	s31 =	simm.s32 @!p2 $0x3;
	[sflag:s28] =	ssyncset.done @!p2 $0x0  }
0x25a: {  	p3 =	por $0x1, $0x1;
	[sflag:s28] =	ssyncadd.s32 @!p2 $0xFFFFE800;
	s28 =	simm.s32 $0x180  }
0x25b: {  	[spmem:s4] =	stream.indirect.scatter.add.f32 @!p2 [tilespmem:s2], [sflag:$0x3], $0x30, s26, s29, $0xb8;
	[tilespmem:$0x1E700] =	vst v63  }
0x25c: {  	s29 =	simm.s32 $0x3;
	s26 =	simm.s32 $0x2880;
	_ =	swait.ge @!p2 [sflag:s31], $0x1800  }
.LBB2_11:
0x25d: {  	s2 =	simm.s32 @!p5 $0x80;
	s0 =	simm.s32 @!p5 $0x6700;
	[sflag:s31] =	ssyncset.done @!p2 $0x0  }
0x25e: {  	s30 =	sadd.s32 $0x1, s30;
	[sflag:s31] =	ssyncadd.s32 @!p2 $0xFFFFE800;
	p2 =	por p5, p5  }
0x25f: {  	[tilespmem:s0], [sflag:$0x2] =	stream.indirect.gather @!p2 [hbm4b:s1+s2], $0x30, s28, s2, $0xb8;
	[tilespmem:$0x1E700] =	vst v63  }
0x260: {  	p4 =	slt.s32 s30, s12;
	_ =	swait.ge [sflag:s11], $0x1800  }
0x261: {  	[sflag:s11] =	ssyncset.done $0x0  }
0x262: {  	s31 =	sadd.s32 $0x1, s29;
	[sflag:s11] =	ssyncadd.s32 $0xFFFFE800  }
0x263: {  	[spmem:s4] =	stream.indirect.scatter.add.f32 [tilespmem:s22], [sflag:$0x4], $0x30, s26, s23, $0xb8;
	[tilespmem:$0x1E700] =	vst v63  }
0x264: {  	p5 =	sge.s32 s31, s6;
	_ =	swait.ge [sflag:s24], $0x1800  }
0x265: {  	s21 =	simm.s32 @!p2 $0x2;
	s31 =	sadd.s32 @!p5 $0x80, s28;
	[sflag:s24] =	ssyncset.done $0x0  }
0x266: {  	s7 =	simm.s32 @!p5 $0x80;
	s15 =	simm.s32 @!p5 $0x4F00;
	[sflag:s24] =	ssyncadd.s32 $0xFFFFE800  }
0x267: {  	[tilespmem:s15], [sflag:$0x1] =	stream.indirect.gather @!p5 [hbm4b:s1+s7], $0x30, s31, s7, $0xb8;
	[tilespmem:$0x1E700] =	vst v63  }
.Ltmp6:
0x268: {  	_ =	swait.ge @!p2 [sflag:s21], $0x1800;
	(pc) =	sbr.rel @p4 .LBB2_11-.Ltmp6, $4  }
0x269: {  	s7 =	sadd.s32 @!p2 $0x80, s26;
	s31 =	simm.s32 @!p2 $0x3;
	[sflag:s21] =	ssyncset.done @!p2 $0x0  }
0x26a: {  	s29 =	sadd.s32 $0x2, s29;
	s28 =	sadd.s32 $0x100, s28;
	[sflag:s21] =	ssyncadd.s32 @!p2 $0xFFFFE800  }
0x26b: {  	[spmem:s4] =	stream.indirect.scatter.add.f32 @!p2 [tilespmem:s0], [sflag:$0x3], $0x30, s7, s2, $0xb8;
	[tilespmem:$0x1E700] =	vst v63  }
0x26c: {  	p5 =	sge.s32 s29, s6;
	s26 =	sadd.s32 $0x100, s26;
	_ =	swait.ge @!p2 [sflag:s31], $0x1800  }
0x26d: {  	s30 =	simm.s32 $0x280  }
.LBB2_13:
0x26e: {  	p2 =	por p2, !p3  }
0x26f: {  	s0 =	simm.s32 @!p5 $0x80;
	[sflag:s31] =	ssyncset.done @!p2 $0x0  }
0x270: {  	s2 =	simm.s32 @!p5 $0x6700;
	[sflag:s31] =	ssyncadd.s32 @!p2 $0xFFFFE800;
	p2 =	por p5, p5  }
0x271: {  	[tilespmem:s2], [sflag:$0x2] =	stream.indirect.gather @!p2 [hbm4b:s1+s0], $0x30, s28, s0, $0xb8;
	[tilespmem:$0x1E700] =	vst v63  }
0x272: {  	_ =	swait.ge [sflag:s11], $0x1800  }
0x273: {  	[sflag:s11] =	ssyncset.done $0x0  }
0x274: {  	s7 =	sadd.s32 $0x1, s29;
	[sflag:s11] =	ssyncadd.s32 $0xFFFFE800  }
0x275: {  	[spmem:s4] =	stream.indirect.scatter.add.f32 [tilespmem:s22], [sflag:$0x4], $0x30, s26, s23, $0xb8;
	[tilespmem:$0x1E700] =	vst v63  }
0x276: {  	p3 =	sge.s32 s7, s6;
	_ =	swait.ge [sflag:s24], $0x1800  }
0x277: {  	s7 =	sadd.s32 @!p3 $0x80, s28;
	s21 =	simm.s32 @!p3 $0x80;
	[sflag:s24] =	ssyncset.done $0x0  }
0x278: {  	s15 =	simm.s32 @!p2 $0x2;
	s28 =	simm.s32 @!p3 $0x4F00;
	[sflag:s24] =	ssyncadd.s32 $0xFFFFE800  }
0x279: {  	[tilespmem:s28], [sflag:$0x1] =	stream.indirect.gather @!p3 [hbm4b:s1+s21], $0x30, s7, s21, $0xb8;
	[tilespmem:$0x1E700] =	vst v63  }
0x27a: {  	_ =	swait.ge @!p2 [sflag:s15], $0x1800  }
0x27b: {  	s7 =	sadd.s32 @!p2 $0x80, s26;
	[sflag:s15] =	ssyncset.done @!p2 $0x0  }
.Ltmp7:
0x27c: {  	s21 =	simm.s32 @!p2 $0x3;
	[sflag:s15] =	ssyncadd.s32 @!p2 $0xFFFFE800;
	(pc) =	sbr.rel .LBB2_22-.Ltmp7, $4  }
0x27d: {  	[spmem:s4] =	stream.indirect.scatter.add.f32 @!p2 [tilespmem:s2], [sflag:$0x3], $0x30, s7, s0, $0xb8;
	[tilespmem:$0x1E700] =	vst v63  }
0x27e: {  	_ =	swait.ge @!p2 [sflag:s21], $0x1800  }
0x27f: {  	[sflag:s21] =	ssyncset.done @!p2 $0x0  }
0x280: {  	[sflag:s21] =	ssyncadd.s32 @!p2 $0xFFFFE800  }
.LBB2_14:
.Ltmp8:
0x281: {  	(pc) =	sbr.rel @p1 .LBB2_22-.Ltmp8, $3  }
0x282: {  	_ =	sdelay $0x1  }
0x283: {  	s0 =	simm.s32 $0x0  }
0x284: {  	[tilespmem:s22], [sflag:$0x1] =	stream.indirect.gather [hbm4b:s3+s28], $0x30, s0, s28, $0xb8;
	[tilespmem:$0x1E700] =	vst v63  }
0x285: {  	p2 =	sgt.s32 s12, $0x1  }
.Ltmp9:
0x286: {  	_ = 	snop;
	(pc) =	sbr.rel @!p2 .LBB2_16-.Ltmp9, $3  }
0x287: {  	_ =	sdelay $0x1  }
0x288: {  	s26 =	simm.s32 $0x2780  }
0x289: {  	s29 =	simm.s32 $0x1;
	p5 =	sle.s32 s6, $0x1;
	p3 =	por $0x0, $0x0  }
0x28a: {  	s0 =	simm.s32 @!p5 $0x80;
	s2 =	simm.s32 @!p5 $0x6700;
	p2 =	por p5, p5  }
0x28b: {  	[tilespmem:s2], [sflag:$0x2] =	stream.indirect.gather @!p2 [hbm4b:s3+s0], $0x30, s28, s0, $0xb8;
	[tilespmem:$0x1E700] =	vst v63  }
0x28c: {  	_ =	swait.ge [sflag:s11], $0x1800  }
0x28d: {  	[sflag:s11] =	ssyncset.done $0x0  }
0x28e: {  	p3 =	sle.s32 s6, $0x2;
	[sflag:s11] =	ssyncadd.s32 $0xFFFFE800  }
0x28f: {  	[spmem:s4] =	stream.indirect.scatter.add.f32 [tilespmem:s22], [sflag:$0x4], $0x30, s26, s23, $0xb8;
	[tilespmem:$0x1E700] =	vst v63  }
0x290: {  	s30 =	simm.s32 $0x2;
	p4 =	sgt.s32 s12, $0x2;
	_ =	swait.ge [sflag:s24], $0x1800  }
0x291: {  	s7 =	simm.s32 @!p3 $0x100;
	s15 =	simm.s32 @!p2 $0x2;
	[sflag:s24] =	ssyncset.done $0x0  }
0x292: {  	s21 =	simm.s32 @!p3 $0x80;
	s26 =	simm.s32 @!p3 $0x4F00;
	[sflag:s24] =	ssyncadd.s32 $0xFFFFE800  }
0x293: {  	[tilespmem:s26], [sflag:$0x1] =	stream.indirect.gather @!p3 [hbm4b:s3+s21], $0x30, s7, s21, $0xb8;
	[tilespmem:$0x1E700] =	vst v63  }
.Ltmp10:
0x294: {  	s29 =	simm.s32 $0x3;
	_ =	swait.ge @!p2 [sflag:s15], $0x1800;
	(pc) =	sbr.rel @!p4 .LBB2_18-.Ltmp10, $4  }
0x295: {  	p5 =	sle.s32 s6, $0x3;
	s31 =	simm.s32 @!p2 $0x3;
	[sflag:s15] =	ssyncset.done @!p2 $0x0  }
0x296: {  	s28 =	simm.s32 $0x180;
	s7 =	simm.s32 @!p2 $0x2800;
	[sflag:s15] =	ssyncadd.s32 @!p2 $0xFFFFE800  }
0x297: {  	[spmem:s4] =	stream.indirect.scatter.add.f32 @!p2 [tilespmem:s2], [sflag:$0x3], $0x30, s7, s0, $0xb8;
	[tilespmem:$0x1E700] =	vst v63  }
0x298: {  	s26 =	simm.s32 $0x2880;
	p3 =	por $0x1, $0x1;
	_ =	swait.ge @!p2 [sflag:s31], $0x1800  }
.LBB2_19:
0x299: {  	s0 =	simm.s32 @!p5 $0x80;
	s2 =	simm.s32 @!p5 $0x6700;
	[sflag:s31] =	ssyncset.done @!p2 $0x0  }
0x29a: {  	s30 =	sadd.s32 $0x1, s30;
	[sflag:s31] =	ssyncadd.s32 @!p2 $0xFFFFE800;
	p2 =	por p5, p5  }
0x29b: {  	[tilespmem:s2], [sflag:$0x2] =	stream.indirect.gather @!p2 [hbm4b:s3+s0], $0x30, s28, s0, $0xb8;
	[tilespmem:$0x1E700] =	vst v63  }
0x29c: {  	p4 =	slt.s32 s30, s12;
	_ =	swait.ge [sflag:s11], $0x1800  }
0x29d: {  	[sflag:s11] =	ssyncset.done $0x0  }
0x29e: {  	s7 =	sadd.s32 $0x1, s29;
	[sflag:s11] =	ssyncadd.s32 $0xFFFFE800  }
0x29f: {  	[spmem:s4] =	stream.indirect.scatter.add.f32 [tilespmem:s22], [sflag:$0x4], $0x30, s26, s23, $0xb8;
	[tilespmem:$0x1E700] =	vst v63  }
0x2a0: {  	p5 =	sge.s32 s7, s6;
	_ =	swait.ge [sflag:s24], $0x1800  }
0x2a1: {  	s7 =	sadd.s32 @!p5 $0x80, s28;
	s15 =	simm.s32 @!p2 $0x2;
	[sflag:s24] =	ssyncset.done $0x0  }
0x2a2: {  	s21 =	simm.s32 @!p5 $0x80;
	s31 =	simm.s32 @!p5 $0x4F00;
	[sflag:s24] =	ssyncadd.s32 $0xFFFFE800  }
0x2a3: {  	[tilespmem:s31], [sflag:$0x1] =	stream.indirect.gather @!p5 [hbm4b:s3+s21], $0x30, s7, s21, $0xb8;
	[tilespmem:$0x1E700] =	vst v63  }
.Ltmp11:
0x2a4: {  	_ =	swait.ge @!p2 [sflag:s15], $0x1800;
	(pc) =	sbr.rel @p4 .LBB2_19-.Ltmp11, $4  }
0x2a5: {  	s7 =	sadd.s32 @!p2 $0x80, s26;
	s31 =	simm.s32 @!p2 $0x3;
	[sflag:s15] =	ssyncset.done @!p2 $0x0  }
0x2a6: {  	s29 =	sadd.s32 $0x2, s29;
	s28 =	sadd.s32 $0x100, s28;
	[sflag:s15] =	ssyncadd.s32 @!p2 $0xFFFFE800  }
0x2a7: {  	[spmem:s4] =	stream.indirect.scatter.add.f32 @!p2 [tilespmem:s2], [sflag:$0x3], $0x30, s7, s0, $0xb8;
	[tilespmem:$0x1E700] =	vst v63  }
0x2a8: {  	p5 =	sge.s32 s29, s6;
	s26 =	sadd.s32 $0x100, s26;
	_ =	swait.ge @!p2 [sflag:s31], $0x1800  }
0x2a9: {  	s30 =	simm.s32 $0x280  }
.LBB2_21:
0x2aa: {  	p2 =	por p2, !p3  }
0x2ab: {  	s0 =	simm.s32 @!p5 $0x80;
	[sflag:s31] =	ssyncset.done @!p2 $0x0  }
0x2ac: {  	s2 =	simm.s32 @!p5 $0x6700;
	[sflag:s31] =	ssyncadd.s32 @!p2 $0xFFFFE800;
	p2 =	por p5, p5  }
0x2ad: {  	[tilespmem:s2], [sflag:$0x2] =	stream.indirect.gather @!p2 [hbm4b:s3+s0], $0x30, s28, s0, $0xb8;
	[tilespmem:$0x1E700] =	vst v63  }
0x2ae: {  	_ =	swait.ge [sflag:s11], $0x1800  }
0x2af: {  	[sflag:s11] =	ssyncset.done $0x0  }
0x2b0: {  	s7 =	sadd.s32 $0x1, s29;
	[sflag:s11] =	ssyncadd.s32 $0xFFFFE800  }
0x2b1: {  	[spmem:s4] =	stream.indirect.scatter.add.f32 [tilespmem:s22], [sflag:$0x4], $0x30, s26, s23, $0xb8;
	[tilespmem:$0x1E700] =	vst v63  }
0x2b2: {  	p3 =	sge.s32 s7, s6;
	_ =	swait.ge [sflag:s24], $0x1800  }
0x2b3: {  	s7 =	sadd.s32 @!p3 $0x80, s28;
	s21 =	simm.s32 @!p3 $0x80;
	[sflag:s24] =	ssyncset.done $0x0  }
0x2b4: {  	s15 =	simm.s32 @!p2 $0x2;
	s28 =	simm.s32 @!p3 $0x4F00;
	[sflag:s24] =	ssyncadd.s32 $0xFFFFE800  }
0x2b5: {  	[tilespmem:s28], [sflag:$0x1] =	stream.indirect.gather @!p3 [hbm4b:s3+s21], $0x30, s7, s21, $0xb8;
	[tilespmem:$0x1E700] =	vst v63  }
0x2b6: {  	_ =	swait.ge @!p2 [sflag:s15], $0x1800  }
0x2b7: {  	[sflag:s15] =	ssyncset.done @!p2 $0x0  }
0x2b8: {  	s7 =	sadd.s32 @!p2 $0x80, s26;
	s21 =	simm.s32 @!p2 $0x3;
	[sflag:s15] =	ssyncadd.s32 @!p2 $0xFFFFE800  }
0x2b9: {  	[spmem:s4] =	stream.indirect.scatter.add.f32 @!p2 [tilespmem:s2], [sflag:$0x3], $0x30, s7, s0, $0xb8;
	[tilespmem:$0x1E700] =	vst v63  }
0x2ba: {  	_ =	swait.ge @!p2 [sflag:s21], $0x1800  }
0x2bb: {  	[sflag:s21] =	ssyncset.done @!p2 $0x0  }
0x2bc: {  	[sflag:s21] =	ssyncadd.s32 @!p2 $0xFFFFE800  }
.LBB2_22:
0x2bd: {  	[bflag:$0x0] =	sbarrier.arrive $0xFFFF  }
0x2be: {  	[tilespmem:s20], [sflag:$0x3] =	stream.linear.gather [spmem:s8], $0x7800, $0x38;
	[tilespmem:$0x1E700] =	vst v63  }
0x2bf: {  	_ =	swait.ge [sflag:s18], $0x7800  }
0x2c0: {  	[sflag:s18] =	ssyncset.done $0x0  }
0x2c1: {  	s26 =	simm.s32 $0x0;
	s28 =	simm.s32 $0xF880;
	[sflag:s18] =	ssyncadd.s32 $0xFFFF8800  }
0x2c2: {  	s29 =	simm.s32 $0x10;
	v50 =	vadd.s32 s26, v0;
	v49 =	vld [tilespmem:s28+$0xFFFFFE80]  }
.LBB2_23:
0x2c3: {  	p2 =	sne.s32 s29, $0x270;
	_ =	sdelay $0x3  }
0x2c4: {  	[tilespmem:v50+s17+$0x0] =	vst.idx.msk $0xffff, v49  }
0x2c5: {  	v50 =	vadd.s32 s26, v1;
	v49 =	vld [tilespmem:s28+$0xFFFFFE90];
	_ =	sdelay $0x4  }
0x2c6: {  	[tilespmem:v50+s17+$0x0] =	vst.idx.msk $0xffff, v49  }
0x2c7: {  	v50 =	vadd.s32 s26, v2;
	v49 =	vld [tilespmem:s28+$0xFFFFFEA0];
	_ =	sdelay $0x4  }
0x2c8: {  	[tilespmem:v50+s17+$0x0] =	vst.idx.msk $0xffff, v49  }
0x2c9: {  	v50 =	vadd.s32 s26, v3;
	v49 =	vld [tilespmem:s28+$0xFFFFFEB0];
	_ =	sdelay $0x4  }
0x2ca: {  	[tilespmem:v50+s17+$0x0] =	vst.idx.msk $0xffff, v49  }
0x2cb: {  	v50 =	vadd.s32 s26, v4;
	v49 =	vld [tilespmem:s28+$0xFFFFFEC0];
	_ =	sdelay $0x4  }
0x2cc: {  	[tilespmem:v50+s17+$0x0] =	vst.idx.msk $0xffff, v49  }
0x2cd: {  	v50 =	vadd.s32 s26, v5;
	v49 =	vld [tilespmem:s28+$0xFFFFFED0];
	_ =	sdelay $0x4  }
0x2ce: {  	[tilespmem:v50+s17+$0x0] =	vst.idx.msk $0xffff, v49  }
0x2cf: {  	v50 =	vadd.s32 s26, v6;
	v49 =	vld [tilespmem:s28+$0xFFFFFEE0];
	_ =	sdelay $0x4  }
0x2d0: {  	[tilespmem:v50+s17+$0x0] =	vst.idx.msk $0xffff, v49  }
0x2d1: {  	v50 =	vadd.s32 s26, v7;
	v49 =	vld [tilespmem:s28+$0xFFFFFEF0];
	_ =	sdelay $0x4  }
0x2d2: {  	[tilespmem:v50+s17+$0x0] =	vst.idx.msk $0xffff, v49  }
0x2d3: {  	v50 =	vadd.s32 s26, v8;
	v49 =	vld [tilespmem:s28+$0xFFFFFF00];
	_ =	sdelay $0x4  }
0x2d4: {  	[tilespmem:v50+s17+$0x0] =	vst.idx.msk $0xffff, v49  }
0x2d5: {  	v50 =	vadd.s32 s26, v9;
	v49 =	vld [tilespmem:s28+$0xFFFFFF10];
	_ =	sdelay $0x4  }
0x2d6: {  	[tilespmem:v50+s17+$0x0] =	vst.idx.msk $0xffff, v49  }
0x2d7: {  	v50 =	vadd.s32 s26, v10;
	v49 =	vld [tilespmem:s28+$0xFFFFFF20];
	_ =	sdelay $0x4  }
0x2d8: {  	[tilespmem:v50+s17+$0x0] =	vst.idx.msk $0xffff, v49  }
0x2d9: {  	v50 =	vadd.s32 s26, v11;
	v49 =	vld [tilespmem:s28+$0xFFFFFF30];
	_ =	sdelay $0x4  }
0x2da: {  	[tilespmem:v50+s17+$0x0] =	vst.idx.msk $0xffff, v49  }
0x2db: {  	v50 =	vadd.s32 s26, v12;
	v49 =	vld [tilespmem:s28+$0xFFFFFF40];
	_ =	sdelay $0x4  }
0x2dc: {  	[tilespmem:v50+s17+$0x0] =	vst.idx.msk $0xffff, v49  }
0x2dd: {  	v50 =	vadd.s32 s26, v13;
	v49 =	vld [tilespmem:s28+$0xFFFFFF50];
	_ =	sdelay $0x4  }
0x2de: {  	[tilespmem:v50+s17+$0x0] =	vst.idx.msk $0xffff, v49  }
0x2df: {  	v50 =	vadd.s32 s26, v14;
	v49 =	vld [tilespmem:s28+$0xFFFFFF60];
	_ =	sdelay $0x4  }
0x2e0: {  	[tilespmem:v50+s17+$0x0] =	vst.idx.msk $0xffff, v49  }
0x2e1: {  	v50 =	vadd.s32 s26, v15;
	v49 =	vld [tilespmem:s28+$0xFFFFFF70];
	_ =	sdelay $0x4  }
0x2e2: {  	[tilespmem:v50+s17+$0x0] =	vst.idx.msk $0xffff, v49  }
0x2e3: {  	v50 =	vadd.s32 s26, v16;
	v49 =	vld [tilespmem:s28+$0xFFFFFF80];
	_ =	sdelay $0x4  }
0x2e4: {  	[tilespmem:v50+s17+$0x0] =	vst.idx.msk $0xffff, v49  }
0x2e5: {  	v50 =	vadd.s32 s26, v17;
	v49 =	vld [tilespmem:s28+$0xFFFFFF90];
	_ =	sdelay $0x4  }
0x2e6: {  	[tilespmem:v50+s17+$0x0] =	vst.idx.msk $0xffff, v49  }
0x2e7: {  	v50 =	vadd.s32 s26, v18;
	v49 =	vld [tilespmem:s28+$0xFFFFFFA0];
	_ =	sdelay $0x4  }
0x2e8: {  	[tilespmem:v50+s17+$0x0] =	vst.idx.msk $0xffff, v49  }
0x2e9: {  	v50 =	vadd.s32 s26, v19;
	v49 =	vld [tilespmem:s28+$0xFFFFFFB0];
	_ =	sdelay $0x4  }
0x2ea: {  	[tilespmem:v50+s17+$0x0] =	vst.idx.msk $0xffff, v49  }
0x2eb: {  	v50 =	vadd.s32 s26, v20;
	v49 =	vld [tilespmem:s28+$0xFFFFFFC0];
	_ =	sdelay $0x4  }
0x2ec: {  	[tilespmem:v50+s17+$0x0] =	vst.idx.msk $0xffff, v49  }
0x2ed: {  	v50 =	vadd.s32 s26, v21;
	v49 =	vld [tilespmem:s28+$0xFFFFFFD0];
	_ =	sdelay $0x4  }
0x2ee: {  	[tilespmem:v50+s17+$0x0] =	vst.idx.msk $0xffff, v49  }
0x2ef: {  	v50 =	vadd.s32 s26, v22;
	v49 =	vld [tilespmem:s28+$0xFFFFFFE0];
	_ =	sdelay $0x4  }
0x2f0: {  	[tilespmem:v50+s17+$0x0] =	vst.idx.msk $0xffff, v49  }
0x2f1: {  	v50 =	vadd.s32 s26, v23;
	v49 =	vld [tilespmem:s28+$0xFFFFFFF0];
	_ =	sdelay $0x4  }
0x2f2: {  	[tilespmem:v50+s17+$0x0] =	vst.idx.msk $0xffff, v49  }
0x2f3: {  	v50 =	vadd.s32 s26, v24;
	v49 =	vld [tilespmem:s28+$0x0];
	_ =	sdelay $0x4  }
0x2f4: {  	[tilespmem:v50+s17+$0x0] =	vst.idx.msk $0xffff, v49  }
0x2f5: {  	v50 =	vadd.s32 s26, v25;
	v49 =	vld [tilespmem:s28+$0x10];
	_ =	sdelay $0x4  }
0x2f6: {  	[tilespmem:v50+s17+$0x0] =	vst.idx.msk $0xffff, v49  }
0x2f7: {  	v50 =	vadd.s32 s26, v26;
	v49 =	vld [tilespmem:s28+$0x20];
	_ =	sdelay $0x4  }
0x2f8: {  	[tilespmem:v50+s17+$0x0] =	vst.idx.msk $0xffff, v49  }
0x2f9: {  	v50 =	vadd.s32 s26, v27;
	v49 =	vld [tilespmem:s28+$0x30];
	_ =	sdelay $0x4  }
0x2fa: {  	[tilespmem:v50+s17+$0x0] =	vst.idx.msk $0xffff, v49  }
0x2fb: {  	v50 =	vadd.s32 s26, v28;
	v49 =	vld [tilespmem:s28+$0x40];
	_ =	sdelay $0x4  }
0x2fc: {  	[tilespmem:v50+s17+$0x0] =	vst.idx.msk $0xffff, v49  }
0x2fd: {  	v50 =	vadd.s32 s26, v29;
	v49 =	vld [tilespmem:s28+$0x50];
	_ =	sdelay $0x4  }
0x2fe: {  	[tilespmem:v50+s17+$0x0] =	vst.idx.msk $0xffff, v49  }
0x2ff: {  	v50 =	vadd.s32 s26, v30;
	v49 =	vld [tilespmem:s28+$0x60];
	_ =	sdelay $0x4  }
0x300: {  	[tilespmem:v50+s17+$0x0] =	vst.idx.msk $0xffff, v49  }
0x301: {  	v50 =	vadd.s32 s26, v31;
	v49 =	vld [tilespmem:s28+$0x70];
	_ =	sdelay $0x4  }
0x302: {  	[tilespmem:v50+s17+$0x0] =	vst.idx.msk $0xffff, v49  }
0x303: {  	v50 =	vadd.s32 s26, v32;
	v49 =	vld [tilespmem:s28+$0x80];
	_ =	sdelay $0x4  }
0x304: {  	[tilespmem:v50+s17+$0x0] =	vst.idx.msk $0xffff, v49  }
0x305: {  	v50 =	vadd.s32 s26, v33;
	v49 =	vld [tilespmem:s28+$0x90];
	_ =	sdelay $0x4  }
0x306: {  	[tilespmem:v50+s17+$0x0] =	vst.idx.msk $0xffff, v49  }
0x307: {  	v50 =	vadd.s32 s26, v34;
	v49 =	vld [tilespmem:s28+$0xA0];
	_ =	sdelay $0x4  }
0x308: {  	[tilespmem:v50+s17+$0x0] =	vst.idx.msk $0xffff, v49  }
0x309: {  	v50 =	vadd.s32 s26, v35;
	v49 =	vld [tilespmem:s28+$0xB0];
	_ =	sdelay $0x4  }
0x30a: {  	[tilespmem:v50+s17+$0x0] =	vst.idx.msk $0xffff, v49  }
0x30b: {  	v50 =	vadd.s32 s26, v36;
	v49 =	vld [tilespmem:s28+$0xC0];
	_ =	sdelay $0x4  }
0x30c: {  	[tilespmem:v50+s17+$0x0] =	vst.idx.msk $0xffff, v49  }
0x30d: {  	v50 =	vadd.s32 s26, v37;
	v49 =	vld [tilespmem:s28+$0xD0];
	_ =	sdelay $0x4  }
0x30e: {  	[tilespmem:v50+s17+$0x0] =	vst.idx.msk $0xffff, v49  }
0x30f: {  	v50 =	vadd.s32 s26, v38;
	v49 =	vld [tilespmem:s28+$0xE0];
	_ =	sdelay $0x4  }
0x310: {  	[tilespmem:v50+s17+$0x0] =	vst.idx.msk $0xffff, v49  }
0x311: {  	v50 =	vadd.s32 s26, v39;
	v49 =	vld [tilespmem:s28+$0xF0];
	_ =	sdelay $0x4  }
0x312: {  	[tilespmem:v50+s17+$0x0] =	vst.idx.msk $0xffff, v49  }
0x313: {  	v50 =	vadd.s32 s26, v40;
	v49 =	vld [tilespmem:s28+$0x100];
	_ =	sdelay $0x4  }
0x314: {  	[tilespmem:v50+s17+$0x0] =	vst.idx.msk $0xffff, v49  }
0x315: {  	v50 =	vadd.s32 s26, v41;
	v49 =	vld [tilespmem:s28+$0x110];
	_ =	sdelay $0x4  }
0x316: {  	[tilespmem:v50+s17+$0x0] =	vst.idx.msk $0xffff, v49  }
0x317: {  	v50 =	vadd.s32 s26, v42;
	v49 =	vld [tilespmem:s28+$0x120];
	_ =	sdelay $0x4  }
0x318: {  	[tilespmem:v50+s17+$0x0] =	vst.idx.msk $0xffff, v49  }
0x319: {  	v50 =	vadd.s32 s26, v43;
	v49 =	vld [tilespmem:s28+$0x130];
	_ =	sdelay $0x4  }
0x31a: {  	[tilespmem:v50+s17+$0x0] =	vst.idx.msk $0xffff, v49  }
0x31b: {  	v50 =	vadd.s32 s26, v44;
	v49 =	vld [tilespmem:s28+$0x140];
	_ =	sdelay $0x4  }
0x31c: {  	[tilespmem:v50+s17+$0x0] =	vst.idx.msk $0xffff, v49  }
0x31d: {  	v50 =	vadd.s32 s26, v45;
	v49 =	vld [tilespmem:s28+$0x150];
	_ =	sdelay $0x4  }
0x31e: {  	[tilespmem:v50+s17+$0x0] =	vst.idx.msk $0xffff, v49  }
0x31f: {  	v50 =	vadd.s32 s26, v46;
	v49 =	vld [tilespmem:s28+$0x160];
	_ =	sdelay $0x4  }
0x320: {  	[tilespmem:v50+s17+$0x0] =	vst.idx.msk $0xffff, v49  }
0x321: {  	v50 =	vadd.s32 s26, v47;
	s26 =	smov.u32 s29;
	v49 =	vld [tilespmem:s28+$0x170];
	_ =	sdelay $0x1  }
.Ltmp12:
0x322: {  	(pc) =	sbr.rel @p2 .LBB2_23-.Ltmp12, $3  }
0x323: {  	_ =	sdelay $0x1  }
0x324: {  	s28 =	sadd.s32 $0x300, s28;
	[tilespmem:v50+s17+$0x0] =	vst.idx.msk $0xffff, v49  }
0x325: {  	s29 =	sadd.s32 $0x10, s29;
	v50 =	vadd.s32 s26, v0;
	v49 =	vld [tilespmem:s28+$0xFFFFFE80]  }
0x326: {  	_ =	sdelay $0x3  }
0x327: {  	[tilespmem:v50+s17+$0x0] =	vst.idx.msk $0xffff, v49  }
0x328: {  	v53 =	vadd.s32 s26, v1;
	v49 =	vld [tilespmem:s28+$0xFFFFFE90];
	_ =	sdelay $0x4  }
0x329: {  	[tilespmem:v53+s17+$0x0] =	vst.idx.msk $0xffff, v49  }
0x32a: {  	v54 =	vadd.s32 s26, v2;
	v49 =	vld [tilespmem:s28+$0xFFFFFEA0];
	_ =	sdelay $0x4  }
0x32b: {  	[tilespmem:v54+s17+$0x0] =	vst.idx.msk $0xffff, v49  }
0x32c: {  	v55 =	vadd.s32 s26, v3;
	v49 =	vld [tilespmem:s28+$0xFFFFFEB0];
	_ =	sdelay $0x4  }
0x32d: {  	[tilespmem:v55+s17+$0x0] =	vst.idx.msk $0xffff, v49  }
0x32e: {  	v56 =	vadd.s32 s26, v4;
	v49 =	vld [tilespmem:s28+$0xFFFFFEC0];
	_ =	sdelay $0x4  }
0x32f: {  	[tilespmem:v56+s17+$0x0] =	vst.idx.msk $0xffff, v49  }
0x330: {  	v57 =	vadd.s32 s26, v5;
	v49 =	vld [tilespmem:s28+$0xFFFFFED0];
	_ =	sdelay $0x4  }
0x331: {  	[tilespmem:v57+s17+$0x0] =	vst.idx.msk $0xffff, v49  }
0x332: {  	v58 =	vadd.s32 s26, v6;
	v49 =	vld [tilespmem:s28+$0xFFFFFEE0];
	_ =	sdelay $0x4  }
0x333: {  	[tilespmem:v58+s17+$0x0] =	vst.idx.msk $0xffff, v49  }
0x334: {  	v59 =	vadd.s32 s26, v7;
	v49 =	vld [tilespmem:s28+$0xFFFFFEF0];
	_ =	sdelay $0x4  }
0x335: {  	[tilespmem:v59+s17+$0x0] =	vst.idx.msk $0xffff, v49  }
0x336: {  	v60 =	vadd.s32 s26, v8;
	v49 =	vld [tilespmem:s28+$0xFFFFFF00];
	_ =	sdelay $0x4  }
0x337: {  	[tilespmem:v60+s17+$0x0] =	vst.idx.msk $0xffff, v49  }
0x338: {  	v61 =	vadd.s32 s26, v9;
	v49 =	vld [tilespmem:s28+$0xFFFFFF10];
	_ =	sdelay $0x4  }
0x339: {  	[tilespmem:v61+s17+$0x0] =	vst.idx.msk $0xffff, v49  }
0x33a: {  	v62 =	vadd.s32 s26, v10;
	v49 =	vld [tilespmem:s28+$0xFFFFFF20];
	_ =	sdelay $0x4  }
0x33b: {  	[tilespmem:v62+s17+$0x0] =	vst.idx.msk $0xffff, v49  }
0x33c: {  	v63 =	vadd.s32 s26, v11;
	v49 =	vld [tilespmem:s28+$0xFFFFFF30];
	_ =	sdelay $0x4  }
0x33d: {  	[tilespmem:v63+s17+$0x0] =	vst.idx.msk $0xffff, v49  }
0x33e: {  	v52 =	vadd.s32 s26, v12;
	v49 =	vld [tilespmem:s28+$0xFFFFFF40];
	_ =	sdelay $0x4  }
0x33f: {  	[tilespmem:v52+s17+$0x0] =	vst.idx.msk $0xffff, v49  }
0x340: {  	v53 =	vadd.s32 s26, v13;
	v49 =	vld [tilespmem:s28+$0xFFFFFF50];
	_ =	sdelay $0x4  }
0x341: {  	[tilespmem:v53+s17+$0x0] =	vst.idx.msk $0xffff, v49  }
0x342: {  	v54 =	vadd.s32 s26, v14;
	v49 =	vld [tilespmem:s28+$0xFFFFFF60];
	_ =	sdelay $0x4  }
0x343: {  	[tilespmem:v54+s17+$0x0] =	vst.idx.msk $0xffff, v49  }
0x344: {  	v55 =	vadd.s32 s26, v15;
	v49 =	vld [tilespmem:s28+$0xFFFFFF70];
	_ =	sdelay $0x4  }
0x345: {  	[tilespmem:v55+s17+$0x0] =	vst.idx.msk $0xffff, v49  }
0x346: {  	v56 =	vadd.s32 s26, v16;
	v49 =	vld [tilespmem:s28+$0xFFFFFF80];
	_ =	sdelay $0x4  }
0x347: {  	[tilespmem:v56+s17+$0x0] =	vst.idx.msk $0xffff, v49  }
0x348: {  	v57 =	vadd.s32 s26, v17;
	v49 =	vld [tilespmem:s28+$0xFFFFFF90];
	_ =	sdelay $0x4  }
0x349: {  	[tilespmem:v57+s17+$0x0] =	vst.idx.msk $0xffff, v49  }
0x34a: {  	v58 =	vadd.s32 s26, v18;
	v49 =	vld [tilespmem:s28+$0xFFFFFFA0];
	_ =	sdelay $0x4  }
0x34b: {  	[tilespmem:v58+s17+$0x0] =	vst.idx.msk $0xffff, v49  }
0x34c: {  	v59 =	vadd.s32 s26, v19;
	v49 =	vld [tilespmem:s28+$0xFFFFFFB0];
	_ =	sdelay $0x4  }
0x34d: {  	[tilespmem:v59+s17+$0x0] =	vst.idx.msk $0xffff, v49  }
0x34e: {  	v60 =	vadd.s32 s26, v20;
	v49 =	vld [tilespmem:s28+$0xFFFFFFC0];
	_ =	sdelay $0x4  }
0x34f: {  	[tilespmem:v60+s17+$0x0] =	vst.idx.msk $0xffff, v49  }
0x350: {  	v61 =	vadd.s32 s26, v21;
	v49 =	vld [tilespmem:s28+$0xFFFFFFD0];
	_ =	sdelay $0x4  }
0x351: {  	[tilespmem:v61+s17+$0x0] =	vst.idx.msk $0xffff, v49  }
0x352: {  	v62 =	vadd.s32 s26, v22;
	v49 =	vld [tilespmem:s28+$0xFFFFFFE0];
	_ =	sdelay $0x4  }
0x353: {  	[tilespmem:v62+s17+$0x0] =	vst.idx.msk $0xffff, v49  }
0x354: {  	v63 =	vadd.s32 s26, v23;
	v49 =	vld [tilespmem:s28+$0xFFFFFFF0];
	_ =	sdelay $0x4  }
0x355: {  	[tilespmem:v63+s17+$0x0] =	vst.idx.msk $0xffff, v49  }
0x356: {  	v52 =	vadd.s32 s26, v24;
	v49 =	vld [tilespmem:s28+$0x0];
	_ =	sdelay $0x4  }
0x357: {  	[tilespmem:v52+s17+$0x0] =	vst.idx.msk $0xffff, v49  }
0x358: {  	v53 =	vadd.s32 s26, v25;
	v49 =	vld [tilespmem:s28+$0x10];
	_ =	sdelay $0x4  }
0x359: {  	[tilespmem:v53+s17+$0x0] =	vst.idx.msk $0xffff, v49  }
0x35a: {  	v54 =	vadd.s32 s26, v26;
	v49 =	vld [tilespmem:s28+$0x20];
	_ =	sdelay $0x4  }
0x35b: {  	[tilespmem:v54+s17+$0x0] =	vst.idx.msk $0xffff, v49  }
0x35c: {  	v55 =	vadd.s32 s26, v27;
	v49 =	vld [tilespmem:s28+$0x30];
	_ =	sdelay $0x4  }
0x35d: {  	[tilespmem:v55+s17+$0x0] =	vst.idx.msk $0xffff, v49  }
0x35e: {  	v56 =	vadd.s32 s26, v28;
	v49 =	vld [tilespmem:s28+$0x40];
	_ =	sdelay $0x4  }
0x35f: {  	[tilespmem:v56+s17+$0x0] =	vst.idx.msk $0xffff, v49  }
0x360: {  	v57 =	vadd.s32 s26, v29;
	v49 =	vld [tilespmem:s28+$0x50];
	_ =	sdelay $0x4  }
0x361: {  	[tilespmem:v57+s17+$0x0] =	vst.idx.msk $0xffff, v49  }
0x362: {  	v58 =	vadd.s32 s26, v30;
	v49 =	vld [tilespmem:s28+$0x60];
	_ =	sdelay $0x4  }
0x363: {  	[tilespmem:v58+s17+$0x0] =	vst.idx.msk $0xffff, v49  }
0x364: {  	v59 =	vadd.s32 s26, v31;
	v49 =	vld [tilespmem:s28+$0x70];
	_ =	sdelay $0x4  }
0x365: {  	[tilespmem:v59+s17+$0x0] =	vst.idx.msk $0xffff, v49  }
0x366: {  	v60 =	vadd.s32 s26, v32;
	v49 =	vld [tilespmem:s28+$0x80];
	_ =	sdelay $0x4  }
0x367: {  	[tilespmem:v60+s17+$0x0] =	vst.idx.msk $0xffff, v49  }
0x368: {  	v61 =	vadd.s32 s26, v33;
	v49 =	vld [tilespmem:s28+$0x90];
	_ =	sdelay $0x4  }
0x369: {  	[tilespmem:v61+s17+$0x0] =	vst.idx.msk $0xffff, v49  }
0x36a: {  	v62 =	vadd.s32 s26, v34;
	v49 =	vld [tilespmem:s28+$0xA0];
	_ =	sdelay $0x4  }
0x36b: {  	[tilespmem:v62+s17+$0x0] =	vst.idx.msk $0xffff, v49  }
0x36c: {  	v63 =	vadd.s32 s26, v35;
	v49 =	vld [tilespmem:s28+$0xB0];
	_ =	sdelay $0x4  }
0x36d: {  	[tilespmem:v63+s17+$0x0] =	vst.idx.msk $0xffff, v49  }
0x36e: {  	v52 =	vadd.s32 s26, v36;
	v49 =	vld [tilespmem:s28+$0xC0];
	_ =	sdelay $0x4  }
0x36f: {  	[tilespmem:v52+s17+$0x0] =	vst.idx.msk $0xffff, v49  }
0x370: {  	v53 =	vadd.s32 s26, v37;
	v49 =	vld [tilespmem:s28+$0xD0];
	_ =	sdelay $0x4  }
0x371: {  	[tilespmem:v53+s17+$0x0] =	vst.idx.msk $0xffff, v49  }
0x372: {  	v54 =	vadd.s32 s26, v38;
	v49 =	vld [tilespmem:s28+$0xE0];
	_ =	sdelay $0x4  }
0x373: {  	[tilespmem:v54+s17+$0x0] =	vst.idx.msk $0xffff, v49  }
0x374: {  	v55 =	vadd.s32 s26, v39;
	v49 =	vld [tilespmem:s28+$0xF0];
	_ =	sdelay $0x4  }
0x375: {  	[tilespmem:v55+s17+$0x0] =	vst.idx.msk $0xffff, v49  }
0x376: {  	v56 =	vadd.s32 s26, v40;
	v49 =	vld [tilespmem:s28+$0x100];
	_ =	sdelay $0x4  }
0x377: {  	[tilespmem:v56+s17+$0x0] =	vst.idx.msk $0xffff, v49  }
0x378: {  	v57 =	vadd.s32 s26, v41;
	v49 =	vld [tilespmem:s28+$0x110];
	_ =	sdelay $0x4  }
0x379: {  	[tilespmem:v57+s17+$0x0] =	vst.idx.msk $0xffff, v49  }
0x37a: {  	v58 =	vadd.s32 s26, v42;
	v49 =	vld [tilespmem:s28+$0x120];
	_ =	sdelay $0x4  }
0x37b: {  	[tilespmem:v58+s17+$0x0] =	vst.idx.msk $0xffff, v49  }
0x37c: {  	v59 =	vadd.s32 s26, v43;
	v49 =	vld [tilespmem:s28+$0x130];
	_ =	sdelay $0x4  }
0x37d: {  	[tilespmem:v59+s17+$0x0] =	vst.idx.msk $0xffff, v49  }
0x37e: {  	v60 =	vadd.s32 s26, v44;
	v49 =	vld [tilespmem:s28+$0x140];
	_ =	sdelay $0x4  }
0x37f: {  	[tilespmem:v60+s17+$0x0] =	vst.idx.msk $0xffff, v49  }
0x380: {  	v61 =	vadd.s32 s26, v45;
	v49 =	vld [tilespmem:s28+$0x150];
	_ =	sdelay $0x4  }
0x381: {  	[tilespmem:v61+s17+$0x0] =	vst.idx.msk $0xffff, v49  }
0x382: {  	v62 =	vadd.s32 s26, v46;
	v49 =	vld [tilespmem:s28+$0x160];
	_ =	sdelay $0x4  }
0x383: {  	[tilespmem:v62+s17+$0x0] =	vst.idx.msk $0xffff, v49  }
0x384: {  	v63 =	vadd.s32 s26, v47;
	v49 =	vld [tilespmem:s28+$0x170];
	_ =	sdelay $0x3  }
0x385: {  	s25 =	sadd.s32 $0x1, s25  }
0x386: {  	p2 =	sne.s32 s25, s14;
	[tilespmem:v63+s17+$0x0] =	vst.idx.msk $0xffff, v49  }
0x387: {  	[hbm4b:s13+s30] =	stream.strided.scatter [tilespmem:s17], [sflag:$0x3], $0x7800, s16, s30, $0x38;
	[tilespmem:$0x1E700] =	vst v63  }
.Ltmp13:
0x388: {  	_ = 	snop;
	(pc) =	sbr.rel @p2 .LBB2_1-.Ltmp13, $4  }
.Ltmp14:
0x389: {  	_ = 	snop;
	(pc) =	sbr.rel @!p2 .LBB2_25-.Ltmp14, $4  }
0x38a: {  	_ =	swait.ge [sflag:s18], $0x7800  }
0x38b: {  	[sflag:s18] =	ssyncset.done $0x0  }
0x38c: {  	[sflag:s18] =	ssyncadd.s32 $0xFFFF8800  }
0x38d: {  	_ = 	snop  }
.LBB2_8:
.Ltmp15:
0x38e: {  	(pc) =	sbr.rel .LBB2_13-.Ltmp15, $2  }
0x38f: {  	_ =	sdelay $0x2  }
0x390: {  	_ = 	snop  }
.LBB2_16:
.Ltmp16:
0x391: {  	(pc) =	sbr.rel .LBB2_21-.Ltmp16, $2  }
0x392: {  	_ =	sdelay $0x2  }
0x393: {  	_ = 	snop  }
.LBB2_10:
.Ltmp17:
0x394: {  	(pc) =	sbr.rel .LBB2_13-.Ltmp17, $2  }
0x395: {  	_ =	sdelay $0x2  }
0x396: {  	s30 =	simm.s32 $0x280  }
.LBB2_18:
.Ltmp18:
0x397: {  	(pc) =	sbr.rel .LBB2_21-.Ltmp18, $2  }
0x398: {  	_ =	sdelay $0x2  }
0x399: {  	s30 =	simm.s32 $0x280  }
.LBB2_25:
0x39a: {  	_ =	sfence.sel $0x180000  }
0x39b: {  	[bflag:$0x0] =	sbarrier.arrive $0xFFFF  }
0x39c: {  	_ =	strace $0x9000004D  }
0x39d: {  	s0 =	stileid.u32;
	[bflag:$0x2] =	sbarrier.arrive $0xFFFF  }
0x39e: {  	p0 =	sne.s32 s0, $0x0;
	s0 =	rddreg [dreg:$0x4]  }
0x39f: {  	s0 =	sadd.s32 @!p0 $0x100000, s0  }
0x3a0: {  	[sflag:s0] =	ssyncadd.tile.s32 @!p0 $0x1;
	_ =	shalt  }
.Lfunc_end2:
_tile_overlayer_lowered:
.L_overlay_start_2:
0x3a1: {  	(tag) =	ssettag $0x2  }
0x3a2: {  	s0 =	rddreg [dreg:$0x0];
	s2 =	stileid.u32  }
0x3a3: {  	s1 =	rddreg [dreg:$0x1];
	p0 =	sne.s32 s2, $0x0  }
0x3a4: {  	s3 =	rddreg [dreg:$0x2];
	[bflag:$0x3] =	sbarrier.arrive $0xFFFF;
	s2 =	simm.s32 @!p0 $0x1C03  }
0x3a5: {  	[timem:s3], [sflag:s2] =	dma.local @!p0 [hbm:s0], s1  }
0x3a6: {  	s0 =	simm.s32 @!p0 $0x3  }
0x3a7: {  	_ =	swait.ge @!p0 [sflag:s0], s1  }
0x3a8: {  	s1 =	ssub.s32 @!p0 $0x0, s1;
	[sflag:s0] =	ssyncset.done @!p0 $0x0  }
0x3a9: {  	[sflag:s0] =	ssyncadd.s32 @!p0 s1  }
0x3aa: {  	[bflag:$0x3] =	sbarrier.arrive $0xFFFF  }
0x3ab: {  	_ =	shalt  }

// kernel: kernel.8.cloned.1.call-start
scs
__scs_entry_jumppad:
0x0: {  	(pc) =	sbr.rel $0x88, $3  }
0x1: {  	(tag) =	ssettag $0x0;
	lr =	simm.s32 $0x1  }
0x2: {  	[smem:$0x3F9B] =	sst lr;
	_ =	strace $0xD0000000  }
0x3: {  	_ = 	snop  }
0x4: {  	_ = 	snop  }
0x5: {  	_ = 	snop  }
0x6: {  	_ = 	snop  }
0x7: {  	_ = 	snop  }
__scs_overlays_trampoline_lowered:
0x8: {  	[smem:$0x3FAA] =	sst s0  }
0x9: {  	[smem:$0x3FAB] =	sst s1  }
0xa: {  	[smem:$0x3FAC] =	sst s2  }
0xb: {  	[smem:$0x3FAD] =	sst s3  }
0xc: {  	[smem:$0x3FAE] =	sst s4  }
0xd: {  	[smem:$0x3FAF] =	sst s5  }
0xe: {  	[smem:$0x3FB0] =	sst s6  }
0xf: {  	[smem:$0x3FB1] =	sst s7  }
0x10: {  	[smem:$0x3FB2] =	sst s8  }
0x11: {  	[smem:$0x3FB3] =	sst s9;
	s0 =	simm.s32 @!p0 $0x0  }
0x12: {  	s1 =	sld [smem:$0x3F99];
	s0 =	simm.s32 @p0 $0x1  }
0x13: {  	[smem:$0x3FB4] =	sst s0;
	s0 =	simm.s32 @!p1 $0x0  }
0x14: {  	s2 =	sld [smem:$0x3F98];
	s0 =	simm.s32 @p1 $0x1  }
0x15: {  	[smem:$0x3FB5] =	sst s0;
	s0 =	simm.s32 @!p2 $0x0  }
0x16: {  	s3 =	sld [smem:$0x3FDB];
	s0 =	simm.s32 @p2 $0x1  }
0x17: {  	s4 =	simm.s32 $0x1BF5;
	[smem:$0x3FB7] =	sst s0  }
0x18: {  	s0 =	sld [smem:$0x3F9A];
	_ =	swait.ge [sflag:s4], $0x0  }
0x19: {  	s7 =	sld [smem:$0x3F9B]  }
0x1a: {  	s8 =	sadd.s32 $0xFFFFE003, lr  }
0x1b: {  	s9 =	sadd.s32 $0xFFFFFEF7, lr;
	s5 =	simm.s32 $0xFFFFFFFF;
	p2 =	slt.u32 s8, $0xFFFFF086  }
0x1c: {  	p1 =	slt.u32 s9, $0xF7A;
	s5 =	simm.s32 @!p2 $0x0  }
0x1d: {  	s5 =	simm.s32 @p1 $0x1;
	p0 =	seq.s32 s7, s2  }
0x1e: {  	s7 =	smul.u32 @!p0 $0xF7A, s2;
	p2 =	seq.s32 @!p0 s5, $0x0  }
0x1f: {  	s9 =	smul.u32 $0xF7A, s1;
	s8 =	simm.s32 @!p0 $0x1BF5;
	p2 =	por !p2, p0  }
0x20: {  	[sflag:s8] =	ssyncset.s32 @!p0 $0xFFFFF086;
	s6 =	sadd.s32 @!p0 s3, s7;
	s7 =	simm.s32 @!p0 $0x108  }
0x21: {  	s3 =	sadd.s32 s3, s9;
	s6 =	sadd.s32 @!p0 $0x88, s6;
	s7 =	simm.s32 @p2 $0x1082  }
0x22: {  	[simem:s7], [sflag:s8] =	dma.local @!p0 [hbm:s6], $0xF7A  }
0x23: {  	s9 =	sor.u32 $0xD0000000, s2;
	s6 =	simm.s32 $0x108;
	_ =	swait.ge @!p0 [sflag:s8], $0x0  }
0x24: {  	s3 =	sadd.s32 $0x88, s3;
	s6 =	simm.s32 @!p1 $0x1082;
	[sflag:s4] =	ssyncset.s32 $0xFFFFF086  }
0x25: {  	[simem:s6], [sflag:s4] =	dma.local [hbm:s3], $0xF7A  }
0x26: {  	[smem:$0x3F9B] =	sst s1;
	(tag) =	ssettag s2;
	_ =	strace s9  }
0x27: {  	s1 =	sld [smem:$0x3FAB]  }
0x28: {  	s2 =	sld [smem:$0x3FAC]  }
0x29: {  	s4 =	sld [smem:$0x3FAE]  }
0x2a: {  	p0 =	seq.s32 s5, $0x0;
	s5 =	sld [smem:$0x3FAF]  }
0x2b: {  	s6 =	sld [smem:$0x3FB0]  }
0x2c: {  	s7 =	sld [smem:$0x3FB1]  }
0x2d: {  	s3 =	simm.s32 $0x108;
	s8 =	sld [smem:$0x3FB2]  }
0x2e: {  	s3 =	simm.s32 @!p0 $0x1082;
	s9 =	sld [smem:$0x3FB3]  }
0x2f: {  	lr =	sadd.s32 s0, s3;
	s0 =	sld [smem:$0x3FAA]  }
0x30: {  	s3 =	sld [smem:$0x3FAD]  }
0x31: {  	[smem:$0x3FB6] =	sst s10  }
0x32: {  	s10 =	sld [smem:$0x3FB4];
	_ =	sdelay $0x3  }
0x33: {  	p0 =	seq.s32 s10, $0x1;
	s10 =	sld [smem:$0x3FB6];
	_ =	sdelay $0x3  }
0x34: {  	[smem:$0x3FB6] =	sst s10  }
0x35: {  	s10 =	sld [smem:$0x3FB5];
	_ =	sdelay $0x3  }
0x36: {  	p1 =	seq.s32 s10, $0x1;
	s10 =	sld [smem:$0x3FB6];
	_ =	sdelay $0x3  }
0x37: {  	[smem:$0x3FB6] =	sst s10  }
0x38: {  	s10 =	sld [smem:$0x3FB7]  }
0x39: {  	_ = 	snop;
	(pc) =	sbr.ind lr, $3  }
0x3a: {  	_ = 	snop  }
0x3b: {  	_ = 	snop  }
0x3c: {  	p2 =	seq.s32 s10, $0x1;
	s10 =	sld [smem:$0x3FB6]  }
0x3d: {  	_ =	shalt  }
0x3e: {  	_ =	shalt  }
0x3f: {  	_ =	shalt  }
0x40: {  	_ =	shalt  }
0x41: {  	_ =	shalt  }
0x42: {  	_ =	shalt  }
0x43: {  	_ =	shalt  }
0x44: {  	_ =	shalt  }
0x45: {  	_ =	shalt  }
0x46: {  	_ =	shalt  }
0x47: {  	_ =	shalt  }
0x48: {  	_ =	shalt  }
0x49: {  	_ =	shalt  }
0x4a: {  	_ =	shalt  }
0x4b: {  	_ =	shalt  }
0x4c: {  	_ =	shalt  }
0x4d: {  	_ =	shalt  }
0x4e: {  	_ =	shalt  }
0x4f: {  	_ =	shalt  }
0x50: {  	_ =	shalt  }
0x51: {  	_ =	shalt  }
0x52: {  	_ =	shalt  }
0x53: {  	_ =	shalt  }
0x54: {  	_ =	shalt  }
0x55: {  	_ =	shalt  }
0x56: {  	_ =	shalt  }
0x57: {  	_ =	shalt  }
0x58: {  	_ =	shalt  }
0x59: {  	_ =	shalt  }
0x5a: {  	_ =	shalt  }
0x5b: {  	_ =	shalt  }
0x5c: {  	_ =	shalt  }
0x5d: {  	_ =	shalt  }
0x5e: {  	_ =	shalt  }
0x5f: {  	_ =	shalt  }
0x60: {  	_ =	shalt  }
0x61: {  	_ =	shalt  }
0x62: {  	_ =	shalt  }
0x63: {  	_ =	shalt  }
0x64: {  	_ =	shalt  }
0x65: {  	_ =	shalt  }
0x66: {  	_ =	shalt  }
0x67: {  	_ =	shalt  }
0x68: {  	_ =	shalt  }
0x69: {  	_ =	shalt  }
0x6a: {  	_ =	shalt  }
0x6b: {  	_ =	shalt  }
0x6c: {  	_ =	shalt  }
0x6d: {  	_ =	shalt  }
0x6e: {  	_ =	shalt  }
0x6f: {  	_ =	shalt  }
0x70: {  	_ =	shalt  }
0x71: {  	_ =	shalt  }
0x72: {  	_ =	shalt  }
0x73: {  	_ =	shalt  }
0x74: {  	_ =	shalt  }
0x75: {  	_ =	shalt  }
0x76: {  	_ =	shalt  }
0x77: {  	_ =	shalt  }
0x78: {  	_ =	shalt  }
0x79: {  	_ =	shalt  }
0x7a: {  	_ =	shalt  }
0x7b: {  	_ =	shalt  }
0x7c: {  	_ =	shalt  }
0x7d: {  	_ =	shalt  }
0x7e: {  	_ =	shalt  }
0x7f: {  	_ =	shalt  }
0x80: {  	_ =	shalt  }
0x81: {  	_ =	shalt  }
0x82: {  	_ =	shalt  }
0x83: {  	_ =	shalt  }
0x84: {  	_ =	shalt  }
0x85: {  	_ =	shalt  }
0x86: {  	_ =	shalt  }
0x87: {  	_ =	shalt  }
.Lfunc_end0:
.L_simem_size_0:
called_computation_lowered:
.L_overlay_start_0:
0x88: {  	s2 =	sld [smem:$0x3FD9]  }
0x89: {  	s3 =	sld [smem:$0x3FFE];
	_ =	sdelay $0x1  }
0x8a: {  	s1 =	srdreg.scid  }
0x8b: {  	s0 =	sand.u32 $0x1, s1  }
0x8c: {  	s17 =	sshll.u32 s0, $0xA;
	s2 =	sadd.s32 s3, s2  }
0x8d: {  	s2 =	sadd.s32 s2, s17  }
0x8e: {  	[smem:$0x3FC2] =	sst s2  }
0x8f: {  	_ = 	snop  }
0x90: {  	s2 =	sld [smem:$0x3FD0];
	(tm) =	ssettm $0x1  }
0x91: {  	s18 =	sld [smem:$0x3FFB];
	_ =	sdelay $0x3  }
0x92: {  	_ =	strace s18  }
0x93: {  	s3 =	sld [smem:$0x3FFC];
	_ =	sdelay $0x3  }
0x94: {  	_ =	strace s3  }
0x95: {  	s3 =	sld [smem:$0x3FFD];
	_ =	sdelay $0x3  }
0x96: {  	_ =	strace s3  }
0x97: {  	_ =	strace $0x8FFFFFFF  }
0x98: {  	s19 =	sld [smem:$0x3FDB];
	_ =	sdelay $0x1  }
0x99: {  	s4 =	simm.s32 $_scs_section_size  }
0x9a: {  	s5 =	simm.s32 $_size__tile_overlayer_lowered;
	s6 =	simm.s32 $_tile_overlayer_lowered  }
0x9b: {  	s22 =	simm.s32 $0x1BFF;
	s21 =	sshll.u32 s6, $0x1;
	s3 =	sadd.s32 s4, s19  }
0x9c: {  	s7 =	simm.s32 $0x0;
	s20 =	sshll.u32 s5, $0x1;
	s5 =	sadd.s32 s21, s3  }
0x9d: {  	[timem:s7], [sflag:s22] =	dma.local [hbm:s5], s20  }
0x9e: {  	_ =	swait.ge [sflag:s22], s20  }
0x9f: {  	s4 =	ssub.s32 $0x0, s20;
	[sflag:s22] =	ssyncset.done $0x0  }
0xa0: {  	[sflag:s22] =	ssyncadd.s32 s4;
	_ =	sdelay $0x1  }
0xa1: {  	s23 =	simm.s32 $0x1B8B  }
0xa2: {  	_ =	swait.ge [sflag:s23], $0x1  }
0xa3: {  	[sflag:s23] =	ssyncset.done $0x0  }
0xa4: {  	s25 =	simm.s32 $0x1B8E;
	s24 =	sld [smem:$0x3FFE];
	[sflag:s23] =	ssyncadd.s32 $0xFFFFFFFF  }
0xa5: {  	s26 =	simm.s32 $execute0_lowered;
	[smem:$0x3FD2] =	sst s25  }
0xa6: {  	s5 =	sshll.u32 s26, $0x1;
	_ =	strace $0x80000046;
	[dreg:$0x1] =	wrdreg $0xFFFFFFFF  }
0xa7: {  	s28 =	simm.s32 $_size_execute0_lowered;
	s3 =	sadd.s32 s3, s5;
	[dreg:$0x0] =	wrdreg $0x0  }
0xa8: {  	s5 =	sshll.u32 s28, $0x1;
	[dreg:$0x2] =	wrdreg s3  }
0xa9: {  	[dreg:$0x3] =	wrdreg s5  }
0xaa: {  	[dreg:$0x4] =	wrdreg $0xC0  }
0xab: {  	_ =	task [dreg:s7], $0x5FFFF  }
0xac: {  	[dreg:$0x1] =	wrdreg $0xFFFFFFFF  }
0xad: {  	[dreg:$0x0] =	wrdreg $0x60  }
0xae: {  	[dreg:$0x2] =	wrdreg s24  }
0xaf: {  	[dreg:$0x3] =	wrdreg s2  }
0xb0: {  	[dreg:$0x4] =	wrdreg $0x2A800  }
0xb1: {  	[dreg:$0x5] =	wrdreg $0x9  }
0xb2: {  	_ =	task.clear_ibuf [dreg:s7], $0x6FFFF;
	_ =	strace $0x90000046  }
0xb3: {  	s29 =	simm.s32 $0x9;
	_ =	strace $0x80000048  }
0xb4: {  	_ =	swait.ge [sflag:s29], $0x1  }
0xb5: {  	[sflag:s29] =	ssyncadd.s32 $0xFFFFFFFF  }
0xb6: {  	_ =	strace $0x90000048  }
0xb7: {  	_ =	sfence  }
0xb8: {  	s30 =	sld [smem:$0x0];
	_ =	sdelay $0x2  }
0xb9: {  	s31 =	sshll.u32 s1, $0xD;
	s1 =	sshrl.u32 s1, $0x2  }
0xba: {  	s3 =	sand.u32 $0x4000, s31;
	s1 =	sadd.s32 s1, s30  }
0xbb: {  	s0 =	sor.u32 s3, s0;
	s1 =	sshll.u32 s1, $0x11  }
0xbc: {  	s0 =	sor.u32 s1, s0  }
0xbd: {  	s0 =	sadd.s32 $0x8F2B, s0  }
0xbe: {  	[sflag:s0] =	ssyncadd.remote.s32 $0x1  }
0xbf: {  	_ =	sfence.sel $0xFFFF  }
0xc0: {  	[dreg:$0x0] =	wrdreg $0xFFFFFFFF;
	(pc) =	sbr.abs _section_cstart, $3  }
0xc1: {  	[dreg:$0x1] =	wrdreg $0xFFFFFFFF  }
0xc2: {  	_ =	task.clear_ibuf [dreg:s7], $0x2FFFF;
	_ =	strace $0x9FFFFFFF  }
0xc3: {  	(tm) =	ssettm $0x7FFFFFFF  }
tec
execute0_lowered:
.L_overlay_start_1:
0x0: {  	(tag) =	ssettag $0x1  }
0x1: {  	s4 =	rddreg [dreg:$0x0]  }
0x2: {  	s7 =	rddreg [dreg:$0x1]  }
0x3: {  	s0 =	srdreg.scid;
	s2 =	rddreg [dreg:$0x2]  }
0x4: {  	s3 =	simm.s32 $0x0;
	s12 =	simm.s32 $0x2780;
	s15 =	simm.s32 $0x0  }
0x5: {  	s5 =	sand.u32 $0x1, s0;
	s0 =	stileid.u32;
	[smem:$0x7FF] =	sst s3  }
0x6: {  	s1 =	sshll.u32 s5, $0x4;
	s9 =	smul.u32 $0x280, s0;
	s11 =	ssub.s32 $0x2, s5  }
0x7: {  	s5 =	smul.u32 $0x2800, s5;
	s13 =	sshll.u32 s0, $0x6;
	s6 =	sor.u32 s0, s1  }
0x8: {  	s1 =	rddreg [dreg:$0x3];
	_ =	strace $0x80000047;
	s28 =	sshrl.u32 s11, $0x1  }
0x9: {  	s13 =	sor.u32 $0x1C01, s13;
	s6 =	smul.u32 $0x9C4, s6;
	s11 =	ssub.s32 s11, s28  }
0xa: {  	s30 =	sadd.s32 s9, s5;
	s5 =	sadd.s32 s9, s2;
	s9 =	simm.s32 $0x2800  }
.Ltmp0:
0xb: {  	s31 =	sshrl.u32 s30, $0x3;
	s8 =	sshrl.u32 s6, $0x5;
	(pc) =	sbr.rel .LBB2_1-.Ltmp0, $4  }
0xc: {  	s14 =	sshrl.u32 s5, $0x3;
	s6 =	sadd.s32 $0x9C4, s6;
	s10 =	sshll.u32 s8, $0x4  }
0xd: {  	s7 =	sadd.s32 s7, s31;
	s29 =	sshrl.u32 s6, $0x5;
	s10 =	sadd.s32 s10, s4  }
0xe: {  	s4 =	ssub.s32 s29, s8;
	s8 =	smax.u32 s11, $0x1;
	s11 =	simm.s32 $0x80  }
0xf: {  	v0 =	vimm.f32 $1.000000000e+00;
	v1 =	vimm.f32 $0.0e+00;
	s6 =	sadd.s32 $0xB440, s10;
	p0 =	slt.s32 s4, $0x1;
	s10 =	simm.s32 $0x1  }
.LBB2_4:
0x10: {  	[sflag:s10] =	ssyncadd.s32 $0xFFFFFF80  }
.LBB2_5:
0x11: {  	s15 =	sadd.s32 $0x1, s15  }
0x12: {  	p1 =	sne.s32 s15, s8  }
.Ltmp1:
0x13: {  	[bflag:$0x0] =	sbarrier.arrive $0xFFFF;
	(pc) =	sbr.rel @!p1 .LBB2_6-.Ltmp1, $4  }
0x14: {  	[hbm:s7], [sflag:s13] =	dma.local [spmem:s14], $0x50  }
0x15: {  	_ =	swait.ge [sflag:s10], $0x50  }
0x16: {  	[sflag:s10] =	ssyncset.done $0x0  }
0x17: {  	[sflag:s10] =	ssyncadd.s32 $0xFFFFFFB0  }
.LBB2_1:
0x18: {  	[tilespmem:$0x2780] =	vst v0  }
0x19: {  	[tilespmem:$0x2790] =	vst v0  }
0x1a: {  	[tilespmem:$0x27A0] =	vst v0  }
0x1b: {  	[tilespmem:$0x27B0] =	vst v0  }
0x1c: {  	[tilespmem:$0x27C0] =	vst v0  }
0x1d: {  	[tilespmem:$0x27D0] =	vst v0  }
0x1e: {  	[tilespmem:$0x27E0] =	vst v0  }
0x1f: {  	[tilespmem:$0x27F0] =	vst v0  }
0x20: {  	[tilespmem:$0x2800] =	vst v1  }
0x21: {  	[tilespmem:$0x2810] =	vst v1  }
0x22: {  	[tilespmem:$0x2820] =	vst v1  }
0x23: {  	[tilespmem:$0x2830] =	vst v1  }
0x24: {  	[tilespmem:$0x2840] =	vst v1  }
0x25: {  	[tilespmem:$0x2850] =	vst v1  }
0x26: {  	[tilespmem:$0x2860] =	vst v1  }
0x27: {  	[tilespmem:$0x2870] =	vst v1  }
0x28: {  	[tilespmem:$0x2880] =	vst v1  }
0x29: {  	[tilespmem:$0x2890] =	vst v1  }
0x2a: {  	[tilespmem:$0x28A0] =	vst v1  }
0x2b: {  	[tilespmem:$0x28B0] =	vst v1  }
0x2c: {  	[tilespmem:$0x28C0] =	vst v1  }
0x2d: {  	[tilespmem:$0x28D0] =	vst v1  }
0x2e: {  	[tilespmem:$0x28E0] =	vst v1  }
0x2f: {  	[tilespmem:$0x28F0] =	vst v1  }
0x30: {  	[tilespmem:$0x2900] =	vst v1  }
0x31: {  	[tilespmem:$0x2910] =	vst v1  }
0x32: {  	[tilespmem:$0x2920] =	vst v1  }
0x33: {  	[tilespmem:$0x2930] =	vst v1  }
0x34: {  	[tilespmem:$0x2940] =	vst v1  }
0x35: {  	[tilespmem:$0x2950] =	vst v1  }
0x36: {  	[tilespmem:$0x2960] =	vst v1  }
0x37: {  	[tilespmem:$0x2970] =	vst v1  }
0x38: {  	[tilespmem:$0x2980] =	vst v1  }
0x39: {  	[tilespmem:$0x2990] =	vst v1  }
0x3a: {  	[tilespmem:$0x29A0] =	vst v1  }
0x3b: {  	[tilespmem:$0x29B0] =	vst v1  }
0x3c: {  	[tilespmem:$0x29C0] =	vst v1  }
0x3d: {  	[tilespmem:$0x29D0] =	vst v1  }
0x3e: {  	[tilespmem:$0x29E0] =	vst v1  }
0x3f: {  	[tilespmem:$0x29F0] =	vst v1  }
0x40: {  	[tilespmem:$0x2A00] =	vst v1  }
0x41: {  	[tilespmem:$0x2A10] =	vst v1  }
0x42: {  	[tilespmem:$0x2A20] =	vst v1  }
0x43: {  	[tilespmem:$0x2A30] =	vst v1  }
0x44: {  	[tilespmem:$0x2A40] =	vst v1  }
0x45: {  	[tilespmem:$0x2A50] =	vst v1  }
0x46: {  	[tilespmem:$0x2A60] =	vst v1  }
0x47: {  	[tilespmem:$0x2A70] =	vst v1  }
0x48: {  	[spmem:s5] =	stream.linear.scatter [tilespmem:s9], [sflag:$0x1], $0x280, $0x38;
	[tilespmem:$0x2D00] =	vst v63  }
0x49: {  	_ =	swait.ge [sflag:s10], $0x280  }
0x4a: {  	[sflag:s10] =	ssyncset.done $0x0  }
0x4b: {  	[sflag:s10] =	ssyncadd.s32 $0xFFFFFD80  }
.Ltmp2:
0x4c: {  	[bflag:$0x0] =	sbarrier.arrive $0xFFFF;
	(pc) =	sbr.rel @p0 .LBB2_5-.Ltmp2, $4  }
0x4d: {  	[tilespmem:s3], [sflag:$0x1] =	stream.linear.gather [hbm4b:s6+s3], $0x2780, $0x38;
	[tilespmem:$0x2D00] =	vst v63  }
0x4e: {  	_ =	swait.ge [sflag:s10], $0x2780  }
0x4f: {  	[sflag:s10] =	ssyncset.done $0x0  }
0x50: {  	[sflag:s10] =	ssyncadd.s32 $0xFFFFD880  }
0x51: {  	s16 =	sadd.s32 $0x1, s3  }
0x52: {  	p1 =	slt.s32 s16, s4  }
.Ltmp3:
0x53: {  	_ = 	snop;
	(pc) =	sbr.rel @!p1 .LBB2_4-.Ltmp3, $4  }
0x54: {  	_ = 	snop  }
0x55: {  	[spmem:s2] =	stream.indirect.scatter.add.f32 [tilespmem:s12], [sflag:$0x1], $0x1, s3, s11, $0xb8;
	[tilespmem:$0x2D00] =	vst v63  }
0x56: {  	_ =	swait.ge [sflag:s10], $0x80  }
0x57: {  	s17 =	simm.s32 $0x0;
	[sflag:s10] =	ssyncset.done $0x0  }
.LBB2_3:
0x58: {  	s16 =	sadd.s32 $0x1, s16  }
0x59: {  	[sflag:s10] =	ssyncadd.s32 $0xFFFFFF80;
	s17 =	sadd.s32 $0x80, s17;
	p1 =	slt.s32 s16, s4  }
.Ltmp4:
0x5a: {  	(pc) =	sbr.rel @p1 .LBB2_3-.Ltmp4, $4  }
0x5b: {  	_ = 	snop  }
0x5c: {  	[spmem:s2] =	stream.indirect.scatter.add.f32 [tilespmem:s12], [sflag:$0x1], $0x1, s17, s11, $0xb8;
	[tilespmem:$0x2D00] =	vst v63  }
0x5d: {  	_ =	swait.ge [sflag:s10], $0x80  }
0x5e: {  	[sflag:s10] =	ssyncset.done $0x0  }
.Ltmp5:
0x5f: {  	_ = 	snop;
	(pc) =	sbr.rel .LBB2_4-.Ltmp5, $1  }
0x60: {  	_ =	sdelay $0x3  }
.LBB2_6:
0x61: {  	_ =	sfence.sel $0x180000  }
0x62: {  	[bflag:$0x0] =	sbarrier.arrive $0xFFFF  }
0x63: {  	p0 =	sne.s32 s0, $0x0;
	_ =	strace $0x90000047  }
0x64: {  	s0 =	sadd.s32 @!p0 $0x100000, s1;
	[bflag:$0x2] =	sbarrier.arrive $0xFFFF  }
0x65: {  	[sflag:s0] =	ssyncadd.tile.s32 @!p0 $0x1;
	_ =	shalt  }
.Lfunc_end2:
_tile_overlayer_lowered:
.L_overlay_start_2:
0x66: {  	(tag) =	ssettag $0x2  }
0x67: {  	s0 =	rddreg [dreg:$0x0];
	s2 =	stileid.u32  }
0x68: {  	s1 =	rddreg [dreg:$0x1];
	p0 =	sne.s32 s2, $0x0  }
0x69: {  	s3 =	rddreg [dreg:$0x2];
	[bflag:$0x3] =	sbarrier.arrive $0xFFFF;
	s2 =	simm.s32 @!p0 $0x1C01  }
0x6a: {  	[timem:s3], [sflag:s2] =	dma.local @!p0 [hbm:s0], s1  }
0x6b: {  	s0 =	simm.s32 @!p0 $0x1  }
0x6c: {  	_ =	swait.ge @!p0 [sflag:s0], s1  }
0x6d: {  	s1 =	ssub.s32 @!p0 $0x0, s1;
	[sflag:s0] =	ssyncset.done @!p0 $0x0  }
0x6e: {  	[sflag:s0] =	ssyncadd.s32 @!p0 s1  }
0x6f: {  	[bflag:$0x3] =	sbarrier.arrive $0xFFFF  }
0x70: {  	_ =	shalt  }

</sc_bundles>
